<compile_context>
chip_gen: v7x
topology: tpu7x:2x2x1
jax: 0.10.2.dev20260603
libtpu: 0.0.44.dev20260713+nightly
codegen_flags: <defaults>
</compile_context>

<pallas_src>
import functools

import jax
import jax.numpy as jnp
from jax.experimental import pallas as pl
from jax.experimental.pallas import tpu as pltpu
from jax.experimental.pallas import tpu_sc as plsc

_N = 10000
_E = 320000
_D = 128
_H = 16
_C = 2

_NC = 2
_NS = 16
_NW = _NC * _NS
_L = 16

_K = 128
_NROWS = _E // _K
_CBASE = _NROWS // _NW
_CEXTRA = _NROWS - _CBASE * _NW
_NPAD = 10240
_RPT = _NPAD // _NS


def _sc_mesh():
    return plsc.VectorSubcoreMesh(core_axis_name="c", subcore_axis_name="s")


_SC_PARAMS = pltpu.CompilerParams(use_tc_tiling_on_sc=False)


_NBUF = 4
_LAG = 4
_NRING = 2 * _LAG


def _sc_degree(edge3d):

    @functools.partial(
        pl.kernel,
        out_type=jax.ShapeDtypeStruct((_NC, _NPAD, _L), jnp.float32),
        mesh=_sc_mesh(),
        compiler_params=_SC_PARAMS,
        scratch_types=[
            pltpu.VMEM((_CBASE + 1, _K), jnp.int32),
            pltpu.VMEM((_K, _L), jnp.float32),
            pltpu.VMEM((_RPT, _L), jnp.float32),
            pltpu.VMEM_SHARED((_NPAD, _L), jnp.float32),
            pltpu.SemaphoreType.DMA,
        ],
    )
    def deg_kernel(edge_hbm, out_hbm, didx, ones, stage, acc, dsem):
        c = jax.lax.axis_index("c")
        s = jax.lax.axis_index("s")
        wid = s * _NC + c
        extra = wid < _CEXTRA
        nchunk = _CBASE + extra.astype(jnp.int32)
        base = _CBASE * wid + jnp.minimum(wid, _CEXTRA)

        @pl.loop(0, _RPT)
        def _(i):
            stage[i] = jnp.zeros((_L,), jnp.float32)

        @pl.loop(0, _K)
        def _(i):
            ones[i] = jnp.ones((_L,), jnp.float32)

        pltpu.sync_copy(stage, acc.at[pl.ds(s * _RPT, _RPT)])
        pltpu.sync_copy(edge_hbm.at[1].at[pl.ds(base, _CBASE)],
                        didx.at[pl.ds(0, _CBASE)])

        @pl.when(extra)
        def _():
            pltpu.sync_copy(edge_hbm.at[1].at[pl.ds(base + _CBASE, 1)],
                            didx.at[pl.ds(_CBASE, 1)])

        plsc.subcore_barrier()

        def dstep(t):
            pltpu.async_copy(ones, acc.at[didx.at[t]], dsem, add=True)

            @pl.when(t >= 4)
            def _():
                pltpu.make_async_copy(ones, acc.at[didx.at[0]], dsem).wait()

        @pl.loop(0, _CBASE - (_CBASE % 8), step=8)
        def _(g):
            for b in range(8):
                dstep(g + b)

        for t in range(_CBASE - (_CBASE % 8), _CBASE):
            dstep(t)

        @pl.when(extra)
        def _():
            dstep(_CBASE)

        for _i in range(4):
            pltpu.make_async_copy(ones, acc.at[didx.at[0]], dsem).wait()

        plsc.subcore_barrier()
        pltpu.sync_copy(acc.at[pl.ds(s * _RPT, _RPT)], stage)
        pltpu.sync_copy(stage, out_hbm.at[c].at[pl.ds(s * _RPT, _RPT)])

    return deg_kernel(edge3d)


def _sc_aggregate(table, edge3d):

    @functools.partial(
        pl.kernel,
        out_type=jax.ShapeDtypeStruct((_NC, _NPAD, _L), jnp.float32),
        mesh=_sc_mesh(),
        compiler_params=_SC_PARAMS,
        scratch_types=[
            pltpu.VMEM((_CBASE + 1, _K), jnp.int32),
            pltpu.VMEM((_CBASE + 1, _K), jnp.int32),
            pltpu.VMEM((_NRING, _K, _L), jnp.float32),
            pltpu.VMEM((_RPT, _L), jnp.float32),
            pltpu.VMEM_SHARED((_NPAD, _L), jnp.float32),
        ] + [pltpu.SemaphoreType.DMA] * (2 * _NRING),
    )
    def agg_kernel(table_hbm, edge_hbm, out_hbm,
                   sidx, didx, rows, stage, acc, *sems):
        gsems, ssems = sems[:_NRING], sems[_NRING:]
        c = jax.lax.axis_index("c")
        s = jax.lax.axis_index("s")
        wid = s * _NC + c
        extra = wid < _CEXTRA
        nchunk = _CBASE + extra.astype(jnp.int32)
        base = _CBASE * wid + jnp.minimum(wid, _CEXTRA)

        @pl.loop(0, _RPT)
        def _(i):
            stage[i] = jnp.zeros((_L,), jnp.float32)

        pltpu.sync_copy(edge_hbm.at[0].at[pl.ds(base, _CBASE)],
                        sidx.at[pl.ds(0, _CBASE)])
        pltpu.sync_copy(edge_hbm.at[1].at[pl.ds(base, _CBASE)],
                        didx.at[pl.ds(0, _CBASE)])

        @pl.when(extra)
        def _():
            pltpu.sync_copy(edge_hbm.at[0].at[pl.ds(base + _CBASE, 1)],
                            sidx.at[pl.ds(_CBASE, 1)])
            pltpu.sync_copy(edge_hbm.at[1].at[pl.ds(base + _CBASE, 1)],
                            didx.at[pl.ds(_CBASE, 1)])

        pltpu.sync_copy(stage, acc.at[pl.ds(s * _RPT, _RPT)])
        plsc.subcore_barrier()

        def step(t, b):
            bn = (b + _LAG) % _NRING
            pltpu.make_async_copy(
                table_hbm.at[sidx.at[t]], rows.at[b], gsems[b]).wait()
            pltpu.async_copy(rows.at[b], acc.at[didx.at[t]], ssems[b],
                             add=True)

            @pl.when(t >= _LAG)
            def _():
                pltpu.make_async_copy(
                    rows.at[bn], acc.at[didx.at[0]], ssems[bn]).wait()

            @pl.when(t + _LAG < nchunk)
            def _():
                pltpu.async_copy(
                    table_hbm.at[sidx.at[t + _LAG]], rows.at[bn], gsems[bn])

        for b in range(_LAG):
            pltpu.async_copy(table_hbm.at[sidx.at[b]], rows.at[b], gsems[b])

        nmain = _CBASE - (_CBASE % _NRING)

        @pl.loop(0, nmain, step=_NRING)
        def _(g):
            for b in range(_NRING):
                step(g + b, b)

        for t in range(nmain, _CBASE):
            step(t, t % _NRING)

        @pl.when(extra)
        def _():
            step(_CBASE, _CBASE % _NRING)

        for b in range(_NRING):
            @pl.when(jnp.mod(b - (nchunk - _LAG), _NRING) < _LAG)
            def _():
                pltpu.make_async_copy(rows.at[b], acc.at[didx.at[0]],
                                      ssems[b]).wait()

        plsc.subcore_barrier()
        pltpu.sync_copy(acc.at[pl.ds(s * _RPT, _RPT)], stage)
        pltpu.sync_copy(stage, out_hbm.at[c].at[pl.ds(s * _RPT, _RPT)])

    return agg_kernel(table, edge3d)


def _tc_xw(x_r, W1b):

    def body(x_ref, w_ref, o_ref):
        o_ref[...] = jnp.dot(x_ref[...], w_ref[...],
                             preferred_element_type=jnp.float32)

    return pl.pallas_call(
        body,
        out_shape=jax.ShapeDtypeStruct((_N // 8, 128), jnp.float32),
    )(x_r, W1b)


def _tc_scale(degp, xw_p):

    def body(degp_ref, xw_ref, dis_ref, y1_ref):
        deg = degp_ref[0] + degp_ref[1] + 1.0
        dis = jax.lax.rsqrt(deg)
        dis_ref[...] = dis
        y1_ref[...] = dis[: _N // 8] * xw_ref[...]

    return pl.pallas_call(
        body,
        out_shape=(
            jax.ShapeDtypeStruct((_NPAD // 8, 128), jnp.float32),
            jax.ShapeDtypeStruct((_N // 8, 128), jnp.float32),
        ),
    )(degp.reshape(_NC, _NPAD // 8, 128), xw_p)


def _tc_layer1(agg1p, dis_p, xw_p, b1):
    def body(aggp_ref, dis_ref, xw_ref, b1_ref, h_ref, y2_ref):
        dis = dis_ref[: _N // 8]
        agg = aggp_ref[0, : _N // 8] + aggp_ref[1, : _N // 8]
        pre = dis * agg + dis * dis * xw_ref[...] + b1_ref[...]
        h = jnp.maximum(pre, 0.0)
        h_ref[...] = h
        y2_ref[...] = dis * h

    return pl.pallas_call(
        body,
        out_shape=(
            jax.ShapeDtypeStruct((_N // 8, 128), jnp.float32),
            jax.ShapeDtypeStruct((_N // 8, 128), jnp.float32),
        ),
    )(agg1p.reshape(_NC, _NPAD // 8, 128), dis_p, xw_p,
      jnp.tile(b1, 8).reshape(1, 128))


def _tc_out(agg2p, dis_p, h_p, W2b, b2):

    def body(aggp_ref, dis_ref, h_ref, w2_ref, b2_ref, o_ref):
        dis = dis_ref[: _N // 8]
        agg = aggp_ref[0, : _N // 8] + aggp_ref[1, : _N // 8]
        t = dis * agg + dis * dis * h_ref[...]
        o = jnp.dot(t, w2_ref[...], preferred_element_type=jnp.float32)
        o = o + b2_ref[...]
        parity = jax.lax.broadcasted_iota(jnp.int32, (_N // 8, 16), 1) % 2
        partner = jnp.where(parity == 0,
                            jnp.roll(o, -1, axis=1), jnp.roll(o, 1, axis=1))
        m = jnp.maximum(o, partner)
        lse = m + jnp.log(jnp.exp(o - m) + jnp.exp(partner - m))
        o_ref[...] = o - lse

    return pl.pallas_call(
        body,
        out_shape=jax.ShapeDtypeStruct((_N // 8, 16), jnp.float32),
    )(agg2p.reshape(_NC, _NPAD // 8, 128), dis_p, h_p, W2b,
      jnp.tile(b2, 8).reshape(1, 16))


def kernel(x, edge_index, W1, b1, W2, b2):
    edge3d = edge_index.astype(jnp.int32).reshape(2, _NROWS, _K)
    edge3d = jax.lax.optimization_barrier(edge3d)

    eye8 = jnp.eye(8, dtype=jnp.float32)
    W1b = jnp.kron(eye8, W1)
    W2b = jnp.kron(eye8, W2)
    x_r = x.reshape(_N // 8, 8 * _D)

    degp = _sc_degree(edge3d)
    xw_p = _tc_xw(x_r, W1b)
    dis_p, y1_p = _tc_scale(degp, xw_p)
    agg1p = _sc_aggregate(y1_p.reshape(_N, _H), edge3d)
    h_p, y2_p = _tc_layer1(agg1p, dis_p, xw_p, b1)
    agg2p = _sc_aggregate(y2_p.reshape(_N, _H), edge3d)
    return _tc_out(agg2p, dis_p, h_p, W2b, b2).reshape(_N, _C)

# --- scband reference (transcript-rebuilt; emitter-appended) ---
"""Pipeline reference for scband-gnn-77120432767032 (READ-ONLY COPY).

The authoritative reference and input builder live on the scoring server;
editing this copy changes nothing except your own understanding.
"""

import jax, jax.numpy as jnp
import numpy as np

N = 10000
E = 320000
D = 128
H = 16
C = 2


def setup_inputs(seed: int = 0) -> dict:
    key = jax.random.key(seed)
    k1, k2, k3, k4 = jax.random.split(key, 4)
    x = jax.random.normal(k1, (N, D), dtype=jnp.float32)
    edge_index = jax.random.randint(k2, (2, E), 0, N)
    W1 = jax.random.normal(k3, (D, H), dtype=jnp.float32) * (1.0 / np.sqrt(D))
    b1 = jnp.zeros((H,), dtype=jnp.float32)
    W2 = jax.random.normal(k4, (H, C), dtype=jnp.float32) * (1.0 / np.sqrt(H))
    b2 = jnp.zeros((C,), dtype=jnp.float32)
    return {"x": x, "edge_index": edge_index, "W1": W1, "b1": b1, "W2": W2, "b2": b2}


def gcn_conv(x, edge_index, W, b):
    # Faithful PyG GCNConv: linear transform, add self-loops, symmetric deg^-1/2 normalization, scatter-add, bias.
    num_nodes = x.shape[0]
    loop = jnp.arange(num_nodes, dtype=edge_index.dtype)
    src = jnp.concatenate([edge_index[0], loop])
    dst = jnp.concatenate([edge_index[1], loop])
    deg = jnp.zeros((num_nodes,), dtype=x.dtype).at[dst].add(1.0)
    deg_inv_sqrt = jnp.where(deg > 0, jax.lax.rsqrt(jnp.maximum(deg, 1e-12)), 0.0)
    norm = deg_inv_sqrt[src] * deg_inv_sqrt[dst]
    xw = x @ W
    msg = xw[src] * norm[:, None]
    out = jnp.zeros((num_nodes, W.shape[1]), dtype=x.dtype).at[dst].add(msg)
    return out + b


def reference(x, edge_index, W1, b1, W2, b2):
    h = jax.nn.relu(gcn_conv(x, edge_index, W1, b1))
    out = gcn_conv(h, edge_index, W2, b2)
    return jax.nn.log_softmax(out, axis=1)

if __name__ == "__main__":
    import jax
    _d = setup_inputs()
    print(jax.jit(kernel)(*tuple(_d.values())))

</pallas_src>

<mosaic_0001>
#map = affine_map<(d0, d1) -> (0, 0)>
#map1 = affine_map<(d0, d1) -> (0, 0, 0)>
module attributes {stable_mosaic.version = 14 : i64} {
  func.func @agg_kernel(%arg0: i32, %arg1: i32, %arg2: memref<10000x16xf32, #tpu.memory_space<hbm>>, %arg3: memref<2x2500x128xi32, #tpu.memory_space<hbm>>, %arg4: memref<2x10240x16xf32, #tpu.memory_space<hbm>>, %arg5: memref<79x128xi32, #tpu.memory_space<vmem>>, %arg6: memref<79x128xi32, #tpu.memory_space<vmem>>, %arg7: memref<8x128x16xf32, #tpu.memory_space<vmem>>, %arg8: memref<640x16xf32, #tpu.memory_space<vmem>>, %arg9: memref<10240x16xf32, #tpu.memory_space<vmem_shared>>, %arg10: memref<!tpu.dma_semaphore, #tpu.memory_space<semaphore_mem>>, %arg11: memref<!tpu.dma_semaphore, #tpu.memory_space<semaphore_mem>>, %arg12: memref<!tpu.dma_semaphore, #tpu.memory_space<semaphore_mem>>, %arg13: memref<!tpu.dma_semaphore, #tpu.memory_space<semaphore_mem>>, %arg14: memref<!tpu.dma_semaphore, #tpu.memory_space<semaphore_mem>>, %arg15: memref<!tpu.dma_semaphore, #tpu.memory_space<semaphore_mem>>, %arg16: memref<!tpu.dma_semaphore, #tpu.memory_space<semaphore_mem>>, %arg17: memref<!tpu.dma_semaphore, #tpu.memory_space<semaphore_mem>>, %arg18: memref<!tpu.dma_semaphore, #tpu.memory_space<semaphore_mem>>, %arg19: memref<!tpu.dma_semaphore, #tpu.memory_space<semaphore_mem>>, %arg20: memref<!tpu.dma_semaphore, #tpu.memory_space<semaphore_mem>>, %arg21: memref<!tpu.dma_semaphore, #tpu.memory_space<semaphore_mem>>, %arg22: memref<!tpu.dma_semaphore, #tpu.memory_space<semaphore_mem>>, %arg23: memref<!tpu.dma_semaphore, #tpu.memory_space<semaphore_mem>>, %arg24: memref<!tpu.dma_semaphore, #tpu.memory_space<semaphore_mem>>, %arg25: memref<!tpu.dma_semaphore, #tpu.memory_space<semaphore_mem>>) attributes {dimension_semantics = [#tpu.dimension_semantics<core_parallel>, #tpu.dimension_semantics<subcore_parallel>], iteration_bounds = array<i64: 2, 16>, scalar_prefetch = 0 : i64, scratch_operands = 21 : i64, tpu.core_type = #tpu.core_type<sc_vector_subcore>, window_params = [{transform_indices = #map}, {transform_indices = #map1}, {transform_indices = #map1}]} {
    %mul3A = arith.constant 2 : i32
    %mul3A_0 = arith.muli %arg1, %mul3A : i32
    %add3A = arith.addi %mul3A_0, %arg0 : i32
    %lt3A = arith.constant 4 : i32
    %lt3A_1 = arith.cmpi slt, %add3A, %lt3A : i32
    %convert_element_type3A = arith.extui %lt3A_1 : i1 to i32
    %add3A_2 = arith.constant 78 : i32
    %add3A_3 = arith.addi %add3A_2, %convert_element_type3A : i32
    %mul3A_4 = arith.constant 78 : i32
    %mul3A_5 = arith.muli %mul3A_4, %add3A : i32
    %min3A = arith.constant 4 : i32
    %min3A_6 = arith.minsi %add3A, %min3A : i32
    %add3A_7 = arith.addi %mul3A_5, %min3A_6 : i32
    %scan3A = arith.constant 0 : i32
    %scan3A_8 = arith.constant 640 : i32
    %scan3A_9 = arith.addi %scan3A, %scan3A_8 : i32
    %scan3A_10 = arith.constant 1 : i32
    scf.for %scan3A_514 = %scan3A to %scan3A_9 step %scan3A_10  : i32 {
      %mul3A_515 = arith.constant 1 : i32
      %mul3A_516 = arith.muli %scan3A_514, %mul3A_515 : i32
      %add3A_517 = arith.constant 0 : i32
      %add3A_518 = arith.addi %add3A_517, %mul3A_516 : i32
      %broadcast_in_dim3A = arith.constant 0.000000e+00 : f32
      %broadcast_in_dim3A_519 = vector.broadcast %broadcast_in_dim3A : f32 to vector<16xf32>
      %swap3A = arith.index_cast %add3A_518 : i32 to index
      %swap3A_520 = arith.constant 0 : index
      %swap3A_521 = tpu.vector_load %arg8[%swap3A, %swap3A_520] {strides = array<i32>} : memref<640x16xf32, #tpu.memory_space<vmem>>, vector<1x16xf32>,
      %swap3A_522 = vector.shape_cast %swap3A_521 : vector<1x16xf32> to vector<16xf32>
      %swap3A_523 = vector.shape_cast %broadcast_in_dim3A_519 : vector<16xf32> to vector<1x16xf32>
      tpu.vector_store %arg8[%swap3A, %swap3A_520], %swap3A_523 {strides = array<i32>} : memref<640x16xf32, #tpu.memory_space<vmem>>, vector<1x16xf32>,
    }
    %scan3A_11 = arith.constant 640 : i32
    %run_scoped3A = arith.constant 0 : i32
    "tpu.region"() ({
      %run_scoped3A_514 = tpu.sem_alloc : memref<!tpu.dma_semaphore, #tpu.memory_space<semaphore_mem>>
      %dma_start3A_515 = arith.constant 0 : i32
      %dma_start3A_516 = arith.constant 0 : i32
      %dma_start3A_517 = tpu.memref_slice %arg5[%dma_start3A_515, %dma_start3A_516] : memref<79x128xi32, #tpu.memory_space<vmem>> -> memref<78x128xi32, #tpu.memory_space<vmem>>
      %dma_start3A_518 = arith.constant 0 : i32
      %dma_start3A_519 = arith.constant 0 : i32
      %dma_start3A_520 = tpu.memref_slice %arg3[%run_scoped3A, %dma_start3A_518, %dma_start3A_519] : memref<2x2500x128xi32, #tpu.memory_space<hbm>> -> memref<1x2500x128xi32, #tpu.memory_space<hbm>>
      %dma_start3A_521 = tpu.memref_squeeze %dma_start3A_520 : memref<1x2500x128xi32, #tpu.memory_space<hbm>> -> memref<2500x128xi32, #tpu.memory_space<hbm>>
      %dma_start3A_522 = arith.constant 0 : i32
      %dma_start3A_523 = tpu.memref_slice %dma_start3A_521[%add3A_7, %dma_start3A_522] : memref<2500x128xi32, #tpu.memory_space<hbm>> -> memref<78x128xi32, #tpu.memory_space<hbm>>
      %dma_start3A_524 = arith.constant 0 : i32
      %dma_start3A_525 = arith.constant 0 : i32
      %dma_start3A_526 = tpu.memref_slice %arg5[%dma_start3A_524, %dma_start3A_525] : memref<79x128xi32, #tpu.memory_space<vmem>> -> memref<78x128xi32, #tpu.memory_space<vmem>>
      %dma_start3A_527 = arith.constant 0 : i32
      %dma_start3A_528 = arith.constant 0 : i32
      %dma_start3A_529 = tpu.memref_slice %arg3[%run_scoped3A, %dma_start3A_527, %dma_start3A_528] : memref<2x2500x128xi32, #tpu.memory_space<hbm>> -> memref<1x2500x128xi32, #tpu.memory_space<hbm>>
      %dma_start3A_530 = tpu.memref_squeeze %dma_start3A_529 : memref<1x2500x128xi32, #tpu.memory_space<hbm>> -> memref<2500x128xi32, #tpu.memory_space<hbm>>
      %dma_start3A_531 = arith.constant 0 : i32
      %dma_start3A_532 = tpu.memref_slice %dma_start3A_530[%add3A_7, %dma_start3A_531] : memref<2500x128xi32, #tpu.memory_space<hbm>> -> memref<78x128xi32, #tpu.memory_space<hbm>>
      tpu.enqueue_dma source(%dma_start3A_532 : memref<78x128xi32, #tpu.memory_space<hbm>>) target(%dma_start3A_526 : memref<78x128xi32, #tpu.memory_space<vmem>>) target_semaphore(%run_scoped3A_514 : memref<!tpu.dma_semaphore, #tpu.memory_space<semaphore_mem>>)
      %dma_wait3A_533 = arith.constant 0 : i32
      %dma_wait3A_534 = arith.constant 0 : i32
      %dma_wait3A_535 = tpu.memref_slice %arg5[%dma_wait3A_533, %dma_wait3A_534] : memref<79x128xi32, #tpu.memory_space<vmem>> -> memref<78x128xi32, #tpu.memory_space<vmem>>
      %dma_wait3A_536 = arith.constant 0 : i32
      %dma_wait3A_537 = arith.constant 0 : i32
      %dma_wait3A_538 = tpu.memref_slice %arg3[%run_scoped3A, %dma_wait3A_536, %dma_wait3A_537] : memref<2x2500x128xi32, #tpu.memory_space<hbm>> -> memref<1x2500x128xi32, #tpu.memory_space<hbm>>
      %dma_wait3A_539 = tpu.memref_squeeze %dma_wait3A_538 : memref<1x2500x128xi32, #tpu.memory_space<hbm>> -> memref<2500x128xi32, #tpu.memory_space<hbm>>
      %dma_wait3A_540 = arith.constant 0 : i32
      %dma_wait3A_541 = tpu.memref_slice %dma_wait3A_539[%add3A_7, %dma_wait3A_540] : memref<2500x128xi32, #tpu.memory_space<hbm>> -> memref<78x128xi32, #tpu.memory_space<hbm>>
      %dma_wait3A_542 = arith.constant 0 : i32
      %dma_wait3A_543 = arith.constant 0 : i32
      %dma_wait3A_544 = tpu.memref_slice %arg5[%dma_wait3A_542, %dma_wait3A_543] : memref<79x128xi32, #tpu.memory_space<vmem>> -> memref<78x128xi32, #tpu.memory_space<vmem>>
      %dma_wait3A_545 = arith.constant 0 : i32
      %dma_wait3A_546 = arith.constant 0 : i32
      %dma_wait3A_547 = tpu.memref_slice %arg3[%run_scoped3A, %dma_wait3A_545, %dma_wait3A_546] : memref<2x2500x128xi32, #tpu.memory_space<hbm>> -> memref<1x2500x128xi32, #tpu.memory_space<hbm>>
      %dma_wait3A_548 = tpu.memref_squeeze %dma_wait3A_547 : memref<1x2500x128xi32, #tpu.memory_space<hbm>> -> memref<2500x128xi32, #tpu.memory_space<hbm>>
      %dma_wait3A_549 = arith.constant 0 : i32
      %dma_wait3A_550 = tpu.memref_slice %dma_wait3A_548[%add3A_7, %dma_wait3A_549] : memref<2500x128xi32, #tpu.memory_space<hbm>> -> memref<78x128xi32, #tpu.memory_space<hbm>>
      tpu.wait_dma2 semaphore(%run_scoped3A_514 : memref<!tpu.dma_semaphore, #tpu.memory_space<semaphore_mem>>) src(%dma_wait3A_550 : memref<78x128xi32, #tpu.memory_space<hbm>>) dst(%dma_wait3A_544 : memref<78x128xi32, #tpu.memory_space<vmem>>)
      tpu.yield
    }) : () -> ()
    %run_scoped3A_12 = arith.constant 1 : i32
    "tpu.region"() ({
      %run_scoped3A_514 = tpu.sem_alloc : memref<!tpu.dma_semaphore, #tpu.memory_space<semaphore_mem>>
      %dma_start3A_515 = arith.constant 0 : i32
      %dma_start3A_516 = arith.constant 0 : i32
      %dma_start3A_517 = tpu.memref_slice %arg6[%dma_start3A_515, %dma_start3A_516] : memref<79x128xi32, #tpu.memory_space<vmem>> -> memref<78x128xi32, #tpu.memory_space<vmem>>
      %dma_start3A_518 = arith.constant 0 : i32
      %dma_start3A_519 = arith.constant 0 : i32
      %dma_start3A_520 = tpu.memref_slice %arg3[%run_scoped3A_12, %dma_start3A_518, %dma_start3A_519] : memref<2x2500x128xi32, #tpu.memory_space<hbm>> -> memref<1x2500x128xi32, #tpu.memory_space<hbm>>
      %dma_start3A_521 = tpu.memref_squeeze %dma_start3A_520 : memref<1x2500x128xi32, #tpu.memory_space<hbm>> -> memref<2500x128xi32, #tpu.memory_space<hbm>>
      %dma_start3A_522 = arith.constant 0 : i32
      %dma_start3A_523 = tpu.memref_slice %dma_start3A_521[%add3A_7, %dma_start3A_522] : memref<2500x128xi32, #tpu.memory_space<hbm>> -> memref<78x128xi32, #tpu.memory_space<hbm>>
      %dma_start3A_524 = arith.constant 0 : i32
      %dma_start3A_525 = arith.constant 0 : i32
      %dma_start3A_526 = tpu.memref_slice %arg6[%dma_start3A_524, %dma_start3A_525] : memref<79x128xi32, #tpu.memory_space<vmem>> -> memref<78x128xi32, #tpu.memory_space<vmem>>
      %dma_start3A_527 = arith.constant 0 : i32
      %dma_start3A_528 = arith.constant 0 : i32
      %dma_start3A_529 = tpu.memref_slice %arg3[%run_scoped3A_12, %dma_start3A_527, %dma_start3A_528] : memref<2x2500x128xi32, #tpu.memory_space<hbm>> -> memref<1x2500x128xi32, #tpu.memory_space<hbm>>
      %dma_start3A_530 = tpu.memref_squeeze %dma_start3A_529 : memref<1x2500x128xi32, #tpu.memory_space<hbm>> -> memref<2500x128xi32, #tpu.memory_space<hbm>>
      %dma_start3A_531 = arith.constant 0 : i32
      %dma_start3A_532 = tpu.memref_slice %dma_start3A_530[%add3A_7, %dma_start3A_531] : memref<2500x128xi32, #tpu.memory_space<hbm>> -> memref<78x128xi32, #tpu.memory_space<hbm>>
      tpu.enqueue_dma source(%dma_start3A_532 : memref<78x128xi32, #tpu.memory_space<hbm>>) target(%dma_start3A_526 : memref<78x128xi32, #tpu.memory_space<vmem>>) target_semaphore(%run_scoped3A_514 : memref<!tpu.dma_semaphore, #tpu.memory_space<semaphore_mem>>)
      %dma_wait3A_533 = arith.constant 0 : i32
      %dma_wait3A_534 = arith.constant 0 : i32
      %dma_wait3A_535 = tpu.memref_slice %arg6[%dma_wait3A_533, %dma_wait3A_534] : memref<79x128xi32, #tpu.memory_space<vmem>> -> memref<78x128xi32, #tpu.memory_space<vmem>>
      %dma_wait3A_536 = arith.constant 0 : i32
      %dma_wait3A_537 = arith.constant 0 : i32
      %dma_wait3A_538 = tpu.memref_slice %arg3[%run_scoped3A_12, %dma_wait3A_536, %dma_wait3A_537] : memref<2x2500x128xi32, #tpu.memory_space<hbm>> -> memref<1x2500x128xi32, #tpu.memory_space<hbm>>
      %dma_wait3A_539 = tpu.memref_squeeze %dma_wait3A_538 : memref<1x2500x128xi32, #tpu.memory_space<hbm>> -> memref<2500x128xi32, #tpu.memory_space<hbm>>
      %dma_wait3A_540 = arith.constant 0 : i32
      %dma_wait3A_541 = tpu.memref_slice %dma_wait3A_539[%add3A_7, %dma_wait3A_540] : memref<2500x128xi32, #tpu.memory_space<hbm>> -> memref<78x128xi32, #tpu.memory_space<hbm>>
      %dma_wait3A_542 = arith.constant 0 : i32
      %dma_wait3A_543 = arith.constant 0 : i32
      %dma_wait3A_544 = tpu.memref_slice %arg6[%dma_wait3A_542, %dma_wait3A_543] : memref<79x128xi32, #tpu.memory_space<vmem>> -> memref<78x128xi32, #tpu.memory_space<vmem>>
      %dma_wait3A_545 = arith.constant 0 : i32
      %dma_wait3A_546 = arith.constant 0 : i32
      %dma_wait3A_547 = tpu.memref_slice %arg3[%run_scoped3A_12, %dma_wait3A_545, %dma_wait3A_546] : memref<2x2500x128xi32, #tpu.memory_space<hbm>> -> memref<1x2500x128xi32, #tpu.memory_space<hbm>>
      %dma_wait3A_548 = tpu.memref_squeeze %dma_wait3A_547 : memref<1x2500x128xi32, #tpu.memory_space<hbm>> -> memref<2500x128xi32, #tpu.memory_space<hbm>>
      %dma_wait3A_549 = arith.constant 0 : i32
      %dma_wait3A_550 = tpu.memref_slice %dma_wait3A_548[%add3A_7, %dma_wait3A_549] : memref<2500x128xi32, #tpu.memory_space<hbm>> -> memref<78x128xi32, #tpu.memory_space<hbm>>
      tpu.wait_dma2 semaphore(%run_scoped3A_514 : memref<!tpu.dma_semaphore, #tpu.memory_space<semaphore_mem>>) src(%dma_wait3A_550 : memref<78x128xi32, #tpu.memory_space<hbm>>) dst(%dma_wait3A_544 : memref<78x128xi32, #tpu.memory_space<vmem>>)
      tpu.yield
    }) : () -> ()
    %convert_element_type3A_13 = arith.extui %lt3A_1 : i1 to i32
    %cond3A = arith.constant 0 : i32
    %cond3A_14 = arith.cmpi ne, %convert_element_type3A_13, %cond3A : i32
    scf.if %cond3A_14 {
      %add3A_514 = arith.constant 78 : i32
      %add3A_515 = arith.addi %add3A_7, %add3A_514 : i32
      %run_scoped3A_516 = arith.constant 0 : i32
      "tpu.region"() ({
        %run_scoped3A_520 = tpu.sem_alloc : memref<!tpu.dma_semaphore, #tpu.memory_space<semaphore_mem>>
        %dma_start3A_521 = arith.constant 78 : i32
        %dma_start3A_522 = arith.constant 0 : i32
        %dma_start3A_523 = tpu.memref_slice %arg5[%dma_start3A_521, %dma_start3A_522] : memref<79x128xi32, #tpu.memory_space<vmem>> -> memref<1x128xi32, #tpu.memory_space<vmem>>
        %dma_start3A_524 = arith.constant 0 : i32
        %dma_start3A_525 = arith.constant 0 : i32
        %dma_start3A_526 = tpu.memref_slice %arg3[%run_scoped3A_516, %dma_start3A_524, %dma_start3A_525] : memref<2x2500x128xi32, #tpu.memory_space<hbm>> -> memref<1x2500x128xi32, #tpu.memory_space<hbm>>
        %dma_start3A_527 = tpu.memref_squeeze %dma_start3A_526 : memref<1x2500x128xi32, #tpu.memory_space<hbm>> -> memref<2500x128xi32, #tpu.memory_space<hbm>>
        %dma_start3A_528 = arith.constant 0 : i32
        %dma_start3A_529 = tpu.memref_slice %dma_start3A_527[%add3A_515, %dma_start3A_528] : memref<2500x128xi32, #tpu.memory_space<hbm>> -> memref<1x128xi32, #tpu.memory_space<hbm>>
        %dma_start3A_530 = arith.constant 78 : i32
        %dma_start3A_531 = arith.constant 0 : i32
        %dma_start3A_532 = tpu.memref_slice %arg5[%dma_start3A_530, %dma_start3A_531] : memref<79x128xi32, #tpu.memory_space<vmem>> -> memref<1x128xi32, #tpu.memory_space<vmem>>
        %dma_start3A_533 = arith.constant 0 : i32
        %dma_start3A_534 = arith.constant 0 : i32
        %dma_start3A_535 = tpu.memref_slice %arg3[%run_scoped3A_516, %dma_start3A_533, %dma_start3A_534] : memref<2x2500x128xi32, #tpu.memory_space<hbm>> -> memref<1x2500x128xi32, #tpu.memory_space<hbm>>
        %dma_start3A_536 = tpu.memref_squeeze %dma_start3A_535 : memref<1x2500x128xi32, #tpu.memory_space<hbm>> -> memref<2500x128xi32, #tpu.memory_space<hbm>>
        %dma_start3A_537 = arith.constant 0 : i32
        %dma_start3A_538 = tpu.memref_slice %dma_start3A_536[%add3A_515, %dma_start3A_537] : memref<2500x128xi32, #tpu.memory_space<hbm>> -> memref<1x128xi32, #tpu.memory_space<hbm>>
        tpu.enqueue_dma source(%dma_start3A_538 : memref<1x128xi32, #tpu.memory_space<hbm>>) target(%dma_start3A_532 : memref<1x128xi32, #tpu.memory_space<vmem>>) target_semaphore(%run_scoped3A_520 : memref<!tpu.dma_semaphore, #tpu.memory_space<semaphore_mem>>)
        %dma_wait3A_539 = arith.constant 78 : i32
        %dma_wait3A_540 = arith.constant 0 : i32
        %dma_wait3A_541 = tpu.memref_slice %arg5[%dma_wait3A_539, %dma_wait3A_540] : memref<79x128xi32, #tpu.memory_space<vmem>> -> memref<1x128xi32, #tpu.memory_space<vmem>>
        %dma_wait3A_542 = arith.constant 0 : i32
        %dma_wait3A_543 = arith.constant 0 : i32
        %dma_wait3A_544 = tpu.memref_slice %arg3[%run_scoped3A_516, %dma_wait3A_542, %dma_wait3A_543] : memref<2x2500x128xi32, #tpu.memory_space<hbm>> -> memref<1x2500x128xi32, #tpu.memory_space<hbm>>
        %dma_wait3A_545 = tpu.memref_squeeze %dma_wait3A_544 : memref<1x2500x128xi32, #tpu.memory_space<hbm>> -> memref<2500x128xi32, #tpu.memory_space<hbm>>
        %dma_wait3A_546 = arith.constant 0 : i32
        %dma_wait3A_547 = tpu.memref_slice %dma_wait3A_545[%add3A_515, %dma_wait3A_546] : memref<2500x128xi32, #tpu.memory_space<hbm>> -> memref<1x128xi32, #tpu.memory_space<hbm>>
        %dma_wait3A_548 = arith.constant 78 : i32
        %dma_wait3A_549 = arith.constant 0 : i32
        %dma_wait3A_550 = tpu.memref_slice %arg5[%dma_wait3A_548, %dma_wait3A_549] : memref<79x128xi32, #tpu.memory_space<vmem>> -> memref<1x128xi32, #tpu.memory_space<vmem>>
        %dma_wait3A_551 = arith.constant 0 : i32
        %dma_wait3A_552 = arith.constant 0 : i32
        %dma_wait3A_553 = tpu.memref_slice %arg3[%run_scoped3A_516, %dma_wait3A_551, %dma_wait3A_552] : memref<2x2500x128xi32, #tpu.memory_space<hbm>> -> memref<1x2500x128xi32, #tpu.memory_space<hbm>>
        %dma_wait3A_554 = tpu.memref_squeeze %dma_wait3A_553 : memref<1x2500x128xi32, #tpu.memory_space<hbm>> -> memref<2500x128xi32, #tpu.memory_space<hbm>>
        %dma_wait3A_555 = arith.constant 0 : i32
        %dma_wait3A_556 = tpu.memref_slice %dma_wait3A_554[%add3A_515, %dma_wait3A_555] : memref<2500x128xi32, #tpu.memory_space<hbm>> -> memref<1x128xi32, #tpu.memory_space<hbm>>
        tpu.wait_dma2 semaphore(%run_scoped3A_520 : memref<!tpu.dma_semaphore, #tpu.memory_space<semaphore_mem>>) src(%dma_wait3A_556 : memref<1x128xi32, #tpu.memory_space<hbm>>) dst(%dma_wait3A_550 : memref<1x128xi32, #tpu.memory_space<vmem>>)
        tpu.yield
      }) : () -> ()
      %add3A_517 = arith.constant 78 : i32
      %add3A_518 = arith.addi %add3A_7, %add3A_517 : i32
      %run_scoped3A_519 = arith.constant 1 : i32
      "tpu.region"() ({
        %run_scoped3A_520 = tpu.sem_alloc : memref<!tpu.dma_semaphore, #tpu.memory_space<semaphore_mem>>
        %dma_start3A_521 = arith.constant 78 : i32
        %dma_start3A_522 = arith.constant 0 : i32
        %dma_start3A_523 = tpu.memref_slice %arg6[%dma_start3A_521, %dma_start3A_522] : memref<79x128xi32, #tpu.memory_space<vmem>> -> memref<1x128xi32, #tpu.memory_space<vmem>>
        %dma_start3A_524 = arith.constant 0 : i32
        %dma_start3A_525 = arith.constant 0 : i32
        %dma_start3A_526 = tpu.memref_slice %arg3[%run_scoped3A_519, %dma_start3A_524, %dma_start3A_525] : memref<2x2500x128xi32, #tpu.memory_space<hbm>> -> memref<1x2500x128xi32, #tpu.memory_space<hbm>>
        %dma_start3A_527 = tpu.memref_squeeze %dma_start3A_526 : memref<1x2500x128xi32, #tpu.memory_space<hbm>> -> memref<2500x128xi32, #tpu.memory_space<hbm>>
        %dma_start3A_528 = arith.constant 0 : i32
        %dma_start3A_529 = tpu.memref_slice %dma_start3A_527[%add3A_518, %dma_start3A_528] : memref<2500x128xi32, #tpu.memory_space<hbm>> -> memref<1x128xi32, #tpu.memory_space<hbm>>
        %dma_start3A_530 = arith.constant 78 : i32
        %dma_start3A_531 = arith.constant 0 : i32
        %dma_start3A_532 = tpu.memref_slice %arg6[%dma_start3A_530, %dma_start3A_531] : memref<79x128xi32, #tpu.memory_space<vmem>> -> memref<1x128xi32, #tpu.memory_space<vmem>>
        %dma_start3A_533 = arith.constant 0 : i32
        %dma_start3A_534 = arith.constant 0 : i32
        %dma_start3A_535 = tpu.memref_slice %arg3[%run_scoped3A_519, %dma_start3A_533, %dma_start3A_534] : memref<2x2500x128xi32, #tpu.memory_space<hbm>> -> memref<1x2500x128xi32, #tpu.memory_space<hbm>>
        %dma_start3A_536 = tpu.memref_squeeze %dma_start3A_535 : memref<1x2500x128xi32, #tpu.memory_space<hbm>> -> memref<2500x128xi32, #tpu.memory_space<hbm>>
        %dma_start3A_537 = arith.constant 0 : i32
        %dma_start3A_538 = tpu.memref_slice %dma_start3A_536[%add3A_518, %dma_start3A_537] : memref<2500x128xi32, #tpu.memory_space<hbm>> -> memref<1x128xi32, #tpu.memory_space<hbm>>
        tpu.enqueue_dma source(%dma_start3A_538 : memref<1x128xi32, #tpu.memory_space<hbm>>) target(%dma_start3A_532 : memref<1x128xi32, #tpu.memory_space<vmem>>) target_semaphore(%run_scoped3A_520 : memref<!tpu.dma_semaphore, #tpu.memory_space<semaphore_mem>>)
        %dma_wait3A_539 = arith.constant 78 : i32
        %dma_wait3A_540 = arith.constant 0 : i32
        %dma_wait3A_541 = tpu.memref_slice %arg6[%dma_wait3A_539, %dma_wait3A_540] : memref<79x128xi32, #tpu.memory_space<vmem>> -> memref<1x128xi32, #tpu.memory_space<vmem>>
        %dma_wait3A_542 = arith.constant 0 : i32
        %dma_wait3A_543 = arith.constant 0 : i32
        %dma_wait3A_544 = tpu.memref_slice %arg3[%run_scoped3A_519, %dma_wait3A_542, %dma_wait3A_543] : memref<2x2500x128xi32, #tpu.memory_space<hbm>> -> memref<1x2500x128xi32, #tpu.memory_space<hbm>>
        %dma_wait3A_545 = tpu.memref_squeeze %dma_wait3A_544 : memref<1x2500x128xi32, #tpu.memory_space<hbm>> -> memref<2500x128xi32, #tpu.memory_space<hbm>>
        %dma_wait3A_546 = arith.constant 0 : i32
        %dma_wait3A_547 = tpu.memref_slice %dma_wait3A_545[%add3A_518, %dma_wait3A_546] : memref<2500x128xi32, #tpu.memory_space<hbm>> -> memref<1x128xi32, #tpu.memory_space<hbm>>
        %dma_wait3A_548 = arith.constant 78 : i32
        %dma_wait3A_549 = arith.constant 0 : i32
        %dma_wait3A_550 = tpu.memref_slice %arg6[%dma_wait3A_548, %dma_wait3A_549] : memref<79x128xi32, #tpu.memory_space<vmem>> -> memref<1x128xi32, #tpu.memory_space<vmem>>
        %dma_wait3A_551 = arith.constant 0 : i32
        %dma_wait3A_552 = arith.constant 0 : i32
        %dma_wait3A_553 = tpu.memref_slice %arg3[%run_scoped3A_519, %dma_wait3A_551, %dma_wait3A_552] : memref<2x2500x128xi32, #tpu.memory_space<hbm>> -> memref<1x2500x128xi32, #tpu.memory_space<hbm>>
        %dma_wait3A_554 = tpu.memref_squeeze %dma_wait3A_553 : memref<1x2500x128xi32, #tpu.memory_space<hbm>> -> memref<2500x128xi32, #tpu.memory_space<hbm>>
        %dma_wait3A_555 = arith.constant 0 : i32
        %dma_wait3A_556 = tpu.memref_slice %dma_wait3A_554[%add3A_518, %dma_wait3A_555] : memref<2500x128xi32, #tpu.memory_space<hbm>> -> memref<1x128xi32, #tpu.memory_space<hbm>>
        tpu.wait_dma2 semaphore(%run_scoped3A_520 : memref<!tpu.dma_semaphore, #tpu.memory_space<semaphore_mem>>) src(%dma_wait3A_556 : memref<1x128xi32, #tpu.memory_space<hbm>>) dst(%dma_wait3A_550 : memref<1x128xi32, #tpu.memory_space<vmem>>)
        tpu.yield
      }) : () -> ()
    } else {
    }
    %mul3A_15 = arith.constant 640 : i32
    %mul3A_16 = arith.muli %arg1, %mul3A_15 : i32
    "tpu.region"() ({
      %run_scoped3A_514 = tpu.sem_alloc : memref<!tpu.dma_semaphore, #tpu.memory_space<semaphore_mem>>
      %dma_start3A_515 = arith.constant 0 : i32
      %dma_start3A_516 = tpu.memref_slice %arg9[%mul3A_16, %dma_start3A_515] : memref<10240x16xf32, #tpu.memory_space<vmem_shared>> -> memref<640x16xf32, #tpu.memory_space<vmem_shared>>
      %dma_start3A_517 = arith.constant 0 : i32
      %dma_start3A_518 = tpu.memref_slice %arg9[%mul3A_16, %dma_start3A_517] : memref<10240x16xf32, #tpu.memory_space<vmem_shared>> -> memref<640x16xf32, #tpu.memory_space<vmem_shared>>
      tpu.enqueue_dma source(%arg8 : memref<640x16xf32, #tpu.memory_space<vmem>>) target(%dma_start3A_518 : memref<640x16xf32, #tpu.memory_space<vmem_shared>>) target_semaphore(%run_scoped3A_514 : memref<!tpu.dma_semaphore, #tpu.memory_space<semaphore_mem>>)
      %dma_wait3A_519 = arith.constant 0 : i32
      %dma_wait3A_520 = tpu.memref_slice %arg9[%mul3A_16, %dma_wait3A_519] : memref<10240x16xf32, #tpu.memory_space<vmem_shared>> -> memref<640x16xf32, #tpu.memory_space<vmem_shared>>
      %dma_wait3A_521 = arith.constant 0 : i32
      %dma_wait3A_522 = tpu.memref_slice %arg9[%mul3A_16, %dma_wait3A_521] : memref<10240x16xf32, #tpu.memory_space<vmem_shared>> -> memref<640x16xf32, #tpu.memory_space<vmem_shared>>
      tpu.wait_dma2 semaphore(%run_scoped3A_514 : memref<!tpu.dma_semaphore, #tpu.memory_space<semaphore_mem>>) src(%arg8 : memref<640x16xf32, #tpu.memory_space<vmem>>) dst(%dma_wait3A_522 : memref<640x16xf32, #tpu.memory_space<vmem_shared>>)
      tpu.yield
    }) : () -> ()
    %barrier3A = arith.constant 0 : index
    tpu.barrier barrier_id(%barrier3A)
    %dma_start3A = arith.constant 0 : i32
    %dma_start3A_17 = arith.constant 0 : i32
    %dma_start3A_18 = arith.constant 0 : i32
    %dma_start3A_19 = arith.constant 0 : i32
    %dma_start3A_20 = tpu.memref_slice %arg7[%dma_start3A_17, %dma_start3A_18, %dma_start3A_19] : memref<8x128x16xf32, #tpu.memory_space<vmem>> -> memref<1x128x16xf32, #tpu.memory_space<vmem>>
    %dma_start3A_21 = tpu.memref_squeeze %dma_start3A_20 : memref<1x128x16xf32, #tpu.memory_space<vmem>> -> memref<128x16xf32, #tpu.memory_space<vmem>>
    %dma_start3A_22 = arith.constant 0 : i32
    %dma_start3A_23 = tpu.memref_slice %arg5[%dma_start3A, %dma_start3A_22] : memref<79x128xi32, #tpu.memory_space<vmem>> -> memref<1x128xi32, #tpu.memory_space<vmem>>
    %dma_start3A_24 = tpu.memref_squeeze %dma_start3A_23 : memref<1x128xi32, #tpu.memory_space<vmem>> -> memref<128xi32, #tpu.memory_space<vmem>>
    %dma_start3A_25 = arith.constant 0 : i32
    %dma_start3A_26 = arith.constant 0 : i32
    %dma_start3A_27 = tpu.memref_slice %arg2[%dma_start3A_25, %dma_start3A_26] : memref<10000x16xf32, #tpu.memory_space<hbm>> -> memref<10000x16xf32, #tpu.memory_space<hbm>>
    tpu.enqueue_indirect_dma source(%dma_start3A_27 : memref<10000x16xf32, #tpu.memory_space<hbm>>) target(%dma_start3A_21 : memref<128x16xf32, #tpu.memory_space<vmem>>) offsets(%dma_start3A_24 : memref<128xi32, #tpu.memory_space<vmem>>) semaphore(%arg10 : memref<!tpu.dma_semaphore, #tpu.memory_space<semaphore_mem>>)
    %dma_start3A_28 = arith.constant 1 : i32
    %dma_start3A_29 = arith.constant 1 : i32
    %dma_start3A_30 = arith.constant 0 : i32
    %dma_start3A_31 = arith.constant 0 : i32
    %dma_start3A_32 = tpu.memref_slice %arg7[%dma_start3A_29, %dma_start3A_30, %dma_start3A_31] : memref<8x128x16xf32, #tpu.memory_space<vmem>> -> memref<1x128x16xf32, #tpu.memory_space<vmem>>
    %dma_start3A_33 = tpu.memref_squeeze %dma_start3A_32 : memref<1x128x16xf32, #tpu.memory_space<vmem>> -> memref<128x16xf32, #tpu.memory_space<vmem>>
    %dma_start3A_34 = arith.constant 0 : i32
    %dma_start3A_35 = tpu.memref_slice %arg5[%dma_start3A_28, %dma_start3A_34] : memref<79x128xi32, #tpu.memory_space<vmem>> -> memref<1x128xi32, #tpu.memory_space<vmem>>
    %dma_start3A_36 = tpu.memref_squeeze %dma_start3A_35 : memref<1x128xi32, #tpu.memory_space<vmem>> -> memref<128xi32, #tpu.memory_space<vmem>>
    %dma_start3A_37 = arith.constant 0 : i32
    %dma_start3A_38 = arith.constant 0 : i32
    %dma_start3A_39 = tpu.memref_slice %arg2[%dma_start3A_37, %dma_start3A_38] : memref<10000x16xf32, #tpu.memory_space<hbm>> -> memref<10000x16xf32, #tpu.memory_space<hbm>>
    tpu.enqueue_indirect_dma source(%dma_start3A_39 : memref<10000x16xf32, #tpu.memory_space<hbm>>) target(%dma_start3A_33 : memref<128x16xf32, #tpu.memory_space<vmem>>) offsets(%dma_start3A_36 : memref<128xi32, #tpu.memory_space<vmem>>) semaphore(%arg11 : memref<!tpu.dma_semaphore, #tpu.memory_space<semaphore_mem>>)
    %dma_start3A_40 = arith.constant 2 : i32
    %dma_start3A_41 = arith.constant 2 : i32
    %dma_start3A_42 = arith.constant 0 : i32
    %dma_start3A_43 = arith.constant 0 : i32
    %dma_start3A_44 = tpu.memref_slice %arg7[%dma_start3A_41, %dma_start3A_42, %dma_start3A_43] : memref<8x128x16xf32, #tpu.memory_space<vmem>> -> memref<1x128x16xf32, #tpu.memory_space<vmem>>
    %dma_start3A_45 = tpu.memref_squeeze %dma_start3A_44 : memref<1x128x16xf32, #tpu.memory_space<vmem>> -> memref<128x16xf32, #tpu.memory_space<vmem>>
    %dma_start3A_46 = arith.constant 0 : i32
    %dma_start3A_47 = tpu.memref_slice %arg5[%dma_start3A_40, %dma_start3A_46] : memref<79x128xi32, #tpu.memory_space<vmem>> -> memref<1x128xi32, #tpu.memory_space<vmem>>
    %dma_start3A_48 = tpu.memref_squeeze %dma_start3A_47 : memref<1x128xi32, #tpu.memory_space<vmem>> -> memref<128xi32, #tpu.memory_space<vmem>>
    %dma_start3A_49 = arith.constant 0 : i32
    %dma_start3A_50 = arith.constant 0 : i32
    %dma_start3A_51 = tpu.memref_slice %arg2[%dma_start3A_49, %dma_start3A_50] : memref<10000x16xf32, #tpu.memory_space<hbm>> -> memref<10000x16xf32, #tpu.memory_space<hbm>>
    tpu.enqueue_indirect_dma source(%dma_start3A_51 : memref<10000x16xf32, #tpu.memory_space<hbm>>) target(%dma_start3A_45 : memref<128x16xf32, #tpu.memory_space<vmem>>) offsets(%dma_start3A_48 : memref<128xi32, #tpu.memory_space<vmem>>) semaphore(%arg12 : memref<!tpu.dma_semaphore, #tpu.memory_space<semaphore_mem>>)
    %dma_start3A_52 = arith.constant 3 : i32
    %dma_start3A_53 = arith.constant 3 : i32
    %dma_start3A_54 = arith.constant 0 : i32
    %dma_start3A_55 = arith.constant 0 : i32
    %dma_start3A_56 = tpu.memref_slice %arg7[%dma_start3A_53, %dma_start3A_54, %dma_start3A_55] : memref<8x128x16xf32, #tpu.memory_space<vmem>> -> memref<1x128x16xf32, #tpu.memory_space<vmem>>
    %dma_start3A_57 = tpu.memref_squeeze %dma_start3A_56 : memref<1x128x16xf32, #tpu.memory_space<vmem>> -> memref<128x16xf32, #tpu.memory_space<vmem>>
    %dma_start3A_58 = arith.constant 0 : i32
    %dma_start3A_59 = tpu.memref_slice %arg5[%dma_start3A_52, %dma_start3A_58] : memref<79x128xi32, #tpu.memory_space<vmem>> -> memref<1x128xi32, #tpu.memory_space<vmem>>
    %dma_start3A_60 = tpu.memref_squeeze %dma_start3A_59 : memref<1x128xi32, #tpu.memory_space<vmem>> -> memref<128xi32, #tpu.memory_space<vmem>>
    %dma_start3A_61 = arith.constant 0 : i32
    %dma_start3A_62 = arith.constant 0 : i32
    %dma_start3A_63 = tpu.memref_slice %arg2[%dma_start3A_61, %dma_start3A_62] : memref<10000x16xf32, #tpu.memory_space<hbm>> -> memref<10000x16xf32, #tpu.memory_space<hbm>>
    tpu.enqueue_indirect_dma source(%dma_start3A_63 : memref<10000x16xf32, #tpu.memory_space<hbm>>) target(%dma_start3A_57 : memref<128x16xf32, #tpu.memory_space<vmem>>) offsets(%dma_start3A_60 : memref<128xi32, #tpu.memory_space<vmem>>) semaphore(%arg13 : memref<!tpu.dma_semaphore, #tpu.memory_space<semaphore_mem>>)
    %scan3A_64 = arith.constant 0 : i32
    %scan3A_65 = arith.constant 9 : i32
    %scan3A_66 = arith.addi %scan3A_64, %scan3A_65 : i32
    %scan3A_67 = arith.constant 1 : i32
    scf.for %scan3A_514 = %scan3A_64 to %scan3A_66 step %scan3A_67  : i32 {
      %mul3A_515 = arith.constant 8 : i32
      %mul3A_516 = arith.muli %scan3A_514, %mul3A_515 : i32
      %add3A_517 = arith.constant 0 : i32
      %add3A_518 = arith.addi %add3A_517, %mul3A_516 : i32
      %add3A_519 = arith.constant 0 : i32
      %add3A_520 = arith.addi %add3A_518, %add3A_519 : i32
      %dma_wait3A_521 = arith.constant 0 : i32
      %dma_wait3A_522 = arith.constant 0 : i32
      %dma_wait3A_523 = arith.constant 0 : i32
      %dma_wait3A_524 = tpu.memref_slice %arg7[%dma_wait3A_521, %dma_wait3A_522, %dma_wait3A_523] : memref<8x128x16xf32, #tpu.memory_space<vmem>> -> memref<1x128x16xf32, #tpu.memory_space<vmem>>
      %dma_wait3A_525 = tpu.memref_squeeze %dma_wait3A_524 : memref<1x128x16xf32, #tpu.memory_space<vmem>> -> memref<128x16xf32, #tpu.memory_space<vmem>>
      %dma_wait3A_526 = arith.constant 0 : i32
      %dma_wait3A_527 = tpu.memref_slice %arg5[%add3A_520, %dma_wait3A_526] : memref<79x128xi32, #tpu.memory_space<vmem>> -> memref<1x128xi32, #tpu.memory_space<vmem>>
      %dma_wait3A_528 = tpu.memref_squeeze %dma_wait3A_527 : memref<1x128xi32, #tpu.memory_space<vmem>> -> memref<128xi32, #tpu.memory_space<vmem>>
      %dma_wait3A_529 = arith.constant 0 : i32
      %dma_wait3A_530 = arith.constant 0 : i32
      %dma_wait3A_531 = tpu.memref_slice %arg2[%dma_wait3A_529, %dma_wait3A_530] : memref<10000x16xf32, #tpu.memory_space<hbm>> -> memref<10000x16xf32, #tpu.memory_space<hbm>>
      tpu.wait_indirect_dma semaphore(%arg10 : memref<!tpu.dma_semaphore, #tpu.memory_space<semaphore_mem>>) src(%dma_wait3A_531 : memref<10000x16xf32, #tpu.memory_space<hbm>>) dst(%dma_wait3A_525 : memref<128x16xf32, #tpu.memory_space<vmem>>)
      %dma_start3A_532 = arith.constant 0 : i32
      %dma_start3A_533 = arith.constant 0 : i32
      %dma_start3A_534 = arith.constant 0 : i32
      %dma_start3A_535 = tpu.memref_slice %arg7[%dma_start3A_532, %dma_start3A_533, %dma_start3A_534] : memref<8x128x16xf32, #tpu.memory_space<vmem>> -> memref<1x128x16xf32, #tpu.memory_space<vmem>>
      %dma_start3A_536 = tpu.memref_squeeze %dma_start3A_535 : memref<1x128x16xf32, #tpu.memory_space<vmem>> -> memref<128x16xf32, #tpu.memory_space<vmem>>
      %dma_start3A_537 = arith.constant 0 : i32
      %dma_start3A_538 = tpu.memref_slice %arg6[%add3A_520, %dma_start3A_537] : memref<79x128xi32, #tpu.memory_space<vmem>> -> memref<1x128xi32, #tpu.memory_space<vmem>>
      %dma_start3A_539 = tpu.memref_squeeze %dma_start3A_538 : memref<1x128xi32, #tpu.memory_space<vmem>> -> memref<128xi32, #tpu.memory_space<vmem>>
      %dma_start3A_540 = arith.constant 0 : i32
      %dma_start3A_541 = arith.constant 0 : i32
      %dma_start3A_542 = tpu.memref_slice %arg9[%dma_start3A_540, %dma_start3A_541] : memref<10240x16xf32, #tpu.memory_space<vmem_shared>> -> memref<10240x16xf32, #tpu.memory_space<vmem_shared>>
      tpu.enqueue_indirect_dma source(%dma_start3A_536 : memref<128x16xf32, #tpu.memory_space<vmem>>) target(%dma_start3A_542 : memref<10240x16xf32, #tpu.memory_space<vmem_shared>>) offsets(%dma_start3A_539 : memref<128xi32, #tpu.memory_space<vmem>>) semaphore(%arg18 : memref<!tpu.dma_semaphore, #tpu.memory_space<semaphore_mem>>) {add = true}
      %ge3A = arith.constant 4 : i32
      %ge3A_543 = arith.cmpi sge, %add3A_520, %ge3A : i32
      %convert_element_type3A_544 = arith.extui %ge3A_543 : i1 to i32
      %cond3A_545 = arith.constant 0 : i32
      %cond3A_546 = arith.cmpi ne, %convert_element_type3A_544, %cond3A_545 : i32
      scf.if %cond3A_546 {
        %dma_wait3A_798 = arith.constant 4 : i32
        %dma_wait3A_799 = arith.constant 0 : i32
        %dma_wait3A_800 = arith.constant 0 : i32
        %dma_wait3A_801 = arith.constant 0 : i32
        %dma_wait3A_802 = tpu.memref_slice %arg7[%dma_wait3A_798, %dma_wait3A_800, %dma_wait3A_801] : memref<8x128x16xf32, #tpu.memory_space<vmem>> -> memref<1x128x16xf32, #tpu.memory_space<vmem>>
        %dma_wait3A_803 = tpu.memref_squeeze %dma_wait3A_802 : memref<1x128x16xf32, #tpu.memory_space<vmem>> -> memref<128x16xf32, #tpu.memory_space<vmem>>
        %dma_wait3A_804 = arith.constant 0 : i32
        %dma_wait3A_805 = tpu.memref_slice %arg6[%dma_wait3A_799, %dma_wait3A_804] : memref<79x128xi32, #tpu.memory_space<vmem>> -> memref<1x128xi32, #tpu.memory_space<vmem>>
        %dma_wait3A_806 = tpu.memref_squeeze %dma_wait3A_805 : memref<1x128xi32, #tpu.memory_space<vmem>> -> memref<128xi32, #tpu.memory_space<vmem>>
        %dma_wait3A_807 = arith.constant 0 : i32
        %dma_wait3A_808 = arith.constant 0 : i32
        %dma_wait3A_809 = tpu.memref_slice %arg9[%dma_wait3A_807, %dma_wait3A_808] : memref<10240x16xf32, #tpu.memory_space<vmem_shared>> -> memref<10240x16xf32, #tpu.memory_space<vmem_shared>>
        tpu.wait_indirect_dma semaphore(%arg22 : memref<!tpu.dma_semaphore, #tpu.memory_space<semaphore_mem>>) src(%dma_wait3A_803 : memref<128x16xf32, #tpu.memory_space<vmem>>) dst(%dma_wait3A_809 : memref<10240x16xf32, #tpu.memory_space<vmem_shared>>)
      } else {
      }
      %add3A_547 = arith.constant 4 : i32
      %add3A_548 = arith.addi %add3A_520, %add3A_547 : i32
      %lt3A_549 = arith.cmpi slt, %add3A_548, %add3A_3 : i32
      %convert_element_type3A_550 = arith.extui %lt3A_549 : i1 to i32
      %cond3A_551 = arith.constant 0 : i32
      %cond3A_552 = arith.cmpi ne, %convert_element_type3A_550, %cond3A_551 : i32
      scf.if %cond3A_552 {
        %add3A_798 = arith.constant 4 : i32
        %add3A_799 = arith.addi %add3A_520, %add3A_798 : i32
        %dma_start3A_800 = arith.constant 4 : i32
        %dma_start3A_801 = arith.constant 0 : i32
        %dma_start3A_802 = arith.constant 0 : i32
        %dma_start3A_803 = tpu.memref_slice %arg7[%dma_start3A_800, %dma_start3A_801, %dma_start3A_802] : memref<8x128x16xf32, #tpu.memory_space<vmem>> -> memref<1x128x16xf32, #tpu.memory_space<vmem>>
        %dma_start3A_804 = tpu.memref_squeeze %dma_start3A_803 : memref<1x128x16xf32, #tpu.memory_space<vmem>> -> memref<128x16xf32, #tpu.memory_space<vmem>>
        %dma_start3A_805 = arith.constant 0 : i32
        %dma_start3A_806 = tpu.memref_slice %arg5[%add3A_799, %dma_start3A_805] : memref<79x128xi32, #tpu.memory_space<vmem>> -> memref<1x128xi32, #tpu.memory_space<vmem>>
        %dma_start3A_807 = tpu.memref_squeeze %dma_start3A_806 : memref<1x128xi32, #tpu.memory_space<vmem>> -> memref<128xi32, #tpu.memory_space<vmem>>
        %dma_start3A_808 = arith.constant 0 : i32
        %dma_start3A_809 = arith.constant 0 : i32
        %dma_start3A_810 = tpu.memref_slice %arg2[%dma_start3A_808, %dma_start3A_809] : memref<10000x16xf32, #tpu.memory_space<hbm>> -> memref<10000x16xf32, #tpu.memory_space<hbm>>
        tpu.enqueue_indirect_dma source(%dma_start3A_810 : memref<10000x16xf32, #tpu.memory_space<hbm>>) target(%dma_start3A_804 : memref<128x16xf32, #tpu.memory_space<vmem>>) offsets(%dma_start3A_807 : memref<128xi32, #tpu.memory_space<vmem>>) semaphore(%arg14 : memref<!tpu.dma_semaphore, #tpu.memory_space<semaphore_mem>>)
      } else {
      }
      %add3A_553 = arith.constant 1 : i32
      %add3A_554 = arith.addi %add3A_518, %add3A_553 : i32
      %dma_wait3A_555 = arith.constant 1 : i32
      %dma_wait3A_556 = arith.constant 0 : i32
      %dma_wait3A_557 = arith.constant 0 : i32
      %dma_wait3A_558 = tpu.memref_slice %arg7[%dma_wait3A_555, %dma_wait3A_556, %dma_wait3A_557] : memref<8x128x16xf32, #tpu.memory_space<vmem>> -> memref<1x128x16xf32, #tpu.memory_space<vmem>>
      %dma_wait3A_559 = tpu.memref_squeeze %dma_wait3A_558 : memref<1x128x16xf32, #tpu.memory_space<vmem>> -> memref<128x16xf32, #tpu.memory_space<vmem>>
      %dma_wait3A_560 = arith.constant 0 : i32
      %dma_wait3A_561 = tpu.memref_slice %arg5[%add3A_554, %dma_wait3A_560] : memref<79x128xi32, #tpu.memory_space<vmem>> -> memref<1x128xi32, #tpu.memory_space<vmem>>
      %dma_wait3A_562 = tpu.memref_squeeze %dma_wait3A_561 : memref<1x128xi32, #tpu.memory_space<vmem>> -> memref<128xi32, #tpu.memory_space<vmem>>
      %dma_wait3A_563 = arith.constant 0 : i32
      %dma_wait3A_564 = arith.constant 0 : i32
      %dma_wait3A_565 = tpu.memref_slice %arg2[%dma_wait3A_563, %dma_wait3A_564] : memref<10000x16xf32, #tpu.memory_space<hbm>> -> memref<10000x16xf32, #tpu.memory_space<hbm>>
      tpu.wait_indirect_dma semaphore(%arg11 : memref<!tpu.dma_semaphore, #tpu.memory_space<semaphore_mem>>) src(%dma_wait3A_565 : memref<10000x16xf32, #tpu.memory_space<hbm>>) dst(%dma_wait3A_559 : memref<128x16xf32, #tpu.memory_space<vmem>>)
      %dma_start3A_566 = arith.constant 1 : i32
      %dma_start3A_567 = arith.constant 0 : i32
      %dma_start3A_568 = arith.constant 0 : i32
      %dma_start3A_569 = tpu.memref_slice %arg7[%dma_start3A_566, %dma_start3A_567, %dma_start3A_568] : memref<8x128x16xf32, #tpu.memory_space<vmem>> -> memref<1x128x16xf32, #tpu.memory_space<vmem>>
      %dma_start3A_570 = tpu.memref_squeeze %dma_start3A_569 : memref<1x128x16xf32, #tpu.memory_space<vmem>> -> memref<128x16xf32, #tpu.memory_space<vmem>>
      %dma_start3A_571 = arith.constant 0 : i32
      %dma_start3A_572 = tpu.memref_slice %arg6[%add3A_554, %dma_start3A_571] : memref<79x128xi32, #tpu.memory_space<vmem>> -> memref<1x128xi32, #tpu.memory_space<vmem>>
      %dma_start3A_573 = tpu.memref_squeeze %dma_start3A_572 : memref<1x128xi32, #tpu.memory_space<vmem>> -> memref<128xi32, #tpu.memory_space<vmem>>
      %dma_start3A_574 = arith.constant 0 : i32
      %dma_start3A_575 = arith.constant 0 : i32
      %dma_start3A_576 = tpu.memref_slice %arg9[%dma_start3A_574, %dma_start3A_575] : memref<10240x16xf32, #tpu.memory_space<vmem_shared>> -> memref<10240x16xf32, #tpu.memory_space<vmem_shared>>
      tpu.enqueue_indirect_dma source(%dma_start3A_570 : memref<128x16xf32, #tpu.memory_space<vmem>>) target(%dma_start3A_576 : memref<10240x16xf32, #tpu.memory_space<vmem_shared>>) offsets(%dma_start3A_573 : memref<128xi32, #tpu.memory_space<vmem>>) semaphore(%arg19 : memref<!tpu.dma_semaphore, #tpu.memory_space<semaphore_mem>>) {add = true}
      %ge3A_577 = arith.constant 4 : i32
      %ge3A_578 = arith.cmpi sge, %add3A_554, %ge3A_577 : i32
      %convert_element_type3A_579 = arith.extui %ge3A_578 : i1 to i32
      %cond3A_580 = arith.constant 0 : i32
      %cond3A_581 = arith.cmpi ne, %convert_element_type3A_579, %cond3A_580 : i32
      scf.if %cond3A_581 {
        %dma_wait3A_798 = arith.constant 5 : i32
        %dma_wait3A_799 = arith.constant 0 : i32
        %dma_wait3A_800 = arith.constant 0 : i32
        %dma_wait3A_801 = arith.constant 0 : i32
        %dma_wait3A_802 = tpu.memref_slice %arg7[%dma_wait3A_798, %dma_wait3A_800, %dma_wait3A_801] : memref<8x128x16xf32, #tpu.memory_space<vmem>> -> memref<1x128x16xf32, #tpu.memory_space<vmem>>
        %dma_wait3A_803 = tpu.memref_squeeze %dma_wait3A_802 : memref<1x128x16xf32, #tpu.memory_space<vmem>> -> memref<128x16xf32, #tpu.memory_space<vmem>>
        %dma_wait3A_804 = arith.constant 0 : i32
        %dma_wait3A_805 = tpu.memref_slice %arg6[%dma_wait3A_799, %dma_wait3A_804] : memref<79x128xi32, #tpu.memory_space<vmem>> -> memref<1x128xi32, #tpu.memory_space<vmem>>
        %dma_wait3A_806 = tpu.memref_squeeze %dma_wait3A_805 : memref<1x128xi32, #tpu.memory_space<vmem>> -> memref<128xi32, #tpu.memory_space<vmem>>
        %dma_wait3A_807 = arith.constant 0 : i32
        %dma_wait3A_808 = arith.constant 0 : i32
        %dma_wait3A_809 = tpu.memref_slice %arg9[%dma_wait3A_807, %dma_wait3A_808] : memref<10240x16xf32, #tpu.memory_space<vmem_shared>> -> memref<10240x16xf32, #tpu.memory_space<vmem_shared>>
        tpu.wait_indirect_dma semaphore(%arg23 : memref<!tpu.dma_semaphore, #tpu.memory_space<semaphore_mem>>) src(%dma_wait3A_803 : memref<128x16xf32, #tpu.memory_space<vmem>>) dst(%dma_wait3A_809 : memref<10240x16xf32, #tpu.memory_space<vmem_shared>>)
      } else {
      }
      %add3A_582 = arith.constant 4 : i32
      %add3A_583 = arith.addi %add3A_554, %add3A_582 : i32
      %lt3A_584 = arith.cmpi slt, %add3A_583, %add3A_3 : i32
      %convert_element_type3A_585 = arith.extui %lt3A_584 : i1 to i32
      %cond3A_586 = arith.constant 0 : i32
      %cond3A_587 = arith.cmpi ne, %convert_element_type3A_585, %cond3A_586 : i32
      scf.if %cond3A_587 {
        %add3A_798 = arith.constant 4 : i32
        %add3A_799 = arith.addi %add3A_554, %add3A_798 : i32
        %dma_start3A_800 = arith.constant 5 : i32
        %dma_start3A_801 = arith.constant 0 : i32
        %dma_start3A_802 = arith.constant 0 : i32
        %dma_start3A_803 = tpu.memref_slice %arg7[%dma_start3A_800, %dma_start3A_801, %dma_start3A_802] : memref<8x128x16xf32, #tpu.memory_space<vmem>> -> memref<1x128x16xf32, #tpu.memory_space<vmem>>
        %dma_start3A_804 = tpu.memref_squeeze %dma_start3A_803 : memref<1x128x16xf32, #tpu.memory_space<vmem>> -> memref<128x16xf32, #tpu.memory_space<vmem>>
        %dma_start3A_805 = arith.constant 0 : i32
        %dma_start3A_806 = tpu.memref_slice %arg5[%add3A_799, %dma_start3A_805] : memref<79x128xi32, #tpu.memory_space<vmem>> -> memref<1x128xi32, #tpu.memory_space<vmem>>
        %dma_start3A_807 = tpu.memref_squeeze %dma_start3A_806 : memref<1x128xi32, #tpu.memory_space<vmem>> -> memref<128xi32, #tpu.memory_space<vmem>>
        %dma_start3A_808 = arith.constant 0 : i32
        %dma_start3A_809 = arith.constant 0 : i32
        %dma_start3A_810 = tpu.memref_slice %arg2[%dma_start3A_808, %dma_start3A_809] : memref<10000x16xf32, #tpu.memory_space<hbm>> -> memref<10000x16xf32, #tpu.memory_space<hbm>>
        tpu.enqueue_indirect_dma source(%dma_start3A_810 : memref<10000x16xf32, #tpu.memory_space<hbm>>) target(%dma_start3A_804 : memref<128x16xf32, #tpu.memory_space<vmem>>) offsets(%dma_start3A_807 : memref<128xi32, #tpu.memory_space<vmem>>) semaphore(%arg15 : memref<!tpu.dma_semaphore, #tpu.memory_space<semaphore_mem>>)
      } else {
      }
      %add3A_588 = arith.constant 2 : i32
      %add3A_589 = arith.addi %add3A_518, %add3A_588 : i32
      %dma_wait3A_590 = arith.constant 2 : i32
      %dma_wait3A_591 = arith.constant 0 : i32
      %dma_wait3A_592 = arith.constant 0 : i32
      %dma_wait3A_593 = tpu.memref_slice %arg7[%dma_wait3A_590, %dma_wait3A_591, %dma_wait3A_592] : memref<8x128x16xf32, #tpu.memory_space<vmem>> -> memref<1x128x16xf32, #tpu.memory_space<vmem>>
      %dma_wait3A_594 = tpu.memref_squeeze %dma_wait3A_593 : memref<1x128x16xf32, #tpu.memory_space<vmem>> -> memref<128x16xf32, #tpu.memory_space<vmem>>
      %dma_wait3A_595 = arith.constant 0 : i32
      %dma_wait3A_596 = tpu.memref_slice %arg5[%add3A_589, %dma_wait3A_595] : memref<79x128xi32, #tpu.memory_space<vmem>> -> memref<1x128xi32, #tpu.memory_space<vmem>>
      %dma_wait3A_597 = tpu.memref_squeeze %dma_wait3A_596 : memref<1x128xi32, #tpu.memory_space<vmem>> -> memref<128xi32, #tpu.memory_space<vmem>>
      %dma_wait3A_598 = arith.constant 0 : i32
      %dma_wait3A_599 = arith.constant 0 : i32
      %dma_wait3A_600 = tpu.memref_slice %arg2[%dma_wait3A_598, %dma_wait3A_599] : memref<10000x16xf32, #tpu.memory_space<hbm>> -> memref<10000x16xf32, #tpu.memory_space<hbm>>
      tpu.wait_indirect_dma semaphore(%arg12 : memref<!tpu.dma_semaphore, #tpu.memory_space<semaphore_mem>>) src(%dma_wait3A_600 : memref<10000x16xf32, #tpu.memory_space<hbm>>) dst(%dma_wait3A_594 : memref<128x16xf32, #tpu.memory_space<vmem>>)
      %dma_start3A_601 = arith.constant 2 : i32
      %dma_start3A_602 = arith.constant 0 : i32
      %dma_start3A_603 = arith.constant 0 : i32
      %dma_start3A_604 = tpu.memref_slice %arg7[%dma_start3A_601, %dma_start3A_602, %dma_start3A_603] : memref<8x128x16xf32, #tpu.memory_space<vmem>> -> memref<1x128x16xf32, #tpu.memory_space<vmem>>
      %dma_start3A_605 = tpu.memref_squeeze %dma_start3A_604 : memref<1x128x16xf32, #tpu.memory_space<vmem>> -> memref<128x16xf32, #tpu.memory_space<vmem>>
      %dma_start3A_606 = arith.constant 0 : i32
      %dma_start3A_607 = tpu.memref_slice %arg6[%add3A_589, %dma_start3A_606] : memref<79x128xi32, #tpu.memory_space<vmem>> -> memref<1x128xi32, #tpu.memory_space<vmem>>
      %dma_start3A_608 = tpu.memref_squeeze %dma_start3A_607 : memref<1x128xi32, #tpu.memory_space<vmem>> -> memref<128xi32, #tpu.memory_space<vmem>>
      %dma_start3A_609 = arith.constant 0 : i32
      %dma_start3A_610 = arith.constant 0 : i32
      %dma_start3A_611 = tpu.memref_slice %arg9[%dma_start3A_609, %dma_start3A_610] : memref<10240x16xf32, #tpu.memory_space<vmem_shared>> -> memref<10240x16xf32, #tpu.memory_space<vmem_shared>>
      tpu.enqueue_indirect_dma source(%dma_start3A_605 : memref<128x16xf32, #tpu.memory_space<vmem>>) target(%dma_start3A_611 : memref<10240x16xf32, #tpu.memory_space<vmem_shared>>) offsets(%dma_start3A_608 : memref<128xi32, #tpu.memory_space<vmem>>) semaphore(%arg20 : memref<!tpu.dma_semaphore, #tpu.memory_space<semaphore_mem>>) {add = true}
      %ge3A_612 = arith.constant 4 : i32
      %ge3A_613 = arith.cmpi sge, %add3A_589, %ge3A_612 : i32
      %convert_element_type3A_614 = arith.extui %ge3A_613 : i1 to i32
      %cond3A_615 = arith.constant 0 : i32
      %cond3A_616 = arith.cmpi ne, %convert_element_type3A_614, %cond3A_615 : i32
      scf.if %cond3A_616 {
        %dma_wait3A_798 = arith.constant 6 : i32
        %dma_wait3A_799 = arith.constant 0 : i32
        %dma_wait3A_800 = arith.constant 0 : i32
        %dma_wait3A_801 = arith.constant 0 : i32
        %dma_wait3A_802 = tpu.memref_slice %arg7[%dma_wait3A_798, %dma_wait3A_800, %dma_wait3A_801] : memref<8x128x16xf32, #tpu.memory_space<vmem>> -> memref<1x128x16xf32, #tpu.memory_space<vmem>>
        %dma_wait3A_803 = tpu.memref_squeeze %dma_wait3A_802 : memref<1x128x16xf32, #tpu.memory_space<vmem>> -> memref<128x16xf32, #tpu.memory_space<vmem>>
        %dma_wait3A_804 = arith.constant 0 : i32
        %dma_wait3A_805 = tpu.memref_slice %arg6[%dma_wait3A_799, %dma_wait3A_804] : memref<79x128xi32, #tpu.memory_space<vmem>> -> memref<1x128xi32, #tpu.memory_space<vmem>>
        %dma_wait3A_806 = tpu.memref_squeeze %dma_wait3A_805 : memref<1x128xi32, #tpu.memory_space<vmem>> -> memref<128xi32, #tpu.memory_space<vmem>>
        %dma_wait3A_807 = arith.constant 0 : i32
        %dma_wait3A_808 = arith.constant 0 : i32
        %dma_wait3A_809 = tpu.memref_slice %arg9[%dma_wait3A_807, %dma_wait3A_808] : memref<10240x16xf32, #tpu.memory_space<vmem_shared>> -> memref<10240x16xf32, #tpu.memory_space<vmem_shared>>
        tpu.wait_indirect_dma semaphore(%arg24 : memref<!tpu.dma_semaphore, #tpu.memory_space<semaphore_mem>>) src(%dma_wait3A_803 : memref<128x16xf32, #tpu.memory_space<vmem>>) dst(%dma_wait3A_809 : memref<10240x16xf32, #tpu.memory_space<vmem_shared>>)
      } else {
      }
      %add3A_617 = arith.constant 4 : i32
      %add3A_618 = arith.addi %add3A_589, %add3A_617 : i32
      %lt3A_619 = arith.cmpi slt, %add3A_618, %add3A_3 : i32
      %convert_element_type3A_620 = arith.extui %lt3A_619 : i1 to i32
      %cond3A_621 = arith.constant 0 : i32
      %cond3A_622 = arith.cmpi ne, %convert_element_type3A_620, %cond3A_621 : i32
      scf.if %cond3A_622 {
        %add3A_798 = arith.constant 4 : i32
        %add3A_799 = arith.addi %add3A_589, %add3A_798 : i32
        %dma_start3A_800 = arith.constant 6 : i32
        %dma_start3A_801 = arith.constant 0 : i32
        %dma_start3A_802 = arith.constant 0 : i32
        %dma_start3A_803 = tpu.memref_slice %arg7[%dma_start3A_800, %dma_start3A_801, %dma_start3A_802] : memref<8x128x16xf32, #tpu.memory_space<vmem>> -> memref<1x128x16xf32, #tpu.memory_space<vmem>>
        %dma_start3A_804 = tpu.memref_squeeze %dma_start3A_803 : memref<1x128x16xf32, #tpu.memory_space<vmem>> -> memref<128x16xf32, #tpu.memory_space<vmem>>
        %dma_start3A_805 = arith.constant 0 : i32
        %dma_start3A_806 = tpu.memref_slice %arg5[%add3A_799, %dma_start3A_805] : memref<79x128xi32, #tpu.memory_space<vmem>> -> memref<1x128xi32, #tpu.memory_space<vmem>>
        %dma_start3A_807 = tpu.memref_squeeze %dma_start3A_806 : memref<1x128xi32, #tpu.memory_space<vmem>> -> memref<128xi32, #tpu.memory_space<vmem>>
        %dma_start3A_808 = arith.constant 0 : i32
        %dma_start3A_809 = arith.constant 0 : i32
        %dma_start3A_810 = tpu.memref_slice %arg2[%dma_start3A_808, %dma_start3A_809] : memref<10000x16xf32, #tpu.memory_space<hbm>> -> memref<10000x16xf32, #tpu.memory_space<hbm>>
        tpu.enqueue_indirect_dma source(%dma_start3A_810 : memref<10000x16xf32, #tpu.memory_space<hbm>>) target(%dma_start3A_804 : memref<128x16xf32, #tpu.memory_space<vmem>>) offsets(%dma_start3A_807 : memref<128xi32, #tpu.memory_space<vmem>>) semaphore(%arg16 : memref<!tpu.dma_semaphore, #tpu.memory_space<semaphore_mem>>)
      } else {
      }
      %add3A_623 = arith.constant 3 : i32
      %add3A_624 = arith.addi %add3A_518, %add3A_623 : i32
      %dma_wait3A_625 = arith.constant 3 : i32
      %dma_wait3A_626 = arith.constant 0 : i32
      %dma_wait3A_627 = arith.constant 0 : i32
      %dma_wait3A_628 = tpu.memref_slice %arg7[%dma_wait3A_625, %dma_wait3A_626, %dma_wait3A_627] : memref<8x128x16xf32, #tpu.memory_space<vmem>> -> memref<1x128x16xf32, #tpu.memory_space<vmem>>
      %dma_wait3A_629 = tpu.memref_squeeze %dma_wait3A_628 : memref<1x128x16xf32, #tpu.memory_space<vmem>> -> memref<128x16xf32, #tpu.memory_space<vmem>>
      %dma_wait3A_630 = arith.constant 0 : i32
      %dma_wait3A_631 = tpu.memref_slice %arg5[%add3A_624, %dma_wait3A_630] : memref<79x128xi32, #tpu.memory_space<vmem>> -> memref<1x128xi32, #tpu.memory_space<vmem>>
      %dma_wait3A_632 = tpu.memref_squeeze %dma_wait3A_631 : memref<1x128xi32, #tpu.memory_space<vmem>> -> memref<128xi32, #tpu.memory_space<vmem>>
      %dma_wait3A_633 = arith.constant 0 : i32
      %dma_wait3A_634 = arith.constant 0 : i32
      %dma_wait3A_635 = tpu.memref_slice %arg2[%dma_wait3A_633, %dma_wait3A_634] : memref<10000x16xf32, #tpu.memory_space<hbm>> -> memref<10000x16xf32, #tpu.memory_space<hbm>>
      tpu.wait_indirect_dma semaphore(%arg13 : memref<!tpu.dma_semaphore, #tpu.memory_space<semaphore_mem>>) src(%dma_wait3A_635 : memref<10000x16xf32, #tpu.memory_space<hbm>>) dst(%dma_wait3A_629 : memref<128x16xf32, #tpu.memory_space<vmem>>)
      %dma_start3A_636 = arith.constant 3 : i32
      %dma_start3A_637 = arith.constant 0 : i32
      %dma_start3A_638 = arith.constant 0 : i32
      %dma_start3A_639 = tpu.memref_slice %arg7[%dma_start3A_636, %dma_start3A_637, %dma_start3A_638] : memref<8x128x16xf32, #tpu.memory_space<vmem>> -> memref<1x128x16xf32, #tpu.memory_space<vmem>>
      %dma_start3A_640 = tpu.memref_squeeze %dma_start3A_639 : memref<1x128x16xf32, #tpu.memory_space<vmem>> -> memref<128x16xf32, #tpu.memory_space<vmem>>
      %dma_start3A_641 = arith.constant 0 : i32
      %dma_start3A_642 = tpu.memref_slice %arg6[%add3A_624, %dma_start3A_641] : memref<79x128xi32, #tpu.memory_space<vmem>> -> memref<1x128xi32, #tpu.memory_space<vmem>>
      %dma_start3A_643 = tpu.memref_squeeze %dma_start3A_642 : memref<1x128xi32, #tpu.memory_space<vmem>> -> memref<128xi32, #tpu.memory_space<vmem>>
      %dma_start3A_644 = arith.constant 0 : i32
      %dma_start3A_645 = arith.constant 0 : i32
      %dma_start3A_646 = tpu.memref_slice %arg9[%dma_start3A_644, %dma_start3A_645] : memref<10240x16xf32, #tpu.memory_space<vmem_shared>> -> memref<10240x16xf32, #tpu.memory_space<vmem_shared>>
      tpu.enqueue_indirect_dma source(%dma_start3A_640 : memref<128x16xf32, #tpu.memory_space<vmem>>) target(%dma_start3A_646 : memref<10240x16xf32, #tpu.memory_space<vmem_shared>>) offsets(%dma_start3A_643 : memref<128xi32, #tpu.memory_space<vmem>>) semaphore(%arg21 : memref<!tpu.dma_semaphore, #tpu.memory_space<semaphore_mem>>) {add = true}
      %ge3A_647 = arith.constant 4 : i32
      %ge3A_648 = arith.cmpi sge, %add3A_624, %ge3A_647 : i32
      %convert_element_type3A_649 = arith.extui %ge3A_648 : i1 to i32
      %cond3A_650 = arith.constant 0 : i32
      %cond3A_651 = arith.cmpi ne, %convert_element_type3A_649, %cond3A_650 : i32
      scf.if %cond3A_651 {
        %dma_wait3A_798 = arith.constant 7 : i32
        %dma_wait3A_799 = arith.constant 0 : i32
        %dma_wait3A_800 = arith.constant 0 : i32
        %dma_wait3A_801 = arith.constant 0 : i32
        %dma_wait3A_802 = tpu.memref_slice %arg7[%dma_wait3A_798, %dma_wait3A_800, %dma_wait3A_801] : memref<8x128x16xf32, #tpu.memory_space<vmem>> -> memref<1x128x16xf32, #tpu.memory_space<vmem>>
        %dma_wait3A_803 = tpu.memref_squeeze %dma_wait3A_802 : memref<1x128x16xf32, #tpu.memory_space<vmem>> -> memref<128x16xf32, #tpu.memory_space<vmem>>
        %dma_wait3A_804 = arith.constant 0 : i32
        %dma_wait3A_805 = tpu.memref_slice %arg6[%dma_wait3A_799, %dma_wait3A_804] : memref<79x128xi32, #tpu.memory_space<vmem>> -> memref<1x128xi32, #tpu.memory_space<vmem>>
        %dma_wait3A_806 = tpu.memref_squeeze %dma_wait3A_805 : memref<1x128xi32, #tpu.memory_space<vmem>> -> memref<128xi32, #tpu.memory_space<vmem>>
        %dma_wait3A_807 = arith.constant 0 : i32
        %dma_wait3A_808 = arith.constant 0 : i32
        %dma_wait3A_809 = tpu.memref_slice %arg9[%dma_wait3A_807, %dma_wait3A_808] : memref<10240x16xf32, #tpu.memory_space<vmem_shared>> -> memref<10240x16xf32, #tpu.memory_space<vmem_shared>>
        tpu.wait_indirect_dma semaphore(%arg25 : memref<!tpu.dma_semaphore, #tpu.memory_space<semaphore_mem>>) src(%dma_wait3A_803 : memref<128x16xf32, #tpu.memory_space<vmem>>) dst(%dma_wait3A_809 : memref<10240x16xf32, #tpu.memory_space<vmem_shared>>)
      } else {
      }
      %add3A_652 = arith.constant 4 : i32
      %add3A_653 = arith.addi %add3A_624, %add3A_652 : i32
      %lt3A_654 = arith.cmpi slt, %add3A_653, %add3A_3 : i32
      %convert_element_type3A_655 = arith.extui %lt3A_654 : i1 to i32
      %cond3A_656 = arith.constant 0 : i32
      %cond3A_657 = arith.cmpi ne, %convert_element_type3A_655, %cond3A_656 : i32
      scf.if %cond3A_657 {
        %add3A_798 = arith.constant 4 : i32
        %add3A_799 = arith.addi %add3A_624, %add3A_798 : i32
        %dma_start3A_800 = arith.constant 7 : i32
        %dma_start3A_801 = arith.constant 0 : i32
        %dma_start3A_802 = arith.constant 0 : i32
        %dma_start3A_803 = tpu.memref_slice %arg7[%dma_start3A_800, %dma_start3A_801, %dma_start3A_802] : memref<8x128x16xf32, #tpu.memory_space<vmem>> -> memref<1x128x16xf32, #tpu.memory_space<vmem>>
        %dma_start3A_804 = tpu.memref_squeeze %dma_start3A_803 : memref<1x128x16xf32, #tpu.memory_space<vmem>> -> memref<128x16xf32, #tpu.memory_space<vmem>>
        %dma_start3A_805 = arith.constant 0 : i32
        %dma_start3A_806 = tpu.memref_slice %arg5[%add3A_799, %dma_start3A_805] : memref<79x128xi32, #tpu.memory_space<vmem>> -> memref<1x128xi32, #tpu.memory_space<vmem>>
        %dma_start3A_807 = tpu.memref_squeeze %dma_start3A_806 : memref<1x128xi32, #tpu.memory_space<vmem>> -> memref<128xi32, #tpu.memory_space<vmem>>
        %dma_start3A_808 = arith.constant 0 : i32
        %dma_start3A_809 = arith.constant 0 : i32
        %dma_start3A_810 = tpu.memref_slice %arg2[%dma_start3A_808, %dma_start3A_809] : memref<10000x16xf32, #tpu.memory_space<hbm>> -> memref<10000x16xf32, #tpu.memory_space<hbm>>
        tpu.enqueue_indirect_dma source(%dma_start3A_810 : memref<10000x16xf32, #tpu.memory_space<hbm>>) target(%dma_start3A_804 : memref<128x16xf32, #tpu.memory_space<vmem>>) offsets(%dma_start3A_807 : memref<128xi32, #tpu.memory_space<vmem>>) semaphore(%arg17 : memref<!tpu.dma_semaphore, #tpu.memory_space<semaphore_mem>>)
      } else {
      }
      %add3A_658 = arith.constant 4 : i32
      %add3A_659 = arith.addi %add3A_518, %add3A_658 : i32
      %dma_wait3A_660 = arith.constant 4 : i32
      %dma_wait3A_661 = arith.constant 0 : i32
      %dma_wait3A_662 = arith.constant 0 : i32
      %dma_wait3A_663 = tpu.memref_slice %arg7[%dma_wait3A_660, %dma_wait3A_661, %dma_wait3A_662] : memref<8x128x16xf32, #tpu.memory_space<vmem>> -> memref<1x128x16xf32, #tpu.memory_space<vmem>>
      %dma_wait3A_664 = tpu.memref_squeeze %dma_wait3A_663 : memref<1x128x16xf32, #tpu.memory_space<vmem>> -> memref<128x16xf32, #tpu.memory_space<vmem>>
      %dma_wait3A_665 = arith.constant 0 : i32
      %dma_wait3A_666 = tpu.memref_slice %arg5[%add3A_659, %dma_wait3A_665] : memref<79x128xi32, #tpu.memory_space<vmem>> -> memref<1x128xi32, #tpu.memory_space<vmem>>
      %dma_wait3A_667 = tpu.memref_squeeze %dma_wait3A_666 : memref<1x128xi32, #tpu.memory_space<vmem>> -> memref<128xi32, #tpu.memory_space<vmem>>
      %dma_wait3A_668 = arith.constant 0 : i32
      %dma_wait3A_669 = arith.constant 0 : i32
      %dma_wait3A_670 = tpu.memref_slice %arg2[%dma_wait3A_668, %dma_wait3A_669] : memref<10000x16xf32, #tpu.memory_space<hbm>> -> memref<10000x16xf32, #tpu.memory_space<hbm>>
      tpu.wait_indirect_dma semaphore(%arg14 : memref<!tpu.dma_semaphore, #tpu.memory_space<semaphore_mem>>) src(%dma_wait3A_670 : memref<10000x16xf32, #tpu.memory_space<hbm>>) dst(%dma_wait3A_664 : memref<128x16xf32, #tpu.memory_space<vmem>>)
      %dma_start3A_671 = arith.constant 4 : i32
      %dma_start3A_672 = arith.constant 0 : i32
      %dma_start3A_673 = arith.constant 0 : i32
      %dma_start3A_674 = tpu.memref_slice %arg7[%dma_start3A_671, %dma_start3A_672, %dma_start3A_673] : memref<8x128x16xf32, #tpu.memory_space<vmem>> -> memref<1x128x16xf32, #tpu.memory_space<vmem>>
      %dma_start3A_675 = tpu.memref_squeeze %dma_start3A_674 : memref<1x128x16xf32, #tpu.memory_space<vmem>> -> memref<128x16xf32, #tpu.memory_space<vmem>>
      %dma_start3A_676 = arith.constant 0 : i32
      %dma_start3A_677 = tpu.memref_slice %arg6[%add3A_659, %dma_start3A_676] : memref<79x128xi32, #tpu.memory_space<vmem>> -> memref<1x128xi32, #tpu.memory_space<vmem>>
      %dma_start3A_678 = tpu.memref_squeeze %dma_start3A_677 : memref<1x128xi32, #tpu.memory_space<vmem>> -> memref<128xi32, #tpu.memory_space<vmem>>
      %dma_start3A_679 = arith.constant 0 : i32
      %dma_start3A_680 = arith.constant 0 : i32
      %dma_start3A_681 = tpu.memref_slice %arg9[%dma_start3A_679, %dma_start3A_680] : memref<10240x16xf32, #tpu.memory_space<vmem_shared>> -> memref<10240x16xf32, #tpu.memory_space<vmem_shared>>
      tpu.enqueue_indirect_dma source(%dma_start3A_675 : memref<128x16xf32, #tpu.memory_space<vmem>>) target(%dma_start3A_681 : memref<10240x16xf32, #tpu.memory_space<vmem_shared>>) offsets(%dma_start3A_678 : memref<128xi32, #tpu.memory_space<vmem>>) semaphore(%arg22 : memref<!tpu.dma_semaphore, #tpu.memory_space<semaphore_mem>>) {add = true}
      %ge3A_682 = arith.constant 4 : i32
      %ge3A_683 = arith.cmpi sge, %add3A_659, %ge3A_682 : i32
      %convert_element_type3A_684 = arith.extui %ge3A_683 : i1 to i32
      %cond3A_685 = arith.constant 0 : i32
      %cond3A_686 = arith.cmpi ne, %convert_element_type3A_684, %cond3A_685 : i32
      scf.if %cond3A_686 {
        %dma_wait3A_798 = arith.constant 0 : i32
        %dma_wait3A_799 = arith.constant 0 : i32
        %dma_wait3A_800 = arith.constant 0 : i32
        %dma_wait3A_801 = arith.constant 0 : i32
        %dma_wait3A_802 = tpu.memref_slice %arg7[%dma_wait3A_798, %dma_wait3A_800, %dma_wait3A_801] : memref<8x128x16xf32, #tpu.memory_space<vmem>> -> memref<1x128x16xf32, #tpu.memory_space<vmem>>
        %dma_wait3A_803 = tpu.memref_squeeze %dma_wait3A_802 : memref<1x128x16xf32, #tpu.memory_space<vmem>> -> memref<128x16xf32, #tpu.memory_space<vmem>>
        %dma_wait3A_804 = arith.constant 0 : i32
        %dma_wait3A_805 = tpu.memref_slice %arg6[%dma_wait3A_799, %dma_wait3A_804] : memref<79x128xi32, #tpu.memory_space<vmem>> -> memref<1x128xi32, #tpu.memory_space<vmem>>
        %dma_wait3A_806 = tpu.memref_squeeze %dma_wait3A_805 : memref<1x128xi32, #tpu.memory_space<vmem>> -> memref<128xi32, #tpu.memory_space<vmem>>
        %dma_wait3A_807 = arith.constant 0 : i32
        %dma_wait3A_808 = arith.constant 0 : i32
        %dma_wait3A_809 = tpu.memref_slice %arg9[%dma_wait3A_807, %dma_wait3A_808] : memref<10240x16xf32, #tpu.memory_space<vmem_shared>> -> memref<10240x16xf32, #tpu.memory_space<vmem_shared>>
        tpu.wait_indirect_dma semaphore(%arg18 : memref<!tpu.dma_semaphore, #tpu.memory_space<semaphore_mem>>) src(%dma_wait3A_803 : memref<128x16xf32, #tpu.memory_space<vmem>>) dst(%dma_wait3A_809 : memref<10240x16xf32, #tpu.memory_space<vmem_shared>>)
      } else {
      }
      %add3A_687 = arith.constant 4 : i32
      %add3A_688 = arith.addi %add3A_659, %add3A_687 : i32
      %lt3A_689 = arith.cmpi slt, %add3A_688, %add3A_3 : i32
      %convert_element_type3A_690 = arith.extui %lt3A_689 : i1 to i32
      %cond3A_691 = arith.constant 0 : i32
      %cond3A_692 = arith.cmpi ne, %convert_element_type3A_690, %cond3A_691 : i32
      scf.if %cond3A_692 {
        %add3A_798 = arith.constant 4 : i32
        %add3A_799 = arith.addi %add3A_659, %add3A_798 : i32
        %dma_start3A_800 = arith.constant 0 : i32
        %dma_start3A_801 = arith.constant 0 : i32
        %dma_start3A_802 = arith.constant 0 : i32
        %dma_start3A_803 = tpu.memref_slice %arg7[%dma_start3A_800, %dma_start3A_801, %dma_start3A_802] : memref<8x128x16xf32, #tpu.memory_space<vmem>> -> memref<1x128x16xf32, #tpu.memory_space<vmem>>
        %dma_start3A_804 = tpu.memref_squeeze %dma_start3A_803 : memref<1x128x16xf32, #tpu.memory_space<vmem>> -> memref<128x16xf32, #tpu.memory_space<vmem>>
        %dma_start3A_805 = arith.constant 0 : i32
        %dma_start3A_806 = tpu.memref_slice %arg5[%add3A_799, %dma_start3A_805] : memref<79x128xi32, #tpu.memory_space<vmem>> -> memref<1x128xi32, #tpu.memory_space<vmem>>
        %dma_start3A_807 = tpu.memref_squeeze %dma_start3A_806 : memref<1x128xi32, #tpu.memory_space<vmem>> -> memref<128xi32, #tpu.memory_space<vmem>>
        %dma_start3A_808 = arith.constant 0 : i32
        %dma_start3A_809 = arith.constant 0 : i32
        %dma_start3A_810 = tpu.memref_slice %arg2[%dma_start3A_808, %dma_start3A_809] : memref<10000x16xf32, #tpu.memory_space<hbm>> -> memref<10000x16xf32, #tpu.memory_space<hbm>>
        tpu.enqueue_indirect_dma source(%dma_start3A_810 : memref<10000x16xf32, #tpu.memory_space<hbm>>) target(%dma_start3A_804 : memref<128x16xf32, #tpu.memory_space<vmem>>) offsets(%dma_start3A_807 : memref<128xi32, #tpu.memory_space<vmem>>) semaphore(%arg10 : memref<!tpu.dma_semaphore, #tpu.memory_space<semaphore_mem>>)
      } else {
      }
      %add3A_693 = arith.constant 5 : i32
      %add3A_694 = arith.addi %add3A_518, %add3A_693 : i32
      %dma_wait3A_695 = arith.constant 5 : i32
      %dma_wait3A_696 = arith.constant 0 : i32
      %dma_wait3A_697 = arith.constant 0 : i32
      %dma_wait3A_698 = tpu.memref_slice %arg7[%dma_wait3A_695, %dma_wait3A_696, %dma_wait3A_697] : memref<8x128x16xf32, #tpu.memory_space<vmem>> -> memref<1x128x16xf32, #tpu.memory_space<vmem>>
      %dma_wait3A_699 = tpu.memref_squeeze %dma_wait3A_698 : memref<1x128x16xf32, #tpu.memory_space<vmem>> -> memref<128x16xf32, #tpu.memory_space<vmem>>
      %dma_wait3A_700 = arith.constant 0 : i32
      %dma_wait3A_701 = tpu.memref_slice %arg5[%add3A_694, %dma_wait3A_700] : memref<79x128xi32, #tpu.memory_space<vmem>> -> memref<1x128xi32, #tpu.memory_space<vmem>>
      %dma_wait3A_702 = tpu.memref_squeeze %dma_wait3A_701 : memref<1x128xi32, #tpu.memory_space<vmem>> -> memref<128xi32, #tpu.memory_space<vmem>>
      %dma_wait3A_703 = arith.constant 0 : i32
      %dma_wait3A_704 = arith.constant 0 : i32
      %dma_wait3A_705 = tpu.memref_slice %arg2[%dma_wait3A_703, %dma_wait3A_704] : memref<10000x16xf32, #tpu.memory_space<hbm>> -> memref<10000x16xf32, #tpu.memory_space<hbm>>
      tpu.wait_indirect_dma semaphore(%arg15 : memref<!tpu.dma_semaphore, #tpu.memory_space<semaphore_mem>>) src(%dma_wait3A_705 : memref<10000x16xf32, #tpu.memory_space<hbm>>) dst(%dma_wait3A_699 : memref<128x16xf32, #tpu.memory_space<vmem>>)
      %dma_start3A_706 = arith.constant 5 : i32
      %dma_start3A_707 = arith.constant 0 : i32
      %dma_start3A_708 = arith.constant 0 : i32
      %dma_start3A_709 = tpu.memref_slice %arg7[%dma_start3A_706, %dma_start3A_707, %dma_start3A_708] : memref<8x128x16xf32, #tpu.memory_space<vmem>> -> memref<1x128x16xf32, #tpu.memory_space<vmem>>
      %dma_start3A_710 = tpu.memref_squeeze %dma_start3A_709 : memref<1x128x16xf32, #tpu.memory_space<vmem>> -> memref<128x16xf32, #tpu.memory_space<vmem>>
      %dma_start3A_711 = arith.constant 0 : i32
      %dma_start3A_712 = tpu.memref_slice %arg6[%add3A_694, %dma_start3A_711] : memref<79x128xi32, #tpu.memory_space<vmem>> -> memref<1x128xi32, #tpu.memory_space<vmem>>
      %dma_start3A_713 = tpu.memref_squeeze %dma_start3A_712 : memref<1x128xi32, #tpu.memory_space<vmem>> -> memref<128xi32, #tpu.memory_space<vmem>>
      %dma_start3A_714 = arith.constant 0 : i32
      %dma_start3A_715 = arith.constant 0 : i32
      %dma_start3A_716 = tpu.memref_slice %arg9[%dma_start3A_714, %dma_start3A_715] : memref<10240x16xf32, #tpu.memory_space<vmem_shared>> -> memref<10240x16xf32, #tpu.memory_space<vmem_shared>>
      tpu.enqueue_indirect_dma source(%dma_start3A_710 : memref<128x16xf32, #tpu.memory_space<vmem>>) target(%dma_start3A_716 : memref<10240x16xf32, #tpu.memory_space<vmem_shared>>) offsets(%dma_start3A_713 : memref<128xi32, #tpu.memory_space<vmem>>) semaphore(%arg23 : memref<!tpu.dma_semaphore, #tpu.memory_space<semaphore_mem>>) {add = true}
      %ge3A_717 = arith.constant 4 : i32
      %ge3A_718 = arith.cmpi sge, %add3A_694, %ge3A_717 : i32
      %convert_element_type3A_719 = arith.extui %ge3A_718 : i1 to i32
      %cond3A_720 = arith.constant 0 : i32
      %cond3A_721 = arith.cmpi ne, %convert_element_type3A_719, %cond3A_720 : i32
      scf.if %cond3A_721 {
        %dma_wait3A_798 = arith.constant 1 : i32
        %dma_wait3A_799 = arith.constant 0 : i32
        %dma_wait3A_800 = arith.constant 0 : i32
        %dma_wait3A_801 = arith.constant 0 : i32
        %dma_wait3A_802 = tpu.memref_slice %arg7[%dma_wait3A_798, %dma_wait3A_800, %dma_wait3A_801] : memref<8x128x16xf32, #tpu.memory_space<vmem>> -> memref<1x128x16xf32, #tpu.memory_space<vmem>>
        %dma_wait3A_803 = tpu.memref_squeeze %dma_wait3A_802 : memref<1x128x16xf32, #tpu.memory_space<vmem>> -> memref<128x16xf32, #tpu.memory_space<vmem>>
        %dma_wait3A_804 = arith.constant 0 : i32
        %dma_wait3A_805 = tpu.memref_slice %arg6[%dma_wait3A_799, %dma_wait3A_804] : memref<79x128xi32, #tpu.memory_space<vmem>> -> memref<1x128xi32, #tpu.memory_space<vmem>>
        %dma_wait3A_806 = tpu.memref_squeeze %dma_wait3A_805 : memref<1x128xi32, #tpu.memory_space<vmem>> -> memref<128xi32, #tpu.memory_space<vmem>>
        %dma_wait3A_807 = arith.constant 0 : i32
        %dma_wait3A_808 = arith.constant 0 : i32
        %dma_wait3A_809 = tpu.memref_slice %arg9[%dma_wait3A_807, %dma_wait3A_808] : memref<10240x16xf32, #tpu.memory_space<vmem_shared>> -> memref<10240x16xf32, #tpu.memory_space<vmem_shared>>
        tpu.wait_indirect_dma semaphore(%arg19 : memref<!tpu.dma_semaphore, #tpu.memory_space<semaphore_mem>>) src(%dma_wait3A_803 : memref<128x16xf32, #tpu.memory_space<vmem>>) dst(%dma_wait3A_809 : memref<10240x16xf32, #tpu.memory_space<vmem_shared>>)
      } else {
      }
      %add3A_722 = arith.constant 4 : i32
      %add3A_723 = arith.addi %add3A_694, %add3A_722 : i32
      %lt3A_724 = arith.cmpi slt, %add3A_723, %add3A_3 : i32
      %convert_element_type3A_725 = arith.extui %lt3A_724 : i1 to i32
      %cond3A_726 = arith.constant 0 : i32
      %cond3A_727 = arith.cmpi ne, %convert_element_type3A_725, %cond3A_726 : i32
      scf.if %cond3A_727 {
        %add3A_798 = arith.constant 4 : i32
        %add3A_799 = arith.addi %add3A_694, %add3A_798 : i32
        %dma_start3A_800 = arith.constant 1 : i32
        %dma_start3A_801 = arith.constant 0 : i32
        %dma_start3A_802 = arith.constant 0 : i32
        %dma_start3A_803 = tpu.memref_slice %arg7[%dma_start3A_800, %dma_start3A_801, %dma_start3A_802] : memref<8x128x16xf32, #tpu.memory_space<vmem>> -> memref<1x128x16xf32, #tpu.memory_space<vmem>>
        %dma_start3A_804 = tpu.memref_squeeze %dma_start3A_803 : memref<1x128x16xf32, #tpu.memory_space<vmem>> -> memref<128x16xf32, #tpu.memory_space<vmem>>
        %dma_start3A_805 = arith.constant 0 : i32
        %dma_start3A_806 = tpu.memref_slice %arg5[%add3A_799, %dma_start3A_805] : memref<79x128xi32, #tpu.memory_space<vmem>> -> memref<1x128xi32, #tpu.memory_space<vmem>>
        %dma_start3A_807 = tpu.memref_squeeze %dma_start3A_806 : memref<1x128xi32, #tpu.memory_space<vmem>> -> memref<128xi32, #tpu.memory_space<vmem>>
        %dma_start3A_808 = arith.constant 0 : i32
        %dma_start3A_809 = arith.constant 0 : i32
        %dma_start3A_810 = tpu.memref_slice %arg2[%dma_start3A_808, %dma_start3A_809] : memref<10000x16xf32, #tpu.memory_space<hbm>> -> memref<10000x16xf32, #tpu.memory_space<hbm>>
        tpu.enqueue_indirect_dma source(%dma_start3A_810 : memref<10000x16xf32, #tpu.memory_space<hbm>>) target(%dma_start3A_804 : memref<128x16xf32, #tpu.memory_space<vmem>>) offsets(%dma_start3A_807 : memref<128xi32, #tpu.memory_space<vmem>>) semaphore(%arg11 : memref<!tpu.dma_semaphore, #tpu.memory_space<semaphore_mem>>)
      } else {
      }
      %add3A_728 = arith.constant 6 : i32
      %add3A_729 = arith.addi %add3A_518, %add3A_728 : i32
      %dma_wait3A_730 = arith.constant 6 : i32
      %dma_wait3A_731 = arith.constant 0 : i32
      %dma_wait3A_732 = arith.constant 0 : i32
      %dma_wait3A_733 = tpu.memref_slice %arg7[%dma_wait3A_730, %dma_wait3A_731, %dma_wait3A_732] : memref<8x128x16xf32, #tpu.memory_space<vmem>> -> memref<1x128x16xf32, #tpu.memory_space<vmem>>
      %dma_wait3A_734 = tpu.memref_squeeze %dma_wait3A_733 : memref<1x128x16xf32, #tpu.memory_space<vmem>> -> memref<128x16xf32, #tpu.memory_space<vmem>>
      %dma_wait3A_735 = arith.constant 0 : i32
      %dma_wait3A_736 = tpu.memref_slice %arg5[%add3A_729, %dma_wait3A_735] : memref<79x128xi32, #tpu.memory_space<vmem>> -> memref<1x128xi32, #tpu.memory_space<vmem>>
      %dma_wait3A_737 = tpu.memref_squeeze %dma_wait3A_736 : memref<1x128xi32, #tpu.memory_space<vmem>> -> memref<128xi32, #tpu.memory_space<vmem>>
      %dma_wait3A_738 = arith.constant 0 : i32
      %dma_wait3A_739 = arith.constant 0 : i32
      %dma_wait3A_740 = tpu.memref_slice %arg2[%dma_wait3A_738, %dma_wait3A_739] : memref<10000x16xf32, #tpu.memory_space<hbm>> -> memref<10000x16xf32, #tpu.memory_space<hbm>>
      tpu.wait_indirect_dma semaphore(%arg16 : memref<!tpu.dma_semaphore, #tpu.memory_space<semaphore_mem>>) src(%dma_wait3A_740 : memref<10000x16xf32, #tpu.memory_space<hbm>>) dst(%dma_wait3A_734 : memref<128x16xf32, #tpu.memory_space<vmem>>)
      %dma_start3A_741 = arith.constant 6 : i32
      %dma_start3A_742 = arith.constant 0 : i32
      %dma_start3A_743 = arith.constant 0 : i32
      %dma_start3A_744 = tpu.memref_slice %arg7[%dma_start3A_741, %dma_start3A_742, %dma_start3A_743] : memref<8x128x16xf32, #tpu.memory_space<vmem>> -> memref<1x128x16xf32, #tpu.memory_space<vmem>>
      %dma_start3A_745 = tpu.memref_squeeze %dma_start3A_744 : memref<1x128x16xf32, #tpu.memory_space<vmem>> -> memref<128x16xf32, #tpu.memory_space<vmem>>
      %dma_start3A_746 = arith.constant 0 : i32
      %dma_start3A_747 = tpu.memref_slice %arg6[%add3A_729, %dma_start3A_746] : memref<79x128xi32, #tpu.memory_space<vmem>> -> memref<1x128xi32, #tpu.memory_space<vmem>>
      %dma_start3A_748 = tpu.memref_squeeze %dma_start3A_747 : memref<1x128xi32, #tpu.memory_space<vmem>> -> memref<128xi32, #tpu.memory_space<vmem>>
      %dma_start3A_749 = arith.constant 0 : i32
      %dma_start3A_750 = arith.constant 0 : i32
      %dma_start3A_751 = tpu.memref_slice %arg9[%dma_start3A_749, %dma_start3A_750] : memref<10240x16xf32, #tpu.memory_space<vmem_shared>> -> memref<10240x16xf32, #tpu.memory_space<vmem_shared>>
      tpu.enqueue_indirect_dma source(%dma_start3A_745 : memref<128x16xf32, #tpu.memory_space<vmem>>) target(%dma_start3A_751 : memref<10240x16xf32, #tpu.memory_space<vmem_shared>>) offsets(%dma_start3A_748 : memref<128xi32, #tpu.memory_space<vmem>>) semaphore(%arg24 : memref<!tpu.dma_semaphore, #tpu.memory_space<semaphore_mem>>) {add = true}
      %ge3A_752 = arith.constant 4 : i32
      %ge3A_753 = arith.cmpi sge, %add3A_729, %ge3A_752 : i32
      %convert_element_type3A_754 = arith.extui %ge3A_753 : i1 to i32
      %cond3A_755 = arith.constant 0 : i32
      %cond3A_756 = arith.cmpi ne, %convert_element_type3A_754, %cond3A_755 : i32
      scf.if %cond3A_756 {
        %dma_wait3A_798 = arith.constant 2 : i32
        %dma_wait3A_799 = arith.constant 0 : i32
        %dma_wait3A_800 = arith.constant 0 : i32
        %dma_wait3A_801 = arith.constant 0 : i32
        %dma_wait3A_802 = tpu.memref_slice %arg7[%dma_wait3A_798, %dma_wait3A_800, %dma_wait3A_801] : memref<8x128x16xf32, #tpu.memory_space<vmem>> -> memref<1x128x16xf32, #tpu.memory_space<vmem>>
        %dma_wait3A_803 = tpu.memref_squeeze %dma_wait3A_802 : memref<1x128x16xf32, #tpu.memory_space<vmem>> -> memref<128x16xf32, #tpu.memory_space<vmem>>
        %dma_wait3A_804 = arith.constant 0 : i32
        %dma_wait3A_805 = tpu.memref_slice %arg6[%dma_wait3A_799, %dma_wait3A_804] : memref<79x128xi32, #tpu.memory_space<vmem>> -> memref<1x128xi32, #tpu.memory_space<vmem>>
        %dma_wait3A_806 = tpu.memref_squeeze %dma_wait3A_805 : memref<1x128xi32, #tpu.memory_space<vmem>> -> memref<128xi32, #tpu.memory_space<vmem>>
        %dma_wait3A_807 = arith.constant 0 : i32
        %dma_wait3A_808 = arith.constant 0 : i32
        %dma_wait3A_809 = tpu.memref_slice %arg9[%dma_wait3A_807, %dma_wait3A_808] : memref<10240x16xf32, #tpu.memory_space<vmem_shared>> -> memref<10240x16xf32, #tpu.memory_space<vmem_shared>>
        tpu.wait_indirect_dma semaphore(%arg20 : memref<!tpu.dma_semaphore, #tpu.memory_space<semaphore_mem>>) src(%dma_wait3A_803 : memref<128x16xf32, #tpu.memory_space<vmem>>) dst(%dma_wait3A_809 : memref<10240x16xf32, #tpu.memory_space<vmem_shared>>)
      } else {
      }
      %add3A_757 = arith.constant 4 : i32
      %add3A_758 = arith.addi %add3A_729, %add3A_757 : i32
      %lt3A_759 = arith.cmpi slt, %add3A_758, %add3A_3 : i32
      %convert_element_type3A_760 = arith.extui %lt3A_759 : i1 to i32
      %cond3A_761 = arith.constant 0 : i32
      %cond3A_762 = arith.cmpi ne, %convert_element_type3A_760, %cond3A_761 : i32
      scf.if %cond3A_762 {
        %add3A_798 = arith.constant 4 : i32
        %add3A_799 = arith.addi %add3A_729, %add3A_798 : i32
        %dma_start3A_800 = arith.constant 2 : i32
        %dma_start3A_801 = arith.constant 0 : i32
        %dma_start3A_802 = arith.constant 0 : i32
        %dma_start3A_803 = tpu.memref_slice %arg7[%dma_start3A_800, %dma_start3A_801, %dma_start3A_802] : memref<8x128x16xf32, #tpu.memory_space<vmem>> -> memref<1x128x16xf32, #tpu.memory_space<vmem>>
        %dma_start3A_804 = tpu.memref_squeeze %dma_start3A_803 : memref<1x128x16xf32, #tpu.memory_space<vmem>> -> memref<128x16xf32, #tpu.memory_space<vmem>>
        %dma_start3A_805 = arith.constant 0 : i32
        %dma_start3A_806 = tpu.memref_slice %arg5[%add3A_799, %dma_start3A_805] : memref<79x128xi32, #tpu.memory_space<vmem>> -> memref<1x128xi32, #tpu.memory_space<vmem>>
        %dma_start3A_807 = tpu.memref_squeeze %dma_start3A_806 : memref<1x128xi32, #tpu.memory_space<vmem>> -> memref<128xi32, #tpu.memory_space<vmem>>
        %dma_start3A_808 = arith.constant 0 : i32
        %dma_start3A_809 = arith.constant 0 : i32
        %dma_start3A_810 = tpu.memref_slice %arg2[%dma_start3A_808, %dma_start3A_809] : memref<10000x16xf32, #tpu.memory_space<hbm>> -> memref<10000x16xf32, #tpu.memory_space<hbm>>
        tpu.enqueue_indirect_dma source(%dma_start3A_810 : memref<10000x16xf32, #tpu.memory_space<hbm>>) target(%dma_start3A_804 : memref<128x16xf32, #tpu.memory_space<vmem>>) offsets(%dma_start3A_807 : memref<128xi32, #tpu.memory_space<vmem>>) semaphore(%arg12 : memref<!tpu.dma_semaphore, #tpu.memory_space<semaphore_mem>>)
      } else {
      }
      %add3A_763 = arith.constant 7 : i32
      %add3A_764 = arith.addi %add3A_518, %add3A_763 : i32
      %dma_wait3A_765 = arith.constant 7 : i32
      %dma_wait3A_766 = arith.constant 0 : i32
      %dma_wait3A_767 = arith.constant 0 : i32
      %dma_wait3A_768 = tpu.memref_slice %arg7[%dma_wait3A_765, %dma_wait3A_766, %dma_wait3A_767] : memref<8x128x16xf32, #tpu.memory_space<vmem>> -> memref<1x128x16xf32, #tpu.memory_space<vmem>>
      %dma_wait3A_769 = tpu.memref_squeeze %dma_wait3A_768 : memref<1x128x16xf32, #tpu.memory_space<vmem>> -> memref<128x16xf32, #tpu.memory_space<vmem>>
      %dma_wait3A_770 = arith.constant 0 : i32
      %dma_wait3A_771 = tpu.memref_slice %arg5[%add3A_764, %dma_wait3A_770] : memref<79x128xi32, #tpu.memory_space<vmem>> -> memref<1x128xi32, #tpu.memory_space<vmem>>
      %dma_wait3A_772 = tpu.memref_squeeze %dma_wait3A_771 : memref<1x128xi32, #tpu.memory_space<vmem>> -> memref<128xi32, #tpu.memory_space<vmem>>
      %dma_wait3A_773 = arith.constant 0 : i32
      %dma_wait3A_774 = arith.constant 0 : i32
      %dma_wait3A_775 = tpu.memref_slice %arg2[%dma_wait3A_773, %dma_wait3A_774] : memref<10000x16xf32, #tpu.memory_space<hbm>> -> memref<10000x16xf32, #tpu.memory_space<hbm>>
      tpu.wait_indirect_dma semaphore(%arg17 : memref<!tpu.dma_semaphore, #tpu.memory_space<semaphore_mem>>) src(%dma_wait3A_775 : memref<10000x16xf32, #tpu.memory_space<hbm>>) dst(%dma_wait3A_769 : memref<128x16xf32, #tpu.memory_space<vmem>>)
      %dma_start3A_776 = arith.constant 7 : i32
      %dma_start3A_777 = arith.constant 0 : i32
      %dma_start3A_778 = arith.constant 0 : i32
      %dma_start3A_779 = tpu.memref_slice %arg7[%dma_start3A_776, %dma_start3A_777, %dma_start3A_778] : memref<8x128x16xf32, #tpu.memory_space<vmem>> -> memref<1x128x16xf32, #tpu.memory_space<vmem>>
      %dma_start3A_780 = tpu.memref_squeeze %dma_start3A_779 : memref<1x128x16xf32, #tpu.memory_space<vmem>> -> memref<128x16xf32, #tpu.memory_space<vmem>>
      %dma_start3A_781 = arith.constant 0 : i32
      %dma_start3A_782 = tpu.memref_slice %arg6[%add3A_764, %dma_start3A_781] : memref<79x128xi32, #tpu.memory_space<vmem>> -> memref<1x128xi32, #tpu.memory_space<vmem>>
      %dma_start3A_783 = tpu.memref_squeeze %dma_start3A_782 : memref<1x128xi32, #tpu.memory_space<vmem>> -> memref<128xi32, #tpu.memory_space<vmem>>
      %dma_start3A_784 = arith.constant 0 : i32
      %dma_start3A_785 = arith.constant 0 : i32
      %dma_start3A_786 = tpu.memref_slice %arg9[%dma_start3A_784, %dma_start3A_785] : memref<10240x16xf32, #tpu.memory_space<vmem_shared>> -> memref<10240x16xf32, #tpu.memory_space<vmem_shared>>
      tpu.enqueue_indirect_dma source(%dma_start3A_780 : memref<128x16xf32, #tpu.memory_space<vmem>>) target(%dma_start3A_786 : memref<10240x16xf32, #tpu.memory_space<vmem_shared>>) offsets(%dma_start3A_783 : memref<128xi32, #tpu.memory_space<vmem>>) semaphore(%arg25 : memref<!tpu.dma_semaphore, #tpu.memory_space<semaphore_mem>>) {add = true}
      %ge3A_787 = arith.constant 4 : i32
      %ge3A_788 = arith.cmpi sge, %add3A_764, %ge3A_787 : i32
      %convert_element_type3A_789 = arith.extui %ge3A_788 : i1 to i32
      %cond3A_790 = arith.constant 0 : i32
      %cond3A_791 = arith.cmpi ne, %convert_element_type3A_789, %cond3A_790 : i32
      scf.if %cond3A_791 {
        %dma_wait3A_798 = arith.constant 3 : i32
        %dma_wait3A_799 = arith.constant 0 : i32
        %dma_wait3A_800 = arith.constant 0 : i32
        %dma_wait3A_801 = arith.constant 0 : i32
        %dma_wait3A_802 = tpu.memref_slice %arg7[%dma_wait3A_798, %dma_wait3A_800, %dma_wait3A_801] : memref<8x128x16xf32, #tpu.memory_space<vmem>> -> memref<1x128x16xf32, #tpu.memory_space<vmem>>
        %dma_wait3A_803 = tpu.memref_squeeze %dma_wait3A_802 : memref<1x128x16xf32, #tpu.memory_space<vmem>> -> memref<128x16xf32, #tpu.memory_space<vmem>>
        %dma_wait3A_804 = arith.constant 0 : i32
        %dma_wait3A_805 = tpu.memref_slice %arg6[%dma_wait3A_799, %dma_wait3A_804] : memref<79x128xi32, #tpu.memory_space<vmem>> -> memref<1x128xi32, #tpu.memory_space<vmem>>
        %dma_wait3A_806 = tpu.memref_squeeze %dma_wait3A_805 : memref<1x128xi32, #tpu.memory_space<vmem>> -> memref<128xi32, #tpu.memory_space<vmem>>
        %dma_wait3A_807 = arith.constant 0 : i32
        %dma_wait3A_808 = arith.constant 0 : i32
        %dma_wait3A_809 = tpu.memref_slice %arg9[%dma_wait3A_807, %dma_wait3A_808] : memref<10240x16xf32, #tpu.memory_space<vmem_shared>> -> memref<10240x16xf32, #tpu.memory_space<vmem_shared>>
        tpu.wait_indirect_dma semaphore(%arg21 : memref<!tpu.dma_semaphore, #tpu.memory_space<semaphore_mem>>) src(%dma_wait3A_803 : memref<128x16xf32, #tpu.memory_space<vmem>>) dst(%dma_wait3A_809 : memref<10240x16xf32, #tpu.memory_space<vmem_shared>>)
      } else {
      }
      %add3A_792 = arith.constant 4 : i32
      %add3A_793 = arith.addi %add3A_764, %add3A_792 : i32
      %lt3A_794 = arith.cmpi slt, %add3A_793, %add3A_3 : i32
      %convert_element_type3A_795 = arith.extui %lt3A_794 : i1 to i32
      %cond3A_796 = arith.constant 0 : i32
      %cond3A_797 = arith.cmpi ne, %convert_element_type3A_795, %cond3A_796 : i32
      scf.if %cond3A_797 {
        %add3A_798 = arith.constant 4 : i32
        %add3A_799 = arith.addi %add3A_764, %add3A_798 : i32
        %dma_start3A_800 = arith.constant 3 : i32
        %dma_start3A_801 = arith.constant 0 : i32
        %dma_start3A_802 = arith.constant 0 : i32
        %dma_start3A_803 = tpu.memref_slice %arg7[%dma_start3A_800, %dma_start3A_801, %dma_start3A_802] : memref<8x128x16xf32, #tpu.memory_space<vmem>> -> memref<1x128x16xf32, #tpu.memory_space<vmem>>
        %dma_start3A_804 = tpu.memref_squeeze %dma_start3A_803 : memref<1x128x16xf32, #tpu.memory_space<vmem>> -> memref<128x16xf32, #tpu.memory_space<vmem>>
        %dma_start3A_805 = arith.constant 0 : i32
        %dma_start3A_806 = tpu.memref_slice %arg5[%add3A_799, %dma_start3A_805] : memref<79x128xi32, #tpu.memory_space<vmem>> -> memref<1x128xi32, #tpu.memory_space<vmem>>
        %dma_start3A_807 = tpu.memref_squeeze %dma_start3A_806 : memref<1x128xi32, #tpu.memory_space<vmem>> -> memref<128xi32, #tpu.memory_space<vmem>>
        %dma_start3A_808 = arith.constant 0 : i32
        %dma_start3A_809 = arith.constant 0 : i32
        %dma_start3A_810 = tpu.memref_slice %arg2[%dma_start3A_808, %dma_start3A_809] : memref<10000x16xf32, #tpu.memory_space<hbm>> -> memref<10000x16xf32, #tpu.memory_space<hbm>>
        tpu.enqueue_indirect_dma source(%dma_start3A_810 : memref<10000x16xf32, #tpu.memory_space<hbm>>) target(%dma_start3A_804 : memref<128x16xf32, #tpu.memory_space<vmem>>) offsets(%dma_start3A_807 : memref<128xi32, #tpu.memory_space<vmem>>) semaphore(%arg13 : memref<!tpu.dma_semaphore, #tpu.memory_space<semaphore_mem>>)
      } else {
      }
    }
    %scan3A_68 = arith.constant 9 : i32
    %dma_wait3A = arith.constant 72 : i32
    %dma_wait3A_69 = arith.constant 0 : i32
    %dma_wait3A_70 = arith.constant 0 : i32
    %dma_wait3A_71 = arith.constant 0 : i32
    %dma_wait3A_72 = tpu.memref_slice %arg7[%dma_wait3A_69, %dma_wait3A_70, %dma_wait3A_71] : memref<8x128x16xf32, #tpu.memory_space<vmem>> -> memref<1x128x16xf32, #tpu.memory_space<vmem>>
    %dma_wait3A_73 = tpu.memref_squeeze %dma_wait3A_72 : memref<1x128x16xf32, #tpu.memory_space<vmem>> -> memref<128x16xf32, #tpu.memory_space<vmem>>
    %dma_wait3A_74 = arith.constant 0 : i32
    %dma_wait3A_75 = tpu.memref_slice %arg5[%dma_wait3A, %dma_wait3A_74] : memref<79x128xi32, #tpu.memory_space<vmem>> -> memref<1x128xi32, #tpu.memory_space<vmem>>
    %dma_wait3A_76 = tpu.memref_squeeze %dma_wait3A_75 : memref<1x128xi32, #tpu.memory_space<vmem>> -> memref<128xi32, #tpu.memory_space<vmem>>
    %dma_wait3A_77 = arith.constant 0 : i32
    %dma_wait3A_78 = arith.constant 0 : i32
    %dma_wait3A_79 = tpu.memref_slice %arg2[%dma_wait3A_77, %dma_wait3A_78] : memref<10000x16xf32, #tpu.memory_space<hbm>> -> memref<10000x16xf32, #tpu.memory_space<hbm>>
    tpu.wait_indirect_dma semaphore(%arg10 : memref<!tpu.dma_semaphore, #tpu.memory_space<semaphore_mem>>) src(%dma_wait3A_79 : memref<10000x16xf32, #tpu.memory_space<hbm>>) dst(%dma_wait3A_73 : memref<128x16xf32, #tpu.memory_space<vmem>>)
    %dma_start3A_80 = arith.constant 0 : i32
    %dma_start3A_81 = arith.constant 72 : i32
    %dma_start3A_82 = arith.constant 0 : i32
    %dma_start3A_83 = arith.constant 0 : i32
    %dma_start3A_84 = tpu.memref_slice %arg7[%dma_start3A_80, %dma_start3A_82, %dma_start3A_83] : memref<8x128x16xf32, #tpu.memory_space<vmem>> -> memref<1x128x16xf32, #tpu.memory_space<vmem>>
    %dma_start3A_85 = tpu.memref_squeeze %dma_start3A_84 : memref<1x128x16xf32, #tpu.memory_space<vmem>> -> memref<128x16xf32, #tpu.memory_space<vmem>>
    %dma_start3A_86 = arith.constant 0 : i32
    %dma_start3A_87 = tpu.memref_slice %arg6[%dma_start3A_81, %dma_start3A_86] : memref<79x128xi32, #tpu.memory_space<vmem>> -> memref<1x128xi32, #tpu.memory_space<vmem>>
    %dma_start3A_88 = tpu.memref_squeeze %dma_start3A_87 : memref<1x128xi32, #tpu.memory_space<vmem>> -> memref<128xi32, #tpu.memory_space<vmem>>
    %dma_start3A_89 = arith.constant 0 : i32
    %dma_start3A_90 = arith.constant 0 : i32
    %dma_start3A_91 = tpu.memref_slice %arg9[%dma_start3A_89, %dma_start3A_90] : memref<10240x16xf32, #tpu.memory_space<vmem_shared>> -> memref<10240x16xf32, #tpu.memory_space<vmem_shared>>
    tpu.enqueue_indirect_dma source(%dma_start3A_85 : memref<128x16xf32, #tpu.memory_space<vmem>>) target(%dma_start3A_91 : memref<10240x16xf32, #tpu.memory_space<vmem_shared>>) offsets(%dma_start3A_88 : memref<128xi32, #tpu.memory_space<vmem>>) semaphore(%arg18 : memref<!tpu.dma_semaphore, #tpu.memory_space<semaphore_mem>>) {add = true}
    %dma_wait3A_92 = arith.constant 4 : i32
    %dma_wait3A_93 = arith.constant 0 : i32
    %dma_wait3A_94 = arith.constant 0 : i32
    %dma_wait3A_95 = arith.constant 0 : i32
    %dma_wait3A_96 = tpu.memref_slice %arg7[%dma_wait3A_92, %dma_wait3A_94, %dma_wait3A_95] : memref<8x128x16xf32, #tpu.memory_space<vmem>> -> memref<1x128x16xf32, #tpu.memory_space<vmem>>
    %dma_wait3A_97 = tpu.memref_squeeze %dma_wait3A_96 : memref<1x128x16xf32, #tpu.memory_space<vmem>> -> memref<128x16xf32, #tpu.memory_space<vmem>>
    %dma_wait3A_98 = arith.constant 0 : i32
    %dma_wait3A_99 = tpu.memref_slice %arg6[%dma_wait3A_93, %dma_wait3A_98] : memref<79x128xi32, #tpu.memory_space<vmem>> -> memref<1x128xi32, #tpu.memory_space<vmem>>
    %dma_wait3A_100 = tpu.memref_squeeze %dma_wait3A_99 : memref<1x128xi32, #tpu.memory_space<vmem>> -> memref<128xi32, #tpu.memory_space<vmem>>
    %dma_wait3A_101 = arith.constant 0 : i32
    %dma_wait3A_102 = arith.constant 0 : i32
    %dma_wait3A_103 = tpu.memref_slice %arg9[%dma_wait3A_101, %dma_wait3A_102] : memref<10240x16xf32, #tpu.memory_space<vmem_shared>> -> memref<10240x16xf32, #tpu.memory_space<vmem_shared>>
    tpu.wait_indirect_dma semaphore(%arg22 : memref<!tpu.dma_semaphore, #tpu.memory_space<semaphore_mem>>) src(%dma_wait3A_97 : memref<128x16xf32, #tpu.memory_space<vmem>>) dst(%dma_wait3A_103 : memref<10240x16xf32, #tpu.memory_space<vmem_shared>>)
    %gt3A = arith.constant 76 : i32
    %gt3A_104 = arith.cmpi sgt, %add3A_3, %gt3A : i32
    %convert_element_type3A_105 = arith.extui %gt3A_104 : i1 to i32
    %cond3A_106 = arith.constant 0 : i32
    %cond3A_107 = arith.cmpi ne, %convert_element_type3A_105, %cond3A_106 : i32
    scf.if %cond3A_107 {
      %dma_start3A_514 = arith.constant 76 : i32
      %dma_start3A_515 = arith.constant 4 : i32
      %dma_start3A_516 = arith.constant 0 : i32
      %dma_start3A_517 = arith.constant 0 : i32
      %dma_start3A_518 = tpu.memref_slice %arg7[%dma_start3A_515, %dma_start3A_516, %dma_start3A_517] : memref<8x128x16xf32, #tpu.memory_space<vmem>> -> memref<1x128x16xf32, #tpu.memory_space<vmem>>
      %dma_start3A_519 = tpu.memref_squeeze %dma_start3A_518 : memref<1x128x16xf32, #tpu.memory_space<vmem>> -> memref<128x16xf32, #tpu.memory_space<vmem>>
      %dma_start3A_520 = arith.constant 0 : i32
      %dma_start3A_521 = tpu.memref_slice %arg5[%dma_start3A_514, %dma_start3A_520] : memref<79x128xi32, #tpu.memory_space<vmem>> -> memref<1x128xi32, #tpu.memory_space<vmem>>
      %dma_start3A_522 = tpu.memref_squeeze %dma_start3A_521 : memref<1x128xi32, #tpu.memory_space<vmem>> -> memref<128xi32, #tpu.memory_space<vmem>>
      %dma_start3A_523 = arith.constant 0 : i32
      %dma_start3A_524 = arith.constant 0 : i32
      %dma_start3A_525 = tpu.memref_slice %arg2[%dma_start3A_523, %dma_start3A_524] : memref<10000x16xf32, #tpu.memory_space<hbm>> -> memref<10000x16xf32, #tpu.memory_space<hbm>>
      tpu.enqueue_indirect_dma source(%dma_start3A_525 : memref<10000x16xf32, #tpu.memory_space<hbm>>) target(%dma_start3A_519 : memref<128x16xf32, #tpu.memory_space<vmem>>) offsets(%dma_start3A_522 : memref<128xi32, #tpu.memory_space<vmem>>) semaphore(%arg14 : memref<!tpu.dma_semaphore, #tpu.memory_space<semaphore_mem>>)
    } else {
    }
    %dma_wait3A_108 = arith.constant 73 : i32
    %dma_wait3A_109 = arith.constant 1 : i32
    %dma_wait3A_110 = arith.constant 0 : i32
    %dma_wait3A_111 = arith.constant 0 : i32
    %dma_wait3A_112 = tpu.memref_slice %arg7[%dma_wait3A_109, %dma_wait3A_110, %dma_wait3A_111] : memref<8x128x16xf32, #tpu.memory_space<vmem>> -> memref<1x128x16xf32, #tpu.memory_space<vmem>>
    %dma_wait3A_113 = tpu.memref_squeeze %dma_wait3A_112 : memref<1x128x16xf32, #tpu.memory_space<vmem>> -> memref<128x16xf32, #tpu.memory_space<vmem>>
    %dma_wait3A_114 = arith.constant 0 : i32
    %dma_wait3A_115 = tpu.memref_slice %arg5[%dma_wait3A_108, %dma_wait3A_114] : memref<79x128xi32, #tpu.memory_space<vmem>> -> memref<1x128xi32, #tpu.memory_space<vmem>>
    %dma_wait3A_116 = tpu.memref_squeeze %dma_wait3A_115 : memref<1x128xi32, #tpu.memory_space<vmem>> -> memref<128xi32, #tpu.memory_space<vmem>>
    %dma_wait3A_117 = arith.constant 0 : i32
    %dma_wait3A_118 = arith.constant 0 : i32
    %dma_wait3A_119 = tpu.memref_slice %arg2[%dma_wait3A_117, %dma_wait3A_118] : memref<10000x16xf32, #tpu.memory_space<hbm>> -> memref<10000x16xf32, #tpu.memory_space<hbm>>
    tpu.wait_indirect_dma semaphore(%arg11 : memref<!tpu.dma_semaphore, #tpu.memory_space<semaphore_mem>>) src(%dma_wait3A_119 : memref<10000x16xf32, #tpu.memory_space<hbm>>) dst(%dma_wait3A_113 : memref<128x16xf32, #tpu.memory_space<vmem>>)
    %dma_start3A_120 = arith.constant 1 : i32
    %dma_start3A_121 = arith.constant 73 : i32
    %dma_start3A_122 = arith.constant 0 : i32
    %dma_start3A_123 = arith.constant 0 : i32
    %dma_start3A_124 = tpu.memref_slice %arg7[%dma_start3A_120, %dma_start3A_122, %dma_start3A_123] : memref<8x128x16xf32, #tpu.memory_space<vmem>> -> memref<1x128x16xf32, #tpu.memory_space<vmem>>
    %dma_start3A_125 = tpu.memref_squeeze %dma_start3A_124 : memref<1x128x16xf32, #tpu.memory_space<vmem>> -> memref<128x16xf32, #tpu.memory_space<vmem>>
    %dma_start3A_126 = arith.constant 0 : i32
    %dma_start3A_127 = tpu.memref_slice %arg6[%dma_start3A_121, %dma_start3A_126] : memref<79x128xi32, #tpu.memory_space<vmem>> -> memref<1x128xi32, #tpu.memory_space<vmem>>
    %dma_start3A_128 = tpu.memref_squeeze %dma_start3A_127 : memref<1x128xi32, #tpu.memory_space<vmem>> -> memref<128xi32, #tpu.memory_space<vmem>>
    %dma_start3A_129 = arith.constant 0 : i32
    %dma_start3A_130 = arith.constant 0 : i32
    %dma_start3A_131 = tpu.memref_slice %arg9[%dma_start3A_129, %dma_start3A_130] : memref<10240x16xf32, #tpu.memory_space<vmem_shared>> -> memref<10240x16xf32, #tpu.memory_space<vmem_shared>>
    tpu.enqueue_indirect_dma source(%dma_start3A_125 : memref<128x16xf32, #tpu.memory_space<vmem>>) target(%dma_start3A_131 : memref<10240x16xf32, #tpu.memory_space<vmem_shared>>) offsets(%dma_start3A_128 : memref<128xi32, #tpu.memory_space<vmem>>) semaphore(%arg19 : memref<!tpu.dma_semaphore, #tpu.memory_space<semaphore_mem>>) {add = true}
    %dma_wait3A_132 = arith.constant 5 : i32
    %dma_wait3A_133 = arith.constant 0 : i32
    %dma_wait3A_134 = arith.constant 0 : i32
    %dma_wait3A_135 = arith.constant 0 : i32
    %dma_wait3A_136 = tpu.memref_slice %arg7[%dma_wait3A_132, %dma_wait3A_134, %dma_wait3A_135] : memref<8x128x16xf32, #tpu.memory_space<vmem>> -> memref<1x128x16xf32, #tpu.memory_space<vmem>>
    %dma_wait3A_137 = tpu.memref_squeeze %dma_wait3A_136 : memref<1x128x16xf32, #tpu.memory_space<vmem>> -> memref<128x16xf32, #tpu.memory_space<vmem>>
    %dma_wait3A_138 = arith.constant 0 : i32
    %dma_wait3A_139 = tpu.memref_slice %arg6[%dma_wait3A_133, %dma_wait3A_138] : memref<79x128xi32, #tpu.memory_space<vmem>> -> memref<1x128xi32, #tpu.memory_space<vmem>>
    %dma_wait3A_140 = tpu.memref_squeeze %dma_wait3A_139 : memref<1x128xi32, #tpu.memory_space<vmem>> -> memref<128xi32, #tpu.memory_space<vmem>>
    %dma_wait3A_141 = arith.constant 0 : i32
    %dma_wait3A_142 = arith.constant 0 : i32
    %dma_wait3A_143 = tpu.memref_slice %arg9[%dma_wait3A_141, %dma_wait3A_142] : memref<10240x16xf32, #tpu.memory_space<vmem_shared>> -> memref<10240x16xf32, #tpu.memory_space<vmem_shared>>
    tpu.wait_indirect_dma semaphore(%arg23 : memref<!tpu.dma_semaphore, #tpu.memory_space<semaphore_mem>>) src(%dma_wait3A_137 : memref<128x16xf32, #tpu.memory_space<vmem>>) dst(%dma_wait3A_143 : memref<10240x16xf32, #tpu.memory_space<vmem_shared>>)
    %gt3A_144 = arith.constant 77 : i32
    %gt3A_145 = arith.cmpi sgt, %add3A_3, %gt3A_144 : i32
    %convert_element_type3A_146 = arith.extui %gt3A_145 : i1 to i32
    %cond3A_147 = arith.constant 0 : i32
    %cond3A_148 = arith.cmpi ne, %convert_element_type3A_146, %cond3A_147 : i32
    scf.if %cond3A_148 {
      %dma_start3A_514 = arith.constant 77 : i32
      %dma_start3A_515 = arith.constant 5 : i32
      %dma_start3A_516 = arith.constant 0 : i32
      %dma_start3A_517 = arith.constant 0 : i32
      %dma_start3A_518 = tpu.memref_slice %arg7[%dma_start3A_515, %dma_start3A_516, %dma_start3A_517] : memref<8x128x16xf32, #tpu.memory_space<vmem>> -> memref<1x128x16xf32, #tpu.memory_space<vmem>>
      %dma_start3A_519 = tpu.memref_squeeze %dma_start3A_518 : memref<1x128x16xf32, #tpu.memory_space<vmem>> -> memref<128x16xf32, #tpu.memory_space<vmem>>
      %dma_start3A_520 = arith.constant 0 : i32
      %dma_start3A_521 = tpu.memref_slice %arg5[%dma_start3A_514, %dma_start3A_520] : memref<79x128xi32, #tpu.memory_space<vmem>> -> memref<1x128xi32, #tpu.memory_space<vmem>>
      %dma_start3A_522 = tpu.memref_squeeze %dma_start3A_521 : memref<1x128xi32, #tpu.memory_space<vmem>> -> memref<128xi32, #tpu.memory_space<vmem>>
      %dma_start3A_523 = arith.constant 0 : i32
      %dma_start3A_524 = arith.constant 0 : i32
      %dma_start3A_525 = tpu.memref_slice %arg2[%dma_start3A_523, %dma_start3A_524] : memref<10000x16xf32, #tpu.memory_space<hbm>> -> memref<10000x16xf32, #tpu.memory_space<hbm>>
      tpu.enqueue_indirect_dma source(%dma_start3A_525 : memref<10000x16xf32, #tpu.memory_space<hbm>>) target(%dma_start3A_519 : memref<128x16xf32, #tpu.memory_space<vmem>>) offsets(%dma_start3A_522 : memref<128xi32, #tpu.memory_space<vmem>>) semaphore(%arg15 : memref<!tpu.dma_semaphore, #tpu.memory_space<semaphore_mem>>)
    } else {
    }
    %dma_wait3A_149 = arith.constant 74 : i32
    %dma_wait3A_150 = arith.constant 2 : i32
    %dma_wait3A_151 = arith.constant 0 : i32
    %dma_wait3A_152 = arith.constant 0 : i32
    %dma_wait3A_153 = tpu.memref_slice %arg7[%dma_wait3A_150, %dma_wait3A_151, %dma_wait3A_152] : memref<8x128x16xf32, #tpu.memory_space<vmem>> -> memref<1x128x16xf32, #tpu.memory_space<vmem>>
    %dma_wait3A_154 = tpu.memref_squeeze %dma_wait3A_153 : memref<1x128x16xf32, #tpu.memory_space<vmem>> -> memref<128x16xf32, #tpu.memory_space<vmem>>
    %dma_wait3A_155 = arith.constant 0 : i32
    %dma_wait3A_156 = tpu.memref_slice %arg5[%dma_wait3A_149, %dma_wait3A_155] : memref<79x128xi32, #tpu.memory_space<vmem>> -> memref<1x128xi32, #tpu.memory_space<vmem>>
    %dma_wait3A_157 = tpu.memref_squeeze %dma_wait3A_156 : memref<1x128xi32, #tpu.memory_space<vmem>> -> memref<128xi32, #tpu.memory_space<vmem>>
    %dma_wait3A_158 = arith.constant 0 : i32
    %dma_wait3A_159 = arith.constant 0 : i32
    %dma_wait3A_160 = tpu.memref_slice %arg2[%dma_wait3A_158, %dma_wait3A_159] : memref<10000x16xf32, #tpu.memory_space<hbm>> -> memref<10000x16xf32, #tpu.memory_space<hbm>>
    tpu.wait_indirect_dma semaphore(%arg12 : memref<!tpu.dma_semaphore, #tpu.memory_space<semaphore_mem>>) src(%dma_wait3A_160 : memref<10000x16xf32, #tpu.memory_space<hbm>>) dst(%dma_wait3A_154 : memref<128x16xf32, #tpu.memory_space<vmem>>)
    %dma_start3A_161 = arith.constant 2 : i32
    %dma_start3A_162 = arith.constant 74 : i32
    %dma_start3A_163 = arith.constant 0 : i32
    %dma_start3A_164 = arith.constant 0 : i32
    %dma_start3A_165 = tpu.memref_slice %arg7[%dma_start3A_161, %dma_start3A_163, %dma_start3A_164] : memref<8x128x16xf32, #tpu.memory_space<vmem>> -> memref<1x128x16xf32, #tpu.memory_space<vmem>>
    %dma_start3A_166 = tpu.memref_squeeze %dma_start3A_165 : memref<1x128x16xf32, #tpu.memory_space<vmem>> -> memref<128x16xf32, #tpu.memory_space<vmem>>
    %dma_start3A_167 = arith.constant 0 : i32
    %dma_start3A_168 = tpu.memref_slice %arg6[%dma_start3A_162, %dma_start3A_167] : memref<79x128xi32, #tpu.memory_space<vmem>> -> memref<1x128xi32, #tpu.memory_space<vmem>>
    %dma_start3A_169 = tpu.memref_squeeze %dma_start3A_168 : memref<1x128xi32, #tpu.memory_space<vmem>> -> memref<128xi32, #tpu.memory_space<vmem>>
    %dma_start3A_170 = arith.constant 0 : i32
    %dma_start3A_171 = arith.constant 0 : i32
    %dma_start3A_172 = tpu.memref_slice %arg9[%dma_start3A_170, %dma_start3A_171] : memref<10240x16xf32, #tpu.memory_space<vmem_shared>> -> memref<10240x16xf32, #tpu.memory_space<vmem_shared>>
    tpu.enqueue_indirect_dma source(%dma_start3A_166 : memref<128x16xf32, #tpu.memory_space<vmem>>) target(%dma_start3A_172 : memref<10240x16xf32, #tpu.memory_space<vmem_shared>>) offsets(%dma_start3A_169 : memref<128xi32, #tpu.memory_space<vmem>>) semaphore(%arg20 : memref<!tpu.dma_semaphore, #tpu.memory_space<semaphore_mem>>) {add = true}
    %dma_wait3A_173 = arith.constant 6 : i32
    %dma_wait3A_174 = arith.constant 0 : i32
    %dma_wait3A_175 = arith.constant 0 : i32
    %dma_wait3A_176 = arith.constant 0 : i32
    %dma_wait3A_177 = tpu.memref_slice %arg7[%dma_wait3A_173, %dma_wait3A_175, %dma_wait3A_176] : memref<8x128x16xf32, #tpu.memory_space<vmem>> -> memref<1x128x16xf32, #tpu.memory_space<vmem>>
    %dma_wait3A_178 = tpu.memref_squeeze %dma_wait3A_177 : memref<1x128x16xf32, #tpu.memory_space<vmem>> -> memref<128x16xf32, #tpu.memory_space<vmem>>
    %dma_wait3A_179 = arith.constant 0 : i32
    %dma_wait3A_180 = tpu.memref_slice %arg6[%dma_wait3A_174, %dma_wait3A_179] : memref<79x128xi32, #tpu.memory_space<vmem>> -> memref<1x128xi32, #tpu.memory_space<vmem>>
    %dma_wait3A_181 = tpu.memref_squeeze %dma_wait3A_180 : memref<1x128xi32, #tpu.memory_space<vmem>> -> memref<128xi32, #tpu.memory_space<vmem>>
    %dma_wait3A_182 = arith.constant 0 : i32
    %dma_wait3A_183 = arith.constant 0 : i32
    %dma_wait3A_184 = tpu.memref_slice %arg9[%dma_wait3A_182, %dma_wait3A_183] : memref<10240x16xf32, #tpu.memory_space<vmem_shared>> -> memref<10240x16xf32, #tpu.memory_space<vmem_shared>>
    tpu.wait_indirect_dma semaphore(%arg24 : memref<!tpu.dma_semaphore, #tpu.memory_space<semaphore_mem>>) src(%dma_wait3A_178 : memref<128x16xf32, #tpu.memory_space<vmem>>) dst(%dma_wait3A_184 : memref<10240x16xf32, #tpu.memory_space<vmem_shared>>)
    %gt3A_185 = arith.constant 78 : i32
    %gt3A_186 = arith.cmpi sgt, %add3A_3, %gt3A_185 : i32
    %convert_element_type3A_187 = arith.extui %gt3A_186 : i1 to i32
    %cond3A_188 = arith.constant 0 : i32
    %cond3A_189 = arith.cmpi ne, %convert_element_type3A_187, %cond3A_188 : i32
    scf.if %cond3A_189 {
      %dma_start3A_514 = arith.constant 78 : i32
      %dma_start3A_515 = arith.constant 6 : i32
      %dma_start3A_516 = arith.constant 0 : i32
      %dma_start3A_517 = arith.constant 0 : i32
      %dma_start3A_518 = tpu.memref_slice %arg7[%dma_start3A_515, %dma_start3A_516, %dma_start3A_517] : memref<8x128x16xf32, #tpu.memory_space<vmem>> -> memref<1x128x16xf32, #tpu.memory_space<vmem>>
      %dma_start3A_519 = tpu.memref_squeeze %dma_start3A_518 : memref<1x128x16xf32, #tpu.memory_space<vmem>> -> memref<128x16xf32, #tpu.memory_space<vmem>>
      %dma_start3A_520 = arith.constant 0 : i32
      %dma_start3A_521 = tpu.memref_slice %arg5[%dma_start3A_514, %dma_start3A_520] : memref<79x128xi32, #tpu.memory_space<vmem>> -> memref<1x128xi32, #tpu.memory_space<vmem>>
      %dma_start3A_522 = tpu.memref_squeeze %dma_start3A_521 : memref<1x128xi32, #tpu.memory_space<vmem>> -> memref<128xi32, #tpu.memory_space<vmem>>
      %dma_start3A_523 = arith.constant 0 : i32
      %dma_start3A_524 = arith.constant 0 : i32
      %dma_start3A_525 = tpu.memref_slice %arg2[%dma_start3A_523, %dma_start3A_524] : memref<10000x16xf32, #tpu.memory_space<hbm>> -> memref<10000x16xf32, #tpu.memory_space<hbm>>
      tpu.enqueue_indirect_dma source(%dma_start3A_525 : memref<10000x16xf32, #tpu.memory_space<hbm>>) target(%dma_start3A_519 : memref<128x16xf32, #tpu.memory_space<vmem>>) offsets(%dma_start3A_522 : memref<128xi32, #tpu.memory_space<vmem>>) semaphore(%arg16 : memref<!tpu.dma_semaphore, #tpu.memory_space<semaphore_mem>>)
    } else {
    }
    %dma_wait3A_190 = arith.constant 75 : i32
    %dma_wait3A_191 = arith.constant 3 : i32
    %dma_wait3A_192 = arith.constant 0 : i32
    %dma_wait3A_193 = arith.constant 0 : i32
    %dma_wait3A_194 = tpu.memref_slice %arg7[%dma_wait3A_191, %dma_wait3A_192, %dma_wait3A_193] : memref<8x128x16xf32, #tpu.memory_space<vmem>> -> memref<1x128x16xf32, #tpu.memory_space<vmem>>
    %dma_wait3A_195 = tpu.memref_squeeze %dma_wait3A_194 : memref<1x128x16xf32, #tpu.memory_space<vmem>> -> memref<128x16xf32, #tpu.memory_space<vmem>>
    %dma_wait3A_196 = arith.constant 0 : i32
    %dma_wait3A_197 = tpu.memref_slice %arg5[%dma_wait3A_190, %dma_wait3A_196] : memref<79x128xi32, #tpu.memory_space<vmem>> -> memref<1x128xi32, #tpu.memory_space<vmem>>
    %dma_wait3A_198 = tpu.memref_squeeze %dma_wait3A_197 : memref<1x128xi32, #tpu.memory_space<vmem>> -> memref<128xi32, #tpu.memory_space<vmem>>
    %dma_wait3A_199 = arith.constant 0 : i32
    %dma_wait3A_200 = arith.constant 0 : i32
    %dma_wait3A_201 = tpu.memref_slice %arg2[%dma_wait3A_199, %dma_wait3A_200] : memref<10000x16xf32, #tpu.memory_space<hbm>> -> memref<10000x16xf32, #tpu.memory_space<hbm>>
    tpu.wait_indirect_dma semaphore(%arg13 : memref<!tpu.dma_semaphore, #tpu.memory_space<semaphore_mem>>) src(%dma_wait3A_201 : memref<10000x16xf32, #tpu.memory_space<hbm>>) dst(%dma_wait3A_195 : memref<128x16xf32, #tpu.memory_space<vmem>>)
    %dma_start3A_202 = arith.constant 3 : i32
    %dma_start3A_203 = arith.constant 75 : i32
    %dma_start3A_204 = arith.constant 0 : i32
    %dma_start3A_205 = arith.constant 0 : i32
    %dma_start3A_206 = tpu.memref_slice %arg7[%dma_start3A_202, %dma_start3A_204, %dma_start3A_205] : memref<8x128x16xf32, #tpu.memory_space<vmem>> -> memref<1x128x16xf32, #tpu.memory_space<vmem>>
    %dma_start3A_207 = tpu.memref_squeeze %dma_start3A_206 : memref<1x128x16xf32, #tpu.memory_space<vmem>> -> memref<128x16xf32, #tpu.memory_space<vmem>>
    %dma_start3A_208 = arith.constant 0 : i32
    %dma_start3A_209 = tpu.memref_slice %arg6[%dma_start3A_203, %dma_start3A_208] : memref<79x128xi32, #tpu.memory_space<vmem>> -> memref<1x128xi32, #tpu.memory_space<vmem>>
    %dma_start3A_210 = tpu.memref_squeeze %dma_start3A_209 : memref<1x128xi32, #tpu.memory_space<vmem>> -> memref<128xi32, #tpu.memory_space<vmem>>
    %dma_start3A_211 = arith.constant 0 : i32
    %dma_start3A_212 = arith.constant 0 : i32
    %dma_start3A_213 = tpu.memref_slice %arg9[%dma_start3A_211, %dma_start3A_212] : memref<10240x16xf32, #tpu.memory_space<vmem_shared>> -> memref<10240x16xf32, #tpu.memory_space<vmem_shared>>
    tpu.enqueue_indirect_dma source(%dma_start3A_207 : memref<128x16xf32, #tpu.memory_space<vmem>>) target(%dma_start3A_213 : memref<10240x16xf32, #tpu.memory_space<vmem_shared>>) offsets(%dma_start3A_210 : memref<128xi32, #tpu.memory_space<vmem>>) semaphore(%arg21 : memref<!tpu.dma_semaphore, #tpu.memory_space<semaphore_mem>>) {add = true}
    %dma_wait3A_214 = arith.constant 7 : i32
    %dma_wait3A_215 = arith.constant 0 : i32
    %dma_wait3A_216 = arith.constant 0 : i32
    %dma_wait3A_217 = arith.constant 0 : i32
    %dma_wait3A_218 = tpu.memref_slice %arg7[%dma_wait3A_214, %dma_wait3A_216, %dma_wait3A_217] : memref<8x128x16xf32, #tpu.memory_space<vmem>> -> memref<1x128x16xf32, #tpu.memory_space<vmem>>
    %dma_wait3A_219 = tpu.memref_squeeze %dma_wait3A_218 : memref<1x128x16xf32, #tpu.memory_space<vmem>> -> memref<128x16xf32, #tpu.memory_space<vmem>>
    %dma_wait3A_220 = arith.constant 0 : i32
    %dma_wait3A_221 = tpu.memref_slice %arg6[%dma_wait3A_215, %dma_wait3A_220] : memref<79x128xi32, #tpu.memory_space<vmem>> -> memref<1x128xi32, #tpu.memory_space<vmem>>
    %dma_wait3A_222 = tpu.memref_squeeze %dma_wait3A_221 : memref<1x128xi32, #tpu.memory_space<vmem>> -> memref<128xi32, #tpu.memory_space<vmem>>
    %dma_wait3A_223 = arith.constant 0 : i32
    %dma_wait3A_224 = arith.constant 0 : i32
    %dma_wait3A_225 = tpu.memref_slice %arg9[%dma_wait3A_223, %dma_wait3A_224] : memref<10240x16xf32, #tpu.memory_space<vmem_shared>> -> memref<10240x16xf32, #tpu.memory_space<vmem_shared>>
    tpu.wait_indirect_dma semaphore(%arg25 : memref<!tpu.dma_semaphore, #tpu.memory_space<semaphore_mem>>) src(%dma_wait3A_219 : memref<128x16xf32, #tpu.memory_space<vmem>>) dst(%dma_wait3A_225 : memref<10240x16xf32, #tpu.memory_space<vmem_shared>>)
    %gt3A_226 = arith.constant 79 : i32
    %gt3A_227 = arith.cmpi sgt, %add3A_3, %gt3A_226 : i32
    %convert_element_type3A_228 = arith.extui %gt3A_227 : i1 to i32
    %cond3A_229 = arith.constant 0 : i32
    %cond3A_230 = arith.cmpi ne, %convert_element_type3A_228, %cond3A_229 : i32
    scf.if %cond3A_230 {
      %dma_start3A_514 = arith.constant 79 : i32
      %dma_start3A_515 = arith.constant 7 : i32
      %dma_start3A_516 = arith.constant 0 : i32
      %dma_start3A_517 = arith.constant 0 : i32
      %dma_start3A_518 = tpu.memref_slice %arg7[%dma_start3A_515, %dma_start3A_516, %dma_start3A_517] : memref<8x128x16xf32, #tpu.memory_space<vmem>> -> memref<1x128x16xf32, #tpu.memory_space<vmem>>
      %dma_start3A_519 = tpu.memref_squeeze %dma_start3A_518 : memref<1x128x16xf32, #tpu.memory_space<vmem>> -> memref<128x16xf32, #tpu.memory_space<vmem>>
      %dma_start3A_520 = arith.constant 0 : i32
      %dma_start3A_521 = tpu.memref_slice %arg5[%dma_start3A_514, %dma_start3A_520] : memref<79x128xi32, #tpu.memory_space<vmem>> -> memref<1x128xi32, #tpu.memory_space<vmem>>
      %dma_start3A_522 = tpu.memref_squeeze %dma_start3A_521 : memref<1x128xi32, #tpu.memory_space<vmem>> -> memref<128xi32, #tpu.memory_space<vmem>>
      %dma_start3A_523 = arith.constant 0 : i32
      %dma_start3A_524 = arith.constant 0 : i32
      %dma_start3A_525 = tpu.memref_slice %arg2[%dma_start3A_523, %dma_start3A_524] : memref<10000x16xf32, #tpu.memory_space<hbm>> -> memref<10000x16xf32, #tpu.memory_space<hbm>>
      tpu.enqueue_indirect_dma source(%dma_start3A_525 : memref<10000x16xf32, #tpu.memory_space<hbm>>) target(%dma_start3A_519 : memref<128x16xf32, #tpu.memory_space<vmem>>) offsets(%dma_start3A_522 : memref<128xi32, #tpu.memory_space<vmem>>) semaphore(%arg17 : memref<!tpu.dma_semaphore, #tpu.memory_space<semaphore_mem>>)
    } else {
    }
    %dma_wait3A_231 = arith.constant 76 : i32
    %dma_wait3A_232 = arith.constant 4 : i32
    %dma_wait3A_233 = arith.constant 0 : i32
    %dma_wait3A_234 = arith.constant 0 : i32
    %dma_wait3A_235 = tpu.memref_slice %arg7[%dma_wait3A_232, %dma_wait3A_233, %dma_wait3A_234] : memref<8x128x16xf32, #tpu.memory_space<vmem>> -> memref<1x128x16xf32, #tpu.memory_space<vmem>>
    %dma_wait3A_236 = tpu.memref_squeeze %dma_wait3A_235 : memref<1x128x16xf32, #tpu.memory_space<vmem>> -> memref<128x16xf32, #tpu.memory_space<vmem>>
    %dma_wait3A_237 = arith.constant 0 : i32
    %dma_wait3A_238 = tpu.memref_slice %arg5[%dma_wait3A_231, %dma_wait3A_237] : memref<79x128xi32, #tpu.memory_space<vmem>> -> memref<1x128xi32, #tpu.memory_space<vmem>>
    %dma_wait3A_239 = tpu.memref_squeeze %dma_wait3A_238 : memref<1x128xi32, #tpu.memory_space<vmem>> -> memref<128xi32, #tpu.memory_space<vmem>>
    %dma_wait3A_240 = arith.constant 0 : i32
    %dma_wait3A_241 = arith.constant 0 : i32
    %dma_wait3A_242 = tpu.memref_slice %arg2[%dma_wait3A_240, %dma_wait3A_241] : memref<10000x16xf32, #tpu.memory_space<hbm>> -> memref<10000x16xf32, #tpu.memory_space<hbm>>
    tpu.wait_indirect_dma semaphore(%arg14 : memref<!tpu.dma_semaphore, #tpu.memory_space<semaphore_mem>>) src(%dma_wait3A_242 : memref<10000x16xf32, #tpu.memory_space<hbm>>) dst(%dma_wait3A_236 : memref<128x16xf32, #tpu.memory_space<vmem>>)
    %dma_start3A_243 = arith.constant 4 : i32
    %dma_start3A_244 = arith.constant 76 : i32
    %dma_start3A_245 = arith.constant 0 : i32
    %dma_start3A_246 = arith.constant 0 : i32
    %dma_start3A_247 = tpu.memref_slice %arg7[%dma_start3A_243, %dma_start3A_245, %dma_start3A_246] : memref<8x128x16xf32, #tpu.memory_space<vmem>> -> memref<1x128x16xf32, #tpu.memory_space<vmem>>
    %dma_start3A_248 = tpu.memref_squeeze %dma_start3A_247 : memref<1x128x16xf32, #tpu.memory_space<vmem>> -> memref<128x16xf32, #tpu.memory_space<vmem>>
    %dma_start3A_249 = arith.constant 0 : i32
    %dma_start3A_250 = tpu.memref_slice %arg6[%dma_start3A_244, %dma_start3A_249] : memref<79x128xi32, #tpu.memory_space<vmem>> -> memref<1x128xi32, #tpu.memory_space<vmem>>
    %dma_start3A_251 = tpu.memref_squeeze %dma_start3A_250 : memref<1x128xi32, #tpu.memory_space<vmem>> -> memref<128xi32, #tpu.memory_space<vmem>>
    %dma_start3A_252 = arith.constant 0 : i32
    %dma_start3A_253 = arith.constant 0 : i32
    %dma_start3A_254 = tpu.memref_slice %arg9[%dma_start3A_252, %dma_start3A_253] : memref<10240x16xf32, #tpu.memory_space<vmem_shared>> -> memref<10240x16xf32, #tpu.memory_space<vmem_shared>>
    tpu.enqueue_indirect_dma source(%dma_start3A_248 : memref<128x16xf32, #tpu.memory_space<vmem>>) target(%dma_start3A_254 : memref<10240x16xf32, #tpu.memory_space<vmem_shared>>) offsets(%dma_start3A_251 : memref<128xi32, #tpu.memory_space<vmem>>) semaphore(%arg22 : memref<!tpu.dma_semaphore, #tpu.memory_space<semaphore_mem>>) {add = true}
    %dma_wait3A_255 = arith.constant 0 : i32
    %dma_wait3A_256 = arith.constant 0 : i32
    %dma_wait3A_257 = arith.constant 0 : i32
    %dma_wait3A_258 = arith.constant 0 : i32
    %dma_wait3A_259 = tpu.memref_slice %arg7[%dma_wait3A_255, %dma_wait3A_257, %dma_wait3A_258] : memref<8x128x16xf32, #tpu.memory_space<vmem>> -> memref<1x128x16xf32, #tpu.memory_space<vmem>>
    %dma_wait3A_260 = tpu.memref_squeeze %dma_wait3A_259 : memref<1x128x16xf32, #tpu.memory_space<vmem>> -> memref<128x16xf32, #tpu.memory_space<vmem>>
    %dma_wait3A_261 = arith.constant 0 : i32
    %dma_wait3A_262 = tpu.memref_slice %arg6[%dma_wait3A_256, %dma_wait3A_261] : memref<79x128xi32, #tpu.memory_space<vmem>> -> memref<1x128xi32, #tpu.memory_space<vmem>>
    %dma_wait3A_263 = tpu.memref_squeeze %dma_wait3A_262 : memref<1x128xi32, #tpu.memory_space<vmem>> -> memref<128xi32, #tpu.memory_space<vmem>>
    %dma_wait3A_264 = arith.constant 0 : i32
    %dma_wait3A_265 = arith.constant 0 : i32
    %dma_wait3A_266 = tpu.memref_slice %arg9[%dma_wait3A_264, %dma_wait3A_265] : memref<10240x16xf32, #tpu.memory_space<vmem_shared>> -> memref<10240x16xf32, #tpu.memory_space<vmem_shared>>
    tpu.wait_indirect_dma semaphore(%arg18 : memref<!tpu.dma_semaphore, #tpu.memory_space<semaphore_mem>>) src(%dma_wait3A_260 : memref<128x16xf32, #tpu.memory_space<vmem>>) dst(%dma_wait3A_266 : memref<10240x16xf32, #tpu.memory_space<vmem_shared>>)
    %gt3A_267 = arith.constant 80 : i32
    %gt3A_268 = arith.cmpi sgt, %add3A_3, %gt3A_267 : i32
    %convert_element_type3A_269 = arith.extui %gt3A_268 : i1 to i32
    %cond3A_270 = arith.constant 0 : i32
    %cond3A_271 = arith.cmpi ne, %convert_element_type3A_269, %cond3A_270 : i32
    scf.if %cond3A_271 {
      %dma_start3A_514 = arith.constant 80 : i32
      %dma_start3A_515 = arith.constant 0 : i32
      %dma_start3A_516 = arith.constant 0 : i32
      %dma_start3A_517 = arith.constant 0 : i32
      %dma_start3A_518 = tpu.memref_slice %arg7[%dma_start3A_515, %dma_start3A_516, %dma_start3A_517] : memref<8x128x16xf32, #tpu.memory_space<vmem>> -> memref<1x128x16xf32, #tpu.memory_space<vmem>>
      %dma_start3A_519 = tpu.memref_squeeze %dma_start3A_518 : memref<1x128x16xf32, #tpu.memory_space<vmem>> -> memref<128x16xf32, #tpu.memory_space<vmem>>
      %dma_start3A_520 = arith.constant 0 : i32
      %dma_start3A_521 = tpu.memref_slice %arg5[%dma_start3A_514, %dma_start3A_520] : memref<79x128xi32, #tpu.memory_space<vmem>> -> memref<1x128xi32, #tpu.memory_space<vmem>>
      %dma_start3A_522 = tpu.memref_squeeze %dma_start3A_521 : memref<1x128xi32, #tpu.memory_space<vmem>> -> memref<128xi32, #tpu.memory_space<vmem>>
      %dma_start3A_523 = arith.constant 0 : i32
      %dma_start3A_524 = arith.constant 0 : i32
      %dma_start3A_525 = tpu.memref_slice %arg2[%dma_start3A_523, %dma_start3A_524] : memref<10000x16xf32, #tpu.memory_space<hbm>> -> memref<10000x16xf32, #tpu.memory_space<hbm>>
      tpu.enqueue_indirect_dma source(%dma_start3A_525 : memref<10000x16xf32, #tpu.memory_space<hbm>>) target(%dma_start3A_519 : memref<128x16xf32, #tpu.memory_space<vmem>>) offsets(%dma_start3A_522 : memref<128xi32, #tpu.memory_space<vmem>>) semaphore(%arg10 : memref<!tpu.dma_semaphore, #tpu.memory_space<semaphore_mem>>)
    } else {
    }
    %dma_wait3A_272 = arith.constant 77 : i32
    %dma_wait3A_273 = arith.constant 5 : i32
    %dma_wait3A_274 = arith.constant 0 : i32
    %dma_wait3A_275 = arith.constant 0 : i32
    %dma_wait3A_276 = tpu.memref_slice %arg7[%dma_wait3A_273, %dma_wait3A_274, %dma_wait3A_275] : memref<8x128x16xf32, #tpu.memory_space<vmem>> -> memref<1x128x16xf32, #tpu.memory_space<vmem>>
    %dma_wait3A_277 = tpu.memref_squeeze %dma_wait3A_276 : memref<1x128x16xf32, #tpu.memory_space<vmem>> -> memref<128x16xf32, #tpu.memory_space<vmem>>
    %dma_wait3A_278 = arith.constant 0 : i32
    %dma_wait3A_279 = tpu.memref_slice %arg5[%dma_wait3A_272, %dma_wait3A_278] : memref<79x128xi32, #tpu.memory_space<vmem>> -> memref<1x128xi32, #tpu.memory_space<vmem>>
    %dma_wait3A_280 = tpu.memref_squeeze %dma_wait3A_279 : memref<1x128xi32, #tpu.memory_space<vmem>> -> memref<128xi32, #tpu.memory_space<vmem>>
    %dma_wait3A_281 = arith.constant 0 : i32
    %dma_wait3A_282 = arith.constant 0 : i32
    %dma_wait3A_283 = tpu.memref_slice %arg2[%dma_wait3A_281, %dma_wait3A_282] : memref<10000x16xf32, #tpu.memory_space<hbm>> -> memref<10000x16xf32, #tpu.memory_space<hbm>>
    tpu.wait_indirect_dma semaphore(%arg15 : memref<!tpu.dma_semaphore, #tpu.memory_space<semaphore_mem>>) src(%dma_wait3A_283 : memref<10000x16xf32, #tpu.memory_space<hbm>>) dst(%dma_wait3A_277 : memref<128x16xf32, #tpu.memory_space<vmem>>)
    %dma_start3A_284 = arith.constant 5 : i32
    %dma_start3A_285 = arith.constant 77 : i32
    %dma_start3A_286 = arith.constant 0 : i32
    %dma_start3A_287 = arith.constant 0 : i32
    %dma_start3A_288 = tpu.memref_slice %arg7[%dma_start3A_284, %dma_start3A_286, %dma_start3A_287] : memref<8x128x16xf32, #tpu.memory_space<vmem>> -> memref<1x128x16xf32, #tpu.memory_space<vmem>>
    %dma_start3A_289 = tpu.memref_squeeze %dma_start3A_288 : memref<1x128x16xf32, #tpu.memory_space<vmem>> -> memref<128x16xf32, #tpu.memory_space<vmem>>
    %dma_start3A_290 = arith.constant 0 : i32
    %dma_start3A_291 = tpu.memref_slice %arg6[%dma_start3A_285, %dma_start3A_290] : memref<79x128xi32, #tpu.memory_space<vmem>> -> memref<1x128xi32, #tpu.memory_space<vmem>>
    %dma_start3A_292 = tpu.memref_squeeze %dma_start3A_291 : memref<1x128xi32, #tpu.memory_space<vmem>> -> memref<128xi32, #tpu.memory_space<vmem>>
    %dma_start3A_293 = arith.constant 0 : i32
    %dma_start3A_294 = arith.constant 0 : i32
    %dma_start3A_295 = tpu.memref_slice %arg9[%dma_start3A_293, %dma_start3A_294] : memref<10240x16xf32, #tpu.memory_space<vmem_shared>> -> memref<10240x16xf32, #tpu.memory_space<vmem_shared>>
    tpu.enqueue_indirect_dma source(%dma_start3A_289 : memref<128x16xf32, #tpu.memory_space<vmem>>) target(%dma_start3A_295 : memref<10240x16xf32, #tpu.memory_space<vmem_shared>>) offsets(%dma_start3A_292 : memref<128xi32, #tpu.memory_space<vmem>>) semaphore(%arg23 : memref<!tpu.dma_semaphore, #tpu.memory_space<semaphore_mem>>) {add = true}
    %dma_wait3A_296 = arith.constant 1 : i32
    %dma_wait3A_297 = arith.constant 0 : i32
    %dma_wait3A_298 = arith.constant 0 : i32
    %dma_wait3A_299 = arith.constant 0 : i32
    %dma_wait3A_300 = tpu.memref_slice %arg7[%dma_wait3A_296, %dma_wait3A_298, %dma_wait3A_299] : memref<8x128x16xf32, #tpu.memory_space<vmem>> -> memref<1x128x16xf32, #tpu.memory_space<vmem>>
    %dma_wait3A_301 = tpu.memref_squeeze %dma_wait3A_300 : memref<1x128x16xf32, #tpu.memory_space<vmem>> -> memref<128x16xf32, #tpu.memory_space<vmem>>
    %dma_wait3A_302 = arith.constant 0 : i32
    %dma_wait3A_303 = tpu.memref_slice %arg6[%dma_wait3A_297, %dma_wait3A_302] : memref<79x128xi32, #tpu.memory_space<vmem>> -> memref<1x128xi32, #tpu.memory_space<vmem>>
    %dma_wait3A_304 = tpu.memref_squeeze %dma_wait3A_303 : memref<1x128xi32, #tpu.memory_space<vmem>> -> memref<128xi32, #tpu.memory_space<vmem>>
    %dma_wait3A_305 = arith.constant 0 : i32
    %dma_wait3A_306 = arith.constant 0 : i32
    %dma_wait3A_307 = tpu.memref_slice %arg9[%dma_wait3A_305, %dma_wait3A_306] : memref<10240x16xf32, #tpu.memory_space<vmem_shared>> -> memref<10240x16xf32, #tpu.memory_space<vmem_shared>>
    tpu.wait_indirect_dma semaphore(%arg19 : memref<!tpu.dma_semaphore, #tpu.memory_space<semaphore_mem>>) src(%dma_wait3A_301 : memref<128x16xf32, #tpu.memory_space<vmem>>) dst(%dma_wait3A_307 : memref<10240x16xf32, #tpu.memory_space<vmem_shared>>)
    %gt3A_308 = arith.constant 81 : i32
    %gt3A_309 = arith.cmpi sgt, %add3A_3, %gt3A_308 : i32
    %convert_element_type3A_310 = arith.extui %gt3A_309 : i1 to i32
    %cond3A_311 = arith.constant 0 : i32
    %cond3A_312 = arith.cmpi ne, %convert_element_type3A_310, %cond3A_311 : i32
    scf.if %cond3A_312 {
      %dma_start3A_514 = arith.constant 81 : i32
      %dma_start3A_515 = arith.constant 1 : i32
      %dma_start3A_516 = arith.constant 0 : i32
      %dma_start3A_517 = arith.constant 0 : i32
      %dma_start3A_518 = tpu.memref_slice %arg7[%dma_start3A_515, %dma_start3A_516, %dma_start3A_517] : memref<8x128x16xf32, #tpu.memory_space<vmem>> -> memref<1x128x16xf32, #tpu.memory_space<vmem>>
      %dma_start3A_519 = tpu.memref_squeeze %dma_start3A_518 : memref<1x128x16xf32, #tpu.memory_space<vmem>> -> memref<128x16xf32, #tpu.memory_space<vmem>>
      %dma_start3A_520 = arith.constant 0 : i32
      %dma_start3A_521 = tpu.memref_slice %arg5[%dma_start3A_514, %dma_start3A_520] : memref<79x128xi32, #tpu.memory_space<vmem>> -> memref<1x128xi32, #tpu.memory_space<vmem>>
      %dma_start3A_522 = tpu.memref_squeeze %dma_start3A_521 : memref<1x128xi32, #tpu.memory_space<vmem>> -> memref<128xi32, #tpu.memory_space<vmem>>
      %dma_start3A_523 = arith.constant 0 : i32
      %dma_start3A_524 = arith.constant 0 : i32
      %dma_start3A_525 = tpu.memref_slice %arg2[%dma_start3A_523, %dma_start3A_524] : memref<10000x16xf32, #tpu.memory_space<hbm>> -> memref<10000x16xf32, #tpu.memory_space<hbm>>
      tpu.enqueue_indirect_dma source(%dma_start3A_525 : memref<10000x16xf32, #tpu.memory_space<hbm>>) target(%dma_start3A_519 : memref<128x16xf32, #tpu.memory_space<vmem>>) offsets(%dma_start3A_522 : memref<128xi32, #tpu.memory_space<vmem>>) semaphore(%arg11 : memref<!tpu.dma_semaphore, #tpu.memory_space<semaphore_mem>>)
    } else {
    }
    %convert_element_type3A_313 = arith.extui %lt3A_1 : i1 to i32
    %cond3A_314 = arith.constant 0 : i32
    %cond3A_315 = arith.cmpi ne, %convert_element_type3A_313, %cond3A_314 : i32
    scf.if %cond3A_315 {
      %dma_wait3A_514 = arith.constant 78 : i32
      %dma_wait3A_515 = arith.constant 6 : i32
      %dma_wait3A_516 = arith.constant 0 : i32
      %dma_wait3A_517 = arith.constant 0 : i32
      %dma_wait3A_518 = tpu.memref_slice %arg7[%dma_wait3A_515, %dma_wait3A_516, %dma_wait3A_517] : memref<8x128x16xf32, #tpu.memory_space<vmem>> -> memref<1x128x16xf32, #tpu.memory_space<vmem>>
      %dma_wait3A_519 = tpu.memref_squeeze %dma_wait3A_518 : memref<1x128x16xf32, #tpu.memory_space<vmem>> -> memref<128x16xf32, #tpu.memory_space<vmem>>
      %dma_wait3A_520 = arith.constant 0 : i32
      %dma_wait3A_521 = tpu.memref_slice %arg5[%dma_wait3A_514, %dma_wait3A_520] : memref<79x128xi32, #tpu.memory_space<vmem>> -> memref<1x128xi32, #tpu.memory_space<vmem>>
      %dma_wait3A_522 = tpu.memref_squeeze %dma_wait3A_521 : memref<1x128xi32, #tpu.memory_space<vmem>> -> memref<128xi32, #tpu.memory_space<vmem>>
      %dma_wait3A_523 = arith.constant 0 : i32
      %dma_wait3A_524 = arith.constant 0 : i32
      %dma_wait3A_525 = tpu.memref_slice %arg2[%dma_wait3A_523, %dma_wait3A_524] : memref<10000x16xf32, #tpu.memory_space<hbm>> -> memref<10000x16xf32, #tpu.memory_space<hbm>>
      tpu.wait_indirect_dma semaphore(%arg16 : memref<!tpu.dma_semaphore, #tpu.memory_space<semaphore_mem>>) src(%dma_wait3A_525 : memref<10000x16xf32, #tpu.memory_space<hbm>>) dst(%dma_wait3A_519 : memref<128x16xf32, #tpu.memory_space<vmem>>)
      %dma_start3A_526 = arith.constant 6 : i32
      %dma_start3A_527 = arith.constant 78 : i32
      %dma_start3A_528 = arith.constant 0 : i32
      %dma_start3A_529 = arith.constant 0 : i32
      %dma_start3A_530 = tpu.memref_slice %arg7[%dma_start3A_526, %dma_start3A_528, %dma_start3A_529] : memref<8x128x16xf32, #tpu.memory_space<vmem>> -> memref<1x128x16xf32, #tpu.memory_space<vmem>>
      %dma_start3A_531 = tpu.memref_squeeze %dma_start3A_530 : memref<1x128x16xf32, #tpu.memory_space<vmem>> -> memref<128x16xf32, #tpu.memory_space<vmem>>
      %dma_start3A_532 = arith.constant 0 : i32
      %dma_start3A_533 = tpu.memref_slice %arg6[%dma_start3A_527, %dma_start3A_532] : memref<79x128xi32, #tpu.memory_space<vmem>> -> memref<1x128xi32, #tpu.memory_space<vmem>>
      %dma_start3A_534 = tpu.memref_squeeze %dma_start3A_533 : memref<1x128xi32, #tpu.memory_space<vmem>> -> memref<128xi32, #tpu.memory_space<vmem>>
      %dma_start3A_535 = arith.constant 0 : i32
      %dma_start3A_536 = arith.constant 0 : i32
      %dma_start3A_537 = tpu.memref_slice %arg9[%dma_start3A_535, %dma_start3A_536] : memref<10240x16xf32, #tpu.memory_space<vmem_shared>> -> memref<10240x16xf32, #tpu.memory_space<vmem_shared>>
      tpu.enqueue_indirect_dma source(%dma_start3A_531 : memref<128x16xf32, #tpu.memory_space<vmem>>) target(%dma_start3A_537 : memref<10240x16xf32, #tpu.memory_space<vmem_shared>>) offsets(%dma_start3A_534 : memref<128xi32, #tpu.memory_space<vmem>>) semaphore(%arg24 : memref<!tpu.dma_semaphore, #tpu.memory_space<semaphore_mem>>) {add = true}
      %dma_wait3A_538 = arith.constant 2 : i32
      %dma_wait3A_539 = arith.constant 0 : i32
      %dma_wait3A_540 = arith.constant 0 : i32
      %dma_wait3A_541 = arith.constant 0 : i32
      %dma_wait3A_542 = tpu.memref_slice %arg7[%dma_wait3A_538, %dma_wait3A_540, %dma_wait3A_541] : memref<8x128x16xf32, #tpu.memory_space<vmem>> -> memref<1x128x16xf32, #tpu.memory_space<vmem>>
      %dma_wait3A_543 = tpu.memref_squeeze %dma_wait3A_542 : memref<1x128x16xf32, #tpu.memory_space<vmem>> -> memref<128x16xf32, #tpu.memory_space<vmem>>
      %dma_wait3A_544 = arith.constant 0 : i32
      %dma_wait3A_545 = tpu.memref_slice %arg6[%dma_wait3A_539, %dma_wait3A_544] : memref<79x128xi32, #tpu.memory_space<vmem>> -> memref<1x128xi32, #tpu.memory_space<vmem>>
      %dma_wait3A_546 = tpu.memref_squeeze %dma_wait3A_545 : memref<1x128xi32, #tpu.memory_space<vmem>> -> memref<128xi32, #tpu.memory_space<vmem>>
      %dma_wait3A_547 = arith.constant 0 : i32
      %dma_wait3A_548 = arith.constant 0 : i32
      %dma_wait3A_549 = tpu.memref_slice %arg9[%dma_wait3A_547, %dma_wait3A_548] : memref<10240x16xf32, #tpu.memory_space<vmem_shared>> -> memref<10240x16xf32, #tpu.memory_space<vmem_shared>>
      tpu.wait_indirect_dma semaphore(%arg20 : memref<!tpu.dma_semaphore, #tpu.memory_space<semaphore_mem>>) src(%dma_wait3A_543 : memref<128x16xf32, #tpu.memory_space<vmem>>) dst(%dma_wait3A_549 : memref<10240x16xf32, #tpu.memory_space<vmem_shared>>)
      %gt3A_550 = arith.constant 82 : i32
      %gt3A_551 = arith.cmpi sgt, %add3A_3, %gt3A_550 : i32
      %convert_element_type3A_552 = arith.extui %gt3A_551 : i1 to i32
      %cond3A_553 = arith.constant 0 : i32
      %cond3A_554 = arith.cmpi ne, %convert_element_type3A_552, %cond3A_553 : i32
      scf.if %cond3A_554 {
        %dma_start3A_555 = arith.constant 82 : i32
        %dma_start3A_556 = arith.constant 2 : i32
        %dma_start3A_557 = arith.constant 0 : i32
        %dma_start3A_558 = arith.constant 0 : i32
        %dma_start3A_559 = tpu.memref_slice %arg7[%dma_start3A_556, %dma_start3A_557, %dma_start3A_558] : memref<8x128x16xf32, #tpu.memory_space<vmem>> -> memref<1x128x16xf32, #tpu.memory_space<vmem>>
        %dma_start3A_560 = tpu.memref_squeeze %dma_start3A_559 : memref<1x128x16xf32, #tpu.memory_space<vmem>> -> memref<128x16xf32, #tpu.memory_space<vmem>>
        %dma_start3A_561 = arith.constant 0 : i32
        %dma_start3A_562 = tpu.memref_slice %arg5[%dma_start3A_555, %dma_start3A_561] : memref<79x128xi32, #tpu.memory_space<vmem>> -> memref<1x128xi32, #tpu.memory_space<vmem>>
        %dma_start3A_563 = tpu.memref_squeeze %dma_start3A_562 : memref<1x128xi32, #tpu.memory_space<vmem>> -> memref<128xi32, #tpu.memory_space<vmem>>
        %dma_start3A_564 = arith.constant 0 : i32
        %dma_start3A_565 = arith.constant 0 : i32
        %dma_start3A_566 = tpu.memref_slice %arg2[%dma_start3A_564, %dma_start3A_565] : memref<10000x16xf32, #tpu.memory_space<hbm>> -> memref<10000x16xf32, #tpu.memory_space<hbm>>
        tpu.enqueue_indirect_dma source(%dma_start3A_566 : memref<10000x16xf32, #tpu.memory_space<hbm>>) target(%dma_start3A_560 : memref<128x16xf32, #tpu.memory_space<vmem>>) offsets(%dma_start3A_563 : memref<128xi32, #tpu.memory_space<vmem>>) semaphore(%arg12 : memref<!tpu.dma_semaphore, #tpu.memory_space<semaphore_mem>>)
      } else {
      }
    } else {
    }
    %sub3A = arith.constant 4 : i32
    %sub3A_316 = arith.subi %add3A_3, %sub3A : i32
    %sub3A_317 = arith.constant 0 : i32
    %sub3A_318 = arith.subi %sub3A_317, %sub3A_316 : i32
    %jit3A = arith.constant 8 : i32
    %eq3A = arith.constant 0 : i32
    %eq3A_319 = arith.cmpi eq, %jit3A, %eq3A : i32
    %jit3A_320 = arith.constant 1 : i32
    %select_n3A = arith.select %eq3A_319, %jit3A_320, %jit3A : i32
    %rem3A = arith.remsi %sub3A_318, %select_n3A : i32
    %ne3A = arith.constant 0 : i32
    %ne3A_321 = arith.cmpi ne, %rem3A, %ne3A : i32
    %lt3A_322 = arith.constant 0 : i32
    %lt3A_323 = arith.cmpi slt, %rem3A, %lt3A_322 : i32
    %lt3A_324 = arith.constant 0 : i32
    %lt3A_325 = arith.cmpi slt, %select_n3A, %lt3A_324 : i32
    %ne3A_326 = arith.xori %lt3A_323, %lt3A_325 : i1
    %and3A = arith.andi %ne3A_326, %ne3A_321 : i1
    %add3A_327 = arith.addi %rem3A, %select_n3A : i32
    %select_n3A_328 = arith.select %and3A, %add3A_327, %rem3A : i32
    %lt3A_329 = arith.constant 4 : i32
    %lt3A_330 = arith.cmpi slt, %select_n3A_328, %lt3A_329 : i32
    %convert_element_type3A_331 = arith.extui %lt3A_330 : i1 to i32
    %cond3A_332 = arith.constant 0 : i32
    %cond3A_333 = arith.cmpi ne, %convert_element_type3A_331, %cond3A_332 : i32
    scf.if %cond3A_333 {
      %dma_wait3A_514 = arith.constant 0 : i32
      %dma_wait3A_515 = arith.constant 0 : i32
      %dma_wait3A_516 = arith.constant 0 : i32
      %dma_wait3A_517 = arith.constant 0 : i32
      %dma_wait3A_518 = tpu.memref_slice %arg7[%dma_wait3A_514, %dma_wait3A_516, %dma_wait3A_517] : memref<8x128x16xf32, #tpu.memory_space<vmem>> -> memref<1x128x16xf32, #tpu.memory_space<vmem>>
      %dma_wait3A_519 = tpu.memref_squeeze %dma_wait3A_518 : memref<1x128x16xf32, #tpu.memory_space<vmem>> -> memref<128x16xf32, #tpu.memory_space<vmem>>
      %dma_wait3A_520 = arith.constant 0 : i32
      %dma_wait3A_521 = tpu.memref_slice %arg6[%dma_wait3A_515, %dma_wait3A_520] : memref<79x128xi32, #tpu.memory_space<vmem>> -> memref<1x128xi32, #tpu.memory_space<vmem>>
      %dma_wait3A_522 = tpu.memref_squeeze %dma_wait3A_521 : memref<1x128xi32, #tpu.memory_space<vmem>> -> memref<128xi32, #tpu.memory_space<vmem>>
      %dma_wait3A_523 = arith.constant 0 : i32
      %dma_wait3A_524 = arith.constant 0 : i32
      %dma_wait3A_525 = tpu.memref_slice %arg9[%dma_wait3A_523, %dma_wait3A_524] : memref<10240x16xf32, #tpu.memory_space<vmem_shared>> -> memref<10240x16xf32, #tpu.memory_space<vmem_shared>>
      tpu.wait_indirect_dma semaphore(%arg18 : memref<!tpu.dma_semaphore, #tpu.memory_space<semaphore_mem>>) src(%dma_wait3A_519 : memref<128x16xf32, #tpu.memory_space<vmem>>) dst(%dma_wait3A_525 : memref<10240x16xf32, #tpu.memory_space<vmem_shared>>)
    } else {
    }
    %sub3A_334 = arith.constant 4 : i32
    %sub3A_335 = arith.subi %add3A_3, %sub3A_334 : i32
    %sub3A_336 = arith.constant 1 : i32
    %sub3A_337 = arith.subi %sub3A_336, %sub3A_335 : i32
    %jit3A_338 = arith.constant 8 : i32
    %eq3A_339 = arith.constant 0 : i32
    %eq3A_340 = arith.cmpi eq, %jit3A_338, %eq3A_339 : i32
    %jit3A_341 = arith.constant 1 : i32
    %select_n3A_342 = arith.select %eq3A_340, %jit3A_341, %jit3A_338 : i32
    %rem3A_343 = arith.remsi %sub3A_337, %select_n3A_342 : i32
    %ne3A_344 = arith.constant 0 : i32
    %ne3A_345 = arith.cmpi ne, %rem3A_343, %ne3A_344 : i32
    %lt3A_346 = arith.constant 0 : i32
    %lt3A_347 = arith.cmpi slt, %rem3A_343, %lt3A_346 : i32
    %lt3A_348 = arith.constant 0 : i32
    %lt3A_349 = arith.cmpi slt, %select_n3A_342, %lt3A_348 : i32
    %ne3A_350 = arith.xori %lt3A_347, %lt3A_349 : i1
    %and3A_351 = arith.andi %ne3A_350, %ne3A_345 : i1
    %add3A_352 = arith.addi %rem3A_343, %select_n3A_342 : i32
    %select_n3A_353 = arith.select %and3A_351, %add3A_352, %rem3A_343 : i32
    %lt3A_354 = arith.constant 4 : i32
    %lt3A_355 = arith.cmpi slt, %select_n3A_353, %lt3A_354 : i32
    %convert_element_type3A_356 = arith.extui %lt3A_355 : i1 to i32
    %cond3A_357 = arith.constant 0 : i32
    %cond3A_358 = arith.cmpi ne, %convert_element_type3A_356, %cond3A_357 : i32
    scf.if %cond3A_358 {
      %dma_wait3A_514 = arith.constant 1 : i32
      %dma_wait3A_515 = arith.constant 0 : i32
      %dma_wait3A_516 = arith.constant 0 : i32
      %dma_wait3A_517 = arith.constant 0 : i32
      %dma_wait3A_518 = tpu.memref_slice %arg7[%dma_wait3A_514, %dma_wait3A_516, %dma_wait3A_517] : memref<8x128x16xf32, #tpu.memory_space<vmem>> -> memref<1x128x16xf32, #tpu.memory_space<vmem>>
      %dma_wait3A_519 = tpu.memref_squeeze %dma_wait3A_518 : memref<1x128x16xf32, #tpu.memory_space<vmem>> -> memref<128x16xf32, #tpu.memory_space<vmem>>
      %dma_wait3A_520 = arith.constant 0 : i32
      %dma_wait3A_521 = tpu.memref_slice %arg6[%dma_wait3A_515, %dma_wait3A_520] : memref<79x128xi32, #tpu.memory_space<vmem>> -> memref<1x128xi32, #tpu.memory_space<vmem>>
      %dma_wait3A_522 = tpu.memref_squeeze %dma_wait3A_521 : memref<1x128xi32, #tpu.memory_space<vmem>> -> memref<128xi32, #tpu.memory_space<vmem>>
      %dma_wait3A_523 = arith.constant 0 : i32
      %dma_wait3A_524 = arith.constant 0 : i32
      %dma_wait3A_525 = tpu.memref_slice %arg9[%dma_wait3A_523, %dma_wait3A_524] : memref<10240x16xf32, #tpu.memory_space<vmem_shared>> -> memref<10240x16xf32, #tpu.memory_space<vmem_shared>>
      tpu.wait_indirect_dma semaphore(%arg19 : memref<!tpu.dma_semaphore, #tpu.memory_space<semaphore_mem>>) src(%dma_wait3A_519 : memref<128x16xf32, #tpu.memory_space<vmem>>) dst(%dma_wait3A_525 : memref<10240x16xf32, #tpu.memory_space<vmem_shared>>)
    } else {
    }
    %sub3A_359 = arith.constant 4 : i32
    %sub3A_360 = arith.subi %add3A_3, %sub3A_359 : i32
    %sub3A_361 = arith.constant 2 : i32
    %sub3A_362 = arith.subi %sub3A_361, %sub3A_360 : i32
    %jit3A_363 = arith.constant 8 : i32
    %eq3A_364 = arith.constant 0 : i32
    %eq3A_365 = arith.cmpi eq, %jit3A_363, %eq3A_364 : i32
    %jit3A_366 = arith.constant 1 : i32
    %select_n3A_367 = arith.select %eq3A_365, %jit3A_366, %jit3A_363 : i32
    %rem3A_368 = arith.remsi %sub3A_362, %select_n3A_367 : i32
    %ne3A_369 = arith.constant 0 : i32
    %ne3A_370 = arith.cmpi ne, %rem3A_368, %ne3A_369 : i32
    %lt3A_371 = arith.constant 0 : i32
    %lt3A_372 = arith.cmpi slt, %rem3A_368, %lt3A_371 : i32
    %lt3A_373 = arith.constant 0 : i32
    %lt3A_374 = arith.cmpi slt, %select_n3A_367, %lt3A_373 : i32
    %ne3A_375 = arith.xori %lt3A_372, %lt3A_374 : i1
    %and3A_376 = arith.andi %ne3A_375, %ne3A_370 : i1
    %add3A_377 = arith.addi %rem3A_368, %select_n3A_367 : i32
    %select_n3A_378 = arith.select %and3A_376, %add3A_377, %rem3A_368 : i32
    %lt3A_379 = arith.constant 4 : i32
    %lt3A_380 = arith.cmpi slt, %select_n3A_378, %lt3A_379 : i32
    %convert_element_type3A_381 = arith.extui %lt3A_380 : i1 to i32
    %cond3A_382 = arith.constant 0 : i32
    %cond3A_383 = arith.cmpi ne, %convert_element_type3A_381, %cond3A_382 : i32
    scf.if %cond3A_383 {
      %dma_wait3A_514 = arith.constant 2 : i32
      %dma_wait3A_515 = arith.constant 0 : i32
      %dma_wait3A_516 = arith.constant 0 : i32
      %dma_wait3A_517 = arith.constant 0 : i32
      %dma_wait3A_518 = tpu.memref_slice %arg7[%dma_wait3A_514, %dma_wait3A_516, %dma_wait3A_517] : memref<8x128x16xf32, #tpu.memory_space<vmem>> -> memref<1x128x16xf32, #tpu.memory_space<vmem>>
      %dma_wait3A_519 = tpu.memref_squeeze %dma_wait3A_518 : memref<1x128x16xf32, #tpu.memory_space<vmem>> -> memref<128x16xf32, #tpu.memory_space<vmem>>
      %dma_wait3A_520 = arith.constant 0 : i32
      %dma_wait3A_521 = tpu.memref_slice %arg6[%dma_wait3A_515, %dma_wait3A_520] : memref<79x128xi32, #tpu.memory_space<vmem>> -> memref<1x128xi32, #tpu.memory_space<vmem>>
      %dma_wait3A_522 = tpu.memref_squeeze %dma_wait3A_521 : memref<1x128xi32, #tpu.memory_space<vmem>> -> memref<128xi32, #tpu.memory_space<vmem>>
      %dma_wait3A_523 = arith.constant 0 : i32
      %dma_wait3A_524 = arith.constant 0 : i32
      %dma_wait3A_525 = tpu.memref_slice %arg9[%dma_wait3A_523, %dma_wait3A_524] : memref<10240x16xf32, #tpu.memory_space<vmem_shared>> -> memref<10240x16xf32, #tpu.memory_space<vmem_shared>>
      tpu.wait_indirect_dma semaphore(%arg20 : memref<!tpu.dma_semaphore, #tpu.memory_space<semaphore_mem>>) src(%dma_wait3A_519 : memref<128x16xf32, #tpu.memory_space<vmem>>) dst(%dma_wait3A_525 : memref<10240x16xf32, #tpu.memory_space<vmem_shared>>)
    } else {
    }
    %sub3A_384 = arith.constant 4 : i32
    %sub3A_385 = arith.subi %add3A_3, %sub3A_384 : i32
    %sub3A_386 = arith.constant 3 : i32
    %sub3A_387 = arith.subi %sub3A_386, %sub3A_385 : i32
    %jit3A_388 = arith.constant 8 : i32
    %eq3A_389 = arith.constant 0 : i32
    %eq3A_390 = arith.cmpi eq, %jit3A_388, %eq3A_389 : i32
    %jit3A_391 = arith.constant 1 : i32
    %select_n3A_392 = arith.select %eq3A_390, %jit3A_391, %jit3A_388 : i32
    %rem3A_393 = arith.remsi %sub3A_387, %select_n3A_392 : i32
    %ne3A_394 = arith.constant 0 : i32
    %ne3A_395 = arith.cmpi ne, %rem3A_393, %ne3A_394 : i32
    %lt3A_396 = arith.constant 0 : i32
    %lt3A_397 = arith.cmpi slt, %rem3A_393, %lt3A_396 : i32
    %lt3A_398 = arith.constant 0 : i32
    %lt3A_399 = arith.cmpi slt, %select_n3A_392, %lt3A_398 : i32
    %ne3A_400 = arith.xori %lt3A_397, %lt3A_399 : i1
    %and3A_401 = arith.andi %ne3A_400, %ne3A_395 : i1
    %add3A_402 = arith.addi %rem3A_393, %select_n3A_392 : i32
    %select_n3A_403 = arith.select %and3A_401, %add3A_402, %rem3A_393 : i32
    %lt3A_404 = arith.constant 4 : i32
    %lt3A_405 = arith.cmpi slt, %select_n3A_403, %lt3A_404 : i32
    %convert_element_type3A_406 = arith.extui %lt3A_405 : i1 to i32
    %cond3A_407 = arith.constant 0 : i32
    %cond3A_408 = arith.cmpi ne, %convert_element_type3A_406, %cond3A_407 : i32
    scf.if %cond3A_408 {
      %dma_wait3A_514 = arith.constant 3 : i32
      %dma_wait3A_515 = arith.constant 0 : i32
      %dma_wait3A_516 = arith.constant 0 : i32
      %dma_wait3A_517 = arith.constant 0 : i32
      %dma_wait3A_518 = tpu.memref_slice %arg7[%dma_wait3A_514, %dma_wait3A_516, %dma_wait3A_517] : memref<8x128x16xf32, #tpu.memory_space<vmem>> -> memref<1x128x16xf32, #tpu.memory_space<vmem>>
      %dma_wait3A_519 = tpu.memref_squeeze %dma_wait3A_518 : memref<1x128x16xf32, #tpu.memory_space<vmem>> -> memref<128x16xf32, #tpu.memory_space<vmem>>
      %dma_wait3A_520 = arith.constant 0 : i32
      %dma_wait3A_521 = tpu.memref_slice %arg6[%dma_wait3A_515, %dma_wait3A_520] : memref<79x128xi32, #tpu.memory_space<vmem>> -> memref<1x128xi32, #tpu.memory_space<vmem>>
      %dma_wait3A_522 = tpu.memref_squeeze %dma_wait3A_521 : memref<1x128xi32, #tpu.memory_space<vmem>> -> memref<128xi32, #tpu.memory_space<vmem>>
      %dma_wait3A_523 = arith.constant 0 : i32
      %dma_wait3A_524 = arith.constant 0 : i32
      %dma_wait3A_525 = tpu.memref_slice %arg9[%dma_wait3A_523, %dma_wait3A_524] : memref<10240x16xf32, #tpu.memory_space<vmem_shared>> -> memref<10240x16xf32, #tpu.memory_space<vmem_shared>>
      tpu.wait_indirect_dma semaphore(%arg21 : memref<!tpu.dma_semaphore, #tpu.memory_space<semaphore_mem>>) src(%dma_wait3A_519 : memref<128x16xf32, #tpu.memory_space<vmem>>) dst(%dma_wait3A_525 : memref<10240x16xf32, #tpu.memory_space<vmem_shared>>)
    } else {
    }
    %sub3A_409 = arith.constant 4 : i32
    %sub3A_410 = arith.subi %add3A_3, %sub3A_409 : i32
    %sub3A_411 = arith.constant 4 : i32
    %sub3A_412 = arith.subi %sub3A_411, %sub3A_410 : i32
    %jit3A_413 = arith.constant 8 : i32
    %eq3A_414 = arith.constant 0 : i32
    %eq3A_415 = arith.cmpi eq, %jit3A_413, %eq3A_414 : i32
    %jit3A_416 = arith.constant 1 : i32
    %select_n3A_417 = arith.select %eq3A_415, %jit3A_416, %jit3A_413 : i32
    %rem3A_418 = arith.remsi %sub3A_412, %select_n3A_417 : i32
    %ne3A_419 = arith.constant 0 : i32
    %ne3A_420 = arith.cmpi ne, %rem3A_418, %ne3A_419 : i32
    %lt3A_421 = arith.constant 0 : i32
    %lt3A_422 = arith.cmpi slt, %rem3A_418, %lt3A_421 : i32
    %lt3A_423 = arith.constant 0 : i32
    %lt3A_424 = arith.cmpi slt, %select_n3A_417, %lt3A_423 : i32
    %ne3A_425 = arith.xori %lt3A_422, %lt3A_424 : i1
    %and3A_426 = arith.andi %ne3A_425, %ne3A_420 : i1
    %add3A_427 = arith.addi %rem3A_418, %select_n3A_417 : i32
    %select_n3A_428 = arith.select %and3A_426, %add3A_427, %rem3A_418 : i32
    %lt3A_429 = arith.constant 4 : i32
    %lt3A_430 = arith.cmpi slt, %select_n3A_428, %lt3A_429 : i32
    %convert_element_type3A_431 = arith.extui %lt3A_430 : i1 to i32
    %cond3A_432 = arith.constant 0 : i32
    %cond3A_433 = arith.cmpi ne, %convert_element_type3A_431, %cond3A_432 : i32
    scf.if %cond3A_433 {
      %dma_wait3A_514 = arith.constant 4 : i32
      %dma_wait3A_515 = arith.constant 0 : i32
      %dma_wait3A_516 = arith.constant 0 : i32
      %dma_wait3A_517 = arith.constant 0 : i32
      %dma_wait3A_518 = tpu.memref_slice %arg7[%dma_wait3A_514, %dma_wait3A_516, %dma_wait3A_517] : memref<8x128x16xf32, #tpu.memory_space<vmem>> -> memref<1x128x16xf32, #tpu.memory_space<vmem>>
      %dma_wait3A_519 = tpu.memref_squeeze %dma_wait3A_518 : memref<1x128x16xf32, #tpu.memory_space<vmem>> -> memref<128x16xf32, #tpu.memory_space<vmem>>
      %dma_wait3A_520 = arith.constant 0 : i32
      %dma_wait3A_521 = tpu.memref_slice %arg6[%dma_wait3A_515, %dma_wait3A_520] : memref<79x128xi32, #tpu.memory_space<vmem>> -> memref<1x128xi32, #tpu.memory_space<vmem>>
      %dma_wait3A_522 = tpu.memref_squeeze %dma_wait3A_521 : memref<1x128xi32, #tpu.memory_space<vmem>> -> memref<128xi32, #tpu.memory_space<vmem>>
      %dma_wait3A_523 = arith.constant 0 : i32
      %dma_wait3A_524 = arith.constant 0 : i32
      %dma_wait3A_525 = tpu.memref_slice %arg9[%dma_wait3A_523, %dma_wait3A_524] : memref<10240x16xf32, #tpu.memory_space<vmem_shared>> -> memref<10240x16xf32, #tpu.memory_space<vmem_shared>>
      tpu.wait_indirect_dma semaphore(%arg22 : memref<!tpu.dma_semaphore, #tpu.memory_space<semaphore_mem>>) src(%dma_wait3A_519 : memref<128x16xf32, #tpu.memory_space<vmem>>) dst(%dma_wait3A_525 : memref<10240x16xf32, #tpu.memory_space<vmem_shared>>)
    } else {
    }
    %sub3A_434 = arith.constant 4 : i32
    %sub3A_435 = arith.subi %add3A_3, %sub3A_434 : i32
    %sub3A_436 = arith.constant 5 : i32
    %sub3A_437 = arith.subi %sub3A_436, %sub3A_435 : i32
    %jit3A_438 = arith.constant 8 : i32
    %eq3A_439 = arith.constant 0 : i32
    %eq3A_440 = arith.cmpi eq, %jit3A_438, %eq3A_439 : i32
    %jit3A_441 = arith.constant 1 : i32
    %select_n3A_442 = arith.select %eq3A_440, %jit3A_441, %jit3A_438 : i32
    %rem3A_443 = arith.remsi %sub3A_437, %select_n3A_442 : i32
    %ne3A_444 = arith.constant 0 : i32
    %ne3A_445 = arith.cmpi ne, %rem3A_443, %ne3A_444 : i32
    %lt3A_446 = arith.constant 0 : i32
    %lt3A_447 = arith.cmpi slt, %rem3A_443, %lt3A_446 : i32
    %lt3A_448 = arith.constant 0 : i32
    %lt3A_449 = arith.cmpi slt, %select_n3A_442, %lt3A_448 : i32
    %ne3A_450 = arith.xori %lt3A_447, %lt3A_449 : i1
    %and3A_451 = arith.andi %ne3A_450, %ne3A_445 : i1
    %add3A_452 = arith.addi %rem3A_443, %select_n3A_442 : i32
    %select_n3A_453 = arith.select %and3A_451, %add3A_452, %rem3A_443 : i32
    %lt3A_454 = arith.constant 4 : i32
    %lt3A_455 = arith.cmpi slt, %select_n3A_453, %lt3A_454 : i32
    %convert_element_type3A_456 = arith.extui %lt3A_455 : i1 to i32
    %cond3A_457 = arith.constant 0 : i32
    %cond3A_458 = arith.cmpi ne, %convert_element_type3A_456, %cond3A_457 : i32
    scf.if %cond3A_458 {
      %dma_wait3A_514 = arith.constant 5 : i32
      %dma_wait3A_515 = arith.constant 0 : i32
      %dma_wait3A_516 = arith.constant 0 : i32
      %dma_wait3A_517 = arith.constant 0 : i32
      %dma_wait3A_518 = tpu.memref_slice %arg7[%dma_wait3A_514, %dma_wait3A_516, %dma_wait3A_517] : memref<8x128x16xf32, #tpu.memory_space<vmem>> -> memref<1x128x16xf32, #tpu.memory_space<vmem>>
      %dma_wait3A_519 = tpu.memref_squeeze %dma_wait3A_518 : memref<1x128x16xf32, #tpu.memory_space<vmem>> -> memref<128x16xf32, #tpu.memory_space<vmem>>
      %dma_wait3A_520 = arith.constant 0 : i32
      %dma_wait3A_521 = tpu.memref_slice %arg6[%dma_wait3A_515, %dma_wait3A_520] : memref<79x128xi32, #tpu.memory_space<vmem>> -> memref<1x128xi32, #tpu.memory_space<vmem>>
      %dma_wait3A_522 = tpu.memref_squeeze %dma_wait3A_521 : memref<1x128xi32, #tpu.memory_space<vmem>> -> memref<128xi32, #tpu.memory_space<vmem>>
      %dma_wait3A_523 = arith.constant 0 : i32
      %dma_wait3A_524 = arith.constant 0 : i32
      %dma_wait3A_525 = tpu.memref_slice %arg9[%dma_wait3A_523, %dma_wait3A_524] : memref<10240x16xf32, #tpu.memory_space<vmem_shared>> -> memref<10240x16xf32, #tpu.memory_space<vmem_shared>>
      tpu.wait_indirect_dma semaphore(%arg23 : memref<!tpu.dma_semaphore, #tpu.memory_space<semaphore_mem>>) src(%dma_wait3A_519 : memref<128x16xf32, #tpu.memory_space<vmem>>) dst(%dma_wait3A_525 : memref<10240x16xf32, #tpu.memory_space<vmem_shared>>)
    } else {
    }
    %sub3A_459 = arith.constant 4 : i32
    %sub3A_460 = arith.subi %add3A_3, %sub3A_459 : i32
    %sub3A_461 = arith.constant 6 : i32
    %sub3A_462 = arith.subi %sub3A_461, %sub3A_460 : i32
    %jit3A_463 = arith.constant 8 : i32
    %eq3A_464 = arith.constant 0 : i32
    %eq3A_465 = arith.cmpi eq, %jit3A_463, %eq3A_464 : i32
    %jit3A_466 = arith.constant 1 : i32
    %select_n3A_467 = arith.select %eq3A_465, %jit3A_466, %jit3A_463 : i32
    %rem3A_468 = arith.remsi %sub3A_462, %select_n3A_467 : i32
    %ne3A_469 = arith.constant 0 : i32
    %ne3A_470 = arith.cmpi ne, %rem3A_468, %ne3A_469 : i32
    %lt3A_471 = arith.constant 0 : i32
    %lt3A_472 = arith.cmpi slt, %rem3A_468, %lt3A_471 : i32
    %lt3A_473 = arith.constant 0 : i32
    %lt3A_474 = arith.cmpi slt, %select_n3A_467, %lt3A_473 : i32
    %ne3A_475 = arith.xori %lt3A_472, %lt3A_474 : i1
    %and3A_476 = arith.andi %ne3A_475, %ne3A_470 : i1
    %add3A_477 = arith.addi %rem3A_468, %select_n3A_467 : i32
    %select_n3A_478 = arith.select %and3A_476, %add3A_477, %rem3A_468 : i32
    %lt3A_479 = arith.constant 4 : i32
    %lt3A_480 = arith.cmpi slt, %select_n3A_478, %lt3A_479 : i32
    %convert_element_type3A_481 = arith.extui %lt3A_480 : i1 to i32
    %cond3A_482 = arith.constant 0 : i32
    %cond3A_483 = arith.cmpi ne, %convert_element_type3A_481, %cond3A_482 : i32
    scf.if %cond3A_483 {
      %dma_wait3A_514 = arith.constant 6 : i32
      %dma_wait3A_515 = arith.constant 0 : i32
      %dma_wait3A_516 = arith.constant 0 : i32
      %dma_wait3A_517 = arith.constant 0 : i32
      %dma_wait3A_518 = tpu.memref_slice %arg7[%dma_wait3A_514, %dma_wait3A_516, %dma_wait3A_517] : memref<8x128x16xf32, #tpu.memory_space<vmem>> -> memref<1x128x16xf32, #tpu.memory_space<vmem>>
      %dma_wait3A_519 = tpu.memref_squeeze %dma_wait3A_518 : memref<1x128x16xf32, #tpu.memory_space<vmem>> -> memref<128x16xf32, #tpu.memory_space<vmem>>
      %dma_wait3A_520 = arith.constant 0 : i32
      %dma_wait3A_521 = tpu.memref_slice %arg6[%dma_wait3A_515, %dma_wait3A_520] : memref<79x128xi32, #tpu.memory_space<vmem>> -> memref<1x128xi32, #tpu.memory_space<vmem>>
      %dma_wait3A_522 = tpu.memref_squeeze %dma_wait3A_521 : memref<1x128xi32, #tpu.memory_space<vmem>> -> memref<128xi32, #tpu.memory_space<vmem>>
      %dma_wait3A_523 = arith.constant 0 : i32
      %dma_wait3A_524 = arith.constant 0 : i32
      %dma_wait3A_525 = tpu.memref_slice %arg9[%dma_wait3A_523, %dma_wait3A_524] : memref<10240x16xf32, #tpu.memory_space<vmem_shared>> -> memref<10240x16xf32, #tpu.memory_space<vmem_shared>>
      tpu.wait_indirect_dma semaphore(%arg24 : memref<!tpu.dma_semaphore, #tpu.memory_space<semaphore_mem>>) src(%dma_wait3A_519 : memref<128x16xf32, #tpu.memory_space<vmem>>) dst(%dma_wait3A_525 : memref<10240x16xf32, #tpu.memory_space<vmem_shared>>)
    } else {
    }
    %sub3A_484 = arith.constant 4 : i32
    %sub3A_485 = arith.subi %add3A_3, %sub3A_484 : i32
    %sub3A_486 = arith.constant 7 : i32
    %sub3A_487 = arith.subi %sub3A_486, %sub3A_485 : i32
    %jit3A_488 = arith.constant 8 : i32
    %eq3A_489 = arith.constant 0 : i32
    %eq3A_490 = arith.cmpi eq, %jit3A_488, %eq3A_489 : i32
    %jit3A_491 = arith.constant 1 : i32
    %select_n3A_492 = arith.select %eq3A_490, %jit3A_491, %jit3A_488 : i32
    %rem3A_493 = arith.remsi %sub3A_487, %select_n3A_492 : i32
    %ne3A_494 = arith.constant 0 : i32
    %ne3A_495 = arith.cmpi ne, %rem3A_493, %ne3A_494 : i32
    %lt3A_496 = arith.constant 0 : i32
    %lt3A_497 = arith.cmpi slt, %rem3A_493, %lt3A_496 : i32
    %lt3A_498 = arith.constant 0 : i32
    %lt3A_499 = arith.cmpi slt, %select_n3A_492, %lt3A_498 : i32
    %ne3A_500 = arith.xori %lt3A_497, %lt3A_499 : i1
    %and3A_501 = arith.andi %ne3A_500, %ne3A_495 : i1
    %add3A_502 = arith.addi %rem3A_493, %select_n3A_492 : i32
    %select_n3A_503 = arith.select %and3A_501, %add3A_502, %rem3A_493 : i32
    %lt3A_504 = arith.constant 4 : i32
    %lt3A_505 = arith.cmpi slt, %select_n3A_503, %lt3A_504 : i32
    %convert_element_type3A_506 = arith.extui %lt3A_505 : i1 to i32
    %cond3A_507 = arith.constant 0 : i32
    %cond3A_508 = arith.cmpi ne, %convert_element_type3A_506, %cond3A_507 : i32
    scf.if %cond3A_508 {
      %dma_wait3A_514 = arith.constant 7 : i32
      %dma_wait3A_515 = arith.constant 0 : i32
      %dma_wait3A_516 = arith.constant 0 : i32
      %dma_wait3A_517 = arith.constant 0 : i32
      %dma_wait3A_518 = tpu.memref_slice %arg7[%dma_wait3A_514, %dma_wait3A_516, %dma_wait3A_517] : memref<8x128x16xf32, #tpu.memory_space<vmem>> -> memref<1x128x16xf32, #tpu.memory_space<vmem>>
      %dma_wait3A_519 = tpu.memref_squeeze %dma_wait3A_518 : memref<1x128x16xf32, #tpu.memory_space<vmem>> -> memref<128x16xf32, #tpu.memory_space<vmem>>
      %dma_wait3A_520 = arith.constant 0 : i32
      %dma_wait3A_521 = tpu.memref_slice %arg6[%dma_wait3A_515, %dma_wait3A_520] : memref<79x128xi32, #tpu.memory_space<vmem>> -> memref<1x128xi32, #tpu.memory_space<vmem>>
      %dma_wait3A_522 = tpu.memref_squeeze %dma_wait3A_521 : memref<1x128xi32, #tpu.memory_space<vmem>> -> memref<128xi32, #tpu.memory_space<vmem>>
      %dma_wait3A_523 = arith.constant 0 : i32
      %dma_wait3A_524 = arith.constant 0 : i32
      %dma_wait3A_525 = tpu.memref_slice %arg9[%dma_wait3A_523, %dma_wait3A_524] : memref<10240x16xf32, #tpu.memory_space<vmem_shared>> -> memref<10240x16xf32, #tpu.memory_space<vmem_shared>>
      tpu.wait_indirect_dma semaphore(%arg25 : memref<!tpu.dma_semaphore, #tpu.memory_space<semaphore_mem>>) src(%dma_wait3A_519 : memref<128x16xf32, #tpu.memory_space<vmem>>) dst(%dma_wait3A_525 : memref<10240x16xf32, #tpu.memory_space<vmem_shared>>)
    } else {
    }
    %barrier3A_509 = arith.constant 0 : index
    tpu.barrier barrier_id(%barrier3A_509)
    %mul3A_510 = arith.constant 640 : i32
    %mul3A_511 = arith.muli %arg1, %mul3A_510 : i32
    "tpu.region"() ({
      %run_scoped3A_514 = tpu.sem_alloc : memref<!tpu.dma_semaphore, #tpu.memory_space<semaphore_mem>>
      %dma_start3A_515 = arith.constant 0 : i32
      %dma_start3A_516 = tpu.memref_slice %arg9[%mul3A_511, %dma_start3A_515] : memref<10240x16xf32, #tpu.memory_space<vmem_shared>> -> memref<640x16xf32, #tpu.memory_space<vmem_shared>>
      %dma_start3A_517 = arith.constant 0 : i32
      %dma_start3A_518 = tpu.memref_slice %arg9[%mul3A_511, %dma_start3A_517] : memref<10240x16xf32, #tpu.memory_space<vmem_shared>> -> memref<640x16xf32, #tpu.memory_space<vmem_shared>>
      tpu.enqueue_dma source(%dma_start3A_518 : memref<640x16xf32, #tpu.memory_space<vmem_shared>>) target(%arg8 : memref<640x16xf32, #tpu.memory_space<vmem>>) target_semaphore(%run_scoped3A_514 : memref<!tpu.dma_semaphore, #tpu.memory_space<semaphore_mem>>)
      %dma_wait3A_519 = arith.constant 0 : i32
      %dma_wait3A_520 = tpu.memref_slice %arg9[%mul3A_511, %dma_wait3A_519] : memref<10240x16xf32, #tpu.memory_space<vmem_shared>> -> memref<640x16xf32, #tpu.memory_space<vmem_shared>>
      %dma_wait3A_521 = arith.constant 0 : i32
      %dma_wait3A_522 = tpu.memref_slice %arg9[%mul3A_511, %dma_wait3A_521] : memref<10240x16xf32, #tpu.memory_space<vmem_shared>> -> memref<640x16xf32, #tpu.memory_space<vmem_shared>>
      tpu.wait_dma2 semaphore(%run_scoped3A_514 : memref<!tpu.dma_semaphore, #tpu.memory_space<semaphore_mem>>) src(%dma_wait3A_522 : memref<640x16xf32, #tpu.memory_space<vmem_shared>>) dst(%arg8 : memref<640x16xf32, #tpu.memory_space<vmem>>)
      tpu.yield
    }) : () -> ()
    %mul3A_512 = arith.constant 640 : i32
    %mul3A_513 = arith.muli %arg1, %mul3A_512 : i32
    "tpu.region"() ({
      %run_scoped3A_514 = tpu.sem_alloc : memref<!tpu.dma_semaphore, #tpu.memory_space<semaphore_mem>>
      %dma_start3A_515 = arith.constant 0 : i32
      %dma_start3A_516 = arith.constant 0 : i32
      %dma_start3A_517 = tpu.memref_slice %arg4[%arg0, %dma_start3A_515, %dma_start3A_516] : memref<2x10240x16xf32, #tpu.memory_space<hbm>> -> memref<1x10240x16xf32, #tpu.memory_space<hbm>>
      %dma_start3A_518 = tpu.memref_squeeze %dma_start3A_517 : memref<1x10240x16xf32, #tpu.memory_space<hbm>> -> memref<10240x16xf32, #tpu.memory_space<hbm>>
      %dma_start3A_519 = arith.constant 0 : i32
      %dma_start3A_520 = tpu.memref_slice %dma_start3A_518[%mul3A_513, %dma_start3A_519] : memref<10240x16xf32, #tpu.memory_space<hbm>> -> memref<640x16xf32, #tpu.memory_space<hbm>>
      %dma_start3A_521 = arith.constant 0 : i32
      %dma_start3A_522 = arith.constant 0 : i32
      %dma_start3A_523 = tpu.memref_slice %arg4[%arg0, %dma_start3A_521, %dma_start3A_522] : memref<2x10240x16xf32, #tpu.memory_space<hbm>> -> memref<1x10240x16xf32, #tpu.memory_space<hbm>>
      %dma_start3A_524 = tpu.memref_squeeze %dma_start3A_523 : memref<1x10240x16xf32, #tpu.memory_space<hbm>> -> memref<10240x16xf32, #tpu.memory_space<hbm>>
      %dma_start3A_525 = arith.constant 0 : i32
      %dma_start3A_526 = tpu.memref_slice %dma_start3A_524[%mul3A_513, %dma_start3A_525] : memref<10240x16xf32, #tpu.memory_space<hbm>> -> memref<640x16xf32, #tpu.memory_space<hbm>>
      tpu.enqueue_dma source(%arg8 : memref<640x16xf32, #tpu.memory_space<vmem>>) target(%dma_start3A_526 : memref<640x16xf32, #tpu.memory_space<hbm>>) target_semaphore(%run_scoped3A_514 : memref<!tpu.dma_semaphore, #tpu.memory_space<semaphore_mem>>)
      %dma_wait3A_527 = arith.constant 0 : i32
      %dma_wait3A_528 = arith.constant 0 : i32
      %dma_wait3A_529 = tpu.memref_slice %arg4[%arg0, %dma_wait3A_527, %dma_wait3A_528] : memref<2x10240x16xf32, #tpu.memory_space<hbm>> -> memref<1x10240x16xf32, #tpu.memory_space<hbm>>
      %dma_wait3A_530 = tpu.memref_squeeze %dma_wait3A_529 : memref<1x10240x16xf32, #tpu.memory_space<hbm>> -> memref<10240x16xf32, #tpu.memory_space<hbm>>
      %dma_wait3A_531 = arith.constant 0 : i32
      %dma_wait3A_532 = tpu.memref_slice %dma_wait3A_530[%mul3A_513, %dma_wait3A_531] : memref<10240x16xf32, #tpu.memory_space<hbm>> -> memref<640x16xf32, #tpu.memory_space<hbm>>
      %dma_wait3A_533 = arith.constant 0 : i32
      %dma_wait3A_534 = arith.constant 0 : i32
      %dma_wait3A_535 = tpu.memref_slice %arg4[%arg0, %dma_wait3A_533, %dma_wait3A_534] : memref<2x10240x16xf32, #tpu.memory_space<hbm>> -> memref<1x10240x16xf32, #tpu.memory_space<hbm>>
      %dma_wait3A_536 = tpu.memref_squeeze %dma_wait3A_535 : memref<1x10240x16xf32, #tpu.memory_space<hbm>> -> memref<10240x16xf32, #tpu.memory_space<hbm>>
      %dma_wait3A_537 = arith.constant 0 : i32
      %dma_wait3A_538 = tpu.memref_slice %dma_wait3A_536[%mul3A_513, %dma_wait3A_537] : memref<10240x16xf32, #tpu.memory_space<hbm>> -> memref<640x16xf32, #tpu.memory_space<hbm>>
      tpu.wait_dma2 semaphore(%run_scoped3A_514 : memref<!tpu.dma_semaphore, #tpu.memory_space<semaphore_mem>>) src(%arg8 : memref<640x16xf32, #tpu.memory_space<vmem>>) dst(%dma_wait3A_538 : memref<640x16xf32, #tpu.memory_space<hbm>>)
      tpu.yield
    }) : () -> ()
    return
  }
}

#map = affine_map<(d0, d1) -> (0, 0, 0)>
module attributes {stable_mosaic.version = 14 : i64} {
  func.func @deg_kernel(%arg0: i32, %arg1: i32, %arg2: memref<2x2500x128xi32, #tpu.memory_space<hbm>>, %arg3: memref<2x10240x16xf32, #tpu.memory_space<hbm>>, %arg4: memref<79x128xi32, #tpu.memory_space<vmem>>, %arg5: memref<128x16xf32, #tpu.memory_space<vmem>>, %arg6: memref<640x16xf32, #tpu.memory_space<vmem>>, %arg7: memref<10240x16xf32, #tpu.memory_space<vmem_shared>>, %arg8: memref<!tpu.dma_semaphore, #tpu.memory_space<semaphore_mem>>) attributes {dimension_semantics = [#tpu.dimension_semantics<core_parallel>, #tpu.dimension_semantics<subcore_parallel>], iteration_bounds = array<i64: 2, 16>, scalar_prefetch = 0 : i64, scratch_operands = 5 : i64, tpu.core_type = #tpu.core_type<sc_vector_subcore>, window_params = [{transform_indices = #map}, {transform_indices = #map}]} {
    %mul3A = arith.constant 2 : i32
    %mul3A_0 = arith.muli %arg1, %mul3A : i32
    %add3A = arith.addi %mul3A_0, %arg0 : i32
    %lt3A = arith.constant 4 : i32
    %lt3A_1 = arith.cmpi slt, %add3A, %lt3A : i32
    %convert_element_type3A = arith.extui %lt3A_1 : i1 to i32
    %add3A_2 = arith.constant 78 : i32
    %add3A_3 = arith.addi %add3A_2, %convert_element_type3A : i32
    %mul3A_4 = arith.constant 78 : i32
    %mul3A_5 = arith.muli %mul3A_4, %add3A : i32
    %min3A = arith.constant 4 : i32
    %min3A_6 = arith.minsi %add3A, %min3A : i32
    %add3A_7 = arith.addi %mul3A_5, %min3A_6 : i32
    %scan3A = arith.constant 0 : i32
    %scan3A_8 = arith.constant 640 : i32
    %scan3A_9 = arith.addi %scan3A, %scan3A_8 : i32
    %scan3A_10 = arith.constant 1 : i32
    scf.for %scan3A_144 = %scan3A to %scan3A_9 step %scan3A_10  : i32 {
      %mul3A_145 = arith.constant 1 : i32
      %mul3A_146 = arith.muli %scan3A_144, %mul3A_145 : i32
      %add3A_147 = arith.constant 0 : i32
      %add3A_148 = arith.addi %add3A_147, %mul3A_146 : i32
      %broadcast_in_dim3A = arith.constant 0.000000e+00 : f32
      %broadcast_in_dim3A_149 = vector.broadcast %broadcast_in_dim3A : f32 to vector<16xf32>
      %swap3A = arith.index_cast %add3A_148 : i32 to index
      %swap3A_150 = arith.constant 0 : index
      %swap3A_151 = tpu.vector_load %arg6[%swap3A, %swap3A_150] {strides = array<i32>} : memref<640x16xf32, #tpu.memory_space<vmem>>, vector<1x16xf32>,
      %swap3A_152 = vector.shape_cast %swap3A_151 : vector<1x16xf32> to vector<16xf32>
      %swap3A_153 = vector.shape_cast %broadcast_in_dim3A_149 : vector<16xf32> to vector<1x16xf32>
      tpu.vector_store %arg6[%swap3A, %swap3A_150], %swap3A_153 {strides = array<i32>} : memref<640x16xf32, #tpu.memory_space<vmem>>, vector<1x16xf32>,
    }
    %scan3A_11 = arith.constant 640 : i32
    %scan3A_12 = arith.constant 0 : i32
    %scan3A_13 = arith.constant 128 : i32
    %scan3A_14 = arith.addi %scan3A_12, %scan3A_13 : i32
    %scan3A_15 = arith.constant 1 : i32
    scf.for %scan3A_144 = %scan3A_12 to %scan3A_14 step %scan3A_15  : i32 {
      %mul3A_145 = arith.constant 1 : i32
      %mul3A_146 = arith.muli %scan3A_144, %mul3A_145 : i32
      %add3A_147 = arith.constant 0 : i32
      %add3A_148 = arith.addi %add3A_147, %mul3A_146 : i32
      %broadcast_in_dim3A = arith.constant 1.000000e+00 : f32
      %broadcast_in_dim3A_149 = vector.broadcast %broadcast_in_dim3A : f32 to vector<16xf32>
      %swap3A = arith.index_cast %add3A_148 : i32 to index
      %swap3A_150 = arith.constant 0 : index
      %swap3A_151 = tpu.vector_load %arg5[%swap3A, %swap3A_150] {strides = array<i32>} : memref<128x16xf32, #tpu.memory_space<vmem>>, vector<1x16xf32>,
      %swap3A_152 = vector.shape_cast %swap3A_151 : vector<1x16xf32> to vector<16xf32>
      %swap3A_153 = vector.shape_cast %broadcast_in_dim3A_149 : vector<16xf32> to vector<1x16xf32>
      tpu.vector_store %arg5[%swap3A, %swap3A_150], %swap3A_153 {strides = array<i32>} : memref<128x16xf32, #tpu.memory_space<vmem>>, vector<1x16xf32>,
    }
    %scan3A_16 = arith.constant 128 : i32
    %mul3A_17 = arith.constant 640 : i32
    %mul3A_18 = arith.muli %arg1, %mul3A_17 : i32
    "tpu.region"() ({
      %run_scoped3A_144 = tpu.sem_alloc : memref<!tpu.dma_semaphore, #tpu.memory_space<semaphore_mem>>
      %dma_start3A_145 = arith.constant 0 : i32
      %dma_start3A_146 = tpu.memref_slice %arg7[%mul3A_18, %dma_start3A_145] : memref<10240x16xf32, #tpu.memory_space<vmem_shared>> -> memref<640x16xf32, #tpu.memory_space<vmem_shared>>
      %dma_start3A_147 = arith.constant 0 : i32
      %dma_start3A_148 = tpu.memref_slice %arg7[%mul3A_18, %dma_start3A_147] : memref<10240x16xf32, #tpu.memory_space<vmem_shared>> -> memref<640x16xf32, #tpu.memory_space<vmem_shared>>
      tpu.enqueue_dma source(%arg6 : memref<640x16xf32, #tpu.memory_space<vmem>>) target(%dma_start3A_148 : memref<640x16xf32, #tpu.memory_space<vmem_shared>>) target_semaphore(%run_scoped3A_144 : memref<!tpu.dma_semaphore, #tpu.memory_space<semaphore_mem>>)
      %dma_wait3A_149 = arith.constant 0 : i32
      %dma_wait3A_150 = tpu.memref_slice %arg7[%mul3A_18, %dma_wait3A_149] : memref<10240x16xf32, #tpu.memory_space<vmem_shared>> -> memref<640x16xf32, #tpu.memory_space<vmem_shared>>
      %dma_wait3A_151 = arith.constant 0 : i32
      %dma_wait3A_152 = tpu.memref_slice %arg7[%mul3A_18, %dma_wait3A_151] : memref<10240x16xf32, #tpu.memory_space<vmem_shared>> -> memref<640x16xf32, #tpu.memory_space<vmem_shared>>
      tpu.wait_dma2 semaphore(%run_scoped3A_144 : memref<!tpu.dma_semaphore, #tpu.memory_space<semaphore_mem>>) src(%arg6 : memref<640x16xf32, #tpu.memory_space<vmem>>) dst(%dma_wait3A_152 : memref<640x16xf32, #tpu.memory_space<vmem_shared>>)
      tpu.yield
    }) : () -> ()
    %run_scoped3A = arith.constant 1 : i32
    "tpu.region"() ({
      %run_scoped3A_144 = tpu.sem_alloc : memref<!tpu.dma_semaphore, #tpu.memory_space<semaphore_mem>>
      %dma_start3A_145 = arith.constant 0 : i32
      %dma_start3A_146 = arith.constant 0 : i32
      %dma_start3A_147 = tpu.memref_slice %arg4[%dma_start3A_145, %dma_start3A_146] : memref<79x128xi32, #tpu.memory_space<vmem>> -> memref<78x128xi32, #tpu.memory_space<vmem>>
      %dma_start3A_148 = arith.constant 0 : i32
      %dma_start3A_149 = arith.constant 0 : i32
      %dma_start3A_150 = tpu.memref_slice %arg2[%run_scoped3A, %dma_start3A_148, %dma_start3A_149] : memref<2x2500x128xi32, #tpu.memory_space<hbm>> -> memref<1x2500x128xi32, #tpu.memory_space<hbm>>
      %dma_start3A_151 = tpu.memref_squeeze %dma_start3A_150 : memref<1x2500x128xi32, #tpu.memory_space<hbm>> -> memref<2500x128xi32, #tpu.memory_space<hbm>>
      %dma_start3A_152 = arith.constant 0 : i32
      %dma_start3A_153 = tpu.memref_slice %dma_start3A_151[%add3A_7, %dma_start3A_152] : memref<2500x128xi32, #tpu.memory_space<hbm>> -> memref<78x128xi32, #tpu.memory_space<hbm>>
      %dma_start3A_154 = arith.constant 0 : i32
      %dma_start3A_155 = arith.constant 0 : i32
      %dma_start3A_156 = tpu.memref_slice %arg4[%dma_start3A_154, %dma_start3A_155] : memref<79x128xi32, #tpu.memory_space<vmem>> -> memref<78x128xi32, #tpu.memory_space<vmem>>
      %dma_start3A_157 = arith.constant 0 : i32
      %dma_start3A_158 = arith.constant 0 : i32
      %dma_start3A_159 = tpu.memref_slice %arg2[%run_scoped3A, %dma_start3A_157, %dma_start3A_158] : memref<2x2500x128xi32, #tpu.memory_space<hbm>> -> memref<1x2500x128xi32, #tpu.memory_space<hbm>>
      %dma_start3A_160 = tpu.memref_squeeze %dma_start3A_159 : memref<1x2500x128xi32, #tpu.memory_space<hbm>> -> memref<2500x128xi32, #tpu.memory_space<hbm>>
      %dma_start3A_161 = arith.constant 0 : i32
      %dma_start3A_162 = tpu.memref_slice %dma_start3A_160[%add3A_7, %dma_start3A_161] : memref<2500x128xi32, #tpu.memory_space<hbm>> -> memref<78x128xi32, #tpu.memory_space<hbm>>
      tpu.enqueue_dma source(%dma_start3A_162 : memref<78x128xi32, #tpu.memory_space<hbm>>) target(%dma_start3A_156 : memref<78x128xi32, #tpu.memory_space<vmem>>) target_semaphore(%run_scoped3A_144 : memref<!tpu.dma_semaphore, #tpu.memory_space<semaphore_mem>>)
      %dma_wait3A_163 = arith.constant 0 : i32
      %dma_wait3A_164 = arith.constant 0 : i32
      %dma_wait3A_165 = tpu.memref_slice %arg4[%dma_wait3A_163, %dma_wait3A_164] : memref<79x128xi32, #tpu.memory_space<vmem>> -> memref<78x128xi32, #tpu.memory_space<vmem>>
      %dma_wait3A_166 = arith.constant 0 : i32
      %dma_wait3A_167 = arith.constant 0 : i32
      %dma_wait3A_168 = tpu.memref_slice %arg2[%run_scoped3A, %dma_wait3A_166, %dma_wait3A_167] : memref<2x2500x128xi32, #tpu.memory_space<hbm>> -> memref<1x2500x128xi32, #tpu.memory_space<hbm>>
      %dma_wait3A_169 = tpu.memref_squeeze %dma_wait3A_168 : memref<1x2500x128xi32, #tpu.memory_space<hbm>> -> memref<2500x128xi32, #tpu.memory_space<hbm>>
      %dma_wait3A_170 = arith.constant 0 : i32
      %dma_wait3A_171 = tpu.memref_slice %dma_wait3A_169[%add3A_7, %dma_wait3A_170] : memref<2500x128xi32, #tpu.memory_space<hbm>> -> memref<78x128xi32, #tpu.memory_space<hbm>>
      %dma_wait3A_172 = arith.constant 0 : i32
      %dma_wait3A_173 = arith.constant 0 : i32
      %dma_wait3A_174 = tpu.memref_slice %arg4[%dma_wait3A_172, %dma_wait3A_173] : memref<79x128xi32, #tpu.memory_space<vmem>> -> memref<78x128xi32, #tpu.memory_space<vmem>>
      %dma_wait3A_175 = arith.constant 0 : i32
      %dma_wait3A_176 = arith.constant 0 : i32
      %dma_wait3A_177 = tpu.memref_slice %arg2[%run_scoped3A, %dma_wait3A_175, %dma_wait3A_176] : memref<2x2500x128xi32, #tpu.memory_space<hbm>> -> memref<1x2500x128xi32, #tpu.memory_space<hbm>>
      %dma_wait3A_178 = tpu.memref_squeeze %dma_wait3A_177 : memref<1x2500x128xi32, #tpu.memory_space<hbm>> -> memref<2500x128xi32, #tpu.memory_space<hbm>>
      %dma_wait3A_179 = arith.constant 0 : i32
      %dma_wait3A_180 = tpu.memref_slice %dma_wait3A_178[%add3A_7, %dma_wait3A_179] : memref<2500x128xi32, #tpu.memory_space<hbm>> -> memref<78x128xi32, #tpu.memory_space<hbm>>
      tpu.wait_dma2 semaphore(%run_scoped3A_144 : memref<!tpu.dma_semaphore, #tpu.memory_space<semaphore_mem>>) src(%dma_wait3A_180 : memref<78x128xi32, #tpu.memory_space<hbm>>) dst(%dma_wait3A_174 : memref<78x128xi32, #tpu.memory_space<vmem>>)
      tpu.yield
    }) : () -> ()
    %convert_element_type3A_19 = arith.extui %lt3A_1 : i1 to i32
    %cond3A = arith.constant 0 : i32
    %cond3A_20 = arith.cmpi ne, %convert_element_type3A_19, %cond3A : i32
    scf.if %cond3A_20 {
      %add3A_144 = arith.constant 78 : i32
      %add3A_145 = arith.addi %add3A_7, %add3A_144 : i32
      %run_scoped3A_146 = arith.constant 1 : i32
      "tpu.region"() ({
        %run_scoped3A_147 = tpu.sem_alloc : memref<!tpu.dma_semaphore, #tpu.memory_space<semaphore_mem>>
        %dma_start3A_148 = arith.constant 78 : i32
        %dma_start3A_149 = arith.constant 0 : i32
        %dma_start3A_150 = tpu.memref_slice %arg4[%dma_start3A_148, %dma_start3A_149] : memref<79x128xi32, #tpu.memory_space<vmem>> -> memref<1x128xi32, #tpu.memory_space<vmem>>
        %dma_start3A_151 = arith.constant 0 : i32
        %dma_start3A_152 = arith.constant 0 : i32
        %dma_start3A_153 = tpu.memref_slice %arg2[%run_scoped3A_146, %dma_start3A_151, %dma_start3A_152] : memref<2x2500x128xi32, #tpu.memory_space<hbm>> -> memref<1x2500x128xi32, #tpu.memory_space<hbm>>
        %dma_start3A_154 = tpu.memref_squeeze %dma_start3A_153 : memref<1x2500x128xi32, #tpu.memory_space<hbm>> -> memref<2500x128xi32, #tpu.memory_space<hbm>>
        %dma_start3A_155 = arith.constant 0 : i32
        %dma_start3A_156 = tpu.memref_slice %dma_start3A_154[%add3A_145, %dma_start3A_155] : memref<2500x128xi32, #tpu.memory_space<hbm>> -> memref<1x128xi32, #tpu.memory_space<hbm>>
        %dma_start3A_157 = arith.constant 78 : i32
        %dma_start3A_158 = arith.constant 0 : i32
        %dma_start3A_159 = tpu.memref_slice %arg4[%dma_start3A_157, %dma_start3A_158] : memref<79x128xi32, #tpu.memory_space<vmem>> -> memref<1x128xi32, #tpu.memory_space<vmem>>
        %dma_start3A_160 = arith.constant 0 : i32
        %dma_start3A_161 = arith.constant 0 : i32
        %dma_start3A_162 = tpu.memref_slice %arg2[%run_scoped3A_146, %dma_start3A_160, %dma_start3A_161] : memref<2x2500x128xi32, #tpu.memory_space<hbm>> -> memref<1x2500x128xi32, #tpu.memory_space<hbm>>
        %dma_start3A_163 = tpu.memref_squeeze %dma_start3A_162 : memref<1x2500x128xi32, #tpu.memory_space<hbm>> -> memref<2500x128xi32, #tpu.memory_space<hbm>>
        %dma_start3A_164 = arith.constant 0 : i32
        %dma_start3A_165 = tpu.memref_slice %dma_start3A_163[%add3A_145, %dma_start3A_164] : memref<2500x128xi32, #tpu.memory_space<hbm>> -> memref<1x128xi32, #tpu.memory_space<hbm>>
        tpu.enqueue_dma source(%dma_start3A_165 : memref<1x128xi32, #tpu.memory_space<hbm>>) target(%dma_start3A_159 : memref<1x128xi32, #tpu.memory_space<vmem>>) target_semaphore(%run_scoped3A_147 : memref<!tpu.dma_semaphore, #tpu.memory_space<semaphore_mem>>)
        %dma_wait3A_166 = arith.constant 78 : i32
        %dma_wait3A_167 = arith.constant 0 : i32
        %dma_wait3A_168 = tpu.memref_slice %arg4[%dma_wait3A_166, %dma_wait3A_167] : memref<79x128xi32, #tpu.memory_space<vmem>> -> memref<1x128xi32, #tpu.memory_space<vmem>>
        %dma_wait3A_169 = arith.constant 0 : i32
        %dma_wait3A_170 = arith.constant 0 : i32
        %dma_wait3A_171 = tpu.memref_slice %arg2[%run_scoped3A_146, %dma_wait3A_169, %dma_wait3A_170] : memref<2x2500x128xi32, #tpu.memory_space<hbm>> -> memref<1x2500x128xi32, #tpu.memory_space<hbm>>
        %dma_wait3A_172 = tpu.memref_squeeze %dma_wait3A_171 : memref<1x2500x128xi32, #tpu.memory_space<hbm>> -> memref<2500x128xi32, #tpu.memory_space<hbm>>
        %dma_wait3A_173 = arith.constant 0 : i32
        %dma_wait3A_174 = tpu.memref_slice %dma_wait3A_172[%add3A_145, %dma_wait3A_173] : memref<2500x128xi32, #tpu.memory_space<hbm>> -> memref<1x128xi32, #tpu.memory_space<hbm>>
        %dma_wait3A_175 = arith.constant 78 : i32
        %dma_wait3A_176 = arith.constant 0 : i32
        %dma_wait3A_177 = tpu.memref_slice %arg4[%dma_wait3A_175, %dma_wait3A_176] : memref<79x128xi32, #tpu.memory_space<vmem>> -> memref<1x128xi32, #tpu.memory_space<vmem>>
        %dma_wait3A_178 = arith.constant 0 : i32
        %dma_wait3A_179 = arith.constant 0 : i32
        %dma_wait3A_180 = tpu.memref_slice %arg2[%run_scoped3A_146, %dma_wait3A_178, %dma_wait3A_179] : memref<2x2500x128xi32, #tpu.memory_space<hbm>> -> memref<1x2500x128xi32, #tpu.memory_space<hbm>>
        %dma_wait3A_181 = tpu.memref_squeeze %dma_wait3A_180 : memref<1x2500x128xi32, #tpu.memory_space<hbm>> -> memref<2500x128xi32, #tpu.memory_space<hbm>>
        %dma_wait3A_182 = arith.constant 0 : i32
        %dma_wait3A_183 = tpu.memref_slice %dma_wait3A_181[%add3A_145, %dma_wait3A_182] : memref<2500x128xi32, #tpu.memory_space<hbm>> -> memref<1x128xi32, #tpu.memory_space<hbm>>
        tpu.wait_dma2 semaphore(%run_scoped3A_147 : memref<!tpu.dma_semaphore, #tpu.memory_space<semaphore_mem>>) src(%dma_wait3A_183 : memref<1x128xi32, #tpu.memory_space<hbm>>) dst(%dma_wait3A_177 : memref<1x128xi32, #tpu.memory_space<vmem>>)
        tpu.yield
      }) : () -> ()
    } else {
    }
    %barrier3A = arith.constant 0 : index
    tpu.barrier barrier_id(%barrier3A)
    %scan3A_21 = arith.constant 0 : i32
    %scan3A_22 = arith.constant 9 : i32
    %scan3A_23 = arith.addi %scan3A_21, %scan3A_22 : i32
    %scan3A_24 = arith.constant 1 : i32
    scf.for %scan3A_144 = %scan3A_21 to %scan3A_23 step %scan3A_24  : i32 {
      %mul3A_145 = arith.constant 8 : i32
      %mul3A_146 = arith.muli %scan3A_144, %mul3A_145 : i32
      %add3A_147 = arith.constant 0 : i32
      %add3A_148 = arith.addi %add3A_147, %mul3A_146 : i32
      %add3A_149 = arith.constant 0 : i32
      %add3A_150 = arith.addi %add3A_148, %add3A_149 : i32
      %dma_start3A_151 = arith.constant 0 : i32
      %dma_start3A_152 = tpu.memref_slice %arg4[%add3A_150, %dma_start3A_151] : memref<79x128xi32, #tpu.memory_space<vmem>> -> memref<1x128xi32, #tpu.memory_space<vmem>>
      %dma_start3A_153 = tpu.memref_squeeze %dma_start3A_152 : memref<1x128xi32, #tpu.memory_space<vmem>> -> memref<128xi32, #tpu.memory_space<vmem>>
      %dma_start3A_154 = arith.constant 0 : i32
      %dma_start3A_155 = arith.constant 0 : i32
      %dma_start3A_156 = tpu.memref_slice %arg7[%dma_start3A_154, %dma_start3A_155] : memref<10240x16xf32, #tpu.memory_space<vmem_shared>> -> memref<10240x16xf32, #tpu.memory_space<vmem_shared>>
      tpu.enqueue_indirect_dma source(%arg5 : memref<128x16xf32, #tpu.memory_space<vmem>>) target(%dma_start3A_156 : memref<10240x16xf32, #tpu.memory_space<vmem_shared>>) offsets(%dma_start3A_153 : memref<128xi32, #tpu.memory_space<vmem>>) semaphore(%arg8 : memref<!tpu.dma_semaphore, #tpu.memory_space<semaphore_mem>>) {add = true}
      %ge3A = arith.constant 4 : i32
      %ge3A_157 = arith.cmpi sge, %add3A_150, %ge3A : i32
      %convert_element_type3A_158 = arith.extui %ge3A_157 : i1 to i32
      %cond3A_159 = arith.constant 0 : i32
      %cond3A_160 = arith.cmpi ne, %convert_element_type3A_158, %cond3A_159 : i32
      scf.if %cond3A_160 {
        %dma_wait3A_252 = arith.constant 0 : i32
        %dma_wait3A_253 = arith.constant 0 : i32
        %dma_wait3A_254 = tpu.memref_slice %arg4[%dma_wait3A_252, %dma_wait3A_253] : memref<79x128xi32, #tpu.memory_space<vmem>> -> memref<1x128xi32, #tpu.memory_space<vmem>>
        %dma_wait3A_255 = tpu.memref_squeeze %dma_wait3A_254 : memref<1x128xi32, #tpu.memory_space<vmem>> -> memref<128xi32, #tpu.memory_space<vmem>>
        %dma_wait3A_256 = arith.constant 0 : i32
        %dma_wait3A_257 = arith.constant 0 : i32
        %dma_wait3A_258 = tpu.memref_slice %arg7[%dma_wait3A_256, %dma_wait3A_257] : memref<10240x16xf32, #tpu.memory_space<vmem_shared>> -> memref<10240x16xf32, #tpu.memory_space<vmem_shared>>
        tpu.wait_indirect_dma semaphore(%arg8 : memref<!tpu.dma_semaphore, #tpu.memory_space<semaphore_mem>>) src(%arg5 : memref<128x16xf32, #tpu.memory_space<vmem>>) dst(%dma_wait3A_258 : memref<10240x16xf32, #tpu.memory_space<vmem_shared>>)
      } else {
      }
      %add3A_161 = arith.constant 1 : i32
      %add3A_162 = arith.addi %add3A_148, %add3A_161 : i32
      %dma_start3A_163 = arith.constant 0 : i32
      %dma_start3A_164 = tpu.memref_slice %arg4[%add3A_162, %dma_start3A_163] : memref<79x128xi32, #tpu.memory_space<vmem>> -> memref<1x128xi32, #tpu.memory_space<vmem>>
      %dma_start3A_165 = tpu.memref_squeeze %dma_start3A_164 : memref<1x128xi32, #tpu.memory_space<vmem>> -> memref<128xi32, #tpu.memory_space<vmem>>
      %dma_start3A_166 = arith.constant 0 : i32
      %dma_start3A_167 = arith.constant 0 : i32
      %dma_start3A_168 = tpu.memref_slice %arg7[%dma_start3A_166, %dma_start3A_167] : memref<10240x16xf32, #tpu.memory_space<vmem_shared>> -> memref<10240x16xf32, #tpu.memory_space<vmem_shared>>
      tpu.enqueue_indirect_dma source(%arg5 : memref<128x16xf32, #tpu.memory_space<vmem>>) target(%dma_start3A_168 : memref<10240x16xf32, #tpu.memory_space<vmem_shared>>) offsets(%dma_start3A_165 : memref<128xi32, #tpu.memory_space<vmem>>) semaphore(%arg8 : memref<!tpu.dma_semaphore, #tpu.memory_space<semaphore_mem>>) {add = true}
      %ge3A_169 = arith.constant 4 : i32
      %ge3A_170 = arith.cmpi sge, %add3A_162, %ge3A_169 : i32
      %convert_element_type3A_171 = arith.extui %ge3A_170 : i1 to i32
      %cond3A_172 = arith.constant 0 : i32
      %cond3A_173 = arith.cmpi ne, %convert_element_type3A_171, %cond3A_172 : i32
      scf.if %cond3A_173 {
        %dma_wait3A_252 = arith.constant 0 : i32
        %dma_wait3A_253 = arith.constant 0 : i32
        %dma_wait3A_254 = tpu.memref_slice %arg4[%dma_wait3A_252, %dma_wait3A_253] : memref<79x128xi32, #tpu.memory_space<vmem>> -> memref<1x128xi32, #tpu.memory_space<vmem>>
        %dma_wait3A_255 = tpu.memref_squeeze %dma_wait3A_254 : memref<1x128xi32, #tpu.memory_space<vmem>> -> memref<128xi32, #tpu.memory_space<vmem>>
        %dma_wait3A_256 = arith.constant 0 : i32
        %dma_wait3A_257 = arith.constant 0 : i32
        %dma_wait3A_258 = tpu.memref_slice %arg7[%dma_wait3A_256, %dma_wait3A_257] : memref<10240x16xf32, #tpu.memory_space<vmem_shared>> -> memref<10240x16xf32, #tpu.memory_space<vmem_shared>>
        tpu.wait_indirect_dma semaphore(%arg8 : memref<!tpu.dma_semaphore, #tpu.memory_space<semaphore_mem>>) src(%arg5 : memref<128x16xf32, #tpu.memory_space<vmem>>) dst(%dma_wait3A_258 : memref<10240x16xf32, #tpu.memory_space<vmem_shared>>)
      } else {
      }
      %add3A_174 = arith.constant 2 : i32
      %add3A_175 = arith.addi %add3A_148, %add3A_174 : i32
      %dma_start3A_176 = arith.constant 0 : i32
      %dma_start3A_177 = tpu.memref_slice %arg4[%add3A_175, %dma_start3A_176] : memref<79x128xi32, #tpu.memory_space<vmem>> -> memref<1x128xi32, #tpu.memory_space<vmem>>
      %dma_start3A_178 = tpu.memref_squeeze %dma_start3A_177 : memref<1x128xi32, #tpu.memory_space<vmem>> -> memref<128xi32, #tpu.memory_space<vmem>>
      %dma_start3A_179 = arith.constant 0 : i32
      %dma_start3A_180 = arith.constant 0 : i32
      %dma_start3A_181 = tpu.memref_slice %arg7[%dma_start3A_179, %dma_start3A_180] : memref<10240x16xf32, #tpu.memory_space<vmem_shared>> -> memref<10240x16xf32, #tpu.memory_space<vmem_shared>>
      tpu.enqueue_indirect_dma source(%arg5 : memref<128x16xf32, #tpu.memory_space<vmem>>) target(%dma_start3A_181 : memref<10240x16xf32, #tpu.memory_space<vmem_shared>>) offsets(%dma_start3A_178 : memref<128xi32, #tpu.memory_space<vmem>>) semaphore(%arg8 : memref<!tpu.dma_semaphore, #tpu.memory_space<semaphore_mem>>) {add = true}
      %ge3A_182 = arith.constant 4 : i32
      %ge3A_183 = arith.cmpi sge, %add3A_175, %ge3A_182 : i32
      %convert_element_type3A_184 = arith.extui %ge3A_183 : i1 to i32
      %cond3A_185 = arith.constant 0 : i32
      %cond3A_186 = arith.cmpi ne, %convert_element_type3A_184, %cond3A_185 : i32
      scf.if %cond3A_186 {
        %dma_wait3A_252 = arith.constant 0 : i32
        %dma_wait3A_253 = arith.constant 0 : i32
        %dma_wait3A_254 = tpu.memref_slice %arg4[%dma_wait3A_252, %dma_wait3A_253] : memref<79x128xi32, #tpu.memory_space<vmem>> -> memref<1x128xi32, #tpu.memory_space<vmem>>
        %dma_wait3A_255 = tpu.memref_squeeze %dma_wait3A_254 : memref<1x128xi32, #tpu.memory_space<vmem>> -> memref<128xi32, #tpu.memory_space<vmem>>
        %dma_wait3A_256 = arith.constant 0 : i32
        %dma_wait3A_257 = arith.constant 0 : i32
        %dma_wait3A_258 = tpu.memref_slice %arg7[%dma_wait3A_256, %dma_wait3A_257] : memref<10240x16xf32, #tpu.memory_space<vmem_shared>> -> memref<10240x16xf32, #tpu.memory_space<vmem_shared>>
        tpu.wait_indirect_dma semaphore(%arg8 : memref<!tpu.dma_semaphore, #tpu.memory_space<semaphore_mem>>) src(%arg5 : memref<128x16xf32, #tpu.memory_space<vmem>>) dst(%dma_wait3A_258 : memref<10240x16xf32, #tpu.memory_space<vmem_shared>>)
      } else {
      }
      %add3A_187 = arith.constant 3 : i32
      %add3A_188 = arith.addi %add3A_148, %add3A_187 : i32
      %dma_start3A_189 = arith.constant 0 : i32
      %dma_start3A_190 = tpu.memref_slice %arg4[%add3A_188, %dma_start3A_189] : memref<79x128xi32, #tpu.memory_space<vmem>> -> memref<1x128xi32, #tpu.memory_space<vmem>>
      %dma_start3A_191 = tpu.memref_squeeze %dma_start3A_190 : memref<1x128xi32, #tpu.memory_space<vmem>> -> memref<128xi32, #tpu.memory_space<vmem>>
      %dma_start3A_192 = arith.constant 0 : i32
      %dma_start3A_193 = arith.constant 0 : i32
      %dma_start3A_194 = tpu.memref_slice %arg7[%dma_start3A_192, %dma_start3A_193] : memref<10240x16xf32, #tpu.memory_space<vmem_shared>> -> memref<10240x16xf32, #tpu.memory_space<vmem_shared>>
      tpu.enqueue_indirect_dma source(%arg5 : memref<128x16xf32, #tpu.memory_space<vmem>>) target(%dma_start3A_194 : memref<10240x16xf32, #tpu.memory_space<vmem_shared>>) offsets(%dma_start3A_191 : memref<128xi32, #tpu.memory_space<vmem>>) semaphore(%arg8 : memref<!tpu.dma_semaphore, #tpu.memory_space<semaphore_mem>>) {add = true}
      %ge3A_195 = arith.constant 4 : i32
      %ge3A_196 = arith.cmpi sge, %add3A_188, %ge3A_195 : i32
      %convert_element_type3A_197 = arith.extui %ge3A_196 : i1 to i32
      %cond3A_198 = arith.constant 0 : i32
      %cond3A_199 = arith.cmpi ne, %convert_element_type3A_197, %cond3A_198 : i32
      scf.if %cond3A_199 {
        %dma_wait3A_252 = arith.constant 0 : i32
        %dma_wait3A_253 = arith.constant 0 : i32
        %dma_wait3A_254 = tpu.memref_slice %arg4[%dma_wait3A_252, %dma_wait3A_253] : memref<79x128xi32, #tpu.memory_space<vmem>> -> memref<1x128xi32, #tpu.memory_space<vmem>>
        %dma_wait3A_255 = tpu.memref_squeeze %dma_wait3A_254 : memref<1x128xi32, #tpu.memory_space<vmem>> -> memref<128xi32, #tpu.memory_space<vmem>>
        %dma_wait3A_256 = arith.constant 0 : i32
        %dma_wait3A_257 = arith.constant 0 : i32
        %dma_wait3A_258 = tpu.memref_slice %arg7[%dma_wait3A_256, %dma_wait3A_257] : memref<10240x16xf32, #tpu.memory_space<vmem_shared>> -> memref<10240x16xf32, #tpu.memory_space<vmem_shared>>
        tpu.wait_indirect_dma semaphore(%arg8 : memref<!tpu.dma_semaphore, #tpu.memory_space<semaphore_mem>>) src(%arg5 : memref<128x16xf32, #tpu.memory_space<vmem>>) dst(%dma_wait3A_258 : memref<10240x16xf32, #tpu.memory_space<vmem_shared>>)
      } else {
      }
      %add3A_200 = arith.constant 4 : i32
      %add3A_201 = arith.addi %add3A_148, %add3A_200 : i32
      %dma_start3A_202 = arith.constant 0 : i32
      %dma_start3A_203 = tpu.memref_slice %arg4[%add3A_201, %dma_start3A_202] : memref<79x128xi32, #tpu.memory_space<vmem>> -> memref<1x128xi32, #tpu.memory_space<vmem>>
      %dma_start3A_204 = tpu.memref_squeeze %dma_start3A_203 : memref<1x128xi32, #tpu.memory_space<vmem>> -> memref<128xi32, #tpu.memory_space<vmem>>
      %dma_start3A_205 = arith.constant 0 : i32
      %dma_start3A_206 = arith.constant 0 : i32
      %dma_start3A_207 = tpu.memref_slice %arg7[%dma_start3A_205, %dma_start3A_206] : memref<10240x16xf32, #tpu.memory_space<vmem_shared>> -> memref<10240x16xf32, #tpu.memory_space<vmem_shared>>
      tpu.enqueue_indirect_dma source(%arg5 : memref<128x16xf32, #tpu.memory_space<vmem>>) target(%dma_start3A_207 : memref<10240x16xf32, #tpu.memory_space<vmem_shared>>) offsets(%dma_start3A_204 : memref<128xi32, #tpu.memory_space<vmem>>) semaphore(%arg8 : memref<!tpu.dma_semaphore, #tpu.memory_space<semaphore_mem>>) {add = true}
      %ge3A_208 = arith.constant 4 : i32
      %ge3A_209 = arith.cmpi sge, %add3A_201, %ge3A_208 : i32
      %convert_element_type3A_210 = arith.extui %ge3A_209 : i1 to i32
      %cond3A_211 = arith.constant 0 : i32
      %cond3A_212 = arith.cmpi ne, %convert_element_type3A_210, %cond3A_211 : i32
      scf.if %cond3A_212 {
        %dma_wait3A_252 = arith.constant 0 : i32
        %dma_wait3A_253 = arith.constant 0 : i32
        %dma_wait3A_254 = tpu.memref_slice %arg4[%dma_wait3A_252, %dma_wait3A_253] : memref<79x128xi32, #tpu.memory_space<vmem>> -> memref<1x128xi32, #tpu.memory_space<vmem>>
        %dma_wait3A_255 = tpu.memref_squeeze %dma_wait3A_254 : memref<1x128xi32, #tpu.memory_space<vmem>> -> memref<128xi32, #tpu.memory_space<vmem>>
        %dma_wait3A_256 = arith.constant 0 : i32
        %dma_wait3A_257 = arith.constant 0 : i32
        %dma_wait3A_258 = tpu.memref_slice %arg7[%dma_wait3A_256, %dma_wait3A_257] : memref<10240x16xf32, #tpu.memory_space<vmem_shared>> -> memref<10240x16xf32, #tpu.memory_space<vmem_shared>>
        tpu.wait_indirect_dma semaphore(%arg8 : memref<!tpu.dma_semaphore, #tpu.memory_space<semaphore_mem>>) src(%arg5 : memref<128x16xf32, #tpu.memory_space<vmem>>) dst(%dma_wait3A_258 : memref<10240x16xf32, #tpu.memory_space<vmem_shared>>)
      } else {
      }
      %add3A_213 = arith.constant 5 : i32
      %add3A_214 = arith.addi %add3A_148, %add3A_213 : i32
      %dma_start3A_215 = arith.constant 0 : i32
      %dma_start3A_216 = tpu.memref_slice %arg4[%add3A_214, %dma_start3A_215] : memref<79x128xi32, #tpu.memory_space<vmem>> -> memref<1x128xi32, #tpu.memory_space<vmem>>
      %dma_start3A_217 = tpu.memref_squeeze %dma_start3A_216 : memref<1x128xi32, #tpu.memory_space<vmem>> -> memref<128xi32, #tpu.memory_space<vmem>>
      %dma_start3A_218 = arith.constant 0 : i32
      %dma_start3A_219 = arith.constant 0 : i32
      %dma_start3A_220 = tpu.memref_slice %arg7[%dma_start3A_218, %dma_start3A_219] : memref<10240x16xf32, #tpu.memory_space<vmem_shared>> -> memref<10240x16xf32, #tpu.memory_space<vmem_shared>>
      tpu.enqueue_indirect_dma source(%arg5 : memref<128x16xf32, #tpu.memory_space<vmem>>) target(%dma_start3A_220 : memref<10240x16xf32, #tpu.memory_space<vmem_shared>>) offsets(%dma_start3A_217 : memref<128xi32, #tpu.memory_space<vmem>>) semaphore(%arg8 : memref<!tpu.dma_semaphore, #tpu.memory_space<semaphore_mem>>) {add = true}
      %ge3A_221 = arith.constant 4 : i32
      %ge3A_222 = arith.cmpi sge, %add3A_214, %ge3A_221 : i32
      %convert_element_type3A_223 = arith.extui %ge3A_222 : i1 to i32
      %cond3A_224 = arith.constant 0 : i32
      %cond3A_225 = arith.cmpi ne, %convert_element_type3A_223, %cond3A_224 : i32
      scf.if %cond3A_225 {
        %dma_wait3A_252 = arith.constant 0 : i32
        %dma_wait3A_253 = arith.constant 0 : i32
        %dma_wait3A_254 = tpu.memref_slice %arg4[%dma_wait3A_252, %dma_wait3A_253] : memref<79x128xi32, #tpu.memory_space<vmem>> -> memref<1x128xi32, #tpu.memory_space<vmem>>
        %dma_wait3A_255 = tpu.memref_squeeze %dma_wait3A_254 : memref<1x128xi32, #tpu.memory_space<vmem>> -> memref<128xi32, #tpu.memory_space<vmem>>
        %dma_wait3A_256 = arith.constant 0 : i32
        %dma_wait3A_257 = arith.constant 0 : i32
        %dma_wait3A_258 = tpu.memref_slice %arg7[%dma_wait3A_256, %dma_wait3A_257] : memref<10240x16xf32, #tpu.memory_space<vmem_shared>> -> memref<10240x16xf32, #tpu.memory_space<vmem_shared>>
        tpu.wait_indirect_dma semaphore(%arg8 : memref<!tpu.dma_semaphore, #tpu.memory_space<semaphore_mem>>) src(%arg5 : memref<128x16xf32, #tpu.memory_space<vmem>>) dst(%dma_wait3A_258 : memref<10240x16xf32, #tpu.memory_space<vmem_shared>>)
      } else {
      }
      %add3A_226 = arith.constant 6 : i32
      %add3A_227 = arith.addi %add3A_148, %add3A_226 : i32
      %dma_start3A_228 = arith.constant 0 : i32
      %dma_start3A_229 = tpu.memref_slice %arg4[%add3A_227, %dma_start3A_228] : memref<79x128xi32, #tpu.memory_space<vmem>> -> memref<1x128xi32, #tpu.memory_space<vmem>>
      %dma_start3A_230 = tpu.memref_squeeze %dma_start3A_229 : memref<1x128xi32, #tpu.memory_space<vmem>> -> memref<128xi32, #tpu.memory_space<vmem>>
      %dma_start3A_231 = arith.constant 0 : i32
      %dma_start3A_232 = arith.constant 0 : i32
      %dma_start3A_233 = tpu.memref_slice %arg7[%dma_start3A_231, %dma_start3A_232] : memref<10240x16xf32, #tpu.memory_space<vmem_shared>> -> memref<10240x16xf32, #tpu.memory_space<vmem_shared>>
      tpu.enqueue_indirect_dma source(%arg5 : memref<128x16xf32, #tpu.memory_space<vmem>>) target(%dma_start3A_233 : memref<10240x16xf32, #tpu.memory_space<vmem_shared>>) offsets(%dma_start3A_230 : memref<128xi32, #tpu.memory_space<vmem>>) semaphore(%arg8 : memref<!tpu.dma_semaphore, #tpu.memory_space<semaphore_mem>>) {add = true}
      %ge3A_234 = arith.constant 4 : i32
      %ge3A_235 = arith.cmpi sge, %add3A_227, %ge3A_234 : i32
      %convert_element_type3A_236 = arith.extui %ge3A_235 : i1 to i32
      %cond3A_237 = arith.constant 0 : i32
      %cond3A_238 = arith.cmpi ne, %convert_element_type3A_236, %cond3A_237 : i32
      scf.if %cond3A_238 {
        %dma_wait3A_252 = arith.constant 0 : i32
        %dma_wait3A_253 = arith.constant 0 : i32
        %dma_wait3A_254 = tpu.memref_slice %arg4[%dma_wait3A_252, %dma_wait3A_253] : memref<79x128xi32, #tpu.memory_space<vmem>> -> memref<1x128xi32, #tpu.memory_space<vmem>>
        %dma_wait3A_255 = tpu.memref_squeeze %dma_wait3A_254 : memref<1x128xi32, #tpu.memory_space<vmem>> -> memref<128xi32, #tpu.memory_space<vmem>>
        %dma_wait3A_256 = arith.constant 0 : i32
        %dma_wait3A_257 = arith.constant 0 : i32
        %dma_wait3A_258 = tpu.memref_slice %arg7[%dma_wait3A_256, %dma_wait3A_257] : memref<10240x16xf32, #tpu.memory_space<vmem_shared>> -> memref<10240x16xf32, #tpu.memory_space<vmem_shared>>
        tpu.wait_indirect_dma semaphore(%arg8 : memref<!tpu.dma_semaphore, #tpu.memory_space<semaphore_mem>>) src(%arg5 : memref<128x16xf32, #tpu.memory_space<vmem>>) dst(%dma_wait3A_258 : memref<10240x16xf32, #tpu.memory_space<vmem_shared>>)
      } else {
      }
      %add3A_239 = arith.constant 7 : i32
      %add3A_240 = arith.addi %add3A_148, %add3A_239 : i32
      %dma_start3A_241 = arith.constant 0 : i32
      %dma_start3A_242 = tpu.memref_slice %arg4[%add3A_240, %dma_start3A_241] : memref<79x128xi32, #tpu.memory_space<vmem>> -> memref<1x128xi32, #tpu.memory_space<vmem>>
      %dma_start3A_243 = tpu.memref_squeeze %dma_start3A_242 : memref<1x128xi32, #tpu.memory_space<vmem>> -> memref<128xi32, #tpu.memory_space<vmem>>
      %dma_start3A_244 = arith.constant 0 : i32
      %dma_start3A_245 = arith.constant 0 : i32
      %dma_start3A_246 = tpu.memref_slice %arg7[%dma_start3A_244, %dma_start3A_245] : memref<10240x16xf32, #tpu.memory_space<vmem_shared>> -> memref<10240x16xf32, #tpu.memory_space<vmem_shared>>
      tpu.enqueue_indirect_dma source(%arg5 : memref<128x16xf32, #tpu.memory_space<vmem>>) target(%dma_start3A_246 : memref<10240x16xf32, #tpu.memory_space<vmem_shared>>) offsets(%dma_start3A_243 : memref<128xi32, #tpu.memory_space<vmem>>) semaphore(%arg8 : memref<!tpu.dma_semaphore, #tpu.memory_space<semaphore_mem>>) {add = true}
      %ge3A_247 = arith.constant 4 : i32
      %ge3A_248 = arith.cmpi sge, %add3A_240, %ge3A_247 : i32
      %convert_element_type3A_249 = arith.extui %ge3A_248 : i1 to i32
      %cond3A_250 = arith.constant 0 : i32
      %cond3A_251 = arith.cmpi ne, %convert_element_type3A_249, %cond3A_250 : i32
      scf.if %cond3A_251 {
        %dma_wait3A_252 = arith.constant 0 : i32
        %dma_wait3A_253 = arith.constant 0 : i32
        %dma_wait3A_254 = tpu.memref_slice %arg4[%dma_wait3A_252, %dma_wait3A_253] : memref<79x128xi32, #tpu.memory_space<vmem>> -> memref<1x128xi32, #tpu.memory_space<vmem>>
        %dma_wait3A_255 = tpu.memref_squeeze %dma_wait3A_254 : memref<1x128xi32, #tpu.memory_space<vmem>> -> memref<128xi32, #tpu.memory_space<vmem>>
        %dma_wait3A_256 = arith.constant 0 : i32
        %dma_wait3A_257 = arith.constant 0 : i32
        %dma_wait3A_258 = tpu.memref_slice %arg7[%dma_wait3A_256, %dma_wait3A_257] : memref<10240x16xf32, #tpu.memory_space<vmem_shared>> -> memref<10240x16xf32, #tpu.memory_space<vmem_shared>>
        tpu.wait_indirect_dma semaphore(%arg8 : memref<!tpu.dma_semaphore, #tpu.memory_space<semaphore_mem>>) src(%arg5 : memref<128x16xf32, #tpu.memory_space<vmem>>) dst(%dma_wait3A_258 : memref<10240x16xf32, #tpu.memory_space<vmem_shared>>)
      } else {
      }
    }
    %scan3A_25 = arith.constant 9 : i32
    %dma_start3A = arith.constant 72 : i32
    %dma_start3A_26 = arith.constant 0 : i32
    %dma_start3A_27 = tpu.memref_slice %arg4[%dma_start3A, %dma_start3A_26] : memref<79x128xi32, #tpu.memory_space<vmem>> -> memref<1x128xi32, #tpu.memory_space<vmem>>
    %dma_start3A_28 = tpu.memref_squeeze %dma_start3A_27 : memref<1x128xi32, #tpu.memory_space<vmem>> -> memref<128xi32, #tpu.memory_space<vmem>>
    %dma_start3A_29 = arith.constant 0 : i32
    %dma_start3A_30 = arith.constant 0 : i32
    %dma_start3A_31 = tpu.memref_slice %arg7[%dma_start3A_29, %dma_start3A_30] : memref<10240x16xf32, #tpu.memory_space<vmem_shared>> -> memref<10240x16xf32, #tpu.memory_space<vmem_shared>>
    tpu.enqueue_indirect_dma source(%arg5 : memref<128x16xf32, #tpu.memory_space<vmem>>) target(%dma_start3A_31 : memref<10240x16xf32, #tpu.memory_space<vmem_shared>>) offsets(%dma_start3A_28 : memref<128xi32, #tpu.memory_space<vmem>>) semaphore(%arg8 : memref<!tpu.dma_semaphore, #tpu.memory_space<semaphore_mem>>) {add = true}
    %dma_wait3A = arith.constant 0 : i32
    %dma_wait3A_32 = arith.constant 0 : i32
    %dma_wait3A_33 = tpu.memref_slice %arg4[%dma_wait3A, %dma_wait3A_32] : memref<79x128xi32, #tpu.memory_space<vmem>> -> memref<1x128xi32, #tpu.memory_space<vmem>>
    %dma_wait3A_34 = tpu.memref_squeeze %dma_wait3A_33 : memref<1x128xi32, #tpu.memory_space<vmem>> -> memref<128xi32, #tpu.memory_space<vmem>>
    %dma_wait3A_35 = arith.constant 0 : i32
    %dma_wait3A_36 = arith.constant 0 : i32
    %dma_wait3A_37 = tpu.memref_slice %arg7[%dma_wait3A_35, %dma_wait3A_36] : memref<10240x16xf32, #tpu.memory_space<vmem_shared>> -> memref<10240x16xf32, #tpu.memory_space<vmem_shared>>
    tpu.wait_indirect_dma semaphore(%arg8 : memref<!tpu.dma_semaphore, #tpu.memory_space<semaphore_mem>>) src(%arg5 : memref<128x16xf32, #tpu.memory_space<vmem>>) dst(%dma_wait3A_37 : memref<10240x16xf32, #tpu.memory_space<vmem_shared>>)
    %dma_start3A_38 = arith.constant 73 : i32
    %dma_start3A_39 = arith.constant 0 : i32
    %dma_start3A_40 = tpu.memref_slice %arg4[%dma_start3A_38, %dma_start3A_39] : memref<79x128xi32, #tpu.memory_space<vmem>> -> memref<1x128xi32, #tpu.memory_space<vmem>>
    %dma_start3A_41 = tpu.memref_squeeze %dma_start3A_40 : memref<1x128xi32, #tpu.memory_space<vmem>> -> memref<128xi32, #tpu.memory_space<vmem>>
    %dma_start3A_42 = arith.constant 0 : i32
    %dma_start3A_43 = arith.constant 0 : i32
    %dma_start3A_44 = tpu.memref_slice %arg7[%dma_start3A_42, %dma_start3A_43] : memref<10240x16xf32, #tpu.memory_space<vmem_shared>> -> memref<10240x16xf32, #tpu.memory_space<vmem_shared>>
    tpu.enqueue_indirect_dma source(%arg5 : memref<128x16xf32, #tpu.memory_space<vmem>>) target(%dma_start3A_44 : memref<10240x16xf32, #tpu.memory_space<vmem_shared>>) offsets(%dma_start3A_41 : memref<128xi32, #tpu.memory_space<vmem>>) semaphore(%arg8 : memref<!tpu.dma_semaphore, #tpu.memory_space<semaphore_mem>>) {add = true}
    %dma_wait3A_45 = arith.constant 0 : i32
    %dma_wait3A_46 = arith.constant 0 : i32
    %dma_wait3A_47 = tpu.memref_slice %arg4[%dma_wait3A_45, %dma_wait3A_46] : memref<79x128xi32, #tpu.memory_space<vmem>> -> memref<1x128xi32, #tpu.memory_space<vmem>>
    %dma_wait3A_48 = tpu.memref_squeeze %dma_wait3A_47 : memref<1x128xi32, #tpu.memory_space<vmem>> -> memref<128xi32, #tpu.memory_space<vmem>>
    %dma_wait3A_49 = arith.constant 0 : i32
    %dma_wait3A_50 = arith.constant 0 : i32
    %dma_wait3A_51 = tpu.memref_slice %arg7[%dma_wait3A_49, %dma_wait3A_50] : memref<10240x16xf32, #tpu.memory_space<vmem_shared>> -> memref<10240x16xf32, #tpu.memory_space<vmem_shared>>
    tpu.wait_indirect_dma semaphore(%arg8 : memref<!tpu.dma_semaphore, #tpu.memory_space<semaphore_mem>>) src(%arg5 : memref<128x16xf32, #tpu.memory_space<vmem>>) dst(%dma_wait3A_51 : memref<10240x16xf32, #tpu.memory_space<vmem_shared>>)
    %dma_start3A_52 = arith.constant 74 : i32
    %dma_start3A_53 = arith.constant 0 : i32
    %dma_start3A_54 = tpu.memref_slice %arg4[%dma_start3A_52, %dma_start3A_53] : memref<79x128xi32, #tpu.memory_space<vmem>> -> memref<1x128xi32, #tpu.memory_space<vmem>>
    %dma_start3A_55 = tpu.memref_squeeze %dma_start3A_54 : memref<1x128xi32, #tpu.memory_space<vmem>> -> memref<128xi32, #tpu.memory_space<vmem>>
    %dma_start3A_56 = arith.constant 0 : i32
    %dma_start3A_57 = arith.constant 0 : i32
    %dma_start3A_58 = tpu.memref_slice %arg7[%dma_start3A_56, %dma_start3A_57] : memref<10240x16xf32, #tpu.memory_space<vmem_shared>> -> memref<10240x16xf32, #tpu.memory_space<vmem_shared>>
    tpu.enqueue_indirect_dma source(%arg5 : memref<128x16xf32, #tpu.memory_space<vmem>>) target(%dma_start3A_58 : memref<10240x16xf32, #tpu.memory_space<vmem_shared>>) offsets(%dma_start3A_55 : memref<128xi32, #tpu.memory_space<vmem>>) semaphore(%arg8 : memref<!tpu.dma_semaphore, #tpu.memory_space<semaphore_mem>>) {add = true}
    %dma_wait3A_59 = arith.constant 0 : i32
    %dma_wait3A_60 = arith.constant 0 : i32
    %dma_wait3A_61 = tpu.memref_slice %arg4[%dma_wait3A_59, %dma_wait3A_60] : memref<79x128xi32, #tpu.memory_space<vmem>> -> memref<1x128xi32, #tpu.memory_space<vmem>>
    %dma_wait3A_62 = tpu.memref_squeeze %dma_wait3A_61 : memref<1x128xi32, #tpu.memory_space<vmem>> -> memref<128xi32, #tpu.memory_space<vmem>>
    %dma_wait3A_63 = arith.constant 0 : i32
    %dma_wait3A_64 = arith.constant 0 : i32
    %dma_wait3A_65 = tpu.memref_slice %arg7[%dma_wait3A_63, %dma_wait3A_64] : memref<10240x16xf32, #tpu.memory_space<vmem_shared>> -> memref<10240x16xf32, #tpu.memory_space<vmem_shared>>
    tpu.wait_indirect_dma semaphore(%arg8 : memref<!tpu.dma_semaphore, #tpu.memory_space<semaphore_mem>>) src(%arg5 : memref<128x16xf32, #tpu.memory_space<vmem>>) dst(%dma_wait3A_65 : memref<10240x16xf32, #tpu.memory_space<vmem_shared>>)
    %dma_start3A_66 = arith.constant 75 : i32
    %dma_start3A_67 = arith.constant 0 : i32
    %dma_start3A_68 = tpu.memref_slice %arg4[%dma_start3A_66, %dma_start3A_67] : memref<79x128xi32, #tpu.memory_space<vmem>> -> memref<1x128xi32, #tpu.memory_space<vmem>>
    %dma_start3A_69 = tpu.memref_squeeze %dma_start3A_68 : memref<1x128xi32, #tpu.memory_space<vmem>> -> memref<128xi32, #tpu.memory_space<vmem>>
    %dma_start3A_70 = arith.constant 0 : i32
    %dma_start3A_71 = arith.constant 0 : i32
    %dma_start3A_72 = tpu.memref_slice %arg7[%dma_start3A_70, %dma_start3A_71] : memref<10240x16xf32, #tpu.memory_space<vmem_shared>> -> memref<10240x16xf32, #tpu.memory_space<vmem_shared>>
    tpu.enqueue_indirect_dma source(%arg5 : memref<128x16xf32, #tpu.memory_space<vmem>>) target(%dma_start3A_72 : memref<10240x16xf32, #tpu.memory_space<vmem_shared>>) offsets(%dma_start3A_69 : memref<128xi32, #tpu.memory_space<vmem>>) semaphore(%arg8 : memref<!tpu.dma_semaphore, #tpu.memory_space<semaphore_mem>>) {add = true}
    %dma_wait3A_73 = arith.constant 0 : i32
    %dma_wait3A_74 = arith.constant 0 : i32
    %dma_wait3A_75 = tpu.memref_slice %arg4[%dma_wait3A_73, %dma_wait3A_74] : memref<79x128xi32, #tpu.memory_space<vmem>> -> memref<1x128xi32, #tpu.memory_space<vmem>>
    %dma_wait3A_76 = tpu.memref_squeeze %dma_wait3A_75 : memref<1x128xi32, #tpu.memory_space<vmem>> -> memref<128xi32, #tpu.memory_space<vmem>>
    %dma_wait3A_77 = arith.constant 0 : i32
    %dma_wait3A_78 = arith.constant 0 : i32
    %dma_wait3A_79 = tpu.memref_slice %arg7[%dma_wait3A_77, %dma_wait3A_78] : memref<10240x16xf32, #tpu.memory_space<vmem_shared>> -> memref<10240x16xf32, #tpu.memory_space<vmem_shared>>
    tpu.wait_indirect_dma semaphore(%arg8 : memref<!tpu.dma_semaphore, #tpu.memory_space<semaphore_mem>>) src(%arg5 : memref<128x16xf32, #tpu.memory_space<vmem>>) dst(%dma_wait3A_79 : memref<10240x16xf32, #tpu.memory_space<vmem_shared>>)
    %dma_start3A_80 = arith.constant 76 : i32
    %dma_start3A_81 = arith.constant 0 : i32
    %dma_start3A_82 = tpu.memref_slice %arg4[%dma_start3A_80, %dma_start3A_81] : memref<79x128xi32, #tpu.memory_space<vmem>> -> memref<1x128xi32, #tpu.memory_space<vmem>>
    %dma_start3A_83 = tpu.memref_squeeze %dma_start3A_82 : memref<1x128xi32, #tpu.memory_space<vmem>> -> memref<128xi32, #tpu.memory_space<vmem>>
    %dma_start3A_84 = arith.constant 0 : i32
    %dma_start3A_85 = arith.constant 0 : i32
    %dma_start3A_86 = tpu.memref_slice %arg7[%dma_start3A_84, %dma_start3A_85] : memref<10240x16xf32, #tpu.memory_space<vmem_shared>> -> memref<10240x16xf32, #tpu.memory_space<vmem_shared>>
    tpu.enqueue_indirect_dma source(%arg5 : memref<128x16xf32, #tpu.memory_space<vmem>>) target(%dma_start3A_86 : memref<10240x16xf32, #tpu.memory_space<vmem_shared>>) offsets(%dma_start3A_83 : memref<128xi32, #tpu.memory_space<vmem>>) semaphore(%arg8 : memref<!tpu.dma_semaphore, #tpu.memory_space<semaphore_mem>>) {add = true}
    %dma_wait3A_87 = arith.constant 0 : i32
    %dma_wait3A_88 = arith.constant 0 : i32
    %dma_wait3A_89 = tpu.memref_slice %arg4[%dma_wait3A_87, %dma_wait3A_88] : memref<79x128xi32, #tpu.memory_space<vmem>> -> memref<1x128xi32, #tpu.memory_space<vmem>>
    %dma_wait3A_90 = tpu.memref_squeeze %dma_wait3A_89 : memref<1x128xi32, #tpu.memory_space<vmem>> -> memref<128xi32, #tpu.memory_space<vmem>>
    %dma_wait3A_91 = arith.constant 0 : i32
    %dma_wait3A_92 = arith.constant 0 : i32
    %dma_wait3A_93 = tpu.memref_slice %arg7[%dma_wait3A_91, %dma_wait3A_92] : memref<10240x16xf32, #tpu.memory_space<vmem_shared>> -> memref<10240x16xf32, #tpu.memory_space<vmem_shared>>
    tpu.wait_indirect_dma semaphore(%arg8 : memref<!tpu.dma_semaphore, #tpu.memory_space<semaphore_mem>>) src(%arg5 : memref<128x16xf32, #tpu.memory_space<vmem>>) dst(%dma_wait3A_93 : memref<10240x16xf32, #tpu.memory_space<vmem_shared>>)
    %dma_start3A_94 = arith.constant 77 : i32
    %dma_start3A_95 = arith.constant 0 : i32
    %dma_start3A_96 = tpu.memref_slice %arg4[%dma_start3A_94, %dma_start3A_95] : memref<79x128xi32, #tpu.memory_space<vmem>> -> memref<1x128xi32, #tpu.memory_space<vmem>>
    %dma_start3A_97 = tpu.memref_squeeze %dma_start3A_96 : memref<1x128xi32, #tpu.memory_space<vmem>> -> memref<128xi32, #tpu.memory_space<vmem>>
    %dma_start3A_98 = arith.constant 0 : i32
    %dma_start3A_99 = arith.constant 0 : i32
    %dma_start3A_100 = tpu.memref_slice %arg7[%dma_start3A_98, %dma_start3A_99] : memref<10240x16xf32, #tpu.memory_space<vmem_shared>> -> memref<10240x16xf32, #tpu.memory_space<vmem_shared>>
    tpu.enqueue_indirect_dma source(%arg5 : memref<128x16xf32, #tpu.memory_space<vmem>>) target(%dma_start3A_100 : memref<10240x16xf32, #tpu.memory_space<vmem_shared>>) offsets(%dma_start3A_97 : memref<128xi32, #tpu.memory_space<vmem>>) semaphore(%arg8 : memref<!tpu.dma_semaphore, #tpu.memory_space<semaphore_mem>>) {add = true}
    %dma_wait3A_101 = arith.constant 0 : i32
    %dma_wait3A_102 = arith.constant 0 : i32
    %dma_wait3A_103 = tpu.memref_slice %arg4[%dma_wait3A_101, %dma_wait3A_102] : memref<79x128xi32, #tpu.memory_space<vmem>> -> memref<1x128xi32, #tpu.memory_space<vmem>>
    %dma_wait3A_104 = tpu.memref_squeeze %dma_wait3A_103 : memref<1x128xi32, #tpu.memory_space<vmem>> -> memref<128xi32, #tpu.memory_space<vmem>>
    %dma_wait3A_105 = arith.constant 0 : i32
    %dma_wait3A_106 = arith.constant 0 : i32
    %dma_wait3A_107 = tpu.memref_slice %arg7[%dma_wait3A_105, %dma_wait3A_106] : memref<10240x16xf32, #tpu.memory_space<vmem_shared>> -> memref<10240x16xf32, #tpu.memory_space<vmem_shared>>
    tpu.wait_indirect_dma semaphore(%arg8 : memref<!tpu.dma_semaphore, #tpu.memory_space<semaphore_mem>>) src(%arg5 : memref<128x16xf32, #tpu.memory_space<vmem>>) dst(%dma_wait3A_107 : memref<10240x16xf32, #tpu.memory_space<vmem_shared>>)
    %convert_element_type3A_108 = arith.extui %lt3A_1 : i1 to i32
    %cond3A_109 = arith.constant 0 : i32
    %cond3A_110 = arith.cmpi ne, %convert_element_type3A_108, %cond3A_109 : i32
    scf.if %cond3A_110 {
      %dma_start3A_144 = arith.constant 78 : i32
      %dma_start3A_145 = arith.constant 0 : i32
      %dma_start3A_146 = tpu.memref_slice %arg4[%dma_start3A_144, %dma_start3A_145] : memref<79x128xi32, #tpu.memory_space<vmem>> -> memref<1x128xi32, #tpu.memory_space<vmem>>
      %dma_start3A_147 = tpu.memref_squeeze %dma_start3A_146 : memref<1x128xi32, #tpu.memory_space<vmem>> -> memref<128xi32, #tpu.memory_space<vmem>>
      %dma_start3A_148 = arith.constant 0 : i32
      %dma_start3A_149 = arith.constant 0 : i32
      %dma_start3A_150 = tpu.memref_slice %arg7[%dma_start3A_148, %dma_start3A_149] : memref<10240x16xf32, #tpu.memory_space<vmem_shared>> -> memref<10240x16xf32, #tpu.memory_space<vmem_shared>>
      tpu.enqueue_indirect_dma source(%arg5 : memref<128x16xf32, #tpu.memory_space<vmem>>) target(%dma_start3A_150 : memref<10240x16xf32, #tpu.memory_space<vmem_shared>>) offsets(%dma_start3A_147 : memref<128xi32, #tpu.memory_space<vmem>>) semaphore(%arg8 : memref<!tpu.dma_semaphore, #tpu.memory_space<semaphore_mem>>) {add = true}
      %dma_wait3A_151 = arith.constant 0 : i32
      %dma_wait3A_152 = arith.constant 0 : i32
      %dma_wait3A_153 = tpu.memref_slice %arg4[%dma_wait3A_151, %dma_wait3A_152] : memref<79x128xi32, #tpu.memory_space<vmem>> -> memref<1x128xi32, #tpu.memory_space<vmem>>
      %dma_wait3A_154 = tpu.memref_squeeze %dma_wait3A_153 : memref<1x128xi32, #tpu.memory_space<vmem>> -> memref<128xi32, #tpu.memory_space<vmem>>
      %dma_wait3A_155 = arith.constant 0 : i32
      %dma_wait3A_156 = arith.constant 0 : i32
      %dma_wait3A_157 = tpu.memref_slice %arg7[%dma_wait3A_155, %dma_wait3A_156] : memref<10240x16xf32, #tpu.memory_space<vmem_shared>> -> memref<10240x16xf32, #tpu.memory_space<vmem_shared>>
      tpu.wait_indirect_dma semaphore(%arg8 : memref<!tpu.dma_semaphore, #tpu.memory_space<semaphore_mem>>) src(%arg5 : memref<128x16xf32, #tpu.memory_space<vmem>>) dst(%dma_wait3A_157 : memref<10240x16xf32, #tpu.memory_space<vmem_shared>>)
    } else {
    }
    %dma_wait3A_111 = arith.constant 0 : i32
    %dma_wait3A_112 = arith.constant 0 : i32
    %dma_wait3A_113 = tpu.memref_slice %arg4[%dma_wait3A_111, %dma_wait3A_112] : memref<79x128xi32, #tpu.memory_space<vmem>> -> memref<1x128xi32, #tpu.memory_space<vmem>>
    %dma_wait3A_114 = tpu.memref_squeeze %dma_wait3A_113 : memref<1x128xi32, #tpu.memory_space<vmem>> -> memref<128xi32, #tpu.memory_space<vmem>>
    %dma_wait3A_115 = arith.constant 0 : i32
    %dma_wait3A_116 = arith.constant 0 : i32
    %dma_wait3A_117 = tpu.memref_slice %arg7[%dma_wait3A_115, %dma_wait3A_116] : memref<10240x16xf32, #tpu.memory_space<vmem_shared>> -> memref<10240x16xf32, #tpu.memory_space<vmem_shared>>
    tpu.wait_indirect_dma semaphore(%arg8 : memref<!tpu.dma_semaphore, #tpu.memory_space<semaphore_mem>>) src(%arg5 : memref<128x16xf32, #tpu.memory_space<vmem>>) dst(%dma_wait3A_117 : memref<10240x16xf32, #tpu.memory_space<vmem_shared>>)
    %dma_wait3A_118 = arith.constant 0 : i32
    %dma_wait3A_119 = arith.constant 0 : i32
    %dma_wait3A_120 = tpu.memref_slice %arg4[%dma_wait3A_118, %dma_wait3A_119] : memref<79x128xi32, #tpu.memory_space<vmem>> -> memref<1x128xi32, #tpu.memory_space<vmem>>
    %dma_wait3A_121 = tpu.memref_squeeze %dma_wait3A_120 : memref<1x128xi32, #tpu.memory_space<vmem>> -> memref<128xi32, #tpu.memory_space<vmem>>
    %dma_wait3A_122 = arith.constant 0 : i32
    %dma_wait3A_123 = arith.constant 0 : i32
    %dma_wait3A_124 = tpu.memref_slice %arg7[%dma_wait3A_122, %dma_wait3A_123] : memref<10240x16xf32, #tpu.memory_space<vmem_shared>> -> memref<10240x16xf32, #tpu.memory_space<vmem_shared>>
    tpu.wait_indirect_dma semaphore(%arg8 : memref<!tpu.dma_semaphore, #tpu.memory_space<semaphore_mem>>) src(%arg5 : memref<128x16xf32, #tpu.memory_space<vmem>>) dst(%dma_wait3A_124 : memref<10240x16xf32, #tpu.memory_space<vmem_shared>>)
    %dma_wait3A_125 = arith.constant 0 : i32
    %dma_wait3A_126 = arith.constant 0 : i32
    %dma_wait3A_127 = tpu.memref_slice %arg4[%dma_wait3A_125, %dma_wait3A_126] : memref<79x128xi32, #tpu.memory_space<vmem>> -> memref<1x128xi32, #tpu.memory_space<vmem>>
    %dma_wait3A_128 = tpu.memref_squeeze %dma_wait3A_127 : memref<1x128xi32, #tpu.memory_space<vmem>> -> memref<128xi32, #tpu.memory_space<vmem>>
    %dma_wait3A_129 = arith.constant 0 : i32
    %dma_wait3A_130 = arith.constant 0 : i32
    %dma_wait3A_131 = tpu.memref_slice %arg7[%dma_wait3A_129, %dma_wait3A_130] : memref<10240x16xf32, #tpu.memory_space<vmem_shared>> -> memref<10240x16xf32, #tpu.memory_space<vmem_shared>>
    tpu.wait_indirect_dma semaphore(%arg8 : memref<!tpu.dma_semaphore, #tpu.memory_space<semaphore_mem>>) src(%arg5 : memref<128x16xf32, #tpu.memory_space<vmem>>) dst(%dma_wait3A_131 : memref<10240x16xf32, #tpu.memory_space<vmem_shared>>)
    %dma_wait3A_132 = arith.constant 0 : i32
    %dma_wait3A_133 = arith.constant 0 : i32
    %dma_wait3A_134 = tpu.memref_slice %arg4[%dma_wait3A_132, %dma_wait3A_133] : memref<79x128xi32, #tpu.memory_space<vmem>> -> memref<1x128xi32, #tpu.memory_space<vmem>>
    %dma_wait3A_135 = tpu.memref_squeeze %dma_wait3A_134 : memref<1x128xi32, #tpu.memory_space<vmem>> -> memref<128xi32, #tpu.memory_space<vmem>>
    %dma_wait3A_136 = arith.constant 0 : i32
    %dma_wait3A_137 = arith.constant 0 : i32
    %dma_wait3A_138 = tpu.memref_slice %arg7[%dma_wait3A_136, %dma_wait3A_137] : memref<10240x16xf32, #tpu.memory_space<vmem_shared>> -> memref<10240x16xf32, #tpu.memory_space<vmem_shared>>
    tpu.wait_indirect_dma semaphore(%arg8 : memref<!tpu.dma_semaphore, #tpu.memory_space<semaphore_mem>>) src(%arg5 : memref<128x16xf32, #tpu.memory_space<vmem>>) dst(%dma_wait3A_138 : memref<10240x16xf32, #tpu.memory_space<vmem_shared>>)
    %barrier3A_139 = arith.constant 0 : index
    tpu.barrier barrier_id(%barrier3A_139)
    %mul3A_140 = arith.constant 640 : i32
    %mul3A_141 = arith.muli %arg1, %mul3A_140 : i32
    "tpu.region"() ({
      %run_scoped3A_144 = tpu.sem_alloc : memref<!tpu.dma_semaphore, #tpu.memory_space<semaphore_mem>>
      %dma_start3A_145 = arith.constant 0 : i32
      %dma_start3A_146 = tpu.memref_slice %arg7[%mul3A_141, %dma_start3A_145] : memref<10240x16xf32, #tpu.memory_space<vmem_shared>> -> memref<640x16xf32, #tpu.memory_space<vmem_shared>>
      %dma_start3A_147 = arith.constant 0 : i32
      %dma_start3A_148 = tpu.memref_slice %arg7[%mul3A_141, %dma_start3A_147] : memref<10240x16xf32, #tpu.memory_space<vmem_shared>> -> memref<640x16xf32, #tpu.memory_space<vmem_shared>>
      tpu.enqueue_dma source(%dma_start3A_148 : memref<640x16xf32, #tpu.memory_space<vmem_shared>>) target(%arg6 : memref<640x16xf32, #tpu.memory_space<vmem>>) target_semaphore(%run_scoped3A_144 : memref<!tpu.dma_semaphore, #tpu.memory_space<semaphore_mem>>)
      %dma_wait3A_149 = arith.constant 0 : i32
      %dma_wait3A_150 = tpu.memref_slice %arg7[%mul3A_141, %dma_wait3A_149] : memref<10240x16xf32, #tpu.memory_space<vmem_shared>> -> memref<640x16xf32, #tpu.memory_space<vmem_shared>>
      %dma_wait3A_151 = arith.constant 0 : i32
      %dma_wait3A_152 = tpu.memref_slice %arg7[%mul3A_141, %dma_wait3A_151] : memref<10240x16xf32, #tpu.memory_space<vmem_shared>> -> memref<640x16xf32, #tpu.memory_space<vmem_shared>>
      tpu.wait_dma2 semaphore(%run_scoped3A_144 : memref<!tpu.dma_semaphore, #tpu.memory_space<semaphore_mem>>) src(%dma_wait3A_152 : memref<640x16xf32, #tpu.memory_space<vmem_shared>>) dst(%arg6 : memref<640x16xf32, #tpu.memory_space<vmem>>)
      tpu.yield
    }) : () -> ()
    %mul3A_142 = arith.constant 640 : i32
    %mul3A_143 = arith.muli %arg1, %mul3A_142 : i32
    "tpu.region"() ({
      %run_scoped3A_144 = tpu.sem_alloc : memref<!tpu.dma_semaphore, #tpu.memory_space<semaphore_mem>>
      %dma_start3A_145 = arith.constant 0 : i32
      %dma_start3A_146 = arith.constant 0 : i32
      %dma_start3A_147 = tpu.memref_slice %arg3[%arg0, %dma_start3A_145, %dma_start3A_146] : memref<2x10240x16xf32, #tpu.memory_space<hbm>> -> memref<1x10240x16xf32, #tpu.memory_space<hbm>>
      %dma_start3A_148 = tpu.memref_squeeze %dma_start3A_147 : memref<1x10240x16xf32, #tpu.memory_space<hbm>> -> memref<10240x16xf32, #tpu.memory_space<hbm>>
      %dma_start3A_149 = arith.constant 0 : i32
      %dma_start3A_150 = tpu.memref_slice %dma_start3A_148[%mul3A_143, %dma_start3A_149] : memref<10240x16xf32, #tpu.memory_space<hbm>> -> memref<640x16xf32, #tpu.memory_space<hbm>>
      %dma_start3A_151 = arith.constant 0 : i32
      %dma_start3A_152 = arith.constant 0 : i32
      %dma_start3A_153 = tpu.memref_slice %arg3[%arg0, %dma_start3A_151, %dma_start3A_152] : memref<2x10240x16xf32, #tpu.memory_space<hbm>> -> memref<1x10240x16xf32, #tpu.memory_space<hbm>>
      %dma_start3A_154 = tpu.memref_squeeze %dma_start3A_153 : memref<1x10240x16xf32, #tpu.memory_space<hbm>> -> memref<10240x16xf32, #tpu.memory_space<hbm>>
      %dma_start3A_155 = arith.constant 0 : i32
      %dma_start3A_156 = tpu.memref_slice %dma_start3A_154[%mul3A_143, %dma_start3A_155] : memref<10240x16xf32, #tpu.memory_space<hbm>> -> memref<640x16xf32, #tpu.memory_space<hbm>>
      tpu.enqueue_dma source(%arg6 : memref<640x16xf32, #tpu.memory_space<vmem>>) target(%dma_start3A_156 : memref<640x16xf32, #tpu.memory_space<hbm>>) target_semaphore(%run_scoped3A_144 : memref<!tpu.dma_semaphore, #tpu.memory_space<semaphore_mem>>)
      %dma_wait3A_157 = arith.constant 0 : i32
      %dma_wait3A_158 = arith.constant 0 : i32
      %dma_wait3A_159 = tpu.memref_slice %arg3[%arg0, %dma_wait3A_157, %dma_wait3A_158] : memref<2x10240x16xf32, #tpu.memory_space<hbm>> -> memref<1x10240x16xf32, #tpu.memory_space<hbm>>
      %dma_wait3A_160 = tpu.memref_squeeze %dma_wait3A_159 : memref<1x10240x16xf32, #tpu.memory_space<hbm>> -> memref<10240x16xf32, #tpu.memory_space<hbm>>
      %dma_wait3A_161 = arith.constant 0 : i32
      %dma_wait3A_162 = tpu.memref_slice %dma_wait3A_160[%mul3A_143, %dma_wait3A_161] : memref<10240x16xf32, #tpu.memory_space<hbm>> -> memref<640x16xf32, #tpu.memory_space<hbm>>
      %dma_wait3A_163 = arith.constant 0 : i32
      %dma_wait3A_164 = arith.constant 0 : i32
      %dma_wait3A_165 = tpu.memref_slice %arg3[%arg0, %dma_wait3A_163, %dma_wait3A_164] : memref<2x10240x16xf32, #tpu.memory_space<hbm>> -> memref<1x10240x16xf32, #tpu.memory_space<hbm>>
      %dma_wait3A_166 = tpu.memref_squeeze %dma_wait3A_165 : memref<1x10240x16xf32, #tpu.memory_space<hbm>> -> memref<10240x16xf32, #tpu.memory_space<hbm>>
      %dma_wait3A_167 = arith.constant 0 : i32
      %dma_wait3A_168 = tpu.memref_slice %dma_wait3A_166[%mul3A_143, %dma_wait3A_167] : memref<10240x16xf32, #tpu.memory_space<hbm>> -> memref<640x16xf32, #tpu.memory_space<hbm>>
      tpu.wait_dma2 semaphore(%run_scoped3A_144 : memref<!tpu.dma_semaphore, #tpu.memory_space<semaphore_mem>>) src(%arg6 : memref<640x16xf32, #tpu.memory_space<vmem>>) dst(%dma_wait3A_168 : memref<640x16xf32, #tpu.memory_space<hbm>>)
      tpu.yield
    }) : () -> ()
    return
  }
}

#map = affine_map<(d0, d1) -> (0, 0)>
#map1 = affine_map<(d0, d1) -> (0, 0, 0)>
module attributes {stable_mosaic.version = 14 : i64} {
  func.func @agg_kernel(%arg0: i32, %arg1: i32, %arg2: memref<10000x16xf32, #tpu.memory_space<hbm>>, %arg3: memref<2x2500x128xi32, #tpu.memory_space<hbm>>, %arg4: memref<2x10240x16xf32, #tpu.memory_space<hbm>>, %arg5: memref<79x128xi32, #tpu.memory_space<vmem>>, %arg6: memref<79x128xi32, #tpu.memory_space<vmem>>, %arg7: memref<8x128x16xf32, #tpu.memory_space<vmem>>, %arg8: memref<640x16xf32, #tpu.memory_space<vmem>>, %arg9: memref<10240x16xf32, #tpu.memory_space<vmem_shared>>, %arg10: memref<!tpu.dma_semaphore, #tpu.memory_space<semaphore_mem>>, %arg11: memref<!tpu.dma_semaphore, #tpu.memory_space<semaphore_mem>>, %arg12: memref<!tpu.dma_semaphore, #tpu.memory_space<semaphore_mem>>, %arg13: memref<!tpu.dma_semaphore, #tpu.memory_space<semaphore_mem>>, %arg14: memref<!tpu.dma_semaphore, #tpu.memory_space<semaphore_mem>>, %arg15: memref<!tpu.dma_semaphore, #tpu.memory_space<semaphore_mem>>, %arg16: memref<!tpu.dma_semaphore, #tpu.memory_space<semaphore_mem>>, %arg17: memref<!tpu.dma_semaphore, #tpu.memory_space<semaphore_mem>>, %arg18: memref<!tpu.dma_semaphore, #tpu.memory_space<semaphore_mem>>, %arg19: memref<!tpu.dma_semaphore, #tpu.memory_space<semaphore_mem>>, %arg20: memref<!tpu.dma_semaphore, #tpu.memory_space<semaphore_mem>>, %arg21: memref<!tpu.dma_semaphore, #tpu.memory_space<semaphore_mem>>, %arg22: memref<!tpu.dma_semaphore, #tpu.memory_space<semaphore_mem>>, %arg23: memref<!tpu.dma_semaphore, #tpu.memory_space<semaphore_mem>>, %arg24: memref<!tpu.dma_semaphore, #tpu.memory_space<semaphore_mem>>, %arg25: memref<!tpu.dma_semaphore, #tpu.memory_space<semaphore_mem>>) attributes {dimension_semantics = [#tpu.dimension_semantics<core_parallel>, #tpu.dimension_semantics<subcore_parallel>], iteration_bounds = array<i64: 2, 16>, scalar_prefetch = 0 : i64, scratch_operands = 21 : i64, tpu.core_type = #tpu.core_type<sc_vector_subcore>, window_params = [{transform_indices = #map}, {transform_indices = #map1}, {transform_indices = #map1}]} {
    %mul3A = arith.constant 2 : i32
    %mul3A_0 = arith.muli %arg1, %mul3A : i32
    %add3A = arith.addi %mul3A_0, %arg0 : i32
    %lt3A = arith.constant 4 : i32
    %lt3A_1 = arith.cmpi slt, %add3A, %lt3A : i32
    %convert_element_type3A = arith.extui %lt3A_1 : i1 to i32
    %add3A_2 = arith.constant 78 : i32
    %add3A_3 = arith.addi %add3A_2, %convert_element_type3A : i32
    %mul3A_4 = arith.constant 78 : i32
    %mul3A_5 = arith.muli %mul3A_4, %add3A : i32
    %min3A = arith.constant 4 : i32
    %min3A_6 = arith.minsi %add3A, %min3A : i32
    %add3A_7 = arith.addi %mul3A_5, %min3A_6 : i32
    %scan3A = arith.constant 0 : i32
    %scan3A_8 = arith.constant 640 : i32
    %scan3A_9 = arith.addi %scan3A, %scan3A_8 : i32
    %scan3A_10 = arith.constant 1 : i32
    scf.for %scan3A_514 = %scan3A to %scan3A_9 step %scan3A_10  : i32 {
      %mul3A_515 = arith.constant 1 : i32
      %mul3A_516 = arith.muli %scan3A_514, %mul3A_515 : i32
      %add3A_517 = arith.constant 0 : i32
      %add3A_518 = arith.addi %add3A_517, %mul3A_516 : i32
      %broadcast_in_dim3A = arith.constant 0.000000e+00 : f32
      %broadcast_in_dim3A_519 = vector.broadcast %broadcast_in_dim3A : f32 to vector<16xf32>
      %swap3A = arith.index_cast %add3A_518 : i32 to index
      %swap3A_520 = arith.constant 0 : index
      %swap3A_521 = tpu.vector_load %arg8[%swap3A, %swap3A_520] {strides = array<i32>} : memref<640x16xf32, #tpu.memory_space<vmem>>, vector<1x16xf32>,
      %swap3A_522 = vector.shape_cast %swap3A_521 : vector<1x16xf32> to vector<16xf32>
      %swap3A_523 = vector.shape_cast %broadcast_in_dim3A_519 : vector<16xf32> to vector<1x16xf32>
      tpu.vector_store %arg8[%swap3A, %swap3A_520], %swap3A_523 {strides = array<i32>} : memref<640x16xf32, #tpu.memory_space<vmem>>, vector<1x16xf32>,
    }
    %scan3A_11 = arith.constant 640 : i32
    %run_scoped3A = arith.constant 0 : i32
    "tpu.region"() ({
      %run_scoped3A_514 = tpu.sem_alloc : memref<!tpu.dma_semaphore, #tpu.memory_space<semaphore_mem>>
      %dma_start3A_515 = arith.constant 0 : i32
      %dma_start3A_516 = arith.constant 0 : i32
      %dma_start3A_517 = tpu.memref_slice %arg5[%dma_start3A_515, %dma_start3A_516] : memref<79x128xi32, #tpu.memory_space<vmem>> -> memref<78x128xi32, #tpu.memory_space<vmem>>
      %dma_start3A_518 = arith.constant 0 : i32
      %dma_start3A_519 = arith.constant 0 : i32
      %dma_start3A_520 = tpu.memref_slice %arg3[%run_scoped3A, %dma_start3A_518, %dma_start3A_519] : memref<2x2500x128xi32, #tpu.memory_space<hbm>> -> memref<1x2500x128xi32, #tpu.memory_space<hbm>>
      %dma_start3A_521 = tpu.memref_squeeze %dma_start3A_520 : memref<1x2500x128xi32, #tpu.memory_space<hbm>> -> memref<2500x128xi32, #tpu.memory_space<hbm>>
      %dma_start3A_522 = arith.constant 0 : i32
      %dma_start3A_523 = tpu.memref_slice %dma_start3A_521[%add3A_7, %dma_start3A_522] : memref<2500x128xi32, #tpu.memory_space<hbm>> -> memref<78x128xi32, #tpu.memory_space<hbm>>
      %dma_start3A_524 = arith.constant 0 : i32
      %dma_start3A_525 = arith.constant 0 : i32
      %dma_start3A_526 = tpu.memref_slice %arg5[%dma_start3A_524, %dma_start3A_525] : memref<79x128xi32, #tpu.memory_space<vmem>> -> memref<78x128xi32, #tpu.memory_space<vmem>>
      %dma_start3A_527 = arith.constant 0 : i32
      %dma_start3A_528 = arith.constant 0 : i32
      %dma_start3A_529 = tpu.memref_slice %arg3[%run_scoped3A, %dma_start3A_527, %dma_start3A_528] : memref<2x2500x128xi32, #tpu.memory_space<hbm>> -> memref<1x2500x128xi32, #tpu.memory_space<hbm>>
      %dma_start3A_530 = tpu.memref_squeeze %dma_start3A_529 : memref<1x2500x128xi32, #tpu.memory_space<hbm>> -> memref<2500x128xi32, #tpu.memory_space<hbm>>
      %dma_start3A_531 = arith.constant 0 : i32
      %dma_start3A_532 = tpu.memref_slice %dma_start3A_530[%add3A_7, %dma_start3A_531] : memref<2500x128xi32, #tpu.memory_space<hbm>> -> memref<78x128xi32, #tpu.memory_space<hbm>>
      tpu.enqueue_dma source(%dma_start3A_532 : memref<78x128xi32, #tpu.memory_space<hbm>>) target(%dma_start3A_526 : memref<78x128xi32, #tpu.memory_space<vmem>>) target_semaphore(%run_scoped3A_514 : memref<!tpu.dma_semaphore, #tpu.memory_space<semaphore_mem>>)
      %dma_wait3A_533 = arith.constant 0 : i32
      %dma_wait3A_534 = arith.constant 0 : i32
      %dma_wait3A_535 = tpu.memref_slice %arg5[%dma_wait3A_533, %dma_wait3A_534] : memref<79x128xi32, #tpu.memory_space<vmem>> -> memref<78x128xi32, #tpu.memory_space<vmem>>
      %dma_wait3A_536 = arith.constant 0 : i32
      %dma_wait3A_537 = arith.constant 0 : i32
      %dma_wait3A_538 = tpu.memref_slice %arg3[%run_scoped3A, %dma_wait3A_536, %dma_wait3A_537] : memref<2x2500x128xi32, #tpu.memory_space<hbm>> -> memref<1x2500x128xi32, #tpu.memory_space<hbm>>
      %dma_wait3A_539 = tpu.memref_squeeze %dma_wait3A_538 : memref<1x2500x128xi32, #tpu.memory_space<hbm>> -> memref<2500x128xi32, #tpu.memory_space<hbm>>
      %dma_wait3A_540 = arith.constant 0 : i32
      %dma_wait3A_541 = tpu.memref_slice %dma_wait3A_539[%add3A_7, %dma_wait3A_540] : memref<2500x128xi32, #tpu.memory_space<hbm>> -> memref<78x128xi32, #tpu.memory_space<hbm>>
      %dma_wait3A_542 = arith.constant 0 : i32
      %dma_wait3A_543 = arith.constant 0 : i32
      %dma_wait3A_544 = tpu.memref_slice %arg5[%dma_wait3A_542, %dma_wait3A_543] : memref<79x128xi32, #tpu.memory_space<vmem>> -> memref<78x128xi32, #tpu.memory_space<vmem>>
      %dma_wait3A_545 = arith.constant 0 : i32
      %dma_wait3A_546 = arith.constant 0 : i32
      %dma_wait3A_547 = tpu.memref_slice %arg3[%run_scoped3A, %dma_wait3A_545, %dma_wait3A_546] : memref<2x2500x128xi32, #tpu.memory_space<hbm>> -> memref<1x2500x128xi32, #tpu.memory_space<hbm>>
      %dma_wait3A_548 = tpu.memref_squeeze %dma_wait3A_547 : memref<1x2500x128xi32, #tpu.memory_space<hbm>> -> memref<2500x128xi32, #tpu.memory_space<hbm>>
      %dma_wait3A_549 = arith.constant 0 : i32
      %dma_wait3A_550 = tpu.memref_slice %dma_wait3A_548[%add3A_7, %dma_wait3A_549] : memref<2500x128xi32, #tpu.memory_space<hbm>> -> memref<78x128xi32, #tpu.memory_space<hbm>>
      tpu.wait_dma2 semaphore(%run_scoped3A_514 : memref<!tpu.dma_semaphore, #tpu.memory_space<semaphore_mem>>) src(%dma_wait3A_550 : memref<78x128xi32, #tpu.memory_space<hbm>>) dst(%dma_wait3A_544 : memref<78x128xi32, #tpu.memory_space<vmem>>)
      tpu.yield
    }) : () -> ()
    %run_scoped3A_12 = arith.constant 1 : i32
    "tpu.region"() ({
      %run_scoped3A_514 = tpu.sem_alloc : memref<!tpu.dma_semaphore, #tpu.memory_space<semaphore_mem>>
      %dma_start3A_515 = arith.constant 0 : i32
      %dma_start3A_516 = arith.constant 0 : i32
      %dma_start3A_517 = tpu.memref_slice %arg6[%dma_start3A_515, %dma_start3A_516] : memref<79x128xi32, #tpu.memory_space<vmem>> -> memref<78x128xi32, #tpu.memory_space<vmem>>
      %dma_start3A_518 = arith.constant 0 : i32
      %dma_start3A_519 = arith.constant 0 : i32
      %dma_start3A_520 = tpu.memref_slice %arg3[%run_scoped3A_12, %dma_start3A_518, %dma_start3A_519] : memref<2x2500x128xi32, #tpu.memory_space<hbm>> -> memref<1x2500x128xi32, #tpu.memory_space<hbm>>
      %dma_start3A_521 = tpu.memref_squeeze %dma_start3A_520 : memref<1x2500x128xi32, #tpu.memory_space<hbm>> -> memref<2500x128xi32, #tpu.memory_space<hbm>>
      %dma_start3A_522 = arith.constant 0 : i32
      %dma_start3A_523 = tpu.memref_slice %dma_start3A_521[%add3A_7, %dma_start3A_522] : memref<2500x128xi32, #tpu.memory_space<hbm>> -> memref<78x128xi32, #tpu.memory_space<hbm>>
      %dma_start3A_524 = arith.constant 0 : i32
      %dma_start3A_525 = arith.constant 0 : i32
      %dma_start3A_526 = tpu.memref_slice %arg6[%dma_start3A_524, %dma_start3A_525] : memref<79x128xi32, #tpu.memory_space<vmem>> -> memref<78x128xi32, #tpu.memory_space<vmem>>
      %dma_start3A_527 = arith.constant 0 : i32
      %dma_start3A_528 = arith.constant 0 : i32
      %dma_start3A_529 = tpu.memref_slice %arg3[%run_scoped3A_12, %dma_start3A_527, %dma_start3A_528] : memref<2x2500x128xi32, #tpu.memory_space<hbm>> -> memref<1x2500x128xi32, #tpu.memory_space<hbm>>
      %dma_start3A_530 = tpu.memref_squeeze %dma_start3A_529 : memref<1x2500x128xi32, #tpu.memory_space<hbm>> -> memref<2500x128xi32, #tpu.memory_space<hbm>>
      %dma_start3A_531 = arith.constant 0 : i32
      %dma_start3A_532 = tpu.memref_slice %dma_start3A_530[%add3A_7, %dma_start3A_531] : memref<2500x128xi32, #tpu.memory_space<hbm>> -> memref<78x128xi32, #tpu.memory_space<hbm>>
      tpu.enqueue_dma source(%dma_start3A_532 : memref<78x128xi32, #tpu.memory_space<hbm>>) target(%dma_start3A_526 : memref<78x128xi32, #tpu.memory_space<vmem>>) target_semaphore(%run_scoped3A_514 : memref<!tpu.dma_semaphore, #tpu.memory_space<semaphore_mem>>)
      %dma_wait3A_533 = arith.constant 0 : i32
      %dma_wait3A_534 = arith.constant 0 : i32
      %dma_wait3A_535 = tpu.memref_slice %arg6[%dma_wait3A_533, %dma_wait3A_534] : memref<79x128xi32, #tpu.memory_space<vmem>> -> memref<78x128xi32, #tpu.memory_space<vmem>>
      %dma_wait3A_536 = arith.constant 0 : i32
      %dma_wait3A_537 = arith.constant 0 : i32
      %dma_wait3A_538 = tpu.memref_slice %arg3[%run_scoped3A_12, %dma_wait3A_536, %dma_wait3A_537] : memref<2x2500x128xi32, #tpu.memory_space<hbm>> -> memref<1x2500x128xi32, #tpu.memory_space<hbm>>
      %dma_wait3A_539 = tpu.memref_squeeze %dma_wait3A_538 : memref<1x2500x128xi32, #tpu.memory_space<hbm>> -> memref<2500x128xi32, #tpu.memory_space<hbm>>
      %dma_wait3A_540 = arith.constant 0 : i32
      %dma_wait3A_541 = tpu.memref_slice %dma_wait3A_539[%add3A_7, %dma_wait3A_540] : memref<2500x128xi32, #tpu.memory_space<hbm>> -> memref<78x128xi32, #tpu.memory_space<hbm>>
      %dma_wait3A_542 = arith.constant 0 : i32
      %dma_wait3A_543 = arith.constant 0 : i32
      %dma_wait3A_544 = tpu.memref_slice %arg6[%dma_wait3A_542, %dma_wait3A_543] : memref<79x128xi32, #tpu.memory_space<vmem>> -> memref<78x128xi32, #tpu.memory_space<vmem>>
      %dma_wait3A_545 = arith.constant 0 : i32
      %dma_wait3A_546 = arith.constant 0 : i32
      %dma_wait3A_547 = tpu.memref_slice %arg3[%run_scoped3A_12, %dma_wait3A_545, %dma_wait3A_546] : memref<2x2500x128xi32, #tpu.memory_space<hbm>> -> memref<1x2500x128xi32, #tpu.memory_space<hbm>>
      %dma_wait3A_548 = tpu.memref_squeeze %dma_wait3A_547 : memref<1x2500x128xi32, #tpu.memory_space<hbm>> -> memref<2500x128xi32, #tpu.memory_space<hbm>>
      %dma_wait3A_549 = arith.constant 0 : i32
      %dma_wait3A_550 = tpu.memref_slice %dma_wait3A_548[%add3A_7, %dma_wait3A_549] : memref<2500x128xi32, #tpu.memory_space<hbm>> -> memref<78x128xi32, #tpu.memory_space<hbm>>
      tpu.wait_dma2 semaphore(%run_scoped3A_514 : memref<!tpu.dma_semaphore, #tpu.memory_space<semaphore_mem>>) src(%dma_wait3A_550 : memref<78x128xi32, #tpu.memory_space<hbm>>) dst(%dma_wait3A_544 : memref<78x128xi32, #tpu.memory_space<vmem>>)
      tpu.yield
    }) : () -> ()
    %convert_element_type3A_13 = arith.extui %lt3A_1 : i1 to i32
    %cond3A = arith.constant 0 : i32
    %cond3A_14 = arith.cmpi ne, %convert_element_type3A_13, %cond3A : i32
    scf.if %cond3A_14 {
      %add3A_514 = arith.constant 78 : i32
      %add3A_515 = arith.addi %add3A_7, %add3A_514 : i32
      %run_scoped3A_516 = arith.constant 0 : i32
      "tpu.region"() ({
        %run_scoped3A_520 = tpu.sem_alloc : memref<!tpu.dma_semaphore, #tpu.memory_space<semaphore_mem>>
        %dma_start3A_521 = arith.constant 78 : i32
        %dma_start3A_522 = arith.constant 0 : i32
        %dma_start3A_523 = tpu.memref_slice %arg5[%dma_start3A_521, %dma_start3A_522] : memref<79x128xi32, #tpu.memory_space<vmem>> -> memref<1x128xi32, #tpu.memory_space<vmem>>
        %dma_start3A_524 = arith.constant 0 : i32
        %dma_start3A_525 = arith.constant 0 : i32
        %dma_start3A_526 = tpu.memref_slice %arg3[%run_scoped3A_516, %dma_start3A_524, %dma_start3A_525] : memref<2x2500x128xi32, #tpu.memory_space<hbm>> -> memref<1x2500x128xi32, #tpu.memory_space<hbm>>
        %dma_start3A_527 = tpu.memref_squeeze %dma_start3A_526 : memref<1x2500x128xi32, #tpu.memory_space<hbm>> -> memref<2500x128xi32, #tpu.memory_space<hbm>>
        %dma_start3A_528 = arith.constant 0 : i32
        %dma_start3A_529 = tpu.memref_slice %dma_start3A_527[%add3A_515, %dma_start3A_528] : memref<2500x128xi32, #tpu.memory_space<hbm>> -> memref<1x128xi32, #tpu.memory_space<hbm>>
        %dma_start3A_530 = arith.constant 78 : i32
        %dma_start3A_531 = arith.constant 0 : i32
        %dma_start3A_532 = tpu.memref_slice %arg5[%dma_start3A_530, %dma_start3A_531] : memref<79x128xi32, #tpu.memory_space<vmem>> -> memref<1x128xi32, #tpu.memory_space<vmem>>
        %dma_start3A_533 = arith.constant 0 : i32
        %dma_start3A_534 = arith.constant 0 : i32
        %dma_start3A_535 = tpu.memref_slice %arg3[%run_scoped3A_516, %dma_start3A_533, %dma_start3A_534] : memref<2x2500x128xi32, #tpu.memory_space<hbm>> -> memref<1x2500x128xi32, #tpu.memory_space<hbm>>
        %dma_start3A_536 = tpu.memref_squeeze %dma_start3A_535 : memref<1x2500x128xi32, #tpu.memory_space<hbm>> -> memref<2500x128xi32, #tpu.memory_space<hbm>>
        %dma_start3A_537 = arith.constant 0 : i32
        %dma_start3A_538 = tpu.memref_slice %dma_start3A_536[%add3A_515, %dma_start3A_537] : memref<2500x128xi32, #tpu.memory_space<hbm>> -> memref<1x128xi32, #tpu.memory_space<hbm>>
        tpu.enqueue_dma source(%dma_start3A_538 : memref<1x128xi32, #tpu.memory_space<hbm>>) target(%dma_start3A_532 : memref<1x128xi32, #tpu.memory_space<vmem>>) target_semaphore(%run_scoped3A_520 : memref<!tpu.dma_semaphore, #tpu.memory_space<semaphore_mem>>)
        %dma_wait3A_539 = arith.constant 78 : i32
        %dma_wait3A_540 = arith.constant 0 : i32
        %dma_wait3A_541 = tpu.memref_slice %arg5[%dma_wait3A_539, %dma_wait3A_540] : memref<79x128xi32, #tpu.memory_space<vmem>> -> memref<1x128xi32, #tpu.memory_space<vmem>>
        %dma_wait3A_542 = arith.constant 0 : i32
        %dma_wait3A_543 = arith.constant 0 : i32
        %dma_wait3A_544 = tpu.memref_slice %arg3[%run_scoped3A_516, %dma_wait3A_542, %dma_wait3A_543] : memref<2x2500x128xi32, #tpu.memory_space<hbm>> -> memref<1x2500x128xi32, #tpu.memory_space<hbm>>
        %dma_wait3A_545 = tpu.memref_squeeze %dma_wait3A_544 : memref<1x2500x128xi32, #tpu.memory_space<hbm>> -> memref<2500x128xi32, #tpu.memory_space<hbm>>
        %dma_wait3A_546 = arith.constant 0 : i32
        %dma_wait3A_547 = tpu.memref_slice %dma_wait3A_545[%add3A_515, %dma_wait3A_546] : memref<2500x128xi32, #tpu.memory_space<hbm>> -> memref<1x128xi32, #tpu.memory_space<hbm>>
        %dma_wait3A_548 = arith.constant 78 : i32
        %dma_wait3A_549 = arith.constant 0 : i32
        %dma_wait3A_550 = tpu.memref_slice %arg5[%dma_wait3A_548, %dma_wait3A_549] : memref<79x128xi32, #tpu.memory_space<vmem>> -> memref<1x128xi32, #tpu.memory_space<vmem>>
        %dma_wait3A_551 = arith.constant 0 : i32
        %dma_wait3A_552 = arith.constant 0 : i32
        %dma_wait3A_553 = tpu.memref_slice %arg3[%run_scoped3A_516, %dma_wait3A_551, %dma_wait3A_552] : memref<2x2500x128xi32, #tpu.memory_space<hbm>> -> memref<1x2500x128xi32, #tpu.memory_space<hbm>>
        %dma_wait3A_554 = tpu.memref_squeeze %dma_wait3A_553 : memref<1x2500x128xi32, #tpu.memory_space<hbm>> -> memref<2500x128xi32, #tpu.memory_space<hbm>>
        %dma_wait3A_555 = arith.constant 0 : i32
        %dma_wait3A_556 = tpu.memref_slice %dma_wait3A_554[%add3A_515, %dma_wait3A_555] : memref<2500x128xi32, #tpu.memory_space<hbm>> -> memref<1x128xi32, #tpu.memory_space<hbm>>
        tpu.wait_dma2 semaphore(%run_scoped3A_520 : memref<!tpu.dma_semaphore, #tpu.memory_space<semaphore_mem>>) src(%dma_wait3A_556 : memref<1x128xi32, #tpu.memory_space<hbm>>) dst(%dma_wait3A_550 : memref<1x128xi32, #tpu.memory_space<vmem>>)
        tpu.yield
      }) : () -> ()
      %add3A_517 = arith.constant 78 : i32
      %add3A_518 = arith.addi %add3A_7, %add3A_517 : i32
      %run_scoped3A_519 = arith.constant 1 : i32
      "tpu.region"() ({
        %run_scoped3A_520 = tpu.sem_alloc : memref<!tpu.dma_semaphore, #tpu.memory_space<semaphore_mem>>
        %dma_start3A_521 = arith.constant 78 : i32
        %dma_start3A_522 = arith.constant 0 : i32
        %dma_start3A_523 = tpu.memref_slice %arg6[%dma_start3A_521, %dma_start3A_522] : memref<79x128xi32, #tpu.memory_space<vmem>> -> memref<1x128xi32, #tpu.memory_space<vmem>>
        %dma_start3A_524 = arith.constant 0 : i32
        %dma_start3A_525 = arith.constant 0 : i32
        %dma_start3A_526 = tpu.memref_slice %arg3[%run_scoped3A_519, %dma_start3A_524, %dma_start3A_525] : memref<2x2500x128xi32, #tpu.memory_space<hbm>> -> memref<1x2500x128xi32, #tpu.memory_space<hbm>>
        %dma_start3A_527 = tpu.memref_squeeze %dma_start3A_526 : memref<1x2500x128xi32, #tpu.memory_space<hbm>> -> memref<2500x128xi32, #tpu.memory_space<hbm>>
        %dma_start3A_528 = arith.constant 0 : i32
        %dma_start3A_529 = tpu.memref_slice %dma_start3A_527[%add3A_518, %dma_start3A_528] : memref<2500x128xi32, #tpu.memory_space<hbm>> -> memref<1x128xi32, #tpu.memory_space<hbm>>
        %dma_start3A_530 = arith.constant 78 : i32
        %dma_start3A_531 = arith.constant 0 : i32
        %dma_start3A_532 = tpu.memref_slice %arg6[%dma_start3A_530, %dma_start3A_531] : memref<79x128xi32, #tpu.memory_space<vmem>> -> memref<1x128xi32, #tpu.memory_space<vmem>>
        %dma_start3A_533 = arith.constant 0 : i32
        %dma_start3A_534 = arith.constant 0 : i32
        %dma_start3A_535 = tpu.memref_slice %arg3[%run_scoped3A_519, %dma_start3A_533, %dma_start3A_534] : memref<2x2500x128xi32, #tpu.memory_space<hbm>> -> memref<1x2500x128xi32, #tpu.memory_space<hbm>>
        %dma_start3A_536 = tpu.memref_squeeze %dma_start3A_535 : memref<1x2500x128xi32, #tpu.memory_space<hbm>> -> memref<2500x128xi32, #tpu.memory_space<hbm>>
        %dma_start3A_537 = arith.constant 0 : i32
        %dma_start3A_538 = tpu.memref_slice %dma_start3A_536[%add3A_518, %dma_start3A_537] : memref<2500x128xi32, #tpu.memory_space<hbm>> -> memref<1x128xi32, #tpu.memory_space<hbm>>
        tpu.enqueue_dma source(%dma_start3A_538 : memref<1x128xi32, #tpu.memory_space<hbm>>) target(%dma_start3A_532 : memref<1x128xi32, #tpu.memory_space<vmem>>) target_semaphore(%run_scoped3A_520 : memref<!tpu.dma_semaphore, #tpu.memory_space<semaphore_mem>>)
        %dma_wait3A_539 = arith.constant 78 : i32
        %dma_wait3A_540 = arith.constant 0 : i32
        %dma_wait3A_541 = tpu.memref_slice %arg6[%dma_wait3A_539, %dma_wait3A_540] : memref<79x128xi32, #tpu.memory_space<vmem>> -> memref<1x128xi32, #tpu.memory_space<vmem>>
        %dma_wait3A_542 = arith.constant 0 : i32
        %dma_wait3A_543 = arith.constant 0 : i32
        %dma_wait3A_544 = tpu.memref_slice %arg3[%run_scoped3A_519, %dma_wait3A_542, %dma_wait3A_543] : memref<2x2500x128xi32, #tpu.memory_space<hbm>> -> memref<1x2500x128xi32, #tpu.memory_space<hbm>>
        %dma_wait3A_545 = tpu.memref_squeeze %dma_wait3A_544 : memref<1x2500x128xi32, #tpu.memory_space<hbm>> -> memref<2500x128xi32, #tpu.memory_space<hbm>>
        %dma_wait3A_546 = arith.constant 0 : i32
        %dma_wait3A_547 = tpu.memref_slice %dma_wait3A_545[%add3A_518, %dma_wait3A_546] : memref<2500x128xi32, #tpu.memory_space<hbm>> -> memref<1x128xi32, #tpu.memory_space<hbm>>
        %dma_wait3A_548 = arith.constant 78 : i32
        %dma_wait3A_549 = arith.constant 0 : i32
        %dma_wait3A_550 = tpu.memref_slice %arg6[%dma_wait3A_548, %dma_wait3A_549] : memref<79x128xi32, #tpu.memory_space<vmem>> -> memref<1x128xi32, #tpu.memory_space<vmem>>
        %dma_wait3A_551 = arith.constant 0 : i32
        %dma_wait3A_552 = arith.constant 0 : i32
        %dma_wait3A_553 = tpu.memref_slice %arg3[%run_scoped3A_519, %dma_wait3A_551, %dma_wait3A_552] : memref<2x2500x128xi32, #tpu.memory_space<hbm>> -> memref<1x2500x128xi32, #tpu.memory_space<hbm>>
        %dma_wait3A_554 = tpu.memref_squeeze %dma_wait3A_553 : memref<1x2500x128xi32, #tpu.memory_space<hbm>> -> memref<2500x128xi32, #tpu.memory_space<hbm>>
        %dma_wait3A_555 = arith.constant 0 : i32
        %dma_wait3A_556 = tpu.memref_slice %dma_wait3A_554[%add3A_518, %dma_wait3A_555] : memref<2500x128xi32, #tpu.memory_space<hbm>> -> memref<1x128xi32, #tpu.memory_space<hbm>>
        tpu.wait_dma2 semaphore(%run_scoped3A_520 : memref<!tpu.dma_semaphore, #tpu.memory_space<semaphore_mem>>) src(%dma_wait3A_556 : memref<1x128xi32, #tpu.memory_space<hbm>>) dst(%dma_wait3A_550 : memref<1x128xi32, #tpu.memory_space<vmem>>)
        tpu.yield
      }) : () -> ()
    } else {
    }
    %mul3A_15 = arith.constant 640 : i32
    %mul3A_16 = arith.muli %arg1, %mul3A_15 : i32
    "tpu.region"() ({
      %run_scoped3A_514 = tpu.sem_alloc : memref<!tpu.dma_semaphore, #tpu.memory_space<semaphore_mem>>
      %dma_start3A_515 = arith.constant 0 : i32
      %dma_start3A_516 = tpu.memref_slice %arg9[%mul3A_16, %dma_start3A_515] : memref<10240x16xf32, #tpu.memory_space<vmem_shared>> -> memref<640x16xf32, #tpu.memory_space<vmem_shared>>
      %dma_start3A_517 = arith.constant 0 : i32
      %dma_start3A_518 = tpu.memref_slice %arg9[%mul3A_16, %dma_start3A_517] : memref<10240x16xf32, #tpu.memory_space<vmem_shared>> -> memref<640x16xf32, #tpu.memory_space<vmem_shared>>
      tpu.enqueue_dma source(%arg8 : memref<640x16xf32, #tpu.memory_space<vmem>>) target(%dma_start3A_518 : memref<640x16xf32, #tpu.memory_space<vmem_shared>>) target_semaphore(%run_scoped3A_514 : memref<!tpu.dma_semaphore, #tpu.memory_space<semaphore_mem>>)
      %dma_wait3A_519 = arith.constant 0 : i32
      %dma_wait3A_520 = tpu.memref_slice %arg9[%mul3A_16, %dma_wait3A_519] : memref<10240x16xf32, #tpu.memory_space<vmem_shared>> -> memref<640x16xf32, #tpu.memory_space<vmem_shared>>
      %dma_wait3A_521 = arith.constant 0 : i32
      %dma_wait3A_522 = tpu.memref_slice %arg9[%mul3A_16, %dma_wait3A_521] : memref<10240x16xf32, #tpu.memory_space<vmem_shared>> -> memref<640x16xf32, #tpu.memory_space<vmem_shared>>
      tpu.wait_dma2 semaphore(%run_scoped3A_514 : memref<!tpu.dma_semaphore, #tpu.memory_space<semaphore_mem>>) src(%arg8 : memref<640x16xf32, #tpu.memory_space<vmem>>) dst(%dma_wait3A_522 : memref<640x16xf32, #tpu.memory_space<vmem_shared>>)
      tpu.yield
    }) : () -> ()
    %barrier3A = arith.constant 0 : index
    tpu.barrier barrier_id(%barrier3A)
    %dma_start3A = arith.constant 0 : i32
    %dma_start3A_17 = arith.constant 0 : i32
    %dma_start3A_18 = arith.constant 0 : i32
    %dma_start3A_19 = arith.constant 0 : i32
    %dma_start3A_20 = tpu.memref_slice %arg7[%dma_start3A_17, %dma_start3A_18, %dma_start3A_19] : memref<8x128x16xf32, #tpu.memory_space<vmem>> -> memref<1x128x16xf32, #tpu.memory_space<vmem>>
    %dma_start3A_21 = tpu.memref_squeeze %dma_start3A_20 : memref<1x128x16xf32, #tpu.memory_space<vmem>> -> memref<128x16xf32, #tpu.memory_space<vmem>>
    %dma_start3A_22 = arith.constant 0 : i32
    %dma_start3A_23 = tpu.memref_slice %arg5[%dma_start3A, %dma_start3A_22] : memref<79x128xi32, #tpu.memory_space<vmem>> -> memref<1x128xi32, #tpu.memory_space<vmem>>
    %dma_start3A_24 = tpu.memref_squeeze %dma_start3A_23 : memref<1x128xi32, #tpu.memory_space<vmem>> -> memref<128xi32, #tpu.memory_space<vmem>>
    %dma_start3A_25 = arith.constant 0 : i32
    %dma_start3A_26 = arith.constant 0 : i32
    %dma_start3A_27 = tpu.memref_slice %arg2[%dma_start3A_25, %dma_start3A_26] : memref<10000x16xf32, #tpu.memory_space<hbm>> -> memref<10000x16xf32, #tpu.memory_space<hbm>>
    tpu.enqueue_indirect_dma source(%dma_start3A_27 : memref<10000x16xf32, #tpu.memory_space<hbm>>) target(%dma_start3A_21 : memref<128x16xf32, #tpu.memory_space<vmem>>) offsets(%dma_start3A_24 : memref<128xi32, #tpu.memory_space<vmem>>) semaphore(%arg10 : memref<!tpu.dma_semaphore, #tpu.memory_space<semaphore_mem>>)
    %dma_start3A_28 = arith.constant 1 : i32
    %dma_start3A_29 = arith.constant 1 : i32
    %dma_start3A_30 = arith.constant 0 : i32
    %dma_start3A_31 = arith.constant 0 : i32
    %dma_start3A_32 = tpu.memref_slice %arg7[%dma_start3A_29, %dma_start3A_30, %dma_start3A_31] : memref<8x128x16xf32, #tpu.memory_space<vmem>> -> memref<1x128x16xf32, #tpu.memory_space<vmem>>
    %dma_start3A_33 = tpu.memref_squeeze %dma_start3A_32 : memref<1x128x16xf32, #tpu.memory_space<vmem>> -> memref<128x16xf32, #tpu.memory_space<vmem>>
    %dma_start3A_34 = arith.constant 0 : i32
    %dma_start3A_35 = tpu.memref_slice %arg5[%dma_start3A_28, %dma_start3A_34] : memref<79x128xi32, #tpu.memory_space<vmem>> -> memref<1x128xi32, #tpu.memory_space<vmem>>
    %dma_start3A_36 = tpu.memref_squeeze %dma_start3A_35 : memref<1x128xi32, #tpu.memory_space<vmem>> -> memref<128xi32, #tpu.memory_space<vmem>>
    %dma_start3A_37 = arith.constant 0 : i32
    %dma_start3A_38 = arith.constant 0 : i32
    %dma_start3A_39 = tpu.memref_slice %arg2[%dma_start3A_37, %dma_start3A_38] : memref<10000x16xf32, #tpu.memory_space<hbm>> -> memref<10000x16xf32, #tpu.memory_space<hbm>>
    tpu.enqueue_indirect_dma source(%dma_start3A_39 : memref<10000x16xf32, #tpu.memory_space<hbm>>) target(%dma_start3A_33 : memref<128x16xf32, #tpu.memory_space<vmem>>) offsets(%dma_start3A_36 : memref<128xi32, #tpu.memory_space<vmem>>) semaphore(%arg11 : memref<!tpu.dma_semaphore, #tpu.memory_space<semaphore_mem>>)
    %dma_start3A_40 = arith.constant 2 : i32
    %dma_start3A_41 = arith.constant 2 : i32
    %dma_start3A_42 = arith.constant 0 : i32
    %dma_start3A_43 = arith.constant 0 : i32
    %dma_start3A_44 = tpu.memref_slice %arg7[%dma_start3A_41, %dma_start3A_42, %dma_start3A_43] : memref<8x128x16xf32, #tpu.memory_space<vmem>> -> memref<1x128x16xf32, #tpu.memory_space<vmem>>
    %dma_start3A_45 = tpu.memref_squeeze %dma_start3A_44 : memref<1x128x16xf32, #tpu.memory_space<vmem>> -> memref<128x16xf32, #tpu.memory_space<vmem>>
    %dma_start3A_46 = arith.constant 0 : i32
    %dma_start3A_47 = tpu.memref_slice %arg5[%dma_start3A_40, %dma_start3A_46] : memref<79x128xi32, #tpu.memory_space<vmem>> -> memref<1x128xi32, #tpu.memory_space<vmem>>
    %dma_start3A_48 = tpu.memref_squeeze %dma_start3A_47 : memref<1x128xi32, #tpu.memory_space<vmem>> -> memref<128xi32, #tpu.memory_space<vmem>>
    %dma_start3A_49 = arith.constant 0 : i32
    %dma_start3A_50 = arith.constant 0 : i32
    %dma_start3A_51 = tpu.memref_slice %arg2[%dma_start3A_49, %dma_start3A_50] : memref<10000x16xf32, #tpu.memory_space<hbm>> -> memref<10000x16xf32, #tpu.memory_space<hbm>>
    tpu.enqueue_indirect_dma source(%dma_start3A_51 : memref<10000x16xf32, #tpu.memory_space<hbm>>) target(%dma_start3A_45 : memref<128x16xf32, #tpu.memory_space<vmem>>) offsets(%dma_start3A_48 : memref<128xi32, #tpu.memory_space<vmem>>) semaphore(%arg12 : memref<!tpu.dma_semaphore, #tpu.memory_space<semaphore_mem>>)
    %dma_start3A_52 = arith.constant 3 : i32
    %dma_start3A_53 = arith.constant 3 : i32
    %dma_start3A_54 = arith.constant 0 : i32
    %dma_start3A_55 = arith.constant 0 : i32
    %dma_start3A_56 = tpu.memref_slice %arg7[%dma_start3A_53, %dma_start3A_54, %dma_start3A_55] : memref<8x128x16xf32, #tpu.memory_space<vmem>> -> memref<1x128x16xf32, #tpu.memory_space<vmem>>
    %dma_start3A_57 = tpu.memref_squeeze %dma_start3A_56 : memref<1x128x16xf32, #tpu.memory_space<vmem>> -> memref<128x16xf32, #tpu.memory_space<vmem>>
    %dma_start3A_58 = arith.constant 0 : i32
    %dma_start3A_59 = tpu.memref_slice %arg5[%dma_start3A_52, %dma_start3A_58] : memref<79x128xi32, #tpu.memory_space<vmem>> -> memref<1x128xi32, #tpu.memory_space<vmem>>
    %dma_start3A_60 = tpu.memref_squeeze %dma_start3A_59 : memref<1x128xi32, #tpu.memory_space<vmem>> -> memref<128xi32, #tpu.memory_space<vmem>>
    %dma_start3A_61 = arith.constant 0 : i32
    %dma_start3A_62 = arith.constant 0 : i32
    %dma_start3A_63 = tpu.memref_slice %arg2[%dma_start3A_61, %dma_start3A_62] : memref<10000x16xf32, #tpu.memory_space<hbm>> -> memref<10000x16xf32, #tpu.memory_space<hbm>>
    tpu.enqueue_indirect_dma source(%dma_start3A_63 : memref<10000x16xf32, #tpu.memory_space<hbm>>) target(%dma_start3A_57 : memref<128x16xf32, #tpu.memory_space<vmem>>) offsets(%dma_start3A_60 : memref<128xi32, #tpu.memory_space<vmem>>) semaphore(%arg13 : memref<!tpu.dma_semaphore, #tpu.memory_space<semaphore_mem>>)
    %scan3A_64 = arith.constant 0 : i32
    %scan3A_65 = arith.constant 9 : i32
    %scan3A_66 = arith.addi %scan3A_64, %scan3A_65 : i32
    %scan3A_67 = arith.constant 1 : i32
    scf.for %scan3A_514 = %scan3A_64 to %scan3A_66 step %scan3A_67  : i32 {
      %mul3A_515 = arith.constant 8 : i32
      %mul3A_516 = arith.muli %scan3A_514, %mul3A_515 : i32
      %add3A_517 = arith.constant 0 : i32
      %add3A_518 = arith.addi %add3A_517, %mul3A_516 : i32
      %add3A_519 = arith.constant 0 : i32
      %add3A_520 = arith.addi %add3A_518, %add3A_519 : i32
      %dma_wait3A_521 = arith.constant 0 : i32
      %dma_wait3A_522 = arith.constant 0 : i32
      %dma_wait3A_523 = arith.constant 0 : i32
      %dma_wait3A_524 = tpu.memref_slice %arg7[%dma_wait3A_521, %dma_wait3A_522, %dma_wait3A_523] : memref<8x128x16xf32, #tpu.memory_space<vmem>> -> memref<1x128x16xf32, #tpu.memory_space<vmem>>
      %dma_wait3A_525 = tpu.memref_squeeze %dma_wait3A_524 : memref<1x128x16xf32, #tpu.memory_space<vmem>> -> memref<128x16xf32, #tpu.memory_space<vmem>>
      %dma_wait3A_526 = arith.constant 0 : i32
      %dma_wait3A_527 = tpu.memref_slice %arg5[%add3A_520, %dma_wait3A_526] : memref<79x128xi32, #tpu.memory_space<vmem>> -> memref<1x128xi32, #tpu.memory_space<vmem>>
      %dma_wait3A_528 = tpu.memref_squeeze %dma_wait3A_527 : memref<1x128xi32, #tpu.memory_space<vmem>> -> memref<128xi32, #tpu.memory_space<vmem>>
      %dma_wait3A_529 = arith.constant 0 : i32
      %dma_wait3A_530 = arith.constant 0 : i32
      %dma_wait3A_531 = tpu.memref_slice %arg2[%dma_wait3A_529, %dma_wait3A_530] : memref<10000x16xf32, #tpu.memory_space<hbm>> -> memref<10000x16xf32, #tpu.memory_space<hbm>>
      tpu.wait_indirect_dma semaphore(%arg10 : memref<!tpu.dma_semaphore, #tpu.memory_space<semaphore_mem>>) src(%dma_wait3A_531 : memref<10000x16xf32, #tpu.memory_space<hbm>>) dst(%dma_wait3A_525 : memref<128x16xf32, #tpu.memory_space<vmem>>)
      %dma_start3A_532 = arith.constant 0 : i32
      %dma_start3A_533 = arith.constant 0 : i32
      %dma_start3A_534 = arith.constant 0 : i32
      %dma_start3A_535 = tpu.memref_slice %arg7[%dma_start3A_532, %dma_start3A_533, %dma_start3A_534] : memref<8x128x16xf32, #tpu.memory_space<vmem>> -> memref<1x128x16xf32, #tpu.memory_space<vmem>>
      %dma_start3A_536 = tpu.memref_squeeze %dma_start3A_535 : memref<1x128x16xf32, #tpu.memory_space<vmem>> -> memref<128x16xf32, #tpu.memory_space<vmem>>
      %dma_start3A_537 = arith.constant 0 : i32
      %dma_start3A_538 = tpu.memref_slice %arg6[%add3A_520, %dma_start3A_537] : memref<79x128xi32, #tpu.memory_space<vmem>> -> memref<1x128xi32, #tpu.memory_space<vmem>>
      %dma_start3A_539 = tpu.memref_squeeze %dma_start3A_538 : memref<1x128xi32, #tpu.memory_space<vmem>> -> memref<128xi32, #tpu.memory_space<vmem>>
      %dma_start3A_540 = arith.constant 0 : i32
      %dma_start3A_541 = arith.constant 0 : i32
      %dma_start3A_542 = tpu.memref_slice %arg9[%dma_start3A_540, %dma_start3A_541] : memref<10240x16xf32, #tpu.memory_space<vmem_shared>> -> memref<10240x16xf32, #tpu.memory_space<vmem_shared>>
      tpu.enqueue_indirect_dma source(%dma_start3A_536 : memref<128x16xf32, #tpu.memory_space<vmem>>) target(%dma_start3A_542 : memref<10240x16xf32, #tpu.memory_space<vmem_shared>>) offsets(%dma_start3A_539 : memref<128xi32, #tpu.memory_space<vmem>>) semaphore(%arg18 : memref<!tpu.dma_semaphore, #tpu.memory_space<semaphore_mem>>) {add = true}
      %ge3A = arith.constant 4 : i32
      %ge3A_543 = arith.cmpi sge, %add3A_520, %ge3A : i32
      %convert_element_type3A_544 = arith.extui %ge3A_543 : i1 to i32
      %cond3A_545 = arith.constant 0 : i32
      %cond3A_546 = arith.cmpi ne, %convert_element_type3A_544, %cond3A_545 : i32
      scf.if %cond3A_546 {
        %dma_wait3A_798 = arith.constant 4 : i32
        %dma_wait3A_799 = arith.constant 0 : i32
        %dma_wait3A_800 = arith.constant 0 : i32
        %dma_wait3A_801 = arith.constant 0 : i32
        %dma_wait3A_802 = tpu.memref_slice %arg7[%dma_wait3A_798, %dma_wait3A_800, %dma_wait3A_801] : memref<8x128x16xf32, #tpu.memory_space<vmem>> -> memref<1x128x16xf32, #tpu.memory_space<vmem>>
        %dma_wait3A_803 = tpu.memref_squeeze %dma_wait3A_802 : memref<1x128x16xf32, #tpu.memory_space<vmem>> -> memref<128x16xf32, #tpu.memory_space<vmem>>
        %dma_wait3A_804 = arith.constant 0 : i32
        %dma_wait3A_805 = tpu.memref_slice %arg6[%dma_wait3A_799, %dma_wait3A_804] : memref<79x128xi32, #tpu.memory_space<vmem>> -> memref<1x128xi32, #tpu.memory_space<vmem>>
        %dma_wait3A_806 = tpu.memref_squeeze %dma_wait3A_805 : memref<1x128xi32, #tpu.memory_space<vmem>> -> memref<128xi32, #tpu.memory_space<vmem>>
        %dma_wait3A_807 = arith.constant 0 : i32
        %dma_wait3A_808 = arith.constant 0 : i32
        %dma_wait3A_809 = tpu.memref_slice %arg9[%dma_wait3A_807, %dma_wait3A_808] : memref<10240x16xf32, #tpu.memory_space<vmem_shared>> -> memref<10240x16xf32, #tpu.memory_space<vmem_shared>>
        tpu.wait_indirect_dma semaphore(%arg22 : memref<!tpu.dma_semaphore, #tpu.memory_space<semaphore_mem>>) src(%dma_wait3A_803 : memref<128x16xf32, #tpu.memory_space<vmem>>) dst(%dma_wait3A_809 : memref<10240x16xf32, #tpu.memory_space<vmem_shared>>)
      } else {
      }
      %add3A_547 = arith.constant 4 : i32
      %add3A_548 = arith.addi %add3A_520, %add3A_547 : i32
      %lt3A_549 = arith.cmpi slt, %add3A_548, %add3A_3 : i32
      %convert_element_type3A_550 = arith.extui %lt3A_549 : i1 to i32
      %cond3A_551 = arith.constant 0 : i32
      %cond3A_552 = arith.cmpi ne, %convert_element_type3A_550, %cond3A_551 : i32
      scf.if %cond3A_552 {
        %add3A_798 = arith.constant 4 : i32
        %add3A_799 = arith.addi %add3A_520, %add3A_798 : i32
        %dma_start3A_800 = arith.constant 4 : i32
        %dma_start3A_801 = arith.constant 0 : i32
        %dma_start3A_802 = arith.constant 0 : i32
        %dma_start3A_803 = tpu.memref_slice %arg7[%dma_start3A_800, %dma_start3A_801, %dma_start3A_802] : memref<8x128x16xf32, #tpu.memory_space<vmem>> -> memref<1x128x16xf32, #tpu.memory_space<vmem>>
        %dma_start3A_804 = tpu.memref_squeeze %dma_start3A_803 : memref<1x128x16xf32, #tpu.memory_space<vmem>> -> memref<128x16xf32, #tpu.memory_space<vmem>>
        %dma_start3A_805 = arith.constant 0 : i32
        %dma_start3A_806 = tpu.memref_slice %arg5[%add3A_799, %dma_start3A_805] : memref<79x128xi32, #tpu.memory_space<vmem>> -> memref<1x128xi32, #tpu.memory_space<vmem>>
        %dma_start3A_807 = tpu.memref_squeeze %dma_start3A_806 : memref<1x128xi32, #tpu.memory_space<vmem>> -> memref<128xi32, #tpu.memory_space<vmem>>
        %dma_start3A_808 = arith.constant 0 : i32
        %dma_start3A_809 = arith.constant 0 : i32
        %dma_start3A_810 = tpu.memref_slice %arg2[%dma_start3A_808, %dma_start3A_809] : memref<10000x16xf32, #tpu.memory_space<hbm>> -> memref<10000x16xf32, #tpu.memory_space<hbm>>
        tpu.enqueue_indirect_dma source(%dma_start3A_810 : memref<10000x16xf32, #tpu.memory_space<hbm>>) target(%dma_start3A_804 : memref<128x16xf32, #tpu.memory_space<vmem>>) offsets(%dma_start3A_807 : memref<128xi32, #tpu.memory_space<vmem>>) semaphore(%arg14 : memref<!tpu.dma_semaphore, #tpu.memory_space<semaphore_mem>>)
      } else {
      }
      %add3A_553 = arith.constant 1 : i32
      %add3A_554 = arith.addi %add3A_518, %add3A_553 : i32
      %dma_wait3A_555 = arith.constant 1 : i32
      %dma_wait3A_556 = arith.constant 0 : i32
      %dma_wait3A_557 = arith.constant 0 : i32
      %dma_wait3A_558 = tpu.memref_slice %arg7[%dma_wait3A_555, %dma_wait3A_556, %dma_wait3A_557] : memref<8x128x16xf32, #tpu.memory_space<vmem>> -> memref<1x128x16xf32, #tpu.memory_space<vmem>>
      %dma_wait3A_559 = tpu.memref_squeeze %dma_wait3A_558 : memref<1x128x16xf32, #tpu.memory_space<vmem>> -> memref<128x16xf32, #tpu.memory_space<vmem>>
      %dma_wait3A_560 = arith.constant 0 : i32
      %dma_wait3A_561 = tpu.memref_slice %arg5[%add3A_554, %dma_wait3A_560] : memref<79x128xi32, #tpu.memory_space<vmem>> -> memref<1x128xi32, #tpu.memory_space<vmem>>
      %dma_wait3A_562 = tpu.memref_squeeze %dma_wait3A_561 : memref<1x128xi32, #tpu.memory_space<vmem>> -> memref<128xi32, #tpu.memory_space<vmem>>
      %dma_wait3A_563 = arith.constant 0 : i32
      %dma_wait3A_564 = arith.constant 0 : i32
      %dma_wait3A_565 = tpu.memref_slice %arg2[%dma_wait3A_563, %dma_wait3A_564] : memref<10000x16xf32, #tpu.memory_space<hbm>> -> memref<10000x16xf32, #tpu.memory_space<hbm>>
      tpu.wait_indirect_dma semaphore(%arg11 : memref<!tpu.dma_semaphore, #tpu.memory_space<semaphore_mem>>) src(%dma_wait3A_565 : memref<10000x16xf32, #tpu.memory_space<hbm>>) dst(%dma_wait3A_559 : memref<128x16xf32, #tpu.memory_space<vmem>>)
      %dma_start3A_566 = arith.constant 1 : i32
      %dma_start3A_567 = arith.constant 0 : i32
      %dma_start3A_568 = arith.constant 0 : i32
      %dma_start3A_569 = tpu.memref_slice %arg7[%dma_start3A_566, %dma_start3A_567, %dma_start3A_568] : memref<8x128x16xf32, #tpu.memory_space<vmem>> -> memref<1x128x16xf32, #tpu.memory_space<vmem>>
      %dma_start3A_570 = tpu.memref_squeeze %dma_start3A_569 : memref<1x128x16xf32, #tpu.memory_space<vmem>> -> memref<128x16xf32, #tpu.memory_space<vmem>>
      %dma_start3A_571 = arith.constant 0 : i32
      %dma_start3A_572 = tpu.memref_slice %arg6[%add3A_554, %dma_start3A_571] : memref<79x128xi32, #tpu.memory_space<vmem>> -> memref<1x128xi32, #tpu.memory_space<vmem>>
      %dma_start3A_573 = tpu.memref_squeeze %dma_start3A_572 : memref<1x128xi32, #tpu.memory_space<vmem>> -> memref<128xi32, #tpu.memory_space<vmem>>
      %dma_start3A_574 = arith.constant 0 : i32
      %dma_start3A_575 = arith.constant 0 : i32
      %dma_start3A_576 = tpu.memref_slice %arg9[%dma_start3A_574, %dma_start3A_575] : memref<10240x16xf32, #tpu.memory_space<vmem_shared>> -> memref<10240x16xf32, #tpu.memory_space<vmem_shared>>
      tpu.enqueue_indirect_dma source(%dma_start3A_570 : memref<128x16xf32, #tpu.memory_space<vmem>>) target(%dma_start3A_576 : memref<10240x16xf32, #tpu.memory_space<vmem_shared>>) offsets(%dma_start3A_573 : memref<128xi32, #tpu.memory_space<vmem>>) semaphore(%arg19 : memref<!tpu.dma_semaphore, #tpu.memory_space<semaphore_mem>>) {add = true}
      %ge3A_577 = arith.constant 4 : i32
      %ge3A_578 = arith.cmpi sge, %add3A_554, %ge3A_577 : i32
      %convert_element_type3A_579 = arith.extui %ge3A_578 : i1 to i32
      %cond3A_580 = arith.constant 0 : i32
      %cond3A_581 = arith.cmpi ne, %convert_element_type3A_579, %cond3A_580 : i32
      scf.if %cond3A_581 {
        %dma_wait3A_798 = arith.constant 5 : i32
        %dma_wait3A_799 = arith.constant 0 : i32
        %dma_wait3A_800 = arith.constant 0 : i32
        %dma_wait3A_801 = arith.constant 0 : i32
        %dma_wait3A_802 = tpu.memref_slice %arg7[%dma_wait3A_798, %dma_wait3A_800, %dma_wait3A_801] : memref<8x128x16xf32, #tpu.memory_space<vmem>> -> memref<1x128x16xf32, #tpu.memory_space<vmem>>
        %dma_wait3A_803 = tpu.memref_squeeze %dma_wait3A_802 : memref<1x128x16xf32, #tpu.memory_space<vmem>> -> memref<128x16xf32, #tpu.memory_space<vmem>>
        %dma_wait3A_804 = arith.constant 0 : i32
        %dma_wait3A_805 = tpu.memref_slice %arg6[%dma_wait3A_799, %dma_wait3A_804] : memref<79x128xi32, #tpu.memory_space<vmem>> -> memref<1x128xi32, #tpu.memory_space<vmem>>
        %dma_wait3A_806 = tpu.memref_squeeze %dma_wait3A_805 : memref<1x128xi32, #tpu.memory_space<vmem>> -> memref<128xi32, #tpu.memory_space<vmem>>
        %dma_wait3A_807 = arith.constant 0 : i32
        %dma_wait3A_808 = arith.constant 0 : i32
        %dma_wait3A_809 = tpu.memref_slice %arg9[%dma_wait3A_807, %dma_wait3A_808] : memref<10240x16xf32, #tpu.memory_space<vmem_shared>> -> memref<10240x16xf32, #tpu.memory_space<vmem_shared>>
        tpu.wait_indirect_dma semaphore(%arg23 : memref<!tpu.dma_semaphore, #tpu.memory_space<semaphore_mem>>) src(%dma_wait3A_803 : memref<128x16xf32, #tpu.memory_space<vmem>>) dst(%dma_wait3A_809 : memref<10240x16xf32, #tpu.memory_space<vmem_shared>>)
      } else {
      }
      %add3A_582 = arith.constant 4 : i32
      %add3A_583 = arith.addi %add3A_554, %add3A_582 : i32
      %lt3A_584 = arith.cmpi slt, %add3A_583, %add3A_3 : i32
      %convert_element_type3A_585 = arith.extui %lt3A_584 : i1 to i32
      %cond3A_586 = arith.constant 0 : i32
      %cond3A_587 = arith.cmpi ne, %convert_element_type3A_585, %cond3A_586 : i32
      scf.if %cond3A_587 {
        %add3A_798 = arith.constant 4 : i32
        %add3A_799 = arith.addi %add3A_554, %add3A_798 : i32
        %dma_start3A_800 = arith.constant 5 : i32
        %dma_start3A_801 = arith.constant 0 : i32
        %dma_start3A_802 = arith.constant 0 : i32
        %dma_start3A_803 = tpu.memref_slice %arg7[%dma_start3A_800, %dma_start3A_801, %dma_start3A_802] : memref<8x128x16xf32, #tpu.memory_space<vmem>> -> memref<1x128x16xf32, #tpu.memory_space<vmem>>
        %dma_start3A_804 = tpu.memref_squeeze %dma_start3A_803 : memref<1x128x16xf32, #tpu.memory_space<vmem>> -> memref<128x16xf32, #tpu.memory_space<vmem>>
        %dma_start3A_805 = arith.constant 0 : i32
        %dma_start3A_806 = tpu.memref_slice %arg5[%add3A_799, %dma_start3A_805] : memref<79x128xi32, #tpu.memory_space<vmem>> -> memref<1x128xi32, #tpu.memory_space<vmem>>
        %dma_start3A_807 = tpu.memref_squeeze %dma_start3A_806 : memref<1x128xi32, #tpu.memory_space<vmem>> -> memref<128xi32, #tpu.memory_space<vmem>>
        %dma_start3A_808 = arith.constant 0 : i32
        %dma_start3A_809 = arith.constant 0 : i32
        %dma_start3A_810 = tpu.memref_slice %arg2[%dma_start3A_808, %dma_start3A_809] : memref<10000x16xf32, #tpu.memory_space<hbm>> -> memref<10000x16xf32, #tpu.memory_space<hbm>>
        tpu.enqueue_indirect_dma source(%dma_start3A_810 : memref<10000x16xf32, #tpu.memory_space<hbm>>) target(%dma_start3A_804 : memref<128x16xf32, #tpu.memory_space<vmem>>) offsets(%dma_start3A_807 : memref<128xi32, #tpu.memory_space<vmem>>) semaphore(%arg15 : memref<!tpu.dma_semaphore, #tpu.memory_space<semaphore_mem>>)
      } else {
      }
      %add3A_588 = arith.constant 2 : i32
      %add3A_589 = arith.addi %add3A_518, %add3A_588 : i32
      %dma_wait3A_590 = arith.constant 2 : i32
      %dma_wait3A_591 = arith.constant 0 : i32
      %dma_wait3A_592 = arith.constant 0 : i32
      %dma_wait3A_593 = tpu.memref_slice %arg7[%dma_wait3A_590, %dma_wait3A_591, %dma_wait3A_592] : memref<8x128x16xf32, #tpu.memory_space<vmem>> -> memref<1x128x16xf32, #tpu.memory_space<vmem>>
      %dma_wait3A_594 = tpu.memref_squeeze %dma_wait3A_593 : memref<1x128x16xf32, #tpu.memory_space<vmem>> -> memref<128x16xf32, #tpu.memory_space<vmem>>
      %dma_wait3A_595 = arith.constant 0 : i32
      %dma_wait3A_596 = tpu.memref_slice %arg5[%add3A_589, %dma_wait3A_595] : memref<79x128xi32, #tpu.memory_space<vmem>> -> memref<1x128xi32, #tpu.memory_space<vmem>>
      %dma_wait3A_597 = tpu.memref_squeeze %dma_wait3A_596 : memref<1x128xi32, #tpu.memory_space<vmem>> -> memref<128xi32, #tpu.memory_space<vmem>>
      %dma_wait3A_598 = arith.constant 0 : i32
      %dma_wait3A_599 = arith.constant 0 : i32
      %dma_wait3A_600 = tpu.memref_slice %arg2[%dma_wait3A_598, %dma_wait3A_599] : memref<10000x16xf32, #tpu.memory_space<hbm>> -> memref<10000x16xf32, #tpu.memory_space<hbm>>
      tpu.wait_indirect_dma semaphore(%arg12 : memref<!tpu.dma_semaphore, #tpu.memory_space<semaphore_mem>>) src(%dma_wait3A_600 : memref<10000x16xf32, #tpu.memory_space<hbm>>) dst(%dma_wait3A_594 : memref<128x16xf32, #tpu.memory_space<vmem>>)
      %dma_start3A_601 = arith.constant 2 : i32
      %dma_start3A_602 = arith.constant 0 : i32
      %dma_start3A_603 = arith.constant 0 : i32
      %dma_start3A_604 = tpu.memref_slice %arg7[%dma_start3A_601, %dma_start3A_602, %dma_start3A_603] : memref<8x128x16xf32, #tpu.memory_space<vmem>> -> memref<1x128x16xf32, #tpu.memory_space<vmem>>
      %dma_start3A_605 = tpu.memref_squeeze %dma_start3A_604 : memref<1x128x16xf32, #tpu.memory_space<vmem>> -> memref<128x16xf32, #tpu.memory_space<vmem>>
      %dma_start3A_606 = arith.constant 0 : i32
      %dma_start3A_607 = tpu.memref_slice %arg6[%add3A_589, %dma_start3A_606] : memref<79x128xi32, #tpu.memory_space<vmem>> -> memref<1x128xi32, #tpu.memory_space<vmem>>
      %dma_start3A_608 = tpu.memref_squeeze %dma_start3A_607 : memref<1x128xi32, #tpu.memory_space<vmem>> -> memref<128xi32, #tpu.memory_space<vmem>>
      %dma_start3A_609 = arith.constant 0 : i32
      %dma_start3A_610 = arith.constant 0 : i32
      %dma_start3A_611 = tpu.memref_slice %arg9[%dma_start3A_609, %dma_start3A_610] : memref<10240x16xf32, #tpu.memory_space<vmem_shared>> -> memref<10240x16xf32, #tpu.memory_space<vmem_shared>>
      tpu.enqueue_indirect_dma source(%dma_start3A_605 : memref<128x16xf32, #tpu.memory_space<vmem>>) target(%dma_start3A_611 : memref<10240x16xf32, #tpu.memory_space<vmem_shared>>) offsets(%dma_start3A_608 : memref<128xi32, #tpu.memory_space<vmem>>) semaphore(%arg20 : memref<!tpu.dma_semaphore, #tpu.memory_space<semaphore_mem>>) {add = true}
      %ge3A_612 = arith.constant 4 : i32
      %ge3A_613 = arith.cmpi sge, %add3A_589, %ge3A_612 : i32
      %convert_element_type3A_614 = arith.extui %ge3A_613 : i1 to i32
      %cond3A_615 = arith.constant 0 : i32
      %cond3A_616 = arith.cmpi ne, %convert_element_type3A_614, %cond3A_615 : i32
      scf.if %cond3A_616 {
        %dma_wait3A_798 = arith.constant 6 : i32
        %dma_wait3A_799 = arith.constant 0 : i32
        %dma_wait3A_800 = arith.constant 0 : i32
        %dma_wait3A_801 = arith.constant 0 : i32
        %dma_wait3A_802 = tpu.memref_slice %arg7[%dma_wait3A_798, %dma_wait3A_800, %dma_wait3A_801] : memref<8x128x16xf32, #tpu.memory_space<vmem>> -> memref<1x128x16xf32, #tpu.memory_space<vmem>>
        %dma_wait3A_803 = tpu.memref_squeeze %dma_wait3A_802 : memref<1x128x16xf32, #tpu.memory_space<vmem>> -> memref<128x16xf32, #tpu.memory_space<vmem>>
        %dma_wait3A_804 = arith.constant 0 : i32
        %dma_wait3A_805 = tpu.memref_slice %arg6[%dma_wait3A_799, %dma_wait3A_804] : memref<79x128xi32, #tpu.memory_space<vmem>> -> memref<1x128xi32, #tpu.memory_space<vmem>>
        %dma_wait3A_806 = tpu.memref_squeeze %dma_wait3A_805 : memref<1x128xi32, #tpu.memory_space<vmem>> -> memref<128xi32, #tpu.memory_space<vmem>>
        %dma_wait3A_807 = arith.constant 0 : i32
        %dma_wait3A_808 = arith.constant 0 : i32
        %dma_wait3A_809 = tpu.memref_slice %arg9[%dma_wait3A_807, %dma_wait3A_808] : memref<10240x16xf32, #tpu.memory_space<vmem_shared>> -> memref<10240x16xf32, #tpu.memory_space<vmem_shared>>
        tpu.wait_indirect_dma semaphore(%arg24 : memref<!tpu.dma_semaphore, #tpu.memory_space<semaphore_mem>>) src(%dma_wait3A_803 : memref<128x16xf32, #tpu.memory_space<vmem>>) dst(%dma_wait3A_809 : memref<10240x16xf32, #tpu.memory_space<vmem_shared>>)
      } else {
      }
      %add3A_617 = arith.constant 4 : i32
      %add3A_618 = arith.addi %add3A_589, %add3A_617 : i32
      %lt3A_619 = arith.cmpi slt, %add3A_618, %add3A_3 : i32
      %convert_element_type3A_620 = arith.extui %lt3A_619 : i1 to i32
      %cond3A_621 = arith.constant 0 : i32
      %cond3A_622 = arith.cmpi ne, %convert_element_type3A_620, %cond3A_621 : i32
      scf.if %cond3A_622 {
        %add3A_798 = arith.constant 4 : i32
        %add3A_799 = arith.addi %add3A_589, %add3A_798 : i32
        %dma_start3A_800 = arith.constant 6 : i32
        %dma_start3A_801 = arith.constant 0 : i32
        %dma_start3A_802 = arith.constant 0 : i32
        %dma_start3A_803 = tpu.memref_slice %arg7[%dma_start3A_800, %dma_start3A_801, %dma_start3A_802] : memref<8x128x16xf32, #tpu.memory_space<vmem>> -> memref<1x128x16xf32, #tpu.memory_space<vmem>>
        %dma_start3A_804 = tpu.memref_squeeze %dma_start3A_803 : memref<1x128x16xf32, #tpu.memory_space<vmem>> -> memref<128x16xf32, #tpu.memory_space<vmem>>
        %dma_start3A_805 = arith.constant 0 : i32
        %dma_start3A_806 = tpu.memref_slice %arg5[%add3A_799, %dma_start3A_805] : memref<79x128xi32, #tpu.memory_space<vmem>> -> memref<1x128xi32, #tpu.memory_space<vmem>>
        %dma_start3A_807 = tpu.memref_squeeze %dma_start3A_806 : memref<1x128xi32, #tpu.memory_space<vmem>> -> memref<128xi32, #tpu.memory_space<vmem>>
        %dma_start3A_808 = arith.constant 0 : i32
        %dma_start3A_809 = arith.constant 0 : i32
        %dma_start3A_810 = tpu.memref_slice %arg2[%dma_start3A_808, %dma_start3A_809] : memref<10000x16xf32, #tpu.memory_space<hbm>> -> memref<10000x16xf32, #tpu.memory_space<hbm>>
        tpu.enqueue_indirect_dma source(%dma_start3A_810 : memref<10000x16xf32, #tpu.memory_space<hbm>>) target(%dma_start3A_804 : memref<128x16xf32, #tpu.memory_space<vmem>>) offsets(%dma_start3A_807 : memref<128xi32, #tpu.memory_space<vmem>>) semaphore(%arg16 : memref<!tpu.dma_semaphore, #tpu.memory_space<semaphore_mem>>)
      } else {
      }
      %add3A_623 = arith.constant 3 : i32
      %add3A_624 = arith.addi %add3A_518, %add3A_623 : i32
      %dma_wait3A_625 = arith.constant 3 : i32
      %dma_wait3A_626 = arith.constant 0 : i32
      %dma_wait3A_627 = arith.constant 0 : i32
      %dma_wait3A_628 = tpu.memref_slice %arg7[%dma_wait3A_625, %dma_wait3A_626, %dma_wait3A_627] : memref<8x128x16xf32, #tpu.memory_space<vmem>> -> memref<1x128x16xf32, #tpu.memory_space<vmem>>
      %dma_wait3A_629 = tpu.memref_squeeze %dma_wait3A_628 : memref<1x128x16xf32, #tpu.memory_space<vmem>> -> memref<128x16xf32, #tpu.memory_space<vmem>>
      %dma_wait3A_630 = arith.constant 0 : i32
      %dma_wait3A_631 = tpu.memref_slice %arg5[%add3A_624, %dma_wait3A_630] : memref<79x128xi32, #tpu.memory_space<vmem>> -> memref<1x128xi32, #tpu.memory_space<vmem>>
      %dma_wait3A_632 = tpu.memref_squeeze %dma_wait3A_631 : memref<1x128xi32, #tpu.memory_space<vmem>> -> memref<128xi32, #tpu.memory_space<vmem>>
      %dma_wait3A_633 = arith.constant 0 : i32
      %dma_wait3A_634 = arith.constant 0 : i32
      %dma_wait3A_635 = tpu.memref_slice %arg2[%dma_wait3A_633, %dma_wait3A_634] : memref<10000x16xf32, #tpu.memory_space<hbm>> -> memref<10000x16xf32, #tpu.memory_space<hbm>>
      tpu.wait_indirect_dma semaphore(%arg13 : memref<!tpu.dma_semaphore, #tpu.memory_space<semaphore_mem>>) src(%dma_wait3A_635 : memref<10000x16xf32, #tpu.memory_space<hbm>>) dst(%dma_wait3A_629 : memref<128x16xf32, #tpu.memory_space<vmem>>)
      %dma_start3A_636 = arith.constant 3 : i32
      %dma_start3A_637 = arith.constant 0 : i32
      %dma_start3A_638 = arith.constant 0 : i32
      %dma_start3A_639 = tpu.memref_slice %arg7[%dma_start3A_636, %dma_start3A_637, %dma_start3A_638] : memref<8x128x16xf32, #tpu.memory_space<vmem>> -> memref<1x128x16xf32, #tpu.memory_space<vmem>>
      %dma_start3A_640 = tpu.memref_squeeze %dma_start3A_639 : memref<1x128x16xf32, #tpu.memory_space<vmem>> -> memref<128x16xf32, #tpu.memory_space<vmem>>
      %dma_start3A_641 = arith.constant 0 : i32
      %dma_start3A_642 = tpu.memref_slice %arg6[%add3A_624, %dma_start3A_641] : memref<79x128xi32, #tpu.memory_space<vmem>> -> memref<1x128xi32, #tpu.memory_space<vmem>>
      %dma_start3A_643 = tpu.memref_squeeze %dma_start3A_642 : memref<1x128xi32, #tpu.memory_space<vmem>> -> memref<128xi32, #tpu.memory_space<vmem>>
      %dma_start3A_644 = arith.constant 0 : i32
      %dma_start3A_645 = arith.constant 0 : i32
      %dma_start3A_646 = tpu.memref_slice %arg9[%dma_start3A_644, %dma_start3A_645] : memref<10240x16xf32, #tpu.memory_space<vmem_shared>> -> memref<10240x16xf32, #tpu.memory_space<vmem_shared>>
      tpu.enqueue_indirect_dma source(%dma_start3A_640 : memref<128x16xf32, #tpu.memory_space<vmem>>) target(%dma_start3A_646 : memref<10240x16xf32, #tpu.memory_space<vmem_shared>>) offsets(%dma_start3A_643 : memref<128xi32, #tpu.memory_space<vmem>>) semaphore(%arg21 : memref<!tpu.dma_semaphore, #tpu.memory_space<semaphore_mem>>) {add = true}
      %ge3A_647 = arith.constant 4 : i32
      %ge3A_648 = arith.cmpi sge, %add3A_624, %ge3A_647 : i32
      %convert_element_type3A_649 = arith.extui %ge3A_648 : i1 to i32
      %cond3A_650 = arith.constant 0 : i32
      %cond3A_651 = arith.cmpi ne, %convert_element_type3A_649, %cond3A_650 : i32
      scf.if %cond3A_651 {
        %dma_wait3A_798 = arith.constant 7 : i32
        %dma_wait3A_799 = arith.constant 0 : i32
        %dma_wait3A_800 = arith.constant 0 : i32
        %dma_wait3A_801 = arith.constant 0 : i32
        %dma_wait3A_802 = tpu.memref_slice %arg7[%dma_wait3A_798, %dma_wait3A_800, %dma_wait3A_801] : memref<8x128x16xf32, #tpu.memory_space<vmem>> -> memref<1x128x16xf32, #tpu.memory_space<vmem>>
        %dma_wait3A_803 = tpu.memref_squeeze %dma_wait3A_802 : memref<1x128x16xf32, #tpu.memory_space<vmem>> -> memref<128x16xf32, #tpu.memory_space<vmem>>
        %dma_wait3A_804 = arith.constant 0 : i32
        %dma_wait3A_805 = tpu.memref_slice %arg6[%dma_wait3A_799, %dma_wait3A_804] : memref<79x128xi32, #tpu.memory_space<vmem>> -> memref<1x128xi32, #tpu.memory_space<vmem>>
        %dma_wait3A_806 = tpu.memref_squeeze %dma_wait3A_805 : memref<1x128xi32, #tpu.memory_space<vmem>> -> memref<128xi32, #tpu.memory_space<vmem>>
        %dma_wait3A_807 = arith.constant 0 : i32
        %dma_wait3A_808 = arith.constant 0 : i32
        %dma_wait3A_809 = tpu.memref_slice %arg9[%dma_wait3A_807, %dma_wait3A_808] : memref<10240x16xf32, #tpu.memory_space<vmem_shared>> -> memref<10240x16xf32, #tpu.memory_space<vmem_shared>>
        tpu.wait_indirect_dma semaphore(%arg25 : memref<!tpu.dma_semaphore, #tpu.memory_space<semaphore_mem>>) src(%dma_wait3A_803 : memref<128x16xf32, #tpu.memory_space<vmem>>) dst(%dma_wait3A_809 : memref<10240x16xf32, #tpu.memory_space<vmem_shared>>)
      } else {
      }
      %add3A_652 = arith.constant 4 : i32
      %add3A_653 = arith.addi %add3A_624, %add3A_652 : i32
      %lt3A_654 = arith.cmpi slt, %add3A_653, %add3A_3 : i32
      %convert_element_type3A_655 = arith.extui %lt3A_654 : i1 to i32
      %cond3A_656 = arith.constant 0 : i32
      %cond3A_657 = arith.cmpi ne, %convert_element_type3A_655, %cond3A_656 : i32
      scf.if %cond3A_657 {
        %add3A_798 = arith.constant 4 : i32
        %add3A_799 = arith.addi %add3A_624, %add3A_798 : i32
        %dma_start3A_800 = arith.constant 7 : i32
        %dma_start3A_801 = arith.constant 0 : i32
        %dma_start3A_802 = arith.constant 0 : i32
        %dma_start3A_803 = tpu.memref_slice %arg7[%dma_start3A_800, %dma_start3A_801, %dma_start3A_802] : memref<8x128x16xf32, #tpu.memory_space<vmem>> -> memref<1x128x16xf32, #tpu.memory_space<vmem>>
        %dma_start3A_804 = tpu.memref_squeeze %dma_start3A_803 : memref<1x128x16xf32, #tpu.memory_space<vmem>> -> memref<128x16xf32, #tpu.memory_space<vmem>>
        %dma_start3A_805 = arith.constant 0 : i32
        %dma_start3A_806 = tpu.memref_slice %arg5[%add3A_799, %dma_start3A_805] : memref<79x128xi32, #tpu.memory_space<vmem>> -> memref<1x128xi32, #tpu.memory_space<vmem>>
        %dma_start3A_807 = tpu.memref_squeeze %dma_start3A_806 : memref<1x128xi32, #tpu.memory_space<vmem>> -> memref<128xi32, #tpu.memory_space<vmem>>
        %dma_start3A_808 = arith.constant 0 : i32
        %dma_start3A_809 = arith.constant 0 : i32
        %dma_start3A_810 = tpu.memref_slice %arg2[%dma_start3A_808, %dma_start3A_809] : memref<10000x16xf32, #tpu.memory_space<hbm>> -> memref<10000x16xf32, #tpu.memory_space<hbm>>
        tpu.enqueue_indirect_dma source(%dma_start3A_810 : memref<10000x16xf32, #tpu.memory_space<hbm>>) target(%dma_start3A_804 : memref<128x16xf32, #tpu.memory_space<vmem>>) offsets(%dma_start3A_807 : memref<128xi32, #tpu.memory_space<vmem>>) semaphore(%arg17 : memref<!tpu.dma_semaphore, #tpu.memory_space<semaphore_mem>>)
      } else {
      }
      %add3A_658 = arith.constant 4 : i32
      %add3A_659 = arith.addi %add3A_518, %add3A_658 : i32
      %dma_wait3A_660 = arith.constant 4 : i32
      %dma_wait3A_661 = arith.constant 0 : i32
      %dma_wait3A_662 = arith.constant 0 : i32
      %dma_wait3A_663 = tpu.memref_slice %arg7[%dma_wait3A_660, %dma_wait3A_661, %dma_wait3A_662] : memref<8x128x16xf32, #tpu.memory_space<vmem>> -> memref<1x128x16xf32, #tpu.memory_space<vmem>>
      %dma_wait3A_664 = tpu.memref_squeeze %dma_wait3A_663 : memref<1x128x16xf32, #tpu.memory_space<vmem>> -> memref<128x16xf32, #tpu.memory_space<vmem>>
      %dma_wait3A_665 = arith.constant 0 : i32
      %dma_wait3A_666 = tpu.memref_slice %arg5[%add3A_659, %dma_wait3A_665] : memref<79x128xi32, #tpu.memory_space<vmem>> -> memref<1x128xi32, #tpu.memory_space<vmem>>
      %dma_wait3A_667 = tpu.memref_squeeze %dma_wait3A_666 : memref<1x128xi32, #tpu.memory_space<vmem>> -> memref<128xi32, #tpu.memory_space<vmem>>
      %dma_wait3A_668 = arith.constant 0 : i32
      %dma_wait3A_669 = arith.constant 0 : i32
      %dma_wait3A_670 = tpu.memref_slice %arg2[%dma_wait3A_668, %dma_wait3A_669] : memref<10000x16xf32, #tpu.memory_space<hbm>> -> memref<10000x16xf32, #tpu.memory_space<hbm>>
      tpu.wait_indirect_dma semaphore(%arg14 : memref<!tpu.dma_semaphore, #tpu.memory_space<semaphore_mem>>) src(%dma_wait3A_670 : memref<10000x16xf32, #tpu.memory_space<hbm>>) dst(%dma_wait3A_664 : memref<128x16xf32, #tpu.memory_space<vmem>>)
      %dma_start3A_671 = arith.constant 4 : i32
      %dma_start3A_672 = arith.constant 0 : i32
      %dma_start3A_673 = arith.constant 0 : i32
      %dma_start3A_674 = tpu.memref_slice %arg7[%dma_start3A_671, %dma_start3A_672, %dma_start3A_673] : memref<8x128x16xf32, #tpu.memory_space<vmem>> -> memref<1x128x16xf32, #tpu.memory_space<vmem>>
      %dma_start3A_675 = tpu.memref_squeeze %dma_start3A_674 : memref<1x128x16xf32, #tpu.memory_space<vmem>> -> memref<128x16xf32, #tpu.memory_space<vmem>>
      %dma_start3A_676 = arith.constant 0 : i32
      %dma_start3A_677 = tpu.memref_slice %arg6[%add3A_659, %dma_start3A_676] : memref<79x128xi32, #tpu.memory_space<vmem>> -> memref<1x128xi32, #tpu.memory_space<vmem>>
      %dma_start3A_678 = tpu.memref_squeeze %dma_start3A_677 : memref<1x128xi32, #tpu.memory_space<vmem>> -> memref<128xi32, #tpu.memory_space<vmem>>
      %dma_start3A_679 = arith.constant 0 : i32
      %dma_start3A_680 = arith.constant 0 : i32
      %dma_start3A_681 = tpu.memref_slice %arg9[%dma_start3A_679, %dma_start3A_680] : memref<10240x16xf32, #tpu.memory_space<vmem_shared>> -> memref<10240x16xf32, #tpu.memory_space<vmem_shared>>
      tpu.enqueue_indirect_dma source(%dma_start3A_675 : memref<128x16xf32, #tpu.memory_space<vmem>>) target(%dma_start3A_681 : memref<10240x16xf32, #tpu.memory_space<vmem_shared>>) offsets(%dma_start3A_678 : memref<128xi32, #tpu.memory_space<vmem>>) semaphore(%arg22 : memref<!tpu.dma_semaphore, #tpu.memory_space<semaphore_mem>>) {add = true}
      %ge3A_682 = arith.constant 4 : i32
      %ge3A_683 = arith.cmpi sge, %add3A_659, %ge3A_682 : i32
      %convert_element_type3A_684 = arith.extui %ge3A_683 : i1 to i32
      %cond3A_685 = arith.constant 0 : i32
      %cond3A_686 = arith.cmpi ne, %convert_element_type3A_684, %cond3A_685 : i32
      scf.if %cond3A_686 {
        %dma_wait3A_798 = arith.constant 0 : i32
        %dma_wait3A_799 = arith.constant 0 : i32
        %dma_wait3A_800 = arith.constant 0 : i32
        %dma_wait3A_801 = arith.constant 0 : i32
        %dma_wait3A_802 = tpu.memref_slice %arg7[%dma_wait3A_798, %dma_wait3A_800, %dma_wait3A_801] : memref<8x128x16xf32, #tpu.memory_space<vmem>> -> memref<1x128x16xf32, #tpu.memory_space<vmem>>
        %dma_wait3A_803 = tpu.memref_squeeze %dma_wait3A_802 : memref<1x128x16xf32, #tpu.memory_space<vmem>> -> memref<128x16xf32, #tpu.memory_space<vmem>>
        %dma_wait3A_804 = arith.constant 0 : i32
        %dma_wait3A_805 = tpu.memref_slice %arg6[%dma_wait3A_799, %dma_wait3A_804] : memref<79x128xi32, #tpu.memory_space<vmem>> -> memref<1x128xi32, #tpu.memory_space<vmem>>
        %dma_wait3A_806 = tpu.memref_squeeze %dma_wait3A_805 : memref<1x128xi32, #tpu.memory_space<vmem>> -> memref<128xi32, #tpu.memory_space<vmem>>
        %dma_wait3A_807 = arith.constant 0 : i32
        %dma_wait3A_808 = arith.constant 0 : i32
        %dma_wait3A_809 = tpu.memref_slice %arg9[%dma_wait3A_807, %dma_wait3A_808] : memref<10240x16xf32, #tpu.memory_space<vmem_shared>> -> memref<10240x16xf32, #tpu.memory_space<vmem_shared>>
        tpu.wait_indirect_dma semaphore(%arg18 : memref<!tpu.dma_semaphore, #tpu.memory_space<semaphore_mem>>) src(%dma_wait3A_803 : memref<128x16xf32, #tpu.memory_space<vmem>>) dst(%dma_wait3A_809 : memref<10240x16xf32, #tpu.memory_space<vmem_shared>>)
      } else {
      }
      %add3A_687 = arith.constant 4 : i32
      %add3A_688 = arith.addi %add3A_659, %add3A_687 : i32
      %lt3A_689 = arith.cmpi slt, %add3A_688, %add3A_3 : i32
      %convert_element_type3A_690 = arith.extui %lt3A_689 : i1 to i32
      %cond3A_691 = arith.constant 0 : i32
      %cond3A_692 = arith.cmpi ne, %convert_element_type3A_690, %cond3A_691 : i32
      scf.if %cond3A_692 {
        %add3A_798 = arith.constant 4 : i32
        %add3A_799 = arith.addi %add3A_659, %add3A_798 : i32
        %dma_start3A_800 = arith.constant 0 : i32
        %dma_start3A_801 = arith.constant 0 : i32
        %dma_start3A_802 = arith.constant 0 : i32
        %dma_start3A_803 = tpu.memref_slice %arg7[%dma_start3A_800, %dma_start3A_801, %dma_start3A_802] : memref<8x128x16xf32, #tpu.memory_space<vmem>> -> memref<1x128x16xf32, #tpu.memory_space<vmem>>
        %dma_start3A_804 = tpu.memref_squeeze %dma_start3A_803 : memref<1x128x16xf32, #tpu.memory_space<vmem>> -> memref<128x16xf32, #tpu.memory_space<vmem>>
        %dma_start3A_805 = arith.constant 0 : i32
        %dma_start3A_806 = tpu.memref_slice %arg5[%add3A_799, %dma_start3A_805] : memref<79x128xi32, #tpu.memory_space<vmem>> -> memref<1x128xi32, #tpu.memory_space<vmem>>
        %dma_start3A_807 = tpu.memref_squeeze %dma_start3A_806 : memref<1x128xi32, #tpu.memory_space<vmem>> -> memref<128xi32, #tpu.memory_space<vmem>>
        %dma_start3A_808 = arith.constant 0 : i32
        %dma_start3A_809 = arith.constant 0 : i32
        %dma_start3A_810 = tpu.memref_slice %arg2[%dma_start3A_808, %dma_start3A_809] : memref<10000x16xf32, #tpu.memory_space<hbm>> -> memref<10000x16xf32, #tpu.memory_space<hbm>>
        tpu.enqueue_indirect_dma source(%dma_start3A_810 : memref<10000x16xf32, #tpu.memory_space<hbm>>) target(%dma_start3A_804 : memref<128x16xf32, #tpu.memory_space<vmem>>) offsets(%dma_start3A_807 : memref<128xi32, #tpu.memory_space<vmem>>) semaphore(%arg10 : memref<!tpu.dma_semaphore, #tpu.memory_space<semaphore_mem>>)
      } else {
      }
      %add3A_693 = arith.constant 5 : i32
      %add3A_694 = arith.addi %add3A_518, %add3A_693 : i32
      %dma_wait3A_695 = arith.constant 5 : i32
      %dma_wait3A_696 = arith.constant 0 : i32
      %dma_wait3A_697 = arith.constant 0 : i32
      %dma_wait3A_698 = tpu.memref_slice %arg7[%dma_wait3A_695, %dma_wait3A_696, %dma_wait3A_697] : memref<8x128x16xf32, #tpu.memory_space<vmem>> -> memref<1x128x16xf32, #tpu.memory_space<vmem>>
      %dma_wait3A_699 = tpu.memref_squeeze %dma_wait3A_698 : memref<1x128x16xf32, #tpu.memory_space<vmem>> -> memref<128x16xf32, #tpu.memory_space<vmem>>
      %dma_wait3A_700 = arith.constant 0 : i32
      %dma_wait3A_701 = tpu.memref_slice %arg5[%add3A_694, %dma_wait3A_700] : memref<79x128xi32, #tpu.memory_space<vmem>> -> memref<1x128xi32, #tpu.memory_space<vmem>>
      %dma_wait3A_702 = tpu.memref_squeeze %dma_wait3A_701 : memref<1x128xi32, #tpu.memory_space<vmem>> -> memref<128xi32, #tpu.memory_space<vmem>>
      %dma_wait3A_703 = arith.constant 0 : i32
      %dma_wait3A_704 = arith.constant 0 : i32
      %dma_wait3A_705 = tpu.memref_slice %arg2[%dma_wait3A_703, %dma_wait3A_704] : memref<10000x16xf32, #tpu.memory_space<hbm>> -> memref<10000x16xf32, #tpu.memory_space<hbm>>
      tpu.wait_indirect_dma semaphore(%arg15 : memref<!tpu.dma_semaphore, #tpu.memory_space<semaphore_mem>>) src(%dma_wait3A_705 : memref<10000x16xf32, #tpu.memory_space<hbm>>) dst(%dma_wait3A_699 : memref<128x16xf32, #tpu.memory_space<vmem>>)
      %dma_start3A_706 = arith.constant 5 : i32
      %dma_start3A_707 = arith.constant 0 : i32
      %dma_start3A_708 = arith.constant 0 : i32
      %dma_start3A_709 = tpu.memref_slice %arg7[%dma_start3A_706, %dma_start3A_707, %dma_start3A_708] : memref<8x128x16xf32, #tpu.memory_space<vmem>> -> memref<1x128x16xf32, #tpu.memory_space<vmem>>
      %dma_start3A_710 = tpu.memref_squeeze %dma_start3A_709 : memref<1x128x16xf32, #tpu.memory_space<vmem>> -> memref<128x16xf32, #tpu.memory_space<vmem>>
      %dma_start3A_711 = arith.constant 0 : i32
      %dma_start3A_712 = tpu.memref_slice %arg6[%add3A_694, %dma_start3A_711] : memref<79x128xi32, #tpu.memory_space<vmem>> -> memref<1x128xi32, #tpu.memory_space<vmem>>
      %dma_start3A_713 = tpu.memref_squeeze %dma_start3A_712 : memref<1x128xi32, #tpu.memory_space<vmem>> -> memref<128xi32, #tpu.memory_space<vmem>>
      %dma_start3A_714 = arith.constant 0 : i32
      %dma_start3A_715 = arith.constant 0 : i32
      %dma_start3A_716 = tpu.memref_slice %arg9[%dma_start3A_714, %dma_start3A_715] : memref<10240x16xf32, #tpu.memory_space<vmem_shared>> -> memref<10240x16xf32, #tpu.memory_space<vmem_shared>>
      tpu.enqueue_indirect_dma source(%dma_start3A_710 : memref<128x16xf32, #tpu.memory_space<vmem>>) target(%dma_start3A_716 : memref<10240x16xf32, #tpu.memory_space<vmem_shared>>) offsets(%dma_start3A_713 : memref<128xi32, #tpu.memory_space<vmem>>) semaphore(%arg23 : memref<!tpu.dma_semaphore, #tpu.memory_space<semaphore_mem>>) {add = true}
      %ge3A_717 = arith.constant 4 : i32
      %ge3A_718 = arith.cmpi sge, %add3A_694, %ge3A_717 : i32
      %convert_element_type3A_719 = arith.extui %ge3A_718 : i1 to i32
      %cond3A_720 = arith.constant 0 : i32
      %cond3A_721 = arith.cmpi ne, %convert_element_type3A_719, %cond3A_720 : i32
      scf.if %cond3A_721 {
        %dma_wait3A_798 = arith.constant 1 : i32
        %dma_wait3A_799 = arith.constant 0 : i32
        %dma_wait3A_800 = arith.constant 0 : i32
        %dma_wait3A_801 = arith.constant 0 : i32
        %dma_wait3A_802 = tpu.memref_slice %arg7[%dma_wait3A_798, %dma_wait3A_800, %dma_wait3A_801] : memref<8x128x16xf32, #tpu.memory_space<vmem>> -> memref<1x128x16xf32, #tpu.memory_space<vmem>>
        %dma_wait3A_803 = tpu.memref_squeeze %dma_wait3A_802 : memref<1x128x16xf32, #tpu.memory_space<vmem>> -> memref<128x16xf32, #tpu.memory_space<vmem>>
        %dma_wait3A_804 = arith.constant 0 : i32
        %dma_wait3A_805 = tpu.memref_slice %arg6[%dma_wait3A_799, %dma_wait3A_804] : memref<79x128xi32, #tpu.memory_space<vmem>> -> memref<1x128xi32, #tpu.memory_space<vmem>>
        %dma_wait3A_806 = tpu.memref_squeeze %dma_wait3A_805 : memref<1x128xi32, #tpu.memory_space<vmem>> -> memref<128xi32, #tpu.memory_space<vmem>>
        %dma_wait3A_807 = arith.constant 0 : i32
        %dma_wait3A_808 = arith.constant 0 : i32
        %dma_wait3A_809 = tpu.memref_slice %arg9[%dma_wait3A_807, %dma_wait3A_808] : memref<10240x16xf32, #tpu.memory_space<vmem_shared>> -> memref<10240x16xf32, #tpu.memory_space<vmem_shared>>
        tpu.wait_indirect_dma semaphore(%arg19 : memref<!tpu.dma_semaphore, #tpu.memory_space<semaphore_mem>>) src(%dma_wait3A_803 : memref<128x16xf32, #tpu.memory_space<vmem>>) dst(%dma_wait3A_809 : memref<10240x16xf32, #tpu.memory_space<vmem_shared>>)
      } else {
      }
      %add3A_722 = arith.constant 4 : i32
      %add3A_723 = arith.addi %add3A_694, %add3A_722 : i32
      %lt3A_724 = arith.cmpi slt, %add3A_723, %add3A_3 : i32
      %convert_element_type3A_725 = arith.extui %lt3A_724 : i1 to i32
      %cond3A_726 = arith.constant 0 : i32
      %cond3A_727 = arith.cmpi ne, %convert_element_type3A_725, %cond3A_726 : i32
      scf.if %cond3A_727 {
        %add3A_798 = arith.constant 4 : i32
        %add3A_799 = arith.addi %add3A_694, %add3A_798 : i32
        %dma_start3A_800 = arith.constant 1 : i32
        %dma_start3A_801 = arith.constant 0 : i32
        %dma_start3A_802 = arith.constant 0 : i32
        %dma_start3A_803 = tpu.memref_slice %arg7[%dma_start3A_800, %dma_start3A_801, %dma_start3A_802] : memref<8x128x16xf32, #tpu.memory_space<vmem>> -> memref<1x128x16xf32, #tpu.memory_space<vmem>>
        %dma_start3A_804 = tpu.memref_squeeze %dma_start3A_803 : memref<1x128x16xf32, #tpu.memory_space<vmem>> -> memref<128x16xf32, #tpu.memory_space<vmem>>
        %dma_start3A_805 = arith.constant 0 : i32
        %dma_start3A_806 = tpu.memref_slice %arg5[%add3A_799, %dma_start3A_805] : memref<79x128xi32, #tpu.memory_space<vmem>> -> memref<1x128xi32, #tpu.memory_space<vmem>>
        %dma_start3A_807 = tpu.memref_squeeze %dma_start3A_806 : memref<1x128xi32, #tpu.memory_space<vmem>> -> memref<128xi32, #tpu.memory_space<vmem>>
        %dma_start3A_808 = arith.constant 0 : i32
        %dma_start3A_809 = arith.constant 0 : i32
        %dma_start3A_810 = tpu.memref_slice %arg2[%dma_start3A_808, %dma_start3A_809] : memref<10000x16xf32, #tpu.memory_space<hbm>> -> memref<10000x16xf32, #tpu.memory_space<hbm>>
        tpu.enqueue_indirect_dma source(%dma_start3A_810 : memref<10000x16xf32, #tpu.memory_space<hbm>>) target(%dma_start3A_804 : memref<128x16xf32, #tpu.memory_space<vmem>>) offsets(%dma_start3A_807 : memref<128xi32, #tpu.memory_space<vmem>>) semaphore(%arg11 : memref<!tpu.dma_semaphore, #tpu.memory_space<semaphore_mem>>)
      } else {
      }
      %add3A_728 = arith.constant 6 : i32
      %add3A_729 = arith.addi %add3A_518, %add3A_728 : i32
      %dma_wait3A_730 = arith.constant 6 : i32
      %dma_wait3A_731 = arith.constant 0 : i32
      %dma_wait3A_732 = arith.constant 0 : i32
      %dma_wait3A_733 = tpu.memref_slice %arg7[%dma_wait3A_730, %dma_wait3A_731, %dma_wait3A_732] : memref<8x128x16xf32, #tpu.memory_space<vmem>> -> memref<1x128x16xf32, #tpu.memory_space<vmem>>
      %dma_wait3A_734 = tpu.memref_squeeze %dma_wait3A_733 : memref<1x128x16xf32, #tpu.memory_space<vmem>> -> memref<128x16xf32, #tpu.memory_space<vmem>>
      %dma_wait3A_735 = arith.constant 0 : i32
      %dma_wait3A_736 = tpu.memref_slice %arg5[%add3A_729, %dma_wait3A_735] : memref<79x128xi32, #tpu.memory_space<vmem>> -> memref<1x128xi32, #tpu.memory_space<vmem>>
      %dma_wait3A_737 = tpu.memref_squeeze %dma_wait3A_736 : memref<1x128xi32, #tpu.memory_space<vmem>> -> memref<128xi32, #tpu.memory_space<vmem>>
      %dma_wait3A_738 = arith.constant 0 : i32
      %dma_wait3A_739 = arith.constant 0 : i32
      %dma_wait3A_740 = tpu.memref_slice %arg2[%dma_wait3A_738, %dma_wait3A_739] : memref<10000x16xf32, #tpu.memory_space<hbm>> -> memref<10000x16xf32, #tpu.memory_space<hbm>>
      tpu.wait_indirect_dma semaphore(%arg16 : memref<!tpu.dma_semaphore, #tpu.memory_space<semaphore_mem>>) src(%dma_wait3A_740 : memref<10000x16xf32, #tpu.memory_space<hbm>>) dst(%dma_wait3A_734 : memref<128x16xf32, #tpu.memory_space<vmem>>)
      %dma_start3A_741 = arith.constant 6 : i32
      %dma_start3A_742 = arith.constant 0 : i32
      %dma_start3A_743 = arith.constant 0 : i32
      %dma_start3A_744 = tpu.memref_slice %arg7[%dma_start3A_741, %dma_start3A_742, %dma_start3A_743] : memref<8x128x16xf32, #tpu.memory_space<vmem>> -> memref<1x128x16xf32, #tpu.memory_space<vmem>>
      %dma_start3A_745 = tpu.memref_squeeze %dma_start3A_744 : memref<1x128x16xf32, #tpu.memory_space<vmem>> -> memref<128x16xf32, #tpu.memory_space<vmem>>
      %dma_start3A_746 = arith.constant 0 : i32
      %dma_start3A_747 = tpu.memref_slice %arg6[%add3A_729, %dma_start3A_746] : memref<79x128xi32, #tpu.memory_space<vmem>> -> memref<1x128xi32, #tpu.memory_space<vmem>>
      %dma_start3A_748 = tpu.memref_squeeze %dma_start3A_747 : memref<1x128xi32, #tpu.memory_space<vmem>> -> memref<128xi32, #tpu.memory_space<vmem>>
      %dma_start3A_749 = arith.constant 0 : i32
      %dma_start3A_750 = arith.constant 0 : i32
      %dma_start3A_751 = tpu.memref_slice %arg9[%dma_start3A_749, %dma_start3A_750] : memref<10240x16xf32, #tpu.memory_space<vmem_shared>> -> memref<10240x16xf32, #tpu.memory_space<vmem_shared>>
      tpu.enqueue_indirect_dma source(%dma_start3A_745 : memref<128x16xf32, #tpu.memory_space<vmem>>) target(%dma_start3A_751 : memref<10240x16xf32, #tpu.memory_space<vmem_shared>>) offsets(%dma_start3A_748 : memref<128xi32, #tpu.memory_space<vmem>>) semaphore(%arg24 : memref<!tpu.dma_semaphore, #tpu.memory_space<semaphore_mem>>) {add = true}
      %ge3A_752 = arith.constant 4 : i32
      %ge3A_753 = arith.cmpi sge, %add3A_729, %ge3A_752 : i32
      %convert_element_type3A_754 = arith.extui %ge3A_753 : i1 to i32
      %cond3A_755 = arith.constant 0 : i32
      %cond3A_756 = arith.cmpi ne, %convert_element_type3A_754, %cond3A_755 : i32
      scf.if %cond3A_756 {
        %dma_wait3A_798 = arith.constant 2 : i32
        %dma_wait3A_799 = arith.constant 0 : i32
        %dma_wait3A_800 = arith.constant 0 : i32
        %dma_wait3A_801 = arith.constant 0 : i32
        %dma_wait3A_802 = tpu.memref_slice %arg7[%dma_wait3A_798, %dma_wait3A_800, %dma_wait3A_801] : memref<8x128x16xf32, #tpu.memory_space<vmem>> -> memref<1x128x16xf32, #tpu.memory_space<vmem>>
        %dma_wait3A_803 = tpu.memref_squeeze %dma_wait3A_802 : memref<1x128x16xf32, #tpu.memory_space<vmem>> -> memref<128x16xf32, #tpu.memory_space<vmem>>
        %dma_wait3A_804 = arith.constant 0 : i32
        %dma_wait3A_805 = tpu.memref_slice %arg6[%dma_wait3A_799, %dma_wait3A_804] : memref<79x128xi32, #tpu.memory_space<vmem>> -> memref<1x128xi32, #tpu.memory_space<vmem>>
        %dma_wait3A_806 = tpu.memref_squeeze %dma_wait3A_805 : memref<1x128xi32, #tpu.memory_space<vmem>> -> memref<128xi32, #tpu.memory_space<vmem>>
        %dma_wait3A_807 = arith.constant 0 : i32
        %dma_wait3A_808 = arith.constant 0 : i32
        %dma_wait3A_809 = tpu.memref_slice %arg9[%dma_wait3A_807, %dma_wait3A_808] : memref<10240x16xf32, #tpu.memory_space<vmem_shared>> -> memref<10240x16xf32, #tpu.memory_space<vmem_shared>>
        tpu.wait_indirect_dma semaphore(%arg20 : memref<!tpu.dma_semaphore, #tpu.memory_space<semaphore_mem>>) src(%dma_wait3A_803 : memref<128x16xf32, #tpu.memory_space<vmem>>) dst(%dma_wait3A_809 : memref<10240x16xf32, #tpu.memory_space<vmem_shared>>)
      } else {
      }
      %add3A_757 = arith.constant 4 : i32
      %add3A_758 = arith.addi %add3A_729, %add3A_757 : i32
      %lt3A_759 = arith.cmpi slt, %add3A_758, %add3A_3 : i32
      %convert_element_type3A_760 = arith.extui %lt3A_759 : i1 to i32
      %cond3A_761 = arith.constant 0 : i32
      %cond3A_762 = arith.cmpi ne, %convert_element_type3A_760, %cond3A_761 : i32
      scf.if %cond3A_762 {
        %add3A_798 = arith.constant 4 : i32
        %add3A_799 = arith.addi %add3A_729, %add3A_798 : i32
        %dma_start3A_800 = arith.constant 2 : i32
        %dma_start3A_801 = arith.constant 0 : i32
        %dma_start3A_802 = arith.constant 0 : i32
        %dma_start3A_803 = tpu.memref_slice %arg7[%dma_start3A_800, %dma_start3A_801, %dma_start3A_802] : memref<8x128x16xf32, #tpu.memory_space<vmem>> -> memref<1x128x16xf32, #tpu.memory_space<vmem>>
        %dma_start3A_804 = tpu.memref_squeeze %dma_start3A_803 : memref<1x128x16xf32, #tpu.memory_space<vmem>> -> memref<128x16xf32, #tpu.memory_space<vmem>>
        %dma_start3A_805 = arith.constant 0 : i32
        %dma_start3A_806 = tpu.memref_slice %arg5[%add3A_799, %dma_start3A_805] : memref<79x128xi32, #tpu.memory_space<vmem>> -> memref<1x128xi32, #tpu.memory_space<vmem>>
        %dma_start3A_807 = tpu.memref_squeeze %dma_start3A_806 : memref<1x128xi32, #tpu.memory_space<vmem>> -> memref<128xi32, #tpu.memory_space<vmem>>
        %dma_start3A_808 = arith.constant 0 : i32
        %dma_start3A_809 = arith.constant 0 : i32
        %dma_start3A_810 = tpu.memref_slice %arg2[%dma_start3A_808, %dma_start3A_809] : memref<10000x16xf32, #tpu.memory_space<hbm>> -> memref<10000x16xf32, #tpu.memory_space<hbm>>
        tpu.enqueue_indirect_dma source(%dma_start3A_810 : memref<10000x16xf32, #tpu.memory_space<hbm>>) target(%dma_start3A_804 : memref<128x16xf32, #tpu.memory_space<vmem>>) offsets(%dma_start3A_807 : memref<128xi32, #tpu.memory_space<vmem>>) semaphore(%arg12 : memref<!tpu.dma_semaphore, #tpu.memory_space<semaphore_mem>>)
      } else {
      }
      %add3A_763 = arith.constant 7 : i32
      %add3A_764 = arith.addi %add3A_518, %add3A_763 : i32
      %dma_wait3A_765 = arith.constant 7 : i32
      %dma_wait3A_766 = arith.constant 0 : i32
      %dma_wait3A_767 = arith.constant 0 : i32
      %dma_wait3A_768 = tpu.memref_slice %arg7[%dma_wait3A_765, %dma_wait3A_766, %dma_wait3A_767] : memref<8x128x16xf32, #tpu.memory_space<vmem>> -> memref<1x128x16xf32, #tpu.memory_space<vmem>>
      %dma_wait3A_769 = tpu.memref_squeeze %dma_wait3A_768 : memref<1x128x16xf32, #tpu.memory_space<vmem>> -> memref<128x16xf32, #tpu.memory_space<vmem>>
      %dma_wait3A_770 = arith.constant 0 : i32
      %dma_wait3A_771 = tpu.memref_slice %arg5[%add3A_764, %dma_wait3A_770] : memref<79x128xi32, #tpu.memory_space<vmem>> -> memref<1x128xi32, #tpu.memory_space<vmem>>
      %dma_wait3A_772 = tpu.memref_squeeze %dma_wait3A_771 : memref<1x128xi32, #tpu.memory_space<vmem>> -> memref<128xi32, #tpu.memory_space<vmem>>
      %dma_wait3A_773 = arith.constant 0 : i32
      %dma_wait3A_774 = arith.constant 0 : i32
      %dma_wait3A_775 = tpu.memref_slice %arg2[%dma_wait3A_773, %dma_wait3A_774] : memref<10000x16xf32, #tpu.memory_space<hbm>> -> memref<10000x16xf32, #tpu.memory_space<hbm>>
      tpu.wait_indirect_dma semaphore(%arg17 : memref<!tpu.dma_semaphore, #tpu.memory_space<semaphore_mem>>) src(%dma_wait3A_775 : memref<10000x16xf32, #tpu.memory_space<hbm>>) dst(%dma_wait3A_769 : memref<128x16xf32, #tpu.memory_space<vmem>>)
      %dma_start3A_776 = arith.constant 7 : i32
      %dma_start3A_777 = arith.constant 0 : i32
      %dma_start3A_778 = arith.constant 0 : i32
      %dma_start3A_779 = tpu.memref_slice %arg7[%dma_start3A_776, %dma_start3A_777, %dma_start3A_778] : memref<8x128x16xf32, #tpu.memory_space<vmem>> -> memref<1x128x16xf32, #tpu.memory_space<vmem>>
      %dma_start3A_780 = tpu.memref_squeeze %dma_start3A_779 : memref<1x128x16xf32, #tpu.memory_space<vmem>> -> memref<128x16xf32, #tpu.memory_space<vmem>>
      %dma_start3A_781 = arith.constant 0 : i32
      %dma_start3A_782 = tpu.memref_slice %arg6[%add3A_764, %dma_start3A_781] : memref<79x128xi32, #tpu.memory_space<vmem>> -> memref<1x128xi32, #tpu.memory_space<vmem>>
      %dma_start3A_783 = tpu.memref_squeeze %dma_start3A_782 : memref<1x128xi32, #tpu.memory_space<vmem>> -> memref<128xi32, #tpu.memory_space<vmem>>
      %dma_start3A_784 = arith.constant 0 : i32
      %dma_start3A_785 = arith.constant 0 : i32
      %dma_start3A_786 = tpu.memref_slice %arg9[%dma_start3A_784, %dma_start3A_785] : memref<10240x16xf32, #tpu.memory_space<vmem_shared>> -> memref<10240x16xf32, #tpu.memory_space<vmem_shared>>
      tpu.enqueue_indirect_dma source(%dma_start3A_780 : memref<128x16xf32, #tpu.memory_space<vmem>>) target(%dma_start3A_786 : memref<10240x16xf32, #tpu.memory_space<vmem_shared>>) offsets(%dma_start3A_783 : memref<128xi32, #tpu.memory_space<vmem>>) semaphore(%arg25 : memref<!tpu.dma_semaphore, #tpu.memory_space<semaphore_mem>>) {add = true}
      %ge3A_787 = arith.constant 4 : i32
      %ge3A_788 = arith.cmpi sge, %add3A_764, %ge3A_787 : i32
      %convert_element_type3A_789 = arith.extui %ge3A_788 : i1 to i32
      %cond3A_790 = arith.constant 0 : i32
      %cond3A_791 = arith.cmpi ne, %convert_element_type3A_789, %cond3A_790 : i32
      scf.if %cond3A_791 {
        %dma_wait3A_798 = arith.constant 3 : i32
        %dma_wait3A_799 = arith.constant 0 : i32
        %dma_wait3A_800 = arith.constant 0 : i32
        %dma_wait3A_801 = arith.constant 0 : i32
        %dma_wait3A_802 = tpu.memref_slice %arg7[%dma_wait3A_798, %dma_wait3A_800, %dma_wait3A_801] : memref<8x128x16xf32, #tpu.memory_space<vmem>> -> memref<1x128x16xf32, #tpu.memory_space<vmem>>
        %dma_wait3A_803 = tpu.memref_squeeze %dma_wait3A_802 : memref<1x128x16xf32, #tpu.memory_space<vmem>> -> memref<128x16xf32, #tpu.memory_space<vmem>>
        %dma_wait3A_804 = arith.constant 0 : i32
        %dma_wait3A_805 = tpu.memref_slice %arg6[%dma_wait3A_799, %dma_wait3A_804] : memref<79x128xi32, #tpu.memory_space<vmem>> -> memref<1x128xi32, #tpu.memory_space<vmem>>
        %dma_wait3A_806 = tpu.memref_squeeze %dma_wait3A_805 : memref<1x128xi32, #tpu.memory_space<vmem>> -> memref<128xi32, #tpu.memory_space<vmem>>
        %dma_wait3A_807 = arith.constant 0 : i32
        %dma_wait3A_808 = arith.constant 0 : i32
        %dma_wait3A_809 = tpu.memref_slice %arg9[%dma_wait3A_807, %dma_wait3A_808] : memref<10240x16xf32, #tpu.memory_space<vmem_shared>> -> memref<10240x16xf32, #tpu.memory_space<vmem_shared>>
        tpu.wait_indirect_dma semaphore(%arg21 : memref<!tpu.dma_semaphore, #tpu.memory_space<semaphore_mem>>) src(%dma_wait3A_803 : memref<128x16xf32, #tpu.memory_space<vmem>>) dst(%dma_wait3A_809 : memref<10240x16xf32, #tpu.memory_space<vmem_shared>>)
      } else {
      }
      %add3A_792 = arith.constant 4 : i32
      %add3A_793 = arith.addi %add3A_764, %add3A_792 : i32
      %lt3A_794 = arith.cmpi slt, %add3A_793, %add3A_3 : i32
      %convert_element_type3A_795 = arith.extui %lt3A_794 : i1 to i32
      %cond3A_796 = arith.constant 0 : i32
      %cond3A_797 = arith.cmpi ne, %convert_element_type3A_795, %cond3A_796 : i32
      scf.if %cond3A_797 {
        %add3A_798 = arith.constant 4 : i32
        %add3A_799 = arith.addi %add3A_764, %add3A_798 : i32
        %dma_start3A_800 = arith.constant 3 : i32
        %dma_start3A_801 = arith.constant 0 : i32
        %dma_start3A_802 = arith.constant 0 : i32
        %dma_start3A_803 = tpu.memref_slice %arg7[%dma_start3A_800, %dma_start3A_801, %dma_start3A_802] : memref<8x128x16xf32, #tpu.memory_space<vmem>> -> memref<1x128x16xf32, #tpu.memory_space<vmem>>
        %dma_start3A_804 = tpu.memref_squeeze %dma_start3A_803 : memref<1x128x16xf32, #tpu.memory_space<vmem>> -> memref<128x16xf32, #tpu.memory_space<vmem>>
        %dma_start3A_805 = arith.constant 0 : i32
        %dma_start3A_806 = tpu.memref_slice %arg5[%add3A_799, %dma_start3A_805] : memref<79x128xi32, #tpu.memory_space<vmem>> -> memref<1x128xi32, #tpu.memory_space<vmem>>
        %dma_start3A_807 = tpu.memref_squeeze %dma_start3A_806 : memref<1x128xi32, #tpu.memory_space<vmem>> -> memref<128xi32, #tpu.memory_space<vmem>>
        %dma_start3A_808 = arith.constant 0 : i32
        %dma_start3A_809 = arith.constant 0 : i32
        %dma_start3A_810 = tpu.memref_slice %arg2[%dma_start3A_808, %dma_start3A_809] : memref<10000x16xf32, #tpu.memory_space<hbm>> -> memref<10000x16xf32, #tpu.memory_space<hbm>>
        tpu.enqueue_indirect_dma source(%dma_start3A_810 : memref<10000x16xf32, #tpu.memory_space<hbm>>) target(%dma_start3A_804 : memref<128x16xf32, #tpu.memory_space<vmem>>) offsets(%dma_start3A_807 : memref<128xi32, #tpu.memory_space<vmem>>) semaphore(%arg13 : memref<!tpu.dma_semaphore, #tpu.memory_space<semaphore_mem>>)
      } else {
      }
    }
    %scan3A_68 = arith.constant 9 : i32
    %dma_wait3A = arith.constant 72 : i32
    %dma_wait3A_69 = arith.constant 0 : i32
    %dma_wait3A_70 = arith.constant 0 : i32
    %dma_wait3A_71 = arith.constant 0 : i32
    %dma_wait3A_72 = tpu.memref_slice %arg7[%dma_wait3A_69, %dma_wait3A_70, %dma_wait3A_71] : memref<8x128x16xf32, #tpu.memory_space<vmem>> -> memref<1x128x16xf32, #tpu.memory_space<vmem>>
    %dma_wait3A_73 = tpu.memref_squeeze %dma_wait3A_72 : memref<1x128x16xf32, #tpu.memory_space<vmem>> -> memref<128x16xf32, #tpu.memory_space<vmem>>
    %dma_wait3A_74 = arith.constant 0 : i32
    %dma_wait3A_75 = tpu.memref_slice %arg5[%dma_wait3A, %dma_wait3A_74] : memref<79x128xi32, #tpu.memory_space<vmem>> -> memref<1x128xi32, #tpu.memory_space<vmem>>
    %dma_wait3A_76 = tpu.memref_squeeze %dma_wait3A_75 : memref<1x128xi32, #tpu.memory_space<vmem>> -> memref<128xi32, #tpu.memory_space<vmem>>
    %dma_wait3A_77 = arith.constant 0 : i32
    %dma_wait3A_78 = arith.constant 0 : i32
    %dma_wait3A_79 = tpu.memref_slice %arg2[%dma_wait3A_77, %dma_wait3A_78] : memref<10000x16xf32, #tpu.memory_space<hbm>> -> memref<10000x16xf32, #tpu.memory_space<hbm>>
    tpu.wait_indirect_dma semaphore(%arg10 : memref<!tpu.dma_semaphore, #tpu.memory_space<semaphore_mem>>) src(%dma_wait3A_79 : memref<10000x16xf32, #tpu.memory_space<hbm>>) dst(%dma_wait3A_73 : memref<128x16xf32, #tpu.memory_space<vmem>>)
    %dma_start3A_80 = arith.constant 0 : i32
    %dma_start3A_81 = arith.constant 72 : i32
    %dma_start3A_82 = arith.constant 0 : i32
    %dma_start3A_83 = arith.constant 0 : i32
    %dma_start3A_84 = tpu.memref_slice %arg7[%dma_start3A_80, %dma_start3A_82, %dma_start3A_83] : memref<8x128x16xf32, #tpu.memory_space<vmem>> -> memref<1x128x16xf32, #tpu.memory_space<vmem>>
    %dma_start3A_85 = tpu.memref_squeeze %dma_start3A_84 : memref<1x128x16xf32, #tpu.memory_space<vmem>> -> memref<128x16xf32, #tpu.memory_space<vmem>>
    %dma_start3A_86 = arith.constant 0 : i32
    %dma_start3A_87 = tpu.memref_slice %arg6[%dma_start3A_81, %dma_start3A_86] : memref<79x128xi32, #tpu.memory_space<vmem>> -> memref<1x128xi32, #tpu.memory_space<vmem>>
    %dma_start3A_88 = tpu.memref_squeeze %dma_start3A_87 : memref<1x128xi32, #tpu.memory_space<vmem>> -> memref<128xi32, #tpu.memory_space<vmem>>
    %dma_start3A_89 = arith.constant 0 : i32
    %dma_start3A_90 = arith.constant 0 : i32
    %dma_start3A_91 = tpu.memref_slice %arg9[%dma_start3A_89, %dma_start3A_90] : memref<10240x16xf32, #tpu.memory_space<vmem_shared>> -> memref<10240x16xf32, #tpu.memory_space<vmem_shared>>
    tpu.enqueue_indirect_dma source(%dma_start3A_85 : memref<128x16xf32, #tpu.memory_space<vmem>>) target(%dma_start3A_91 : memref<10240x16xf32, #tpu.memory_space<vmem_shared>>) offsets(%dma_start3A_88 : memref<128xi32, #tpu.memory_space<vmem>>) semaphore(%arg18 : memref<!tpu.dma_semaphore, #tpu.memory_space<semaphore_mem>>) {add = true}
    %dma_wait3A_92 = arith.constant 4 : i32
    %dma_wait3A_93 = arith.constant 0 : i32
    %dma_wait3A_94 = arith.constant 0 : i32
    %dma_wait3A_95 = arith.constant 0 : i32
    %dma_wait3A_96 = tpu.memref_slice %arg7[%dma_wait3A_92, %dma_wait3A_94, %dma_wait3A_95] : memref<8x128x16xf32, #tpu.memory_space<vmem>> -> memref<1x128x16xf32, #tpu.memory_space<vmem>>
    %dma_wait3A_97 = tpu.memref_squeeze %dma_wait3A_96 : memref<1x128x16xf32, #tpu.memory_space<vmem>> -> memref<128x16xf32, #tpu.memory_space<vmem>>
    %dma_wait3A_98 = arith.constant 0 : i32
    %dma_wait3A_99 = tpu.memref_slice %arg6[%dma_wait3A_93, %dma_wait3A_98] : memref<79x128xi32, #tpu.memory_space<vmem>> -> memref<1x128xi32, #tpu.memory_space<vmem>>
    %dma_wait3A_100 = tpu.memref_squeeze %dma_wait3A_99 : memref<1x128xi32, #tpu.memory_space<vmem>> -> memref<128xi32, #tpu.memory_space<vmem>>
    %dma_wait3A_101 = arith.constant 0 : i32
    %dma_wait3A_102 = arith.constant 0 : i32
    %dma_wait3A_103 = tpu.memref_slice %arg9[%dma_wait3A_101, %dma_wait3A_102] : memref<10240x16xf32, #tpu.memory_space<vmem_shared>> -> memref<10240x16xf32, #tpu.memory_space<vmem_shared>>
    tpu.wait_indirect_dma semaphore(%arg22 : memref<!tpu.dma_semaphore, #tpu.memory_space<semaphore_mem>>) src(%dma_wait3A_97 : memref<128x16xf32, #tpu.memory_space<vmem>>) dst(%dma_wait3A_103 : memref<10240x16xf32, #tpu.memory_space<vmem_shared>>)
    %gt3A = arith.constant 76 : i32
    %gt3A_104 = arith.cmpi sgt, %add3A_3, %gt3A : i32
    %convert_element_type3A_105 = arith.extui %gt3A_104 : i1 to i32
    %cond3A_106 = arith.constant 0 : i32
    %cond3A_107 = arith.cmpi ne, %convert_element_type3A_105, %cond3A_106 : i32
    scf.if %cond3A_107 {
      %dma_start3A_514 = arith.constant 76 : i32
      %dma_start3A_515 = arith.constant 4 : i32
      %dma_start3A_516 = arith.constant 0 : i32
      %dma_start3A_517 = arith.constant 0 : i32
      %dma_start3A_518 = tpu.memref_slice %arg7[%dma_start3A_515, %dma_start3A_516, %dma_start3A_517] : memref<8x128x16xf32, #tpu.memory_space<vmem>> -> memref<1x128x16xf32, #tpu.memory_space<vmem>>
      %dma_start3A_519 = tpu.memref_squeeze %dma_start3A_518 : memref<1x128x16xf32, #tpu.memory_space<vmem>> -> memref<128x16xf32, #tpu.memory_space<vmem>>
      %dma_start3A_520 = arith.constant 0 : i32
      %dma_start3A_521 = tpu.memref_slice %arg5[%dma_start3A_514, %dma_start3A_520] : memref<79x128xi32, #tpu.memory_space<vmem>> -> memref<1x128xi32, #tpu.memory_space<vmem>>
      %dma_start3A_522 = tpu.memref_squeeze %dma_start3A_521 : memref<1x128xi32, #tpu.memory_space<vmem>> -> memref<128xi32, #tpu.memory_space<vmem>>
      %dma_start3A_523 = arith.constant 0 : i32
      %dma_start3A_524 = arith.constant 0 : i32
      %dma_start3A_525 = tpu.memref_slice %arg2[%dma_start3A_523, %dma_start3A_524] : memref<10000x16xf32, #tpu.memory_space<hbm>> -> memref<10000x16xf32, #tpu.memory_space<hbm>>
      tpu.enqueue_indirect_dma source(%dma_start3A_525 : memref<10000x16xf32, #tpu.memory_space<hbm>>) target(%dma_start3A_519 : memref<128x16xf32, #tpu.memory_space<vmem>>) offsets(%dma_start3A_522 : memref<128xi32, #tpu.memory_space<vmem>>) semaphore(%arg14 : memref<!tpu.dma_semaphore, #tpu.memory_space<semaphore_mem>>)
    } else {
    }
    %dma_wait3A_108 = arith.constant 73 : i32
    %dma_wait3A_109 = arith.constant 1 : i32
    %dma_wait3A_110 = arith.constant 0 : i32
    %dma_wait3A_111 = arith.constant 0 : i32
    %dma_wait3A_112 = tpu.memref_slice %arg7[%dma_wait3A_109, %dma_wait3A_110, %dma_wait3A_111] : memref<8x128x16xf32, #tpu.memory_space<vmem>> -> memref<1x128x16xf32, #tpu.memory_space<vmem>>
    %dma_wait3A_113 = tpu.memref_squeeze %dma_wait3A_112 : memref<1x128x16xf32, #tpu.memory_space<vmem>> -> memref<128x16xf32, #tpu.memory_space<vmem>>
    %dma_wait3A_114 = arith.constant 0 : i32
    %dma_wait3A_115 = tpu.memref_slice %arg5[%dma_wait3A_108, %dma_wait3A_114] : memref<79x128xi32, #tpu.memory_space<vmem>> -> memref<1x128xi32, #tpu.memory_space<vmem>>
    %dma_wait3A_116 = tpu.memref_squeeze %dma_wait3A_115 : memref<1x128xi32, #tpu.memory_space<vmem>> -> memref<128xi32, #tpu.memory_space<vmem>>
    %dma_wait3A_117 = arith.constant 0 : i32
    %dma_wait3A_118 = arith.constant 0 : i32
    %dma_wait3A_119 = tpu.memref_slice %arg2[%dma_wait3A_117, %dma_wait3A_118] : memref<10000x16xf32, #tpu.memory_space<hbm>> -> memref<10000x16xf32, #tpu.memory_space<hbm>>
    tpu.wait_indirect_dma semaphore(%arg11 : memref<!tpu.dma_semaphore, #tpu.memory_space<semaphore_mem>>) src(%dma_wait3A_119 : memref<10000x16xf32, #tpu.memory_space<hbm>>) dst(%dma_wait3A_113 : memref<128x16xf32, #tpu.memory_space<vmem>>)
    %dma_start3A_120 = arith.constant 1 : i32
    %dma_start3A_121 = arith.constant 73 : i32
    %dma_start3A_122 = arith.constant 0 : i32
    %dma_start3A_123 = arith.constant 0 : i32
    %dma_start3A_124 = tpu.memref_slice %arg7[%dma_start3A_120, %dma_start3A_122, %dma_start3A_123] : memref<8x128x16xf32, #tpu.memory_space<vmem>> -> memref<1x128x16xf32, #tpu.memory_space<vmem>>
    %dma_start3A_125 = tpu.memref_squeeze %dma_start3A_124 : memref<1x128x16xf32, #tpu.memory_space<vmem>> -> memref<128x16xf32, #tpu.memory_space<vmem>>
    %dma_start3A_126 = arith.constant 0 : i32
    %dma_start3A_127 = tpu.memref_slice %arg6[%dma_start3A_121, %dma_start3A_126] : memref<79x128xi32, #tpu.memory_space<vmem>> -> memref<1x128xi32, #tpu.memory_space<vmem>>
    %dma_start3A_128 = tpu.memref_squeeze %dma_start3A_127 : memref<1x128xi32, #tpu.memory_space<vmem>> -> memref<128xi32, #tpu.memory_space<vmem>>
    %dma_start3A_129 = arith.constant 0 : i32
    %dma_start3A_130 = arith.constant 0 : i32
    %dma_start3A_131 = tpu.memref_slice %arg9[%dma_start3A_129, %dma_start3A_130] : memref<10240x16xf32, #tpu.memory_space<vmem_shared>> -> memref<10240x16xf32, #tpu.memory_space<vmem_shared>>
    tpu.enqueue_indirect_dma source(%dma_start3A_125 : memref<128x16xf32, #tpu.memory_space<vmem>>) target(%dma_start3A_131 : memref<10240x16xf32, #tpu.memory_space<vmem_shared>>) offsets(%dma_start3A_128 : memref<128xi32, #tpu.memory_space<vmem>>) semaphore(%arg19 : memref<!tpu.dma_semaphore, #tpu.memory_space<semaphore_mem>>) {add = true}
    %dma_wait3A_132 = arith.constant 5 : i32
    %dma_wait3A_133 = arith.constant 0 : i32
    %dma_wait3A_134 = arith.constant 0 : i32
    %dma_wait3A_135 = arith.constant 0 : i32
    %dma_wait3A_136 = tpu.memref_slice %arg7[%dma_wait3A_132, %dma_wait3A_134, %dma_wait3A_135] : memref<8x128x16xf32, #tpu.memory_space<vmem>> -> memref<1x128x16xf32, #tpu.memory_space<vmem>>
    %dma_wait3A_137 = tpu.memref_squeeze %dma_wait3A_136 : memref<1x128x16xf32, #tpu.memory_space<vmem>> -> memref<128x16xf32, #tpu.memory_space<vmem>>
    %dma_wait3A_138 = arith.constant 0 : i32
    %dma_wait3A_139 = tpu.memref_slice %arg6[%dma_wait3A_133, %dma_wait3A_138] : memref<79x128xi32, #tpu.memory_space<vmem>> -> memref<1x128xi32, #tpu.memory_space<vmem>>
    %dma_wait3A_140 = tpu.memref_squeeze %dma_wait3A_139 : memref<1x128xi32, #tpu.memory_space<vmem>> -> memref<128xi32, #tpu.memory_space<vmem>>
    %dma_wait3A_141 = arith.constant 0 : i32
    %dma_wait3A_142 = arith.constant 0 : i32
    %dma_wait3A_143 = tpu.memref_slice %arg9[%dma_wait3A_141, %dma_wait3A_142] : memref<10240x16xf32, #tpu.memory_space<vmem_shared>> -> memref<10240x16xf32, #tpu.memory_space<vmem_shared>>
    tpu.wait_indirect_dma semaphore(%arg23 : memref<!tpu.dma_semaphore, #tpu.memory_space<semaphore_mem>>) src(%dma_wait3A_137 : memref<128x16xf32, #tpu.memory_space<vmem>>) dst(%dma_wait3A_143 : memref<10240x16xf32, #tpu.memory_space<vmem_shared>>)
    %gt3A_144 = arith.constant 77 : i32
    %gt3A_145 = arith.cmpi sgt, %add3A_3, %gt3A_144 : i32
    %convert_element_type3A_146 = arith.extui %gt3A_145 : i1 to i32
    %cond3A_147 = arith.constant 0 : i32
    %cond3A_148 = arith.cmpi ne, %convert_element_type3A_146, %cond3A_147 : i32
    scf.if %cond3A_148 {
      %dma_start3A_514 = arith.constant 77 : i32
      %dma_start3A_515 = arith.constant 5 : i32
      %dma_start3A_516 = arith.constant 0 : i32
      %dma_start3A_517 = arith.constant 0 : i32
      %dma_start3A_518 = tpu.memref_slice %arg7[%dma_start3A_515, %dma_start3A_516, %dma_start3A_517] : memref<8x128x16xf32, #tpu.memory_space<vmem>> -> memref<1x128x16xf32, #tpu.memory_space<vmem>>
      %dma_start3A_519 = tpu.memref_squeeze %dma_start3A_518 : memref<1x128x16xf32, #tpu.memory_space<vmem>> -> memref<128x16xf32, #tpu.memory_space<vmem>>
      %dma_start3A_520 = arith.constant 0 : i32
      %dma_start3A_521 = tpu.memref_slice %arg5[%dma_start3A_514, %dma_start3A_520] : memref<79x128xi32, #tpu.memory_space<vmem>> -> memref<1x128xi32, #tpu.memory_space<vmem>>
      %dma_start3A_522 = tpu.memref_squeeze %dma_start3A_521 : memref<1x128xi32, #tpu.memory_space<vmem>> -> memref<128xi32, #tpu.memory_space<vmem>>
      %dma_start3A_523 = arith.constant 0 : i32
      %dma_start3A_524 = arith.constant 0 : i32
      %dma_start3A_525 = tpu.memref_slice %arg2[%dma_start3A_523, %dma_start3A_524] : memref<10000x16xf32, #tpu.memory_space<hbm>> -> memref<10000x16xf32, #tpu.memory_space<hbm>>
      tpu.enqueue_indirect_dma source(%dma_start3A_525 : memref<10000x16xf32, #tpu.memory_space<hbm>>) target(%dma_start3A_519 : memref<128x16xf32, #tpu.memory_space<vmem>>) offsets(%dma_start3A_522 : memref<128xi32, #tpu.memory_space<vmem>>) semaphore(%arg15 : memref<!tpu.dma_semaphore, #tpu.memory_space<semaphore_mem>>)
    } else {
    }
    %dma_wait3A_149 = arith.constant 74 : i32
    %dma_wait3A_150 = arith.constant 2 : i32
    %dma_wait3A_151 = arith.constant 0 : i32
    %dma_wait3A_152 = arith.constant 0 : i32
    %dma_wait3A_153 = tpu.memref_slice %arg7[%dma_wait3A_150, %dma_wait3A_151, %dma_wait3A_152] : memref<8x128x16xf32, #tpu.memory_space<vmem>> -> memref<1x128x16xf32, #tpu.memory_space<vmem>>
    %dma_wait3A_154 = tpu.memref_squeeze %dma_wait3A_153 : memref<1x128x16xf32, #tpu.memory_space<vmem>> -> memref<128x16xf32, #tpu.memory_space<vmem>>
    %dma_wait3A_155 = arith.constant 0 : i32
    %dma_wait3A_156 = tpu.memref_slice %arg5[%dma_wait3A_149, %dma_wait3A_155] : memref<79x128xi32, #tpu.memory_space<vmem>> -> memref<1x128xi32, #tpu.memory_space<vmem>>
    %dma_wait3A_157 = tpu.memref_squeeze %dma_wait3A_156 : memref<1x128xi32, #tpu.memory_space<vmem>> -> memref<128xi32, #tpu.memory_space<vmem>>
    %dma_wait3A_158 = arith.constant 0 : i32
    %dma_wait3A_159 = arith.constant 0 : i32
    %dma_wait3A_160 = tpu.memref_slice %arg2[%dma_wait3A_158, %dma_wait3A_159] : memref<10000x16xf32, #tpu.memory_space<hbm>> -> memref<10000x16xf32, #tpu.memory_space<hbm>>
    tpu.wait_indirect_dma semaphore(%arg12 : memref<!tpu.dma_semaphore, #tpu.memory_space<semaphore_mem>>) src(%dma_wait3A_160 : memref<10000x16xf32, #tpu.memory_space<hbm>>) dst(%dma_wait3A_154 : memref<128x16xf32, #tpu.memory_space<vmem>>)
    %dma_start3A_161 = arith.constant 2 : i32
    %dma_start3A_162 = arith.constant 74 : i32
    %dma_start3A_163 = arith.constant 0 : i32
    %dma_start3A_164 = arith.constant 0 : i32
    %dma_start3A_165 = tpu.memref_slice %arg7[%dma_start3A_161, %dma_start3A_163, %dma_start3A_164] : memref<8x128x16xf32, #tpu.memory_space<vmem>> -> memref<1x128x16xf32, #tpu.memory_space<vmem>>
    %dma_start3A_166 = tpu.memref_squeeze %dma_start3A_165 : memref<1x128x16xf32, #tpu.memory_space<vmem>> -> memref<128x16xf32, #tpu.memory_space<vmem>>
    %dma_start3A_167 = arith.constant 0 : i32
    %dma_start3A_168 = tpu.memref_slice %arg6[%dma_start3A_162, %dma_start3A_167] : memref<79x128xi32, #tpu.memory_space<vmem>> -> memref<1x128xi32, #tpu.memory_space<vmem>>
    %dma_start3A_169 = tpu.memref_squeeze %dma_start3A_168 : memref<1x128xi32, #tpu.memory_space<vmem>> -> memref<128xi32, #tpu.memory_space<vmem>>
    %dma_start3A_170 = arith.constant 0 : i32
    %dma_start3A_171 = arith.constant 0 : i32
    %dma_start3A_172 = tpu.memref_slice %arg9[%dma_start3A_170, %dma_start3A_171] : memref<10240x16xf32, #tpu.memory_space<vmem_shared>> -> memref<10240x16xf32, #tpu.memory_space<vmem_shared>>
    tpu.enqueue_indirect_dma source(%dma_start3A_166 : memref<128x16xf32, #tpu.memory_space<vmem>>) target(%dma_start3A_172 : memref<10240x16xf32, #tpu.memory_space<vmem_shared>>) offsets(%dma_start3A_169 : memref<128xi32, #tpu.memory_space<vmem>>) semaphore(%arg20 : memref<!tpu.dma_semaphore, #tpu.memory_space<semaphore_mem>>) {add = true}
    %dma_wait3A_173 = arith.constant 6 : i32
    %dma_wait3A_174 = arith.constant 0 : i32
    %dma_wait3A_175 = arith.constant 0 : i32
    %dma_wait3A_176 = arith.constant 0 : i32
    %dma_wait3A_177 = tpu.memref_slice %arg7[%dma_wait3A_173, %dma_wait3A_175, %dma_wait3A_176] : memref<8x128x16xf32, #tpu.memory_space<vmem>> -> memref<1x128x16xf32, #tpu.memory_space<vmem>>
    %dma_wait3A_178 = tpu.memref_squeeze %dma_wait3A_177 : memref<1x128x16xf32, #tpu.memory_space<vmem>> -> memref<128x16xf32, #tpu.memory_space<vmem>>
    %dma_wait3A_179 = arith.constant 0 : i32
    %dma_wait3A_180 = tpu.memref_slice %arg6[%dma_wait3A_174, %dma_wait3A_179] : memref<79x128xi32, #tpu.memory_space<vmem>> -> memref<1x128xi32, #tpu.memory_space<vmem>>
    %dma_wait3A_181 = tpu.memref_squeeze %dma_wait3A_180 : memref<1x128xi32, #tpu.memory_space<vmem>> -> memref<128xi32, #tpu.memory_space<vmem>>
    %dma_wait3A_182 = arith.constant 0 : i32
    %dma_wait3A_183 = arith.constant 0 : i32
    %dma_wait3A_184 = tpu.memref_slice %arg9[%dma_wait3A_182, %dma_wait3A_183] : memref<10240x16xf32, #tpu.memory_space<vmem_shared>> -> memref<10240x16xf32, #tpu.memory_space<vmem_shared>>
    tpu.wait_indirect_dma semaphore(%arg24 : memref<!tpu.dma_semaphore, #tpu.memory_space<semaphore_mem>>) src(%dma_wait3A_178 : memref<128x16xf32, #tpu.memory_space<vmem>>) dst(%dma_wait3A_184 : memref<10240x16xf32, #tpu.memory_space<vmem_shared>>)
    %gt3A_185 = arith.constant 78 : i32
    %gt3A_186 = arith.cmpi sgt, %add3A_3, %gt3A_185 : i32
    %convert_element_type3A_187 = arith.extui %gt3A_186 : i1 to i32
    %cond3A_188 = arith.constant 0 : i32
    %cond3A_189 = arith.cmpi ne, %convert_element_type3A_187, %cond3A_188 : i32
    scf.if %cond3A_189 {
      %dma_start3A_514 = arith.constant 78 : i32
      %dma_start3A_515 = arith.constant 6 : i32
      %dma_start3A_516 = arith.constant 0 : i32
      %dma_start3A_517 = arith.constant 0 : i32
      %dma_start3A_518 = tpu.memref_slice %arg7[%dma_start3A_515, %dma_start3A_516, %dma_start3A_517] : memref<8x128x16xf32, #tpu.memory_space<vmem>> -> memref<1x128x16xf32, #tpu.memory_space<vmem>>
      %dma_start3A_519 = tpu.memref_squeeze %dma_start3A_518 : memref<1x128x16xf32, #tpu.memory_space<vmem>> -> memref<128x16xf32, #tpu.memory_space<vmem>>
      %dma_start3A_520 = arith.constant 0 : i32
      %dma_start3A_521 = tpu.memref_slice %arg5[%dma_start3A_514, %dma_start3A_520] : memref<79x128xi32, #tpu.memory_space<vmem>> -> memref<1x128xi32, #tpu.memory_space<vmem>>
      %dma_start3A_522 = tpu.memref_squeeze %dma_start3A_521 : memref<1x128xi32, #tpu.memory_space<vmem>> -> memref<128xi32, #tpu.memory_space<vmem>>
      %dma_start3A_523 = arith.constant 0 : i32
      %dma_start3A_524 = arith.constant 0 : i32
      %dma_start3A_525 = tpu.memref_slice %arg2[%dma_start3A_523, %dma_start3A_524] : memref<10000x16xf32, #tpu.memory_space<hbm>> -> memref<10000x16xf32, #tpu.memory_space<hbm>>
      tpu.enqueue_indirect_dma source(%dma_start3A_525 : memref<10000x16xf32, #tpu.memory_space<hbm>>) target(%dma_start3A_519 : memref<128x16xf32, #tpu.memory_space<vmem>>) offsets(%dma_start3A_522 : memref<128xi32, #tpu.memory_space<vmem>>) semaphore(%arg16 : memref<!tpu.dma_semaphore, #tpu.memory_space<semaphore_mem>>)
    } else {
    }
    %dma_wait3A_190 = arith.constant 75 : i32
    %dma_wait3A_191 = arith.constant 3 : i32
    %dma_wait3A_192 = arith.constant 0 : i32
    %dma_wait3A_193 = arith.constant 0 : i32
    %dma_wait3A_194 = tpu.memref_slice %arg7[%dma_wait3A_191, %dma_wait3A_192, %dma_wait3A_193] : memref<8x128x16xf32, #tpu.memory_space<vmem>> -> memref<1x128x16xf32, #tpu.memory_space<vmem>>
    %dma_wait3A_195 = tpu.memref_squeeze %dma_wait3A_194 : memref<1x128x16xf32, #tpu.memory_space<vmem>> -> memref<128x16xf32, #tpu.memory_space<vmem>>
    %dma_wait3A_196 = arith.constant 0 : i32
    %dma_wait3A_197 = tpu.memref_slice %arg5[%dma_wait3A_190, %dma_wait3A_196] : memref<79x128xi32, #tpu.memory_space<vmem>> -> memref<1x128xi32, #tpu.memory_space<vmem>>
    %dma_wait3A_198 = tpu.memref_squeeze %dma_wait3A_197 : memref<1x128xi32, #tpu.memory_space<vmem>> -> memref<128xi32, #tpu.memory_space<vmem>>
    %dma_wait3A_199 = arith.constant 0 : i32
    %dma_wait3A_200 = arith.constant 0 : i32
    %dma_wait3A_201 = tpu.memref_slice %arg2[%dma_wait3A_199, %dma_wait3A_200] : memref<10000x16xf32, #tpu.memory_space<hbm>> -> memref<10000x16xf32, #tpu.memory_space<hbm>>
    tpu.wait_indirect_dma semaphore(%arg13 : memref<!tpu.dma_semaphore, #tpu.memory_space<semaphore_mem>>) src(%dma_wait3A_201 : memref<10000x16xf32, #tpu.memory_space<hbm>>) dst(%dma_wait3A_195 : memref<128x16xf32, #tpu.memory_space<vmem>>)
    %dma_start3A_202 = arith.constant 3 : i32
    %dma_start3A_203 = arith.constant 75 : i32
    %dma_start3A_204 = arith.constant 0 : i32
    %dma_start3A_205 = arith.constant 0 : i32
    %dma_start3A_206 = tpu.memref_slice %arg7[%dma_start3A_202, %dma_start3A_204, %dma_start3A_205] : memref<8x128x16xf32, #tpu.memory_space<vmem>> -> memref<1x128x16xf32, #tpu.memory_space<vmem>>
    %dma_start3A_207 = tpu.memref_squeeze %dma_start3A_206 : memref<1x128x16xf32, #tpu.memory_space<vmem>> -> memref<128x16xf32, #tpu.memory_space<vmem>>
    %dma_start3A_208 = arith.constant 0 : i32
    %dma_start3A_209 = tpu.memref_slice %arg6[%dma_start3A_203, %dma_start3A_208] : memref<79x128xi32, #tpu.memory_space<vmem>> -> memref<1x128xi32, #tpu.memory_space<vmem>>
    %dma_start3A_210 = tpu.memref_squeeze %dma_start3A_209 : memref<1x128xi32, #tpu.memory_space<vmem>> -> memref<128xi32, #tpu.memory_space<vmem>>
    %dma_start3A_211 = arith.constant 0 : i32
    %dma_start3A_212 = arith.constant 0 : i32
    %dma_start3A_213 = tpu.memref_slice %arg9[%dma_start3A_211, %dma_start3A_212] : memref<10240x16xf32, #tpu.memory_space<vmem_shared>> -> memref<10240x16xf32, #tpu.memory_space<vmem_shared>>
    tpu.enqueue_indirect_dma source(%dma_start3A_207 : memref<128x16xf32, #tpu.memory_space<vmem>>) target(%dma_start3A_213 : memref<10240x16xf32, #tpu.memory_space<vmem_shared>>) offsets(%dma_start3A_210 : memref<128xi32, #tpu.memory_space<vmem>>) semaphore(%arg21 : memref<!tpu.dma_semaphore, #tpu.memory_space<semaphore_mem>>) {add = true}
    %dma_wait3A_214 = arith.constant 7 : i32
    %dma_wait3A_215 = arith.constant 0 : i32
    %dma_wait3A_216 = arith.constant 0 : i32
    %dma_wait3A_217 = arith.constant 0 : i32
    %dma_wait3A_218 = tpu.memref_slice %arg7[%dma_wait3A_214, %dma_wait3A_216, %dma_wait3A_217] : memref<8x128x16xf32, #tpu.memory_space<vmem>> -> memref<1x128x16xf32, #tpu.memory_space<vmem>>
    %dma_wait3A_219 = tpu.memref_squeeze %dma_wait3A_218 : memref<1x128x16xf32, #tpu.memory_space<vmem>> -> memref<128x16xf32, #tpu.memory_space<vmem>>
    %dma_wait3A_220 = arith.constant 0 : i32
    %dma_wait3A_221 = tpu.memref_slice %arg6[%dma_wait3A_215, %dma_wait3A_220] : memref<79x128xi32, #tpu.memory_space<vmem>> -> memref<1x128xi32, #tpu.memory_space<vmem>>
    %dma_wait3A_222 = tpu.memref_squeeze %dma_wait3A_221 : memref<1x128xi32, #tpu.memory_space<vmem>> -> memref<128xi32, #tpu.memory_space<vmem>>
    %dma_wait3A_223 = arith.constant 0 : i32
    %dma_wait3A_224 = arith.constant 0 : i32
    %dma_wait3A_225 = tpu.memref_slice %arg9[%dma_wait3A_223, %dma_wait3A_224] : memref<10240x16xf32, #tpu.memory_space<vmem_shared>> -> memref<10240x16xf32, #tpu.memory_space<vmem_shared>>
    tpu.wait_indirect_dma semaphore(%arg25 : memref<!tpu.dma_semaphore, #tpu.memory_space<semaphore_mem>>) src(%dma_wait3A_219 : memref<128x16xf32, #tpu.memory_space<vmem>>) dst(%dma_wait3A_225 : memref<10240x16xf32, #tpu.memory_space<vmem_shared>>)
    %gt3A_226 = arith.constant 79 : i32
    %gt3A_227 = arith.cmpi sgt, %add3A_3, %gt3A_226 : i32
    %convert_element_type3A_228 = arith.extui %gt3A_227 : i1 to i32
    %cond3A_229 = arith.constant 0 : i32
    %cond3A_230 = arith.cmpi ne, %convert_element_type3A_228, %cond3A_229 : i32
    scf.if %cond3A_230 {
      %dma_start3A_514 = arith.constant 79 : i32
      %dma_start3A_515 = arith.constant 7 : i32
      %dma_start3A_516 = arith.constant 0 : i32
      %dma_start3A_517 = arith.constant 0 : i32
      %dma_start3A_518 = tpu.memref_slice %arg7[%dma_start3A_515, %dma_start3A_516, %dma_start3A_517] : memref<8x128x16xf32, #tpu.memory_space<vmem>> -> memref<1x128x16xf32, #tpu.memory_space<vmem>>
      %dma_start3A_519 = tpu.memref_squeeze %dma_start3A_518 : memref<1x128x16xf32, #tpu.memory_space<vmem>> -> memref<128x16xf32, #tpu.memory_space<vmem>>
      %dma_start3A_520 = arith.constant 0 : i32
      %dma_start3A_521 = tpu.memref_slice %arg5[%dma_start3A_514, %dma_start3A_520] : memref<79x128xi32, #tpu.memory_space<vmem>> -> memref<1x128xi32, #tpu.memory_space<vmem>>
      %dma_start3A_522 = tpu.memref_squeeze %dma_start3A_521 : memref<1x128xi32, #tpu.memory_space<vmem>> -> memref<128xi32, #tpu.memory_space<vmem>>
      %dma_start3A_523 = arith.constant 0 : i32
      %dma_start3A_524 = arith.constant 0 : i32
      %dma_start3A_525 = tpu.memref_slice %arg2[%dma_start3A_523, %dma_start3A_524] : memref<10000x16xf32, #tpu.memory_space<hbm>> -> memref<10000x16xf32, #tpu.memory_space<hbm>>
      tpu.enqueue_indirect_dma source(%dma_start3A_525 : memref<10000x16xf32, #tpu.memory_space<hbm>>) target(%dma_start3A_519 : memref<128x16xf32, #tpu.memory_space<vmem>>) offsets(%dma_start3A_522 : memref<128xi32, #tpu.memory_space<vmem>>) semaphore(%arg17 : memref<!tpu.dma_semaphore, #tpu.memory_space<semaphore_mem>>)
    } else {
    }
    %dma_wait3A_231 = arith.constant 76 : i32
    %dma_wait3A_232 = arith.constant 4 : i32
    %dma_wait3A_233 = arith.constant 0 : i32
    %dma_wait3A_234 = arith.constant 0 : i32
    %dma_wait3A_235 = tpu.memref_slice %arg7[%dma_wait3A_232, %dma_wait3A_233, %dma_wait3A_234] : memref<8x128x16xf32, #tpu.memory_space<vmem>> -> memref<1x128x16xf32, #tpu.memory_space<vmem>>
    %dma_wait3A_236 = tpu.memref_squeeze %dma_wait3A_235 : memref<1x128x16xf32, #tpu.memory_space<vmem>> -> memref<128x16xf32, #tpu.memory_space<vmem>>
    %dma_wait3A_237 = arith.constant 0 : i32
    %dma_wait3A_238 = tpu.memref_slice %arg5[%dma_wait3A_231, %dma_wait3A_237] : memref<79x128xi32, #tpu.memory_space<vmem>> -> memref<1x128xi32, #tpu.memory_space<vmem>>
    %dma_wait3A_239 = tpu.memref_squeeze %dma_wait3A_238 : memref<1x128xi32, #tpu.memory_space<vmem>> -> memref<128xi32, #tpu.memory_space<vmem>>
    %dma_wait3A_240 = arith.constant 0 : i32
    %dma_wait3A_241 = arith.constant 0 : i32
    %dma_wait3A_242 = tpu.memref_slice %arg2[%dma_wait3A_240, %dma_wait3A_241] : memref<10000x16xf32, #tpu.memory_space<hbm>> -> memref<10000x16xf32, #tpu.memory_space<hbm>>
    tpu.wait_indirect_dma semaphore(%arg14 : memref<!tpu.dma_semaphore, #tpu.memory_space<semaphore_mem>>) src(%dma_wait3A_242 : memref<10000x16xf32, #tpu.memory_space<hbm>>) dst(%dma_wait3A_236 : memref<128x16xf32, #tpu.memory_space<vmem>>)
    %dma_start3A_243 = arith.constant 4 : i32
    %dma_start3A_244 = arith.constant 76 : i32
    %dma_start3A_245 = arith.constant 0 : i32
    %dma_start3A_246 = arith.constant 0 : i32
    %dma_start3A_247 = tpu.memref_slice %arg7[%dma_start3A_243, %dma_start3A_245, %dma_start3A_246] : memref<8x128x16xf32, #tpu.memory_space<vmem>> -> memref<1x128x16xf32, #tpu.memory_space<vmem>>
    %dma_start3A_248 = tpu.memref_squeeze %dma_start3A_247 : memref<1x128x16xf32, #tpu.memory_space<vmem>> -> memref<128x16xf32, #tpu.memory_space<vmem>>
    %dma_start3A_249 = arith.constant 0 : i32
    %dma_start3A_250 = tpu.memref_slice %arg6[%dma_start3A_244, %dma_start3A_249] : memref<79x128xi32, #tpu.memory_space<vmem>> -> memref<1x128xi32, #tpu.memory_space<vmem>>
    %dma_start3A_251 = tpu.memref_squeeze %dma_start3A_250 : memref<1x128xi32, #tpu.memory_space<vmem>> -> memref<128xi32, #tpu.memory_space<vmem>>
    %dma_start3A_252 = arith.constant 0 : i32
    %dma_start3A_253 = arith.constant 0 : i32
    %dma_start3A_254 = tpu.memref_slice %arg9[%dma_start3A_252, %dma_start3A_253] : memref<10240x16xf32, #tpu.memory_space<vmem_shared>> -> memref<10240x16xf32, #tpu.memory_space<vmem_shared>>
    tpu.enqueue_indirect_dma source(%dma_start3A_248 : memref<128x16xf32, #tpu.memory_space<vmem>>) target(%dma_start3A_254 : memref<10240x16xf32, #tpu.memory_space<vmem_shared>>) offsets(%dma_start3A_251 : memref<128xi32, #tpu.memory_space<vmem>>) semaphore(%arg22 : memref<!tpu.dma_semaphore, #tpu.memory_space<semaphore_mem>>) {add = true}
    %dma_wait3A_255 = arith.constant 0 : i32
    %dma_wait3A_256 = arith.constant 0 : i32
    %dma_wait3A_257 = arith.constant 0 : i32
    %dma_wait3A_258 = arith.constant 0 : i32
    %dma_wait3A_259 = tpu.memref_slice %arg7[%dma_wait3A_255, %dma_wait3A_257, %dma_wait3A_258] : memref<8x128x16xf32, #tpu.memory_space<vmem>> -> memref<1x128x16xf32, #tpu.memory_space<vmem>>
    %dma_wait3A_260 = tpu.memref_squeeze %dma_wait3A_259 : memref<1x128x16xf32, #tpu.memory_space<vmem>> -> memref<128x16xf32, #tpu.memory_space<vmem>>
    %dma_wait3A_261 = arith.constant 0 : i32
    %dma_wait3A_262 = tpu.memref_slice %arg6[%dma_wait3A_256, %dma_wait3A_261] : memref<79x128xi32, #tpu.memory_space<vmem>> -> memref<1x128xi32, #tpu.memory_space<vmem>>
    %dma_wait3A_263 = tpu.memref_squeeze %dma_wait3A_262 : memref<1x128xi32, #tpu.memory_space<vmem>> -> memref<128xi32, #tpu.memory_space<vmem>>
    %dma_wait3A_264 = arith.constant 0 : i32
    %dma_wait3A_265 = arith.constant 0 : i32
    %dma_wait3A_266 = tpu.memref_slice %arg9[%dma_wait3A_264, %dma_wait3A_265] : memref<10240x16xf32, #tpu.memory_space<vmem_shared>> -> memref<10240x16xf32, #tpu.memory_space<vmem_shared>>
    tpu.wait_indirect_dma semaphore(%arg18 : memref<!tpu.dma_semaphore, #tpu.memory_space<semaphore_mem>>) src(%dma_wait3A_260 : memref<128x16xf32, #tpu.memory_space<vmem>>) dst(%dma_wait3A_266 : memref<10240x16xf32, #tpu.memory_space<vmem_shared>>)
    %gt3A_267 = arith.constant 80 : i32
    %gt3A_268 = arith.cmpi sgt, %add3A_3, %gt3A_267 : i32
    %convert_element_type3A_269 = arith.extui %gt3A_268 : i1 to i32
    %cond3A_270 = arith.constant 0 : i32
    %cond3A_271 = arith.cmpi ne, %convert_element_type3A_269, %cond3A_270 : i32
    scf.if %cond3A_271 {
      %dma_start3A_514 = arith.constant 80 : i32
      %dma_start3A_515 = arith.constant 0 : i32
      %dma_start3A_516 = arith.constant 0 : i32
      %dma_start3A_517 = arith.constant 0 : i32
      %dma_start3A_518 = tpu.memref_slice %arg7[%dma_start3A_515, %dma_start3A_516, %dma_start3A_517] : memref<8x128x16xf32, #tpu.memory_space<vmem>> -> memref<1x128x16xf32, #tpu.memory_space<vmem>>
      %dma_start3A_519 = tpu.memref_squeeze %dma_start3A_518 : memref<1x128x16xf32, #tpu.memory_space<vmem>> -> memref<128x16xf32, #tpu.memory_space<vmem>>
      %dma_start3A_520 = arith.constant 0 : i32
      %dma_start3A_521 = tpu.memref_slice %arg5[%dma_start3A_514, %dma_start3A_520] : memref<79x128xi32, #tpu.memory_space<vmem>> -> memref<1x128xi32, #tpu.memory_space<vmem>>
      %dma_start3A_522 = tpu.memref_squeeze %dma_start3A_521 : memref<1x128xi32, #tpu.memory_space<vmem>> -> memref<128xi32, #tpu.memory_space<vmem>>
      %dma_start3A_523 = arith.constant 0 : i32
      %dma_start3A_524 = arith.constant 0 : i32
      %dma_start3A_525 = tpu.memref_slice %arg2[%dma_start3A_523, %dma_start3A_524] : memref<10000x16xf32, #tpu.memory_space<hbm>> -> memref<10000x16xf32, #tpu.memory_space<hbm>>
      tpu.enqueue_indirect_dma source(%dma_start3A_525 : memref<10000x16xf32, #tpu.memory_space<hbm>>) target(%dma_start3A_519 : memref<128x16xf32, #tpu.memory_space<vmem>>) offsets(%dma_start3A_522 : memref<128xi32, #tpu.memory_space<vmem>>) semaphore(%arg10 : memref<!tpu.dma_semaphore, #tpu.memory_space<semaphore_mem>>)
    } else {
    }
    %dma_wait3A_272 = arith.constant 77 : i32
    %dma_wait3A_273 = arith.constant 5 : i32
    %dma_wait3A_274 = arith.constant 0 : i32
    %dma_wait3A_275 = arith.constant 0 : i32
    %dma_wait3A_276 = tpu.memref_slice %arg7[%dma_wait3A_273, %dma_wait3A_274, %dma_wait3A_275] : memref<8x128x16xf32, #tpu.memory_space<vmem>> -> memref<1x128x16xf32, #tpu.memory_space<vmem>>
    %dma_wait3A_277 = tpu.memref_squeeze %dma_wait3A_276 : memref<1x128x16xf32, #tpu.memory_space<vmem>> -> memref<128x16xf32, #tpu.memory_space<vmem>>
    %dma_wait3A_278 = arith.constant 0 : i32
    %dma_wait3A_279 = tpu.memref_slice %arg5[%dma_wait3A_272, %dma_wait3A_278] : memref<79x128xi32, #tpu.memory_space<vmem>> -> memref<1x128xi32, #tpu.memory_space<vmem>>
    %dma_wait3A_280 = tpu.memref_squeeze %dma_wait3A_279 : memref<1x128xi32, #tpu.memory_space<vmem>> -> memref<128xi32, #tpu.memory_space<vmem>>
    %dma_wait3A_281 = arith.constant 0 : i32
    %dma_wait3A_282 = arith.constant 0 : i32
    %dma_wait3A_283 = tpu.memref_slice %arg2[%dma_wait3A_281, %dma_wait3A_282] : memref<10000x16xf32, #tpu.memory_space<hbm>> -> memref<10000x16xf32, #tpu.memory_space<hbm>>
    tpu.wait_indirect_dma semaphore(%arg15 : memref<!tpu.dma_semaphore, #tpu.memory_space<semaphore_mem>>) src(%dma_wait3A_283 : memref<10000x16xf32, #tpu.memory_space<hbm>>) dst(%dma_wait3A_277 : memref<128x16xf32, #tpu.memory_space<vmem>>)
    %dma_start3A_284 = arith.constant 5 : i32
    %dma_start3A_285 = arith.constant 77 : i32
    %dma_start3A_286 = arith.constant 0 : i32
    %dma_start3A_287 = arith.constant 0 : i32
    %dma_start3A_288 = tpu.memref_slice %arg7[%dma_start3A_284, %dma_start3A_286, %dma_start3A_287] : memref<8x128x16xf32, #tpu.memory_space<vmem>> -> memref<1x128x16xf32, #tpu.memory_space<vmem>>
    %dma_start3A_289 = tpu.memref_squeeze %dma_start3A_288 : memref<1x128x16xf32, #tpu.memory_space<vmem>> -> memref<128x16xf32, #tpu.memory_space<vmem>>
    %dma_start3A_290 = arith.constant 0 : i32
    %dma_start3A_291 = tpu.memref_slice %arg6[%dma_start3A_285, %dma_start3A_290] : memref<79x128xi32, #tpu.memory_space<vmem>> -> memref<1x128xi32, #tpu.memory_space<vmem>>
    %dma_start3A_292 = tpu.memref_squeeze %dma_start3A_291 : memref<1x128xi32, #tpu.memory_space<vmem>> -> memref<128xi32, #tpu.memory_space<vmem>>
    %dma_start3A_293 = arith.constant 0 : i32
    %dma_start3A_294 = arith.constant 0 : i32
    %dma_start3A_295 = tpu.memref_slice %arg9[%dma_start3A_293, %dma_start3A_294] : memref<10240x16xf32, #tpu.memory_space<vmem_shared>> -> memref<10240x16xf32, #tpu.memory_space<vmem_shared>>
    tpu.enqueue_indirect_dma source(%dma_start3A_289 : memref<128x16xf32, #tpu.memory_space<vmem>>) target(%dma_start3A_295 : memref<10240x16xf32, #tpu.memory_space<vmem_shared>>) offsets(%dma_start3A_292 : memref<128xi32, #tpu.memory_space<vmem>>) semaphore(%arg23 : memref<!tpu.dma_semaphore, #tpu.memory_space<semaphore_mem>>) {add = true}
    %dma_wait3A_296 = arith.constant 1 : i32
    %dma_wait3A_297 = arith.constant 0 : i32
    %dma_wait3A_298 = arith.constant 0 : i32
    %dma_wait3A_299 = arith.constant 0 : i32
    %dma_wait3A_300 = tpu.memref_slice %arg7[%dma_wait3A_296, %dma_wait3A_298, %dma_wait3A_299] : memref<8x128x16xf32, #tpu.memory_space<vmem>> -> memref<1x128x16xf32, #tpu.memory_space<vmem>>
    %dma_wait3A_301 = tpu.memref_squeeze %dma_wait3A_300 : memref<1x128x16xf32, #tpu.memory_space<vmem>> -> memref<128x16xf32, #tpu.memory_space<vmem>>
    %dma_wait3A_302 = arith.constant 0 : i32
    %dma_wait3A_303 = tpu.memref_slice %arg6[%dma_wait3A_297, %dma_wait3A_302] : memref<79x128xi32, #tpu.memory_space<vmem>> -> memref<1x128xi32, #tpu.memory_space<vmem>>
    %dma_wait3A_304 = tpu.memref_squeeze %dma_wait3A_303 : memref<1x128xi32, #tpu.memory_space<vmem>> -> memref<128xi32, #tpu.memory_space<vmem>>
    %dma_wait3A_305 = arith.constant 0 : i32
    %dma_wait3A_306 = arith.constant 0 : i32
    %dma_wait3A_307 = tpu.memref_slice %arg9[%dma_wait3A_305, %dma_wait3A_306] : memref<10240x16xf32, #tpu.memory_space<vmem_shared>> -> memref<10240x16xf32, #tpu.memory_space<vmem_shared>>
    tpu.wait_indirect_dma semaphore(%arg19 : memref<!tpu.dma_semaphore, #tpu.memory_space<semaphore_mem>>) src(%dma_wait3A_301 : memref<128x16xf32, #tpu.memory_space<vmem>>) dst(%dma_wait3A_307 : memref<10240x16xf32, #tpu.memory_space<vmem_shared>>)
    %gt3A_308 = arith.constant 81 : i32
    %gt3A_309 = arith.cmpi sgt, %add3A_3, %gt3A_308 : i32
    %convert_element_type3A_310 = arith.extui %gt3A_309 : i1 to i32
    %cond3A_311 = arith.constant 0 : i32
    %cond3A_312 = arith.cmpi ne, %convert_element_type3A_310, %cond3A_311 : i32
    scf.if %cond3A_312 {
      %dma_start3A_514 = arith.constant 81 : i32
      %dma_start3A_515 = arith.constant 1 : i32
      %dma_start3A_516 = arith.constant 0 : i32
      %dma_start3A_517 = arith.constant 0 : i32
      %dma_start3A_518 = tpu.memref_slice %arg7[%dma_start3A_515, %dma_start3A_516, %dma_start3A_517] : memref<8x128x16xf32, #tpu.memory_space<vmem>> -> memref<1x128x16xf32, #tpu.memory_space<vmem>>
      %dma_start3A_519 = tpu.memref_squeeze %dma_start3A_518 : memref<1x128x16xf32, #tpu.memory_space<vmem>> -> memref<128x16xf32, #tpu.memory_space<vmem>>
      %dma_start3A_520 = arith.constant 0 : i32
      %dma_start3A_521 = tpu.memref_slice %arg5[%dma_start3A_514, %dma_start3A_520] : memref<79x128xi32, #tpu.memory_space<vmem>> -> memref<1x128xi32, #tpu.memory_space<vmem>>
      %dma_start3A_522 = tpu.memref_squeeze %dma_start3A_521 : memref<1x128xi32, #tpu.memory_space<vmem>> -> memref<128xi32, #tpu.memory_space<vmem>>
      %dma_start3A_523 = arith.constant 0 : i32
      %dma_start3A_524 = arith.constant 0 : i32
      %dma_start3A_525 = tpu.memref_slice %arg2[%dma_start3A_523, %dma_start3A_524] : memref<10000x16xf32, #tpu.memory_space<hbm>> -> memref<10000x16xf32, #tpu.memory_space<hbm>>
      tpu.enqueue_indirect_dma source(%dma_start3A_525 : memref<10000x16xf32, #tpu.memory_space<hbm>>) target(%dma_start3A_519 : memref<128x16xf32, #tpu.memory_space<vmem>>) offsets(%dma_start3A_522 : memref<128xi32, #tpu.memory_space<vmem>>) semaphore(%arg11 : memref<!tpu.dma_semaphore, #tpu.memory_space<semaphore_mem>>)
    } else {
    }
    %convert_element_type3A_313 = arith.extui %lt3A_1 : i1 to i32
    %cond3A_314 = arith.constant 0 : i32
    %cond3A_315 = arith.cmpi ne, %convert_element_type3A_313, %cond3A_314 : i32
    scf.if %cond3A_315 {
      %dma_wait3A_514 = arith.constant 78 : i32
      %dma_wait3A_515 = arith.constant 6 : i32
      %dma_wait3A_516 = arith.constant 0 : i32
      %dma_wait3A_517 = arith.constant 0 : i32
      %dma_wait3A_518 = tpu.memref_slice %arg7[%dma_wait3A_515, %dma_wait3A_516, %dma_wait3A_517] : memref<8x128x16xf32, #tpu.memory_space<vmem>> -> memref<1x128x16xf32, #tpu.memory_space<vmem>>
      %dma_wait3A_519 = tpu.memref_squeeze %dma_wait3A_518 : memref<1x128x16xf32, #tpu.memory_space<vmem>> -> memref<128x16xf32, #tpu.memory_space<vmem>>
      %dma_wait3A_520 = arith.constant 0 : i32
      %dma_wait3A_521 = tpu.memref_slice %arg5[%dma_wait3A_514, %dma_wait3A_520] : memref<79x128xi32, #tpu.memory_space<vmem>> -> memref<1x128xi32, #tpu.memory_space<vmem>>
      %dma_wait3A_522 = tpu.memref_squeeze %dma_wait3A_521 : memref<1x128xi32, #tpu.memory_space<vmem>> -> memref<128xi32, #tpu.memory_space<vmem>>
      %dma_wait3A_523 = arith.constant 0 : i32
      %dma_wait3A_524 = arith.constant 0 : i32
      %dma_wait3A_525 = tpu.memref_slice %arg2[%dma_wait3A_523, %dma_wait3A_524] : memref<10000x16xf32, #tpu.memory_space<hbm>> -> memref<10000x16xf32, #tpu.memory_space<hbm>>
      tpu.wait_indirect_dma semaphore(%arg16 : memref<!tpu.dma_semaphore, #tpu.memory_space<semaphore_mem>>) src(%dma_wait3A_525 : memref<10000x16xf32, #tpu.memory_space<hbm>>) dst(%dma_wait3A_519 : memref<128x16xf32, #tpu.memory_space<vmem>>)
      %dma_start3A_526 = arith.constant 6 : i32
      %dma_start3A_527 = arith.constant 78 : i32
      %dma_start3A_528 = arith.constant 0 : i32
      %dma_start3A_529 = arith.constant 0 : i32
      %dma_start3A_530 = tpu.memref_slice %arg7[%dma_start3A_526, %dma_start3A_528, %dma_start3A_529] : memref<8x128x16xf32, #tpu.memory_space<vmem>> -> memref<1x128x16xf32, #tpu.memory_space<vmem>>
      %dma_start3A_531 = tpu.memref_squeeze %dma_start3A_530 : memref<1x128x16xf32, #tpu.memory_space<vmem>> -> memref<128x16xf32, #tpu.memory_space<vmem>>
      %dma_start3A_532 = arith.constant 0 : i32
      %dma_start3A_533 = tpu.memref_slice %arg6[%dma_start3A_527, %dma_start3A_532] : memref<79x128xi32, #tpu.memory_space<vmem>> -> memref<1x128xi32, #tpu.memory_space<vmem>>
      %dma_start3A_534 = tpu.memref_squeeze %dma_start3A_533 : memref<1x128xi32, #tpu.memory_space<vmem>> -> memref<128xi32, #tpu.memory_space<vmem>>
      %dma_start3A_535 = arith.constant 0 : i32
      %dma_start3A_536 = arith.constant 0 : i32
      %dma_start3A_537 = tpu.memref_slice %arg9[%dma_start3A_535, %dma_start3A_536] : memref<10240x16xf32, #tpu.memory_space<vmem_shared>> -> memref<10240x16xf32, #tpu.memory_space<vmem_shared>>
      tpu.enqueue_indirect_dma source(%dma_start3A_531 : memref<128x16xf32, #tpu.memory_space<vmem>>) target(%dma_start3A_537 : memref<10240x16xf32, #tpu.memory_space<vmem_shared>>) offsets(%dma_start3A_534 : memref<128xi32, #tpu.memory_space<vmem>>) semaphore(%arg24 : memref<!tpu.dma_semaphore, #tpu.memory_space<semaphore_mem>>) {add = true}
      %dma_wait3A_538 = arith.constant 2 : i32
      %dma_wait3A_539 = arith.constant 0 : i32
      %dma_wait3A_540 = arith.constant 0 : i32
      %dma_wait3A_541 = arith.constant 0 : i32
      %dma_wait3A_542 = tpu.memref_slice %arg7[%dma_wait3A_538, %dma_wait3A_540, %dma_wait3A_541] : memref<8x128x16xf32, #tpu.memory_space<vmem>> -> memref<1x128x16xf32, #tpu.memory_space<vmem>>
      %dma_wait3A_543 = tpu.memref_squeeze %dma_wait3A_542 : memref<1x128x16xf32, #tpu.memory_space<vmem>> -> memref<128x16xf32, #tpu.memory_space<vmem>>
      %dma_wait3A_544 = arith.constant 0 : i32
      %dma_wait3A_545 = tpu.memref_slice %arg6[%dma_wait3A_539, %dma_wait3A_544] : memref<79x128xi32, #tpu.memory_space<vmem>> -> memref<1x128xi32, #tpu.memory_space<vmem>>
      %dma_wait3A_546 = tpu.memref_squeeze %dma_wait3A_545 : memref<1x128xi32, #tpu.memory_space<vmem>> -> memref<128xi32, #tpu.memory_space<vmem>>
      %dma_wait3A_547 = arith.constant 0 : i32
      %dma_wait3A_548 = arith.constant 0 : i32
      %dma_wait3A_549 = tpu.memref_slice %arg9[%dma_wait3A_547, %dma_wait3A_548] : memref<10240x16xf32, #tpu.memory_space<vmem_shared>> -> memref<10240x16xf32, #tpu.memory_space<vmem_shared>>
      tpu.wait_indirect_dma semaphore(%arg20 : memref<!tpu.dma_semaphore, #tpu.memory_space<semaphore_mem>>) src(%dma_wait3A_543 : memref<128x16xf32, #tpu.memory_space<vmem>>) dst(%dma_wait3A_549 : memref<10240x16xf32, #tpu.memory_space<vmem_shared>>)
      %gt3A_550 = arith.constant 82 : i32
      %gt3A_551 = arith.cmpi sgt, %add3A_3, %gt3A_550 : i32
      %convert_element_type3A_552 = arith.extui %gt3A_551 : i1 to i32
      %cond3A_553 = arith.constant 0 : i32
      %cond3A_554 = arith.cmpi ne, %convert_element_type3A_552, %cond3A_553 : i32
      scf.if %cond3A_554 {
        %dma_start3A_555 = arith.constant 82 : i32
        %dma_start3A_556 = arith.constant 2 : i32
        %dma_start3A_557 = arith.constant 0 : i32
        %dma_start3A_558 = arith.constant 0 : i32
        %dma_start3A_559 = tpu.memref_slice %arg7[%dma_start3A_556, %dma_start3A_557, %dma_start3A_558] : memref<8x128x16xf32, #tpu.memory_space<vmem>> -> memref<1x128x16xf32, #tpu.memory_space<vmem>>
        %dma_start3A_560 = tpu.memref_squeeze %dma_start3A_559 : memref<1x128x16xf32, #tpu.memory_space<vmem>> -> memref<128x16xf32, #tpu.memory_space<vmem>>
        %dma_start3A_561 = arith.constant 0 : i32
        %dma_start3A_562 = tpu.memref_slice %arg5[%dma_start3A_555, %dma_start3A_561] : memref<79x128xi32, #tpu.memory_space<vmem>> -> memref<1x128xi32, #tpu.memory_space<vmem>>
        %dma_start3A_563 = tpu.memref_squeeze %dma_start3A_562 : memref<1x128xi32, #tpu.memory_space<vmem>> -> memref<128xi32, #tpu.memory_space<vmem>>
        %dma_start3A_564 = arith.constant 0 : i32
        %dma_start3A_565 = arith.constant 0 : i32
        %dma_start3A_566 = tpu.memref_slice %arg2[%dma_start3A_564, %dma_start3A_565] : memref<10000x16xf32, #tpu.memory_space<hbm>> -> memref<10000x16xf32, #tpu.memory_space<hbm>>
        tpu.enqueue_indirect_dma source(%dma_start3A_566 : memref<10000x16xf32, #tpu.memory_space<hbm>>) target(%dma_start3A_560 : memref<128x16xf32, #tpu.memory_space<vmem>>) offsets(%dma_start3A_563 : memref<128xi32, #tpu.memory_space<vmem>>) semaphore(%arg12 : memref<!tpu.dma_semaphore, #tpu.memory_space<semaphore_mem>>)
      } else {
      }
    } else {
    }
    %sub3A = arith.constant 4 : i32
    %sub3A_316 = arith.subi %add3A_3, %sub3A : i32
    %sub3A_317 = arith.constant 0 : i32
    %sub3A_318 = arith.subi %sub3A_317, %sub3A_316 : i32
    %jit3A = arith.constant 8 : i32
    %eq3A = arith.constant 0 : i32
    %eq3A_319 = arith.cmpi eq, %jit3A, %eq3A : i32
    %jit3A_320 = arith.constant 1 : i32
    %select_n3A = arith.select %eq3A_319, %jit3A_320, %jit3A : i32
    %rem3A = arith.remsi %sub3A_318, %select_n3A : i32
    %ne3A = arith.constant 0 : i32
    %ne3A_321 = arith.cmpi ne, %rem3A, %ne3A : i32
    %lt3A_322 = arith.constant 0 : i32
    %lt3A_323 = arith.cmpi slt, %rem3A, %lt3A_322 : i32
    %lt3A_324 = arith.constant 0 : i32
    %lt3A_325 = arith.cmpi slt, %select_n3A, %lt3A_324 : i32
    %ne3A_326 = arith.xori %lt3A_323, %lt3A_325 : i1
    %and3A = arith.andi %ne3A_326, %ne3A_321 : i1
    %add3A_327 = arith.addi %rem3A, %select_n3A : i32
    %select_n3A_328 = arith.select %and3A, %add3A_327, %rem3A : i32
    %lt3A_329 = arith.constant 4 : i32
    %lt3A_330 = arith.cmpi slt, %select_n3A_328, %lt3A_329 : i32
    %convert_element_type3A_331 = arith.extui %lt3A_330 : i1 to i32
    %cond3A_332 = arith.constant 0 : i32
    %cond3A_333 = arith.cmpi ne, %convert_element_type3A_331, %cond3A_332 : i32
    scf.if %cond3A_333 {
      %dma_wait3A_514 = arith.constant 0 : i32
      %dma_wait3A_515 = arith.constant 0 : i32
      %dma_wait3A_516 = arith.constant 0 : i32
      %dma_wait3A_517 = arith.constant 0 : i32
      %dma_wait3A_518 = tpu.memref_slice %arg7[%dma_wait3A_514, %dma_wait3A_516, %dma_wait3A_517] : memref<8x128x16xf32, #tpu.memory_space<vmem>> -> memref<1x128x16xf32, #tpu.memory_space<vmem>>
      %dma_wait3A_519 = tpu.memref_squeeze %dma_wait3A_518 : memref<1x128x16xf32, #tpu.memory_space<vmem>> -> memref<128x16xf32, #tpu.memory_space<vmem>>
      %dma_wait3A_520 = arith.constant 0 : i32
      %dma_wait3A_521 = tpu.memref_slice %arg6[%dma_wait3A_515, %dma_wait3A_520] : memref<79x128xi32, #tpu.memory_space<vmem>> -> memref<1x128xi32, #tpu.memory_space<vmem>>
      %dma_wait3A_522 = tpu.memref_squeeze %dma_wait3A_521 : memref<1x128xi32, #tpu.memory_space<vmem>> -> memref<128xi32, #tpu.memory_space<vmem>>
      %dma_wait3A_523 = arith.constant 0 : i32
      %dma_wait3A_524 = arith.constant 0 : i32
      %dma_wait3A_525 = tpu.memref_slice %arg9[%dma_wait3A_523, %dma_wait3A_524] : memref<10240x16xf32, #tpu.memory_space<vmem_shared>> -> memref<10240x16xf32, #tpu.memory_space<vmem_shared>>
      tpu.wait_indirect_dma semaphore(%arg18 : memref<!tpu.dma_semaphore, #tpu.memory_space<semaphore_mem>>) src(%dma_wait3A_519 : memref<128x16xf32, #tpu.memory_space<vmem>>) dst(%dma_wait3A_525 : memref<10240x16xf32, #tpu.memory_space<vmem_shared>>)
    } else {
    }
    %sub3A_334 = arith.constant 4 : i32
    %sub3A_335 = arith.subi %add3A_3, %sub3A_334 : i32
    %sub3A_336 = arith.constant 1 : i32
    %sub3A_337 = arith.subi %sub3A_336, %sub3A_335 : i32
    %jit3A_338 = arith.constant 8 : i32
    %eq3A_339 = arith.constant 0 : i32
    %eq3A_340 = arith.cmpi eq, %jit3A_338, %eq3A_339 : i32
    %jit3A_341 = arith.constant 1 : i32
    %select_n3A_342 = arith.select %eq3A_340, %jit3A_341, %jit3A_338 : i32
    %rem3A_343 = arith.remsi %sub3A_337, %select_n3A_342 : i32
    %ne3A_344 = arith.constant 0 : i32
    %ne3A_345 = arith.cmpi ne, %rem3A_343, %ne3A_344 : i32
    %lt3A_346 = arith.constant 0 : i32
    %lt3A_347 = arith.cmpi slt, %rem3A_343, %lt3A_346 : i32
    %lt3A_348 = arith.constant 0 : i32
    %lt3A_349 = arith.cmpi slt, %select_n3A_342, %lt3A_348 : i32
    %ne3A_350 = arith.xori %lt3A_347, %lt3A_349 : i1
    %and3A_351 = arith.andi %ne3A_350, %ne3A_345 : i1
    %add3A_352 = arith.addi %rem3A_343, %select_n3A_342 : i32
    %select_n3A_353 = arith.select %and3A_351, %add3A_352, %rem3A_343 : i32
    %lt3A_354 = arith.constant 4 : i32
    %lt3A_355 = arith.cmpi slt, %select_n3A_353, %lt3A_354 : i32
    %convert_element_type3A_356 = arith.extui %lt3A_355 : i1 to i32
    %cond3A_357 = arith.constant 0 : i32
    %cond3A_358 = arith.cmpi ne, %convert_element_type3A_356, %cond3A_357 : i32
    scf.if %cond3A_358 {
      %dma_wait3A_514 = arith.constant 1 : i32
      %dma_wait3A_515 = arith.constant 0 : i32
      %dma_wait3A_516 = arith.constant 0 : i32
      %dma_wait3A_517 = arith.constant 0 : i32
      %dma_wait3A_518 = tpu.memref_slice %arg7[%dma_wait3A_514, %dma_wait3A_516, %dma_wait3A_517] : memref<8x128x16xf32, #tpu.memory_space<vmem>> -> memref<1x128x16xf32, #tpu.memory_space<vmem>>
      %dma_wait3A_519 = tpu.memref_squeeze %dma_wait3A_518 : memref<1x128x16xf32, #tpu.memory_space<vmem>> -> memref<128x16xf32, #tpu.memory_space<vmem>>
      %dma_wait3A_520 = arith.constant 0 : i32
      %dma_wait3A_521 = tpu.memref_slice %arg6[%dma_wait3A_515, %dma_wait3A_520] : memref<79x128xi32, #tpu.memory_space<vmem>> -> memref<1x128xi32, #tpu.memory_space<vmem>>
      %dma_wait3A_522 = tpu.memref_squeeze %dma_wait3A_521 : memref<1x128xi32, #tpu.memory_space<vmem>> -> memref<128xi32, #tpu.memory_space<vmem>>
      %dma_wait3A_523 = arith.constant 0 : i32
      %dma_wait3A_524 = arith.constant 0 : i32
      %dma_wait3A_525 = tpu.memref_slice %arg9[%dma_wait3A_523, %dma_wait3A_524] : memref<10240x16xf32, #tpu.memory_space<vmem_shared>> -> memref<10240x16xf32, #tpu.memory_space<vmem_shared>>
      tpu.wait_indirect_dma semaphore(%arg19 : memref<!tpu.dma_semaphore, #tpu.memory_space<semaphore_mem>>) src(%dma_wait3A_519 : memref<128x16xf32, #tpu.memory_space<vmem>>) dst(%dma_wait3A_525 : memref<10240x16xf32, #tpu.memory_space<vmem_shared>>)
    } else {
    }
    %sub3A_359 = arith.constant 4 : i32
    %sub3A_360 = arith.subi %add3A_3, %sub3A_359 : i32
    %sub3A_361 = arith.constant 2 : i32
    %sub3A_362 = arith.subi %sub3A_361, %sub3A_360 : i32
    %jit3A_363 = arith.constant 8 : i32
    %eq3A_364 = arith.constant 0 : i32
    %eq3A_365 = arith.cmpi eq, %jit3A_363, %eq3A_364 : i32
    %jit3A_366 = arith.constant 1 : i32
    %select_n3A_367 = arith.select %eq3A_365, %jit3A_366, %jit3A_363 : i32
    %rem3A_368 = arith.remsi %sub3A_362, %select_n3A_367 : i32
    %ne3A_369 = arith.constant 0 : i32
    %ne3A_370 = arith.cmpi ne, %rem3A_368, %ne3A_369 : i32
    %lt3A_371 = arith.constant 0 : i32
    %lt3A_372 = arith.cmpi slt, %rem3A_368, %lt3A_371 : i32
    %lt3A_373 = arith.constant 0 : i32
    %lt3A_374 = arith.cmpi slt, %select_n3A_367, %lt3A_373 : i32
    %ne3A_375 = arith.xori %lt3A_372, %lt3A_374 : i1
    %and3A_376 = arith.andi %ne3A_375, %ne3A_370 : i1
    %add3A_377 = arith.addi %rem3A_368, %select_n3A_367 : i32
    %select_n3A_378 = arith.select %and3A_376, %add3A_377, %rem3A_368 : i32
    %lt3A_379 = arith.constant 4 : i32
    %lt3A_380 = arith.cmpi slt, %select_n3A_378, %lt3A_379 : i32
    %convert_element_type3A_381 = arith.extui %lt3A_380 : i1 to i32
    %cond3A_382 = arith.constant 0 : i32
    %cond3A_383 = arith.cmpi ne, %convert_element_type3A_381, %cond3A_382 : i32
    scf.if %cond3A_383 {
      %dma_wait3A_514 = arith.constant 2 : i32
      %dma_wait3A_515 = arith.constant 0 : i32
      %dma_wait3A_516 = arith.constant 0 : i32
      %dma_wait3A_517 = arith.constant 0 : i32
      %dma_wait3A_518 = tpu.memref_slice %arg7[%dma_wait3A_514, %dma_wait3A_516, %dma_wait3A_517] : memref<8x128x16xf32, #tpu.memory_space<vmem>> -> memref<1x128x16xf32, #tpu.memory_space<vmem>>
      %dma_wait3A_519 = tpu.memref_squeeze %dma_wait3A_518 : memref<1x128x16xf32, #tpu.memory_space<vmem>> -> memref<128x16xf32, #tpu.memory_space<vmem>>
      %dma_wait3A_520 = arith.constant 0 : i32
      %dma_wait3A_521 = tpu.memref_slice %arg6[%dma_wait3A_515, %dma_wait3A_520] : memref<79x128xi32, #tpu.memory_space<vmem>> -> memref<1x128xi32, #tpu.memory_space<vmem>>
      %dma_wait3A_522 = tpu.memref_squeeze %dma_wait3A_521 : memref<1x128xi32, #tpu.memory_space<vmem>> -> memref<128xi32, #tpu.memory_space<vmem>>
      %dma_wait3A_523 = arith.constant 0 : i32
      %dma_wait3A_524 = arith.constant 0 : i32
      %dma_wait3A_525 = tpu.memref_slice %arg9[%dma_wait3A_523, %dma_wait3A_524] : memref<10240x16xf32, #tpu.memory_space<vmem_shared>> -> memref<10240x16xf32, #tpu.memory_space<vmem_shared>>
      tpu.wait_indirect_dma semaphore(%arg20 : memref<!tpu.dma_semaphore, #tpu.memory_space<semaphore_mem>>) src(%dma_wait3A_519 : memref<128x16xf32, #tpu.memory_space<vmem>>) dst(%dma_wait3A_525 : memref<10240x16xf32, #tpu.memory_space<vmem_shared>>)
    } else {
    }
    %sub3A_384 = arith.constant 4 : i32
    %sub3A_385 = arith.subi %add3A_3, %sub3A_384 : i32
    %sub3A_386 = arith.constant 3 : i32
    %sub3A_387 = arith.subi %sub3A_386, %sub3A_385 : i32
    %jit3A_388 = arith.constant 8 : i32
    %eq3A_389 = arith.constant 0 : i32
    %eq3A_390 = arith.cmpi eq, %jit3A_388, %eq3A_389 : i32
    %jit3A_391 = arith.constant 1 : i32
    %select_n3A_392 = arith.select %eq3A_390, %jit3A_391, %jit3A_388 : i32
    %rem3A_393 = arith.remsi %sub3A_387, %select_n3A_392 : i32
    %ne3A_394 = arith.constant 0 : i32
    %ne3A_395 = arith.cmpi ne, %rem3A_393, %ne3A_394 : i32
    %lt3A_396 = arith.constant 0 : i32
    %lt3A_397 = arith.cmpi slt, %rem3A_393, %lt3A_396 : i32
    %lt3A_398 = arith.constant 0 : i32
    %lt3A_399 = arith.cmpi slt, %select_n3A_392, %lt3A_398 : i32
    %ne3A_400 = arith.xori %lt3A_397, %lt3A_399 : i1
    %and3A_401 = arith.andi %ne3A_400, %ne3A_395 : i1
    %add3A_402 = arith.addi %rem3A_393, %select_n3A_392 : i32
    %select_n3A_403 = arith.select %and3A_401, %add3A_402, %rem3A_393 : i32
    %lt3A_404 = arith.constant 4 : i32
    %lt3A_405 = arith.cmpi slt, %select_n3A_403, %lt3A_404 : i32
    %convert_element_type3A_406 = arith.extui %lt3A_405 : i1 to i32
    %cond3A_407 = arith.constant 0 : i32
    %cond3A_408 = arith.cmpi ne, %convert_element_type3A_406, %cond3A_407 : i32
    scf.if %cond3A_408 {
      %dma_wait3A_514 = arith.constant 3 : i32
      %dma_wait3A_515 = arith.constant 0 : i32
      %dma_wait3A_516 = arith.constant 0 : i32
      %dma_wait3A_517 = arith.constant 0 : i32
      %dma_wait3A_518 = tpu.memref_slice %arg7[%dma_wait3A_514, %dma_wait3A_516, %dma_wait3A_517] : memref<8x128x16xf32, #tpu.memory_space<vmem>> -> memref<1x128x16xf32, #tpu.memory_space<vmem>>
      %dma_wait3A_519 = tpu.memref_squeeze %dma_wait3A_518 : memref<1x128x16xf32, #tpu.memory_space<vmem>> -> memref<128x16xf32, #tpu.memory_space<vmem>>
      %dma_wait3A_520 = arith.constant 0 : i32
      %dma_wait3A_521 = tpu.memref_slice %arg6[%dma_wait3A_515, %dma_wait3A_520] : memref<79x128xi32, #tpu.memory_space<vmem>> -> memref<1x128xi32, #tpu.memory_space<vmem>>
      %dma_wait3A_522 = tpu.memref_squeeze %dma_wait3A_521 : memref<1x128xi32, #tpu.memory_space<vmem>> -> memref<128xi32, #tpu.memory_space<vmem>>
      %dma_wait3A_523 = arith.constant 0 : i32
      %dma_wait3A_524 = arith.constant 0 : i32
      %dma_wait3A_525 = tpu.memref_slice %arg9[%dma_wait3A_523, %dma_wait3A_524] : memref<10240x16xf32, #tpu.memory_space<vmem_shared>> -> memref<10240x16xf32, #tpu.memory_space<vmem_shared>>
      tpu.wait_indirect_dma semaphore(%arg21 : memref<!tpu.dma_semaphore, #tpu.memory_space<semaphore_mem>>) src(%dma_wait3A_519 : memref<128x16xf32, #tpu.memory_space<vmem>>) dst(%dma_wait3A_525 : memref<10240x16xf32, #tpu.memory_space<vmem_shared>>)
    } else {
    }
    %sub3A_409 = arith.constant 4 : i32
    %sub3A_410 = arith.subi %add3A_3, %sub3A_409 : i32
    %sub3A_411 = arith.constant 4 : i32
    %sub3A_412 = arith.subi %sub3A_411, %sub3A_410 : i32
    %jit3A_413 = arith.constant 8 : i32
    %eq3A_414 = arith.constant 0 : i32
    %eq3A_415 = arith.cmpi eq, %jit3A_413, %eq3A_414 : i32
    %jit3A_416 = arith.constant 1 : i32
    %select_n3A_417 = arith.select %eq3A_415, %jit3A_416, %jit3A_413 : i32
    %rem3A_418 = arith.remsi %sub3A_412, %select_n3A_417 : i32
    %ne3A_419 = arith.constant 0 : i32
    %ne3A_420 = arith.cmpi ne, %rem3A_418, %ne3A_419 : i32
    %lt3A_421 = arith.constant 0 : i32
    %lt3A_422 = arith.cmpi slt, %rem3A_418, %lt3A_421 : i32
    %lt3A_423 = arith.constant 0 : i32
    %lt3A_424 = arith.cmpi slt, %select_n3A_417, %lt3A_423 : i32
    %ne3A_425 = arith.xori %lt3A_422, %lt3A_424 : i1
    %and3A_426 = arith.andi %ne3A_425, %ne3A_420 : i1
    %add3A_427 = arith.addi %rem3A_418, %select_n3A_417 : i32
    %select_n3A_428 = arith.select %and3A_426, %add3A_427, %rem3A_418 : i32
    %lt3A_429 = arith.constant 4 : i32
    %lt3A_430 = arith.cmpi slt, %select_n3A_428, %lt3A_429 : i32
    %convert_element_type3A_431 = arith.extui %lt3A_430 : i1 to i32
    %cond3A_432 = arith.constant 0 : i32
    %cond3A_433 = arith.cmpi ne, %convert_element_type3A_431, %cond3A_432 : i32
    scf.if %cond3A_433 {
      %dma_wait3A_514 = arith.constant 4 : i32
      %dma_wait3A_515 = arith.constant 0 : i32
      %dma_wait3A_516 = arith.constant 0 : i32
      %dma_wait3A_517 = arith.constant 0 : i32
      %dma_wait3A_518 = tpu.memref_slice %arg7[%dma_wait3A_514, %dma_wait3A_516, %dma_wait3A_517] : memref<8x128x16xf32, #tpu.memory_space<vmem>> -> memref<1x128x16xf32, #tpu.memory_space<vmem>>
      %dma_wait3A_519 = tpu.memref_squeeze %dma_wait3A_518 : memref<1x128x16xf32, #tpu.memory_space<vmem>> -> memref<128x16xf32, #tpu.memory_space<vmem>>
      %dma_wait3A_520 = arith.constant 0 : i32
      %dma_wait3A_521 = tpu.memref_slice %arg6[%dma_wait3A_515, %dma_wait3A_520] : memref<79x128xi32, #tpu.memory_space<vmem>> -> memref<1x128xi32, #tpu.memory_space<vmem>>
      %dma_wait3A_522 = tpu.memref_squeeze %dma_wait3A_521 : memref<1x128xi32, #tpu.memory_space<vmem>> -> memref<128xi32, #tpu.memory_space<vmem>>
      %dma_wait3A_523 = arith.constant 0 : i32
      %dma_wait3A_524 = arith.constant 0 : i32
      %dma_wait3A_525 = tpu.memref_slice %arg9[%dma_wait3A_523, %dma_wait3A_524] : memref<10240x16xf32, #tpu.memory_space<vmem_shared>> -> memref<10240x16xf32, #tpu.memory_space<vmem_shared>>
      tpu.wait_indirect_dma semaphore(%arg22 : memref<!tpu.dma_semaphore, #tpu.memory_space<semaphore_mem>>) src(%dma_wait3A_519 : memref<128x16xf32, #tpu.memory_space<vmem>>) dst(%dma_wait3A_525 : memref<10240x16xf32, #tpu.memory_space<vmem_shared>>)
    } else {
    }
    %sub3A_434 = arith.constant 4 : i32
    %sub3A_435 = arith.subi %add3A_3, %sub3A_434 : i32
    %sub3A_436 = arith.constant 5 : i32
    %sub3A_437 = arith.subi %sub3A_436, %sub3A_435 : i32
    %jit3A_438 = arith.constant 8 : i32
    %eq3A_439 = arith.constant 0 : i32
    %eq3A_440 = arith.cmpi eq, %jit3A_438, %eq3A_439 : i32
    %jit3A_441 = arith.constant 1 : i32
    %select_n3A_442 = arith.select %eq3A_440, %jit3A_441, %jit3A_438 : i32
    %rem3A_443 = arith.remsi %sub3A_437, %select_n3A_442 : i32
    %ne3A_444 = arith.constant 0 : i32
    %ne3A_445 = arith.cmpi ne, %rem3A_443, %ne3A_444 : i32
    %lt3A_446 = arith.constant 0 : i32
    %lt3A_447 = arith.cmpi slt, %rem3A_443, %lt3A_446 : i32
    %lt3A_448 = arith.constant 0 : i32
    %lt3A_449 = arith.cmpi slt, %select_n3A_442, %lt3A_448 : i32
    %ne3A_450 = arith.xori %lt3A_447, %lt3A_449 : i1
    %and3A_451 = arith.andi %ne3A_450, %ne3A_445 : i1
    %add3A_452 = arith.addi %rem3A_443, %select_n3A_442 : i32
    %select_n3A_453 = arith.select %and3A_451, %add3A_452, %rem3A_443 : i32
    %lt3A_454 = arith.constant 4 : i32
    %lt3A_455 = arith.cmpi slt, %select_n3A_453, %lt3A_454 : i32
    %convert_element_type3A_456 = arith.extui %lt3A_455 : i1 to i32
    %cond3A_457 = arith.constant 0 : i32
    %cond3A_458 = arith.cmpi ne, %convert_element_type3A_456, %cond3A_457 : i32
    scf.if %cond3A_458 {
      %dma_wait3A_514 = arith.constant 5 : i32
      %dma_wait3A_515 = arith.constant 0 : i32
      %dma_wait3A_516 = arith.constant 0 : i32
      %dma_wait3A_517 = arith.constant 0 : i32
      %dma_wait3A_518 = tpu.memref_slice %arg7[%dma_wait3A_514, %dma_wait3A_516, %dma_wait3A_517] : memref<8x128x16xf32, #tpu.memory_space<vmem>> -> memref<1x128x16xf32, #tpu.memory_space<vmem>>
      %dma_wait3A_519 = tpu.memref_squeeze %dma_wait3A_518 : memref<1x128x16xf32, #tpu.memory_space<vmem>> -> memref<128x16xf32, #tpu.memory_space<vmem>>
      %dma_wait3A_520 = arith.constant 0 : i32
      %dma_wait3A_521 = tpu.memref_slice %arg6[%dma_wait3A_515, %dma_wait3A_520] : memref<79x128xi32, #tpu.memory_space<vmem>> -> memref<1x128xi32, #tpu.memory_space<vmem>>
      %dma_wait3A_522 = tpu.memref_squeeze %dma_wait3A_521 : memref<1x128xi32, #tpu.memory_space<vmem>> -> memref<128xi32, #tpu.memory_space<vmem>>
      %dma_wait3A_523 = arith.constant 0 : i32
      %dma_wait3A_524 = arith.constant 0 : i32
      %dma_wait3A_525 = tpu.memref_slice %arg9[%dma_wait3A_523, %dma_wait3A_524] : memref<10240x16xf32, #tpu.memory_space<vmem_shared>> -> memref<10240x16xf32, #tpu.memory_space<vmem_shared>>
      tpu.wait_indirect_dma semaphore(%arg23 : memref<!tpu.dma_semaphore, #tpu.memory_space<semaphore_mem>>) src(%dma_wait3A_519 : memref<128x16xf32, #tpu.memory_space<vmem>>) dst(%dma_wait3A_525 : memref<10240x16xf32, #tpu.memory_space<vmem_shared>>)
    } else {
    }
    %sub3A_459 = arith.constant 4 : i32
    %sub3A_460 = arith.subi %add3A_3, %sub3A_459 : i32
    %sub3A_461 = arith.constant 6 : i32
    %sub3A_462 = arith.subi %sub3A_461, %sub3A_460 : i32
    %jit3A_463 = arith.constant 8 : i32
    %eq3A_464 = arith.constant 0 : i32
    %eq3A_465 = arith.cmpi eq, %jit3A_463, %eq3A_464 : i32
    %jit3A_466 = arith.constant 1 : i32
    %select_n3A_467 = arith.select %eq3A_465, %jit3A_466, %jit3A_463 : i32
    %rem3A_468 = arith.remsi %sub3A_462, %select_n3A_467 : i32
    %ne3A_469 = arith.constant 0 : i32
    %ne3A_470 = arith.cmpi ne, %rem3A_468, %ne3A_469 : i32
    %lt3A_471 = arith.constant 0 : i32
    %lt3A_472 = arith.cmpi slt, %rem3A_468, %lt3A_471 : i32
    %lt3A_473 = arith.constant 0 : i32
    %lt3A_474 = arith.cmpi slt, %select_n3A_467, %lt3A_473 : i32
    %ne3A_475 = arith.xori %lt3A_472, %lt3A_474 : i1
    %and3A_476 = arith.andi %ne3A_475, %ne3A_470 : i1
    %add3A_477 = arith.addi %rem3A_468, %select_n3A_467 : i32
    %select_n3A_478 = arith.select %and3A_476, %add3A_477, %rem3A_468 : i32
    %lt3A_479 = arith.constant 4 : i32
    %lt3A_480 = arith.cmpi slt, %select_n3A_478, %lt3A_479 : i32
    %convert_element_type3A_481 = arith.extui %lt3A_480 : i1 to i32
    %cond3A_482 = arith.constant 0 : i32
    %cond3A_483 = arith.cmpi ne, %convert_element_type3A_481, %cond3A_482 : i32
    scf.if %cond3A_483 {
      %dma_wait3A_514 = arith.constant 6 : i32
      %dma_wait3A_515 = arith.constant 0 : i32
      %dma_wait3A_516 = arith.constant 0 : i32
      %dma_wait3A_517 = arith.constant 0 : i32
      %dma_wait3A_518 = tpu.memref_slice %arg7[%dma_wait3A_514, %dma_wait3A_516, %dma_wait3A_517] : memref<8x128x16xf32, #tpu.memory_space<vmem>> -> memref<1x128x16xf32, #tpu.memory_space<vmem>>
      %dma_wait3A_519 = tpu.memref_squeeze %dma_wait3A_518 : memref<1x128x16xf32, #tpu.memory_space<vmem>> -> memref<128x16xf32, #tpu.memory_space<vmem>>
      %dma_wait3A_520 = arith.constant 0 : i32
      %dma_wait3A_521 = tpu.memref_slice %arg6[%dma_wait3A_515, %dma_wait3A_520] : memref<79x128xi32, #tpu.memory_space<vmem>> -> memref<1x128xi32, #tpu.memory_space<vmem>>
      %dma_wait3A_522 = tpu.memref_squeeze %dma_wait3A_521 : memref<1x128xi32, #tpu.memory_space<vmem>> -> memref<128xi32, #tpu.memory_space<vmem>>
      %dma_wait3A_523 = arith.constant 0 : i32
      %dma_wait3A_524 = arith.constant 0 : i32
      %dma_wait3A_525 = tpu.memref_slice %arg9[%dma_wait3A_523, %dma_wait3A_524] : memref<10240x16xf32, #tpu.memory_space<vmem_shared>> -> memref<10240x16xf32, #tpu.memory_space<vmem_shared>>
      tpu.wait_indirect_dma semaphore(%arg24 : memref<!tpu.dma_semaphore, #tpu.memory_space<semaphore_mem>>) src(%dma_wait3A_519 : memref<128x16xf32, #tpu.memory_space<vmem>>) dst(%dma_wait3A_525 : memref<10240x16xf32, #tpu.memory_space<vmem_shared>>)
    } else {
    }
    %sub3A_484 = arith.constant 4 : i32
    %sub3A_485 = arith.subi %add3A_3, %sub3A_484 : i32
    %sub3A_486 = arith.constant 7 : i32
    %sub3A_487 = arith.subi %sub3A_486, %sub3A_485 : i32
    %jit3A_488 = arith.constant 8 : i32
    %eq3A_489 = arith.constant 0 : i32
    %eq3A_490 = arith.cmpi eq, %jit3A_488, %eq3A_489 : i32
    %jit3A_491 = arith.constant 1 : i32
    %select_n3A_492 = arith.select %eq3A_490, %jit3A_491, %jit3A_488 : i32
    %rem3A_493 = arith.remsi %sub3A_487, %select_n3A_492 : i32
    %ne3A_494 = arith.constant 0 : i32
    %ne3A_495 = arith.cmpi ne, %rem3A_493, %ne3A_494 : i32
    %lt3A_496 = arith.constant 0 : i32
    %lt3A_497 = arith.cmpi slt, %rem3A_493, %lt3A_496 : i32
    %lt3A_498 = arith.constant 0 : i32
    %lt3A_499 = arith.cmpi slt, %select_n3A_492, %lt3A_498 : i32
    %ne3A_500 = arith.xori %lt3A_497, %lt3A_499 : i1
    %and3A_501 = arith.andi %ne3A_500, %ne3A_495 : i1
    %add3A_502 = arith.addi %rem3A_493, %select_n3A_492 : i32
    %select_n3A_503 = arith.select %and3A_501, %add3A_502, %rem3A_493 : i32
    %lt3A_504 = arith.constant 4 : i32
    %lt3A_505 = arith.cmpi slt, %select_n3A_503, %lt3A_504 : i32
    %convert_element_type3A_506 = arith.extui %lt3A_505 : i1 to i32
    %cond3A_507 = arith.constant 0 : i32
    %cond3A_508 = arith.cmpi ne, %convert_element_type3A_506, %cond3A_507 : i32
    scf.if %cond3A_508 {
      %dma_wait3A_514 = arith.constant 7 : i32
      %dma_wait3A_515 = arith.constant 0 : i32
      %dma_wait3A_516 = arith.constant 0 : i32
      %dma_wait3A_517 = arith.constant 0 : i32
      %dma_wait3A_518 = tpu.memref_slice %arg7[%dma_wait3A_514, %dma_wait3A_516, %dma_wait3A_517] : memref<8x128x16xf32, #tpu.memory_space<vmem>> -> memref<1x128x16xf32, #tpu.memory_space<vmem>>
      %dma_wait3A_519 = tpu.memref_squeeze %dma_wait3A_518 : memref<1x128x16xf32, #tpu.memory_space<vmem>> -> memref<128x16xf32, #tpu.memory_space<vmem>>
      %dma_wait3A_520 = arith.constant 0 : i32
      %dma_wait3A_521 = tpu.memref_slice %arg6[%dma_wait3A_515, %dma_wait3A_520] : memref<79x128xi32, #tpu.memory_space<vmem>> -> memref<1x128xi32, #tpu.memory_space<vmem>>
      %dma_wait3A_522 = tpu.memref_squeeze %dma_wait3A_521 : memref<1x128xi32, #tpu.memory_space<vmem>> -> memref<128xi32, #tpu.memory_space<vmem>>
      %dma_wait3A_523 = arith.constant 0 : i32
      %dma_wait3A_524 = arith.constant 0 : i32
      %dma_wait3A_525 = tpu.memref_slice %arg9[%dma_wait3A_523, %dma_wait3A_524] : memref<10240x16xf32, #tpu.memory_space<vmem_shared>> -> memref<10240x16xf32, #tpu.memory_space<vmem_shared>>
      tpu.wait_indirect_dma semaphore(%arg25 : memref<!tpu.dma_semaphore, #tpu.memory_space<semaphore_mem>>) src(%dma_wait3A_519 : memref<128x16xf32, #tpu.memory_space<vmem>>) dst(%dma_wait3A_525 : memref<10240x16xf32, #tpu.memory_space<vmem_shared>>)
    } else {
    }
    %barrier3A_509 = arith.constant 0 : index
    tpu.barrier barrier_id(%barrier3A_509)
    %mul3A_510 = arith.constant 640 : i32
    %mul3A_511 = arith.muli %arg1, %mul3A_510 : i32
    "tpu.region"() ({
      %run_scoped3A_514 = tpu.sem_alloc : memref<!tpu.dma_semaphore, #tpu.memory_space<semaphore_mem>>
      %dma_start3A_515 = arith.constant 0 : i32
      %dma_start3A_516 = tpu.memref_slice %arg9[%mul3A_511, %dma_start3A_515] : memref<10240x16xf32, #tpu.memory_space<vmem_shared>> -> memref<640x16xf32, #tpu.memory_space<vmem_shared>>
      %dma_start3A_517 = arith.constant 0 : i32
      %dma_start3A_518 = tpu.memref_slice %arg9[%mul3A_511, %dma_start3A_517] : memref<10240x16xf32, #tpu.memory_space<vmem_shared>> -> memref<640x16xf32, #tpu.memory_space<vmem_shared>>
      tpu.enqueue_dma source(%dma_start3A_518 : memref<640x16xf32, #tpu.memory_space<vmem_shared>>) target(%arg8 : memref<640x16xf32, #tpu.memory_space<vmem>>) target_semaphore(%run_scoped3A_514 : memref<!tpu.dma_semaphore, #tpu.memory_space<semaphore_mem>>)
      %dma_wait3A_519 = arith.constant 0 : i32
      %dma_wait3A_520 = tpu.memref_slice %arg9[%mul3A_511, %dma_wait3A_519] : memref<10240x16xf32, #tpu.memory_space<vmem_shared>> -> memref<640x16xf32, #tpu.memory_space<vmem_shared>>
      %dma_wait3A_521 = arith.constant 0 : i32
      %dma_wait3A_522 = tpu.memref_slice %arg9[%mul3A_511, %dma_wait3A_521] : memref<10240x16xf32, #tpu.memory_space<vmem_shared>> -> memref<640x16xf32, #tpu.memory_space<vmem_shared>>
      tpu.wait_dma2 semaphore(%run_scoped3A_514 : memref<!tpu.dma_semaphore, #tpu.memory_space<semaphore_mem>>) src(%dma_wait3A_522 : memref<640x16xf32, #tpu.memory_space<vmem_shared>>) dst(%arg8 : memref<640x16xf32, #tpu.memory_space<vmem>>)
      tpu.yield
    }) : () -> ()
    %mul3A_512 = arith.constant 640 : i32
    %mul3A_513 = arith.muli %arg1, %mul3A_512 : i32
    "tpu.region"() ({
      %run_scoped3A_514 = tpu.sem_alloc : memref<!tpu.dma_semaphore, #tpu.memory_space<semaphore_mem>>
      %dma_start3A_515 = arith.constant 0 : i32
      %dma_start3A_516 = arith.constant 0 : i32
      %dma_start3A_517 = tpu.memref_slice %arg4[%arg0, %dma_start3A_515, %dma_start3A_516] : memref<2x10240x16xf32, #tpu.memory_space<hbm>> -> memref<1x10240x16xf32, #tpu.memory_space<hbm>>
      %dma_start3A_518 = tpu.memref_squeeze %dma_start3A_517 : memref<1x10240x16xf32, #tpu.memory_space<hbm>> -> memref<10240x16xf32, #tpu.memory_space<hbm>>
      %dma_start3A_519 = arith.constant 0 : i32
      %dma_start3A_520 = tpu.memref_slice %dma_start3A_518[%mul3A_513, %dma_start3A_519] : memref<10240x16xf32, #tpu.memory_space<hbm>> -> memref<640x16xf32, #tpu.memory_space<hbm>>
      %dma_start3A_521 = arith.constant 0 : i32
      %dma_start3A_522 = arith.constant 0 : i32
      %dma_start3A_523 = tpu.memref_slice %arg4[%arg0, %dma_start3A_521, %dma_start3A_522] : memref<2x10240x16xf32, #tpu.memory_space<hbm>> -> memref<1x10240x16xf32, #tpu.memory_space<hbm>>
      %dma_start3A_524 = tpu.memref_squeeze %dma_start3A_523 : memref<1x10240x16xf32, #tpu.memory_space<hbm>> -> memref<10240x16xf32, #tpu.memory_space<hbm>>
      %dma_start3A_525 = arith.constant 0 : i32
      %dma_start3A_526 = tpu.memref_slice %dma_start3A_524[%mul3A_513, %dma_start3A_525] : memref<10240x16xf32, #tpu.memory_space<hbm>> -> memref<640x16xf32, #tpu.memory_space<hbm>>
      tpu.enqueue_dma source(%arg8 : memref<640x16xf32, #tpu.memory_space<vmem>>) target(%dma_start3A_526 : memref<640x16xf32, #tpu.memory_space<hbm>>) target_semaphore(%run_scoped3A_514 : memref<!tpu.dma_semaphore, #tpu.memory_space<semaphore_mem>>)
      %dma_wait3A_527 = arith.constant 0 : i32
      %dma_wait3A_528 = arith.constant 0 : i32
      %dma_wait3A_529 = tpu.memref_slice %arg4[%arg0, %dma_wait3A_527, %dma_wait3A_528] : memref<2x10240x16xf32, #tpu.memory_space<hbm>> -> memref<1x10240x16xf32, #tpu.memory_space<hbm>>
      %dma_wait3A_530 = tpu.memref_squeeze %dma_wait3A_529 : memref<1x10240x16xf32, #tpu.memory_space<hbm>> -> memref<10240x16xf32, #tpu.memory_space<hbm>>
      %dma_wait3A_531 = arith.constant 0 : i32
      %dma_wait3A_532 = tpu.memref_slice %dma_wait3A_530[%mul3A_513, %dma_wait3A_531] : memref<10240x16xf32, #tpu.memory_space<hbm>> -> memref<640x16xf32, #tpu.memory_space<hbm>>
      %dma_wait3A_533 = arith.constant 0 : i32
      %dma_wait3A_534 = arith.constant 0 : i32
      %dma_wait3A_535 = tpu.memref_slice %arg4[%arg0, %dma_wait3A_533, %dma_wait3A_534] : memref<2x10240x16xf32, #tpu.memory_space<hbm>> -> memref<1x10240x16xf32, #tpu.memory_space<hbm>>
      %dma_wait3A_536 = tpu.memref_squeeze %dma_wait3A_535 : memref<1x10240x16xf32, #tpu.memory_space<hbm>> -> memref<10240x16xf32, #tpu.memory_space<hbm>>
      %dma_wait3A_537 = arith.constant 0 : i32
      %dma_wait3A_538 = tpu.memref_slice %dma_wait3A_536[%mul3A_513, %dma_wait3A_537] : memref<10240x16xf32, #tpu.memory_space<hbm>> -> memref<640x16xf32, #tpu.memory_space<hbm>>
      tpu.wait_dma2 semaphore(%run_scoped3A_514 : memref<!tpu.dma_semaphore, #tpu.memory_space<semaphore_mem>>) src(%arg8 : memref<640x16xf32, #tpu.memory_space<vmem>>) dst(%dma_wait3A_538 : memref<640x16xf32, #tpu.memory_space<hbm>>)
      tpu.yield
    }) : () -> ()
    return
  }
}

module attributes {stable_mosaic.version = 14 : i64} {
  func.func @body(%arg0: memref<1250x1024xf32, #tpu.memory_space<vmem>>, %arg1: memref<1024x128xf32, #tpu.memory_space<vmem>>, %arg2: memref<1250x128xf32, #tpu.memory_space<vmem>>) attributes {dimension_semantics = [], scalar_prefetch = 0 : i64, scratch_operands = 0 : i64, tpu.core_type = #tpu.core_type<tc>} {
    %get3A = arith.constant 0 : index
    %get3A_0 = arith.constant 0 : index
    %get3A_1 = vector.load %arg0[%get3A, %get3A_0] : memref<1250x1024xf32, #tpu.memory_space<vmem>>, vector<1250x1024xf32>
    %get3A_2 = arith.constant 0 : index
    %get3A_3 = arith.constant 0 : index
    %get3A_4 = vector.load %arg1[%get3A_2, %get3A_3] : memref<1024x128xf32, #tpu.memory_space<vmem>>, vector<1024x128xf32>
    %dot_general3A = arith.constant dense<0.000000e+00> : vector<1250x128xf32>
    %dot_general3A_5 = tpu.matmul %get3A_1, %get3A_4, %dot_general3A {dimension_numbers = #tpu.dot_dimension_numbers<[1], [0], [0], [1], [0, 0, 1, 1], [], []>, transpose_lhs_hint = false} : vector<1250x1024xf32>, vector<1024x128xf32>, vector<1250x128xf32> -> vector<1250x128xf32>
    %swap3A = arith.constant 0 : index
    %swap3A_6 = arith.constant 0 : index
    %swap3A_7 = vector.load %arg2[%swap3A, %swap3A_6] : memref<1250x128xf32, #tpu.memory_space<vmem>>, vector<1250x128xf32>
    tpu.vector_store %arg2[%swap3A, %swap3A_6], %dot_general3A_5 {strides = array<i32>} : memref<1250x128xf32, #tpu.memory_space<vmem>>, vector<1250x128xf32>,
    return
  }
}

module attributes {stable_mosaic.version = 14 : i64} {
  func.func @body(%arg0: memref<2x1280x128xf32, #tpu.memory_space<vmem>>, %arg1: memref<1250x128xf32, #tpu.memory_space<vmem>>, %arg2: memref<1280x128xf32, #tpu.memory_space<vmem>>, %arg3: memref<1250x128xf32, #tpu.memory_space<vmem>>) attributes {dimension_semantics = [], scalar_prefetch = 0 : i64, scratch_operands = 0 : i64, tpu.core_type = #tpu.core_type<tc>} {
    %get3A = arith.constant 0 : index
    %get3A_0 = arith.constant 0 : index
    %get3A_1 = arith.constant 0 : index
    %get3A_2 = vector.load %arg0[%get3A, %get3A_0, %get3A_1] : memref<2x1280x128xf32, #tpu.memory_space<vmem>>, vector<1x1280x128xf32>
    %get3A_3 = vector.shape_cast %get3A_2 : vector<1x1280x128xf32> to vector<1280x128xf32>
    %get3A_4 = arith.constant 1 : index
    %get3A_5 = arith.constant 0 : index
    %get3A_6 = arith.constant 0 : index
    %get3A_7 = vector.load %arg0[%get3A_4, %get3A_5, %get3A_6] : memref<2x1280x128xf32, #tpu.memory_space<vmem>>, vector<1x1280x128xf32>
    %get3A_8 = vector.shape_cast %get3A_7 : vector<1x1280x128xf32> to vector<1280x128xf32>
    %add3A = arith.addf %get3A_3, %get3A_8 : vector<1280x128xf32>
    %add3A_9 = arith.constant 1.000000e+00 : f32
    %add3A_10 = vector.broadcast %add3A_9 : f32 to vector<1280x128xf32>
    %add3A_11 = arith.addf %add3A, %add3A_10 : vector<1280x128xf32>
    %rsqrt3A = math.rsqrt %add3A_11 : vector<1280x128xf32>
    %swap3A = arith.constant 0 : index
    %swap3A_12 = arith.constant 0 : index
    %swap3A_13 = vector.load %arg2[%swap3A, %swap3A_12] : memref<1280x128xf32, #tpu.memory_space<vmem>>, vector<1280x128xf32>
    tpu.vector_store %arg2[%swap3A, %swap3A_12], %rsqrt3A {strides = array<i32>} : memref<1280x128xf32, #tpu.memory_space<vmem>>, vector<1280x128xf32>,
    %slice3A = vector.extract_strided_slice %rsqrt3A {offsets = [0, 0], sizes = [1250, 128], strides = [1, 1]} : vector<1280x128xf32> to vector<1250x128xf32>
    %get3A_14 = arith.constant 0 : index
    %get3A_15 = arith.constant 0 : index
    %get3A_16 = vector.load %arg1[%get3A_14, %get3A_15] : memref<1250x128xf32, #tpu.memory_space<vmem>>, vector<1250x128xf32>
    %mul3A = arith.mulf %slice3A, %get3A_16 : vector<1250x128xf32>
    %swap3A_17 = arith.constant 0 : index
    %swap3A_18 = arith.constant 0 : index
    %swap3A_19 = vector.load %arg3[%swap3A_17, %swap3A_18] : memref<1250x128xf32, #tpu.memory_space<vmem>>, vector<1250x128xf32>
    tpu.vector_store %arg3[%swap3A_17, %swap3A_18], %mul3A {strides = array<i32>} : memref<1250x128xf32, #tpu.memory_space<vmem>>, vector<1250x128xf32>,
    return
  }
}

module attributes {stable_mosaic.version = 14 : i64} {
  func.func @body(%arg0: memref<2x1280x128xf32, #tpu.memory_space<vmem>>, %arg1: memref<1280x128xf32, #tpu.memory_space<vmem>>, %arg2: memref<1250x128xf32, #tpu.memory_space<vmem>>, %arg3: memref<1x128xf32, #tpu.memory_space<vmem>>, %arg4: memref<1250x128xf32, #tpu.memory_space<vmem>>, %arg5: memref<1250x128xf32, #tpu.memory_space<vmem>>) attributes {dimension_semantics = [], scalar_prefetch = 0 : i64, scratch_operands = 0 : i64, tpu.core_type = #tpu.core_type<tc>} {
    %get3A = arith.constant 0 : index
    %get3A_0 = arith.constant 0 : index
    %get3A_1 = vector.load %arg1[%get3A, %get3A_0] : memref<1280x128xf32, #tpu.memory_space<vmem>>, vector<1250x128xf32>
    %get3A_2 = arith.constant 0 : index
    %get3A_3 = arith.constant 0 : index
    %get3A_4 = arith.constant 0 : index
    %get3A_5 = vector.load %arg0[%get3A_2, %get3A_3, %get3A_4] : memref<2x1280x128xf32, #tpu.memory_space<vmem>>, vector<1x1250x128xf32>
    %get3A_6 = vector.shape_cast %get3A_5 : vector<1x1250x128xf32> to vector<1250x128xf32>
    %get3A_7 = arith.constant 1 : index
    %get3A_8 = arith.constant 0 : index
    %get3A_9 = arith.constant 0 : index
    %get3A_10 = vector.load %arg0[%get3A_7, %get3A_8, %get3A_9] : memref<2x1280x128xf32, #tpu.memory_space<vmem>>, vector<1x1250x128xf32>
    %get3A_11 = vector.shape_cast %get3A_10 : vector<1x1250x128xf32> to vector<1250x128xf32>
    %add3A = arith.addf %get3A_6, %get3A_11 : vector<1250x128xf32>
    %mul3A = arith.mulf %get3A_1, %add3A : vector<1250x128xf32>
    %mul3A_12 = arith.mulf %get3A_1, %get3A_1 : vector<1250x128xf32>
    %get3A_13 = arith.constant 0 : index
    %get3A_14 = arith.constant 0 : index
    %get3A_15 = vector.load %arg2[%get3A_13, %get3A_14] : memref<1250x128xf32, #tpu.memory_space<vmem>>, vector<1250x128xf32>
    %mul3A_16 = arith.mulf %mul3A_12, %get3A_15 : vector<1250x128xf32>
    %add3A_17 = arith.addf %mul3A, %mul3A_16 : vector<1250x128xf32>
    %get3A_18 = arith.constant 0 : index
    %get3A_19 = arith.constant 0 : index
    %get3A_20 = vector.load %arg3[%get3A_18, %get3A_19] : memref<1x128xf32, #tpu.memory_space<vmem>>, vector<1x128xf32>
    %add3A_21 = vector.broadcast %get3A_20 : vector<1x128xf32> to vector<1250x128xf32>
    %add3A_22 = arith.addf %add3A_17, %add3A_21 : vector<1250x128xf32>
    %max3A = arith.constant 0.000000e+00 : f32
    %max3A_23 = vector.broadcast %max3A : f32 to vector<1250x128xf32>
    %max3A_24 = arith.maximumf %add3A_22, %max3A_23 : vector<1250x128xf32>
    %swap3A = arith.constant 0 : index
    %swap3A_25 = arith.constant 0 : index
    %swap3A_26 = vector.load %arg4[%swap3A, %swap3A_25] : memref<1250x128xf32, #tpu.memory_space<vmem>>, vector<1250x128xf32>
    tpu.vector_store %arg4[%swap3A, %swap3A_25], %max3A_24 {strides = array<i32>} : memref<1250x128xf32, #tpu.memory_space<vmem>>, vector<1250x128xf32>,
    %mul3A_27 = arith.mulf %get3A_1, %max3A_24 : vector<1250x128xf32>
    %swap3A_28 = arith.constant 0 : index
    %swap3A_29 = arith.constant 0 : index
    %swap3A_30 = vector.load %arg5[%swap3A_28, %swap3A_29] : memref<1250x128xf32, #tpu.memory_space<vmem>>, vector<1250x128xf32>
    tpu.vector_store %arg5[%swap3A_28, %swap3A_29], %mul3A_27 {strides = array<i32>} : memref<1250x128xf32, #tpu.memory_space<vmem>>, vector<1250x128xf32>,
    return
  }
}

module attributes {stable_mosaic.version = 14 : i64} {
  func.func @body(%arg0: memref<2x1280x128xf32, #tpu.memory_space<vmem>>, %arg1: memref<1280x128xf32, #tpu.memory_space<vmem>>, %arg2: memref<1250x128xf32, #tpu.memory_space<vmem>>, %arg3: memref<128x16xf32, #tpu.memory_space<vmem>>, %arg4: memref<1x16xf32, #tpu.memory_space<vmem>>, %arg5: memref<1250x16xf32, #tpu.memory_space<vmem>>) attributes {dimension_semantics = [], scalar_prefetch = 0 : i64, scratch_operands = 0 : i64, tpu.core_type = #tpu.core_type<tc>} {
    %get3A = arith.constant 0 : index
    %get3A_0 = arith.constant 0 : index
    %get3A_1 = vector.load %arg1[%get3A, %get3A_0] : memref<1280x128xf32, #tpu.memory_space<vmem>>, vector<1250x128xf32>
    %get3A_2 = arith.constant 0 : index
    %get3A_3 = arith.constant 0 : index
    %get3A_4 = arith.constant 0 : index
    %get3A_5 = vector.load %arg0[%get3A_2, %get3A_3, %get3A_4] : memref<2x1280x128xf32, #tpu.memory_space<vmem>>, vector<1x1250x128xf32>
    %get3A_6 = vector.shape_cast %get3A_5 : vector<1x1250x128xf32> to vector<1250x128xf32>
    %get3A_7 = arith.constant 1 : index
    %get3A_8 = arith.constant 0 : index
    %get3A_9 = arith.constant 0 : index
    %get3A_10 = vector.load %arg0[%get3A_7, %get3A_8, %get3A_9] : memref<2x1280x128xf32, #tpu.memory_space<vmem>>, vector<1x1250x128xf32>
    %get3A_11 = vector.shape_cast %get3A_10 : vector<1x1250x128xf32> to vector<1250x128xf32>
    %add3A = arith.addf %get3A_6, %get3A_11 : vector<1250x128xf32>
    %mul3A = arith.mulf %get3A_1, %add3A : vector<1250x128xf32>
    %mul3A_12 = arith.mulf %get3A_1, %get3A_1 : vector<1250x128xf32>
    %get3A_13 = arith.constant 0 : index
    %get3A_14 = arith.constant 0 : index
    %get3A_15 = vector.load %arg2[%get3A_13, %get3A_14] : memref<1250x128xf32, #tpu.memory_space<vmem>>, vector<1250x128xf32>
    %mul3A_16 = arith.mulf %mul3A_12, %get3A_15 : vector<1250x128xf32>
    %add3A_17 = arith.addf %mul3A, %mul3A_16 : vector<1250x128xf32>
    %get3A_18 = arith.constant 0 : index
    %get3A_19 = arith.constant 0 : index
    %get3A_20 = vector.load %arg3[%get3A_18, %get3A_19] : memref<128x16xf32, #tpu.memory_space<vmem>>, vector<128x16xf32>
    %dot_general3A = arith.constant dense<0.000000e+00> : vector<1250x16xf32>
    %dot_general3A_21 = tpu.matmul %add3A_17, %get3A_20, %dot_general3A {dimension_numbers = #tpu.dot_dimension_numbers<[1], [0], [0], [1], [0, 0, 1, 1], [], []>, transpose_lhs_hint = false} : vector<1250x128xf32>, vector<128x16xf32>, vector<1250x16xf32> -> vector<1250x16xf32>
    %get3A_22 = arith.constant 0 : index
    %get3A_23 = arith.constant 0 : index
    %get3A_24 = vector.load %arg4[%get3A_22, %get3A_23] : memref<1x16xf32, #tpu.memory_space<vmem>>, vector<1x16xf32>
    %add3A_25 = vector.broadcast %get3A_24 : vector<1x16xf32> to vector<1250x16xf32>
    %add3A_26 = arith.addf %dot_general3A_21, %add3A_25 : vector<1250x16xf32>
    %iota3A = tpu.iota {dimensions = array<i32: 1>} : vector<1250x16xi32>
    %jit3A = arith.constant 2 : i32
    %eq3A = arith.constant 0 : i32
    %eq3A_27 = arith.cmpi eq, %jit3A, %eq3A : i32
    %jit3A_28 = arith.constant 1 : i32
    %select_n3A = arith.select %eq3A_27, %jit3A_28, %jit3A : i32
    %rem3A = vector.broadcast %select_n3A : i32 to vector<1250x16xi32>
    %rem3A_29 = arith.remsi %iota3A, %rem3A : vector<1250x16xi32>
    %ne3A = arith.constant 0 : i32
    %ne3A_30 = vector.broadcast %ne3A : i32 to vector<1250x16xi32>
    %ne3A_31 = arith.cmpi ne, %rem3A_29, %ne3A_30 : vector<1250x16xi32>
    %lt3A = arith.constant 0 : i32
    %lt3A_32 = vector.broadcast %lt3A : i32 to vector<1250x16xi32>
    %lt3A_33 = arith.cmpi slt, %rem3A_29, %lt3A_32 : vector<1250x16xi32>
    %lt3A_34 = arith.constant 0 : i32
    %lt3A_35 = arith.cmpi slt, %select_n3A, %lt3A_34 : i32
    %ne3A_36 = vector.broadcast %lt3A_35 : i1 to vector<1250x16xi1>
    %ne3A_37 = vector.broadcast %ne3A_36 : vector<1250x16xi1> to vector<1250x16xi1>
    %ne3A_38 = arith.xori %lt3A_33, %ne3A_37 : vector<1250x16xi1>
    %and3A = arith.andi %ne3A_38, %ne3A_31 : vector<1250x16xi1>
    %add3A_39 = vector.broadcast %select_n3A : i32 to vector<1250x16xi32>
    %add3A_40 = arith.addi %rem3A_29, %add3A_39 : vector<1250x16xi32>
    %select_n3A_41 = arith.select %and3A, %add3A_40, %rem3A_29 : vector<1250x16xi1>, vector<1250x16xi32>
    %eq3A_42 = arith.constant 0 : i32
    %eq3A_43 = vector.broadcast %eq3A_42 : i32 to vector<1250x16xi32>
    %eq3A_44 = arith.cmpi eq, %select_n3A_41, %eq3A_43 : vector<1250x16xi32>
    %slice3A = vector.extract_strided_slice %add3A_26 {offsets = [0, 1], sizes = [1250, 15], strides = [1, 1]} : vector<1250x16xf32> to vector<1250x15xf32>
    %slice3A_45 = vector.extract_strided_slice %add3A_26 {offsets = [0, 0], sizes = [1250, 1], strides = [1, 1]} : vector<1250x16xf32> to vector<1250x1xf32>
    %concatenate3A = tpu.concatenate %slice3A, %slice3A_45 in 1 : vector<1250x15xf32>, vector<1250x1xf32> -> vector<1250x16xf32>
    %slice3A_46 = vector.extract_strided_slice %add3A_26 {offsets = [0, 15], sizes = [1250, 1], strides = [1, 1]} : vector<1250x16xf32> to vector<1250x1xf32>
    %slice3A_47 = vector.extract_strided_slice %add3A_26 {offsets = [0, 0], sizes = [1250, 15], strides = [1, 1]} : vector<1250x16xf32> to vector<1250x15xf32>
    %concatenate3A_48 = tpu.concatenate %slice3A_46, %slice3A_47 in 1 : vector<1250x1xf32>, vector<1250x15xf32> -> vector<1250x16xf32>
    %select_n3A_49 = arith.select %eq3A_44, %concatenate3A, %concatenate3A_48 : vector<1250x16xi1>, vector<1250x16xf32>
    %max3A = arith.maximumf %add3A_26, %select_n3A_49 : vector<1250x16xf32>
    %sub3A = arith.subf %add3A_26, %max3A : vector<1250x16xf32>
    %exp3A = math.exp %sub3A : vector<1250x16xf32>
    %sub3A_50 = arith.subf %select_n3A_49, %max3A : vector<1250x16xf32>
    %exp3A_51 = math.exp %sub3A_50 : vector<1250x16xf32>
    %add3A_52 = arith.addf %exp3A, %exp3A_51 : vector<1250x16xf32>
    %log3A = math.log %add3A_52 : vector<1250x16xf32>
    %add3A_53 = arith.addf %max3A, %log3A : vector<1250x16xf32>
    %sub3A_54 = arith.subf %add3A_26, %add3A_53 : vector<1250x16xf32>
    %swap3A = arith.constant 0 : index
    %swap3A_55 = arith.constant 0 : index
    %swap3A_56 = vector.load %arg5[%swap3A, %swap3A_55] : memref<1250x16xf32, #tpu.memory_space<vmem>>, vector<1250x16xf32>
    tpu.vector_store %arg5[%swap3A, %swap3A_55], %sub3A_54 {strides = array<i32>} : memref<1250x16xf32, #tpu.memory_space<vmem>>, vector<1250x16xf32>,
    return
  }
}

</mosaic_0001>

<sc_bundles>
// kernel: kernel.12.cloned.1.call-start
scs
__scs_entry_jumppad:
0x0: {  	(pc) =	sbr.rel $0x88, $3  }
0x1: {  	(tag) =	ssettag $0x0;
	lr =	simm.s32 $0x1  }
0x2: {  	[smem:$0x3F9B] =	sst lr;
	_ =	strace $0xD0000000  }
0x3: {  	_ = 	snop  }
0x4: {  	_ = 	snop  }
0x5: {  	_ = 	snop  }
0x6: {  	_ = 	snop  }
0x7: {  	_ = 	snop  }
__scs_overlays_trampoline_lowered:
0x8: {  	[smem:$0x3FAA] =	sst s0  }
0x9: {  	[smem:$0x3FAB] =	sst s1  }
0xa: {  	[smem:$0x3FAC] =	sst s2  }
0xb: {  	[smem:$0x3FAD] =	sst s3  }
0xc: {  	[smem:$0x3FAE] =	sst s4  }
0xd: {  	[smem:$0x3FAF] =	sst s5  }
0xe: {  	[smem:$0x3FB0] =	sst s6  }
0xf: {  	[smem:$0x3FB1] =	sst s7  }
0x10: {  	[smem:$0x3FB2] =	sst s8  }
0x11: {  	[smem:$0x3FB3] =	sst s9;
	s0 =	simm.s32 @!p0 $0x0  }
0x12: {  	s1 =	sld [smem:$0x3F99];
	s0 =	simm.s32 @p0 $0x1  }
0x13: {  	[smem:$0x3FB4] =	sst s0;
	s0 =	simm.s32 @!p1 $0x0  }
0x14: {  	s2 =	sld [smem:$0x3F98];
	s0 =	simm.s32 @p1 $0x1  }
0x15: {  	[smem:$0x3FB5] =	sst s0;
	s0 =	simm.s32 @!p2 $0x0  }
0x16: {  	s3 =	sld [smem:$0x3FDB];
	s0 =	simm.s32 @p2 $0x1  }
0x17: {  	s4 =	simm.s32 $0x1BF5;
	[smem:$0x3FB7] =	sst s0  }
0x18: {  	s0 =	sld [smem:$0x3F9A];
	_ =	swait.ge [sflag:s4], $0x0  }
0x19: {  	s7 =	sld [smem:$0x3F9B]  }
0x1a: {  	s8 =	sadd.s32 $0xFFFFE003, lr  }
0x1b: {  	s9 =	sadd.s32 $0xFFFFFEF7, lr;
	s5 =	simm.s32 $0xFFFFFFFF;
	p2 =	slt.u32 s8, $0xFFFFF086  }
0x1c: {  	p1 =	slt.u32 s9, $0xF7A;
	s5 =	simm.s32 @!p2 $0x0  }
0x1d: {  	s5 =	simm.s32 @p1 $0x1;
	p0 =	seq.s32 s7, s2  }
0x1e: {  	s7 =	smul.u32 @!p0 $0xF7A, s2;
	p2 =	seq.s32 @!p0 s5, $0x0  }
0x1f: {  	s9 =	smul.u32 $0xF7A, s1;
	s8 =	simm.s32 @!p0 $0x1BF5;
	p2 =	por !p2, p0  }
0x20: {  	[sflag:s8] =	ssyncset.s32 @!p0 $0xFFFFF086;
	s6 =	sadd.s32 @!p0 s3, s7;
	s7 =	simm.s32 @!p0 $0x108  }
0x21: {  	s3 =	sadd.s32 s3, s9;
	s6 =	sadd.s32 @!p0 $0x88, s6;
	s7 =	simm.s32 @p2 $0x1082  }
0x22: {  	[simem:s7], [sflag:s8] =	dma.local @!p0 [hbm:s6], $0xF7A  }
0x23: {  	s9 =	sor.u32 $0xD0000000, s2;
	s6 =	simm.s32 $0x108;
	_ =	swait.ge @!p0 [sflag:s8], $0x0  }
0x24: {  	s3 =	sadd.s32 $0x88, s3;
	s6 =	simm.s32 @!p1 $0x1082;
	[sflag:s4] =	ssyncset.s32 $0xFFFFF086  }
0x25: {  	[simem:s6], [sflag:s4] =	dma.local [hbm:s3], $0xF7A  }
0x26: {  	[smem:$0x3F9B] =	sst s1;
	(tag) =	ssettag s2;
	_ =	strace s9  }
0x27: {  	s1 =	sld [smem:$0x3FAB]  }
0x28: {  	s2 =	sld [smem:$0x3FAC]  }
0x29: {  	s4 =	sld [smem:$0x3FAE]  }
0x2a: {  	p0 =	seq.s32 s5, $0x0;
	s5 =	sld [smem:$0x3FAF]  }
0x2b: {  	s6 =	sld [smem:$0x3FB0]  }
0x2c: {  	s7 =	sld [smem:$0x3FB1]  }
0x2d: {  	s3 =	simm.s32 $0x108;
	s8 =	sld [smem:$0x3FB2]  }
0x2e: {  	s3 =	simm.s32 @!p0 $0x1082;
	s9 =	sld [smem:$0x3FB3]  }
0x2f: {  	lr =	sadd.s32 s0, s3;
	s0 =	sld [smem:$0x3FAA]  }
0x30: {  	s3 =	sld [smem:$0x3FAD]  }
0x31: {  	[smem:$0x3FB6] =	sst s10  }
0x32: {  	s10 =	sld [smem:$0x3FB4];
	_ =	sdelay $0x3  }
0x33: {  	p0 =	seq.s32 s10, $0x1;
	s10 =	sld [smem:$0x3FB6];
	_ =	sdelay $0x3  }
0x34: {  	[smem:$0x3FB6] =	sst s10  }
0x35: {  	s10 =	sld [smem:$0x3FB5];
	_ =	sdelay $0x3  }
0x36: {  	p1 =	seq.s32 s10, $0x1;
	s10 =	sld [smem:$0x3FB6];
	_ =	sdelay $0x3  }
0x37: {  	[smem:$0x3FB6] =	sst s10  }
0x38: {  	s10 =	sld [smem:$0x3FB7]  }
0x39: {  	_ = 	snop;
	(pc) =	sbr.ind lr, $3  }
0x3a: {  	_ = 	snop  }
0x3b: {  	_ = 	snop  }
0x3c: {  	p2 =	seq.s32 s10, $0x1;
	s10 =	sld [smem:$0x3FB6]  }
0x3d: {  	_ =	shalt  }
0x3e: {  	_ =	shalt  }
0x3f: {  	_ =	shalt  }
0x40: {  	_ =	shalt  }
0x41: {  	_ =	shalt  }
0x42: {  	_ =	shalt  }
0x43: {  	_ =	shalt  }
0x44: {  	_ =	shalt  }
0x45: {  	_ =	shalt  }
0x46: {  	_ =	shalt  }
0x47: {  	_ =	shalt  }
0x48: {  	_ =	shalt  }
0x49: {  	_ =	shalt  }
0x4a: {  	_ =	shalt  }
0x4b: {  	_ =	shalt  }
0x4c: {  	_ =	shalt  }
0x4d: {  	_ =	shalt  }
0x4e: {  	_ =	shalt  }
0x4f: {  	_ =	shalt  }
0x50: {  	_ =	shalt  }
0x51: {  	_ =	shalt  }
0x52: {  	_ =	shalt  }
0x53: {  	_ =	shalt  }
0x54: {  	_ =	shalt  }
0x55: {  	_ =	shalt  }
0x56: {  	_ =	shalt  }
0x57: {  	_ =	shalt  }
0x58: {  	_ =	shalt  }
0x59: {  	_ =	shalt  }
0x5a: {  	_ =	shalt  }
0x5b: {  	_ =	shalt  }
0x5c: {  	_ =	shalt  }
0x5d: {  	_ =	shalt  }
0x5e: {  	_ =	shalt  }
0x5f: {  	_ =	shalt  }
0x60: {  	_ =	shalt  }
0x61: {  	_ =	shalt  }
0x62: {  	_ =	shalt  }
0x63: {  	_ =	shalt  }
0x64: {  	_ =	shalt  }
0x65: {  	_ =	shalt  }
0x66: {  	_ =	shalt  }
0x67: {  	_ =	shalt  }
0x68: {  	_ =	shalt  }
0x69: {  	_ =	shalt  }
0x6a: {  	_ =	shalt  }
0x6b: {  	_ =	shalt  }
0x6c: {  	_ =	shalt  }
0x6d: {  	_ =	shalt  }
0x6e: {  	_ =	shalt  }
0x6f: {  	_ =	shalt  }
0x70: {  	_ =	shalt  }
0x71: {  	_ =	shalt  }
0x72: {  	_ =	shalt  }
0x73: {  	_ =	shalt  }
0x74: {  	_ =	shalt  }
0x75: {  	_ =	shalt  }
0x76: {  	_ =	shalt  }
0x77: {  	_ =	shalt  }
0x78: {  	_ =	shalt  }
0x79: {  	_ =	shalt  }
0x7a: {  	_ =	shalt  }
0x7b: {  	_ =	shalt  }
0x7c: {  	_ =	shalt  }
0x7d: {  	_ =	shalt  }
0x7e: {  	_ =	shalt  }
0x7f: {  	_ =	shalt  }
0x80: {  	_ =	shalt  }
0x81: {  	_ =	shalt  }
0x82: {  	_ =	shalt  }
0x83: {  	_ =	shalt  }
0x84: {  	_ =	shalt  }
0x85: {  	_ =	shalt  }
0x86: {  	_ =	shalt  }
0x87: {  	_ =	shalt  }
.Lfunc_end0:
.L_simem_size_0:
called_computation.1_lowered:
.L_overlay_start_0:
0x88: {  	s2 =	sld [smem:$0x3FD9]  }
0x89: {  	s3 =	sld [smem:$0x3FFE];
	_ =	sdelay $0x1  }
0x8a: {  	s1 =	srdreg.scid  }
0x8b: {  	s0 =	sand.u32 $0x1, s1  }
0x8c: {  	s16 =	sshll.u32 s0, $0xA;
	s2 =	sadd.s32 s3, s2  }
0x8d: {  	s2 =	sadd.s32 s2, s16  }
0x8e: {  	[smem:$0x3FC2] =	sst s2  }
0x8f: {  	_ = 	snop  }
0x90: {  	(tm) =	ssettm $0x1  }
0x91: {  	s17 =	sld [smem:$0x3FFB];
	_ =	sdelay $0x3  }
0x92: {  	_ =	strace s17  }
0x93: {  	s2 =	sld [smem:$0x3FFC];
	_ =	sdelay $0x3  }
0x94: {  	_ =	strace s2  }
0x95: {  	s2 =	sld [smem:$0x3FFD];
	_ =	sdelay $0x3  }
0x96: {  	_ =	strace s2  }
0x97: {  	_ =	strace $0x8FFFFFFF  }
0x98: {  	s18 =	sld [smem:$0x3FDB];
	_ =	sdelay $0x1  }
0x99: {  	s19 =	simm.s32 $_scs_section_size  }
0x9a: {  	s4 =	simm.s32 $_size__tile_overlayer_lowered;
	s5 =	simm.s32 $_tile_overlayer_lowered  }
0x9b: {  	s22 =	simm.s32 $0x1BFF;
	s21 =	sshll.u32 s5, $0x1;
	s2 =	sadd.s32 s19, s18  }
0x9c: {  	s6 =	simm.s32 $0x0;
	s20 =	sshll.u32 s4, $0x1;
	s4 =	sadd.s32 s21, s2  }
0x9d: {  	[timem:s6], [sflag:s22] =	dma.local [hbm:s4], s20  }
0x9e: {  	_ =	swait.ge [sflag:s22], s20  }
0x9f: {  	s3 =	ssub.s32 $0x0, s20;
	[sflag:s22] =	ssyncset.done $0x0  }
0xa0: {  	[sflag:s22] =	ssyncadd.s32 s3;
	_ =	sdelay $0x1  }
0xa1: {  	s23 =	simm.s32 $0x1B8B  }
0xa2: {  	_ =	swait.ge [sflag:s23], $0x1  }
0xa3: {  	[sflag:s23] =	ssyncset.done $0x0  }
0xa4: {  	s25 =	simm.s32 $0x1B8E;
	s24 =	sld [smem:$0x3FFE];
	[sflag:s23] =	ssyncadd.s32 $0xFFFFFFFF  }
0xa5: {  	s26 =	simm.s32 $execute0_lowered;
	[smem:$0x3FD2] =	sst s25  }
0xa6: {  	s4 =	sshll.u32 s26, $0x1;
	_ =	strace $0x80000049;
	[dreg:$0x1] =	wrdreg $0xFFFFFFFF  }
0xa7: {  	s28 =	simm.s32 $_size_execute0_lowered;
	s2 =	sadd.s32 s2, s4;
	[dreg:$0x0] =	wrdreg $0x0  }
0xa8: {  	s4 =	sshll.u32 s28, $0x1;
	[dreg:$0x2] =	wrdreg s2  }
0xa9: {  	[dreg:$0x3] =	wrdreg s4  }
0xaa: {  	[dreg:$0x4] =	wrdreg $0xC0  }
0xab: {  	_ =	task [dreg:s6], $0x5FFFF  }
0xac: {  	[dreg:$0x1] =	wrdreg $0xFFFFFFFF  }
0xad: {  	[dreg:$0x0] =	wrdreg $0x60  }
0xae: {  	[dreg:$0x2] =	wrdreg s24  }
0xaf: {  	[dreg:$0x3] =	wrdreg $0xB7000  }
0xb0: {  	[dreg:$0x4] =	wrdreg $0x9  }
0xb1: {  	_ =	task.clear_ibuf [dreg:s6], $0x5FFFF;
	_ =	strace $0x90000049  }
0xb2: {  	s29 =	simm.s32 $0x9;
	_ =	strace $0x8000004B  }
0xb3: {  	_ =	swait.ge [sflag:s29], $0x1  }
0xb4: {  	[sflag:s29] =	ssyncadd.s32 $0xFFFFFFFF  }
0xb5: {  	_ =	strace $0x9000004B  }
0xb6: {  	_ =	sfence  }
0xb7: {  	s30 =	sld [smem:$0x0];
	_ =	sdelay $0x2  }
0xb8: {  	s31 =	sshll.u32 s1, $0xD;
	s1 =	sshrl.u32 s1, $0x2  }
0xb9: {  	s3 =	sand.u32 $0x4000, s31;
	s1 =	sadd.s32 s1, s30  }
0xba: {  	s0 =	sor.u32 s3, s0;
	s1 =	sshll.u32 s1, $0x11  }
0xbb: {  	s0 =	sor.u32 s1, s0  }
0xbc: {  	s0 =	sadd.s32 $0x8F2B, s0  }
0xbd: {  	[sflag:s0] =	ssyncadd.remote.s32 $0x1  }
0xbe: {  	_ =	sfence.sel $0xFFFF  }
0xbf: {  	[dreg:$0x0] =	wrdreg $0xFFFFFFFF;
	(pc) =	sbr.abs _section_cstart, $3  }
0xc0: {  	[dreg:$0x1] =	wrdreg $0xFFFFFFFF  }
0xc1: {  	_ =	task.clear_ibuf [dreg:s6], $0x2FFFF;
	_ =	strace $0x9FFFFFFF  }
0xc2: {  	(tm) =	ssettm $0x7FFFFFFF  }
0xc3: {  	_ =	shalt  }
tec
execute0_lowered:
.L_overlay_start_1:
0x0: {  	(tag) =	ssettag $0x1  }
0x1: {  	s0 =	rddreg [dreg:$0x0]  }
0x2: {  	s2 =	rddreg [dreg:$0x1];
	s1 =	srdreg.scid  }
0x3: {  	s9 =	stileid.u32;
	s24 =	simm.s32 $0x0;
	s14 =	simm.s32 $0x80  }
0x4: {  	s15 =	simm.s32 $0x4F00;
	s16 =	simm.s32 $0x5700;
	s18 =	simm.s32 $0x5F00  }
0x5: {  	s20 =	simm.s32 $0x6700;
	s28 =	simm.s32 $0x7F00;
	s29 =	simm.s32 $0x4  }
0x6: {  	s30 =	simm.s32 $0x8700;
	s31 =	simm.s32 $0x5;
	s11 =	simm.s32 $0xA  }
0x7: {  	s17 =	simm.s32 $0x7;
	s19 =	simm.s32 $0xB;
	s10 =	simm.s32 $0xE  }
0x8: {  	s1 =	sand.u32 $0x1, s1;
	s3 =	sshll.u32 s9, $0x1;
	[smem:$0x7FF] =	sst s24  }
0x9: {  	s4 =	sadd.s32 $0x16400, s0;
	s7 =	sadd.s32 $0x2A00, s0;
	s21 =	smul.u32 $0x2800, s9  }
0xa: {  	p0 =	sgt.u32 s9, $0x1;
	s9 =	simm.s32 $0x11;
	s5 =	smul.u32 $0x5000, s1  }
0xb: {  	s3 =	sor.u32 s1, s3;
	_ =	strace $0x8000004A;
	s1 =	ssub.s32 $0x2, s1  }
0xc: {  	s6 =	smul.u32 $0x4E, s3;
	s3 =	smin.u32 s3, $0x4;
	s8 =	sshrl.u32 s1, $0x1  }
0xd: {  	s23 =	sadd.s32 s21, s2;
	s5 =	sadd.s32 s5, s0;
	s1 =	ssub.s32 s1, s8  }
0xe: {  	s0 =	sadd.s32 $0xC640, s0;
	[dreg:$0x5] =	wrdreg s23;
	s23 =	simm.s32 $0x2  }
0xf: {  	s3 =	sadd.s32 s3, s6;
	s5 =	sadd.s32 $0x1B400, s5;
	s6 =	sshrl.u32 s21, $0x3  }
0x10: {  	s1 =	smax.u32 s1, $0x1;
	s21 =	simm.s32 $0x1;
	s3 =	sshll.u32 s3, $0x4  }
0x11: {  	[dreg:$0x6] =	wrdreg s1;
	s26 =	sadd.s32 s6, s5;
	s1 =	simm.s32 $0x6  }
0x12: {  	s5 =	simm.s32 $0x8;
	s6 =	simm.s32 $0xC;
	s22 =	sadd.s32 s7, s3  }
0x13: {  	s8 =	sadd.s32 $0x4E0, s3;
	s25 =	sadd.s32 s3, s0;
	[dreg:$0x9] =	wrdreg s26  }
0x14: {  	s26 =	simm.s32 $0x3;
	s3 =	simm.s32 $0x0;
	[dreg:$0x3] =	wrdreg s22  }
0x15: {  	s7 =	sadd.s32 s7, s8;
	[dreg:$0x7] =	wrdreg s25;
	s0 =	sadd.s32 @!p0 s8, s0  }
0x16: {  	s8 =	simm.s32 $0x8F00;
	s22 =	simm.s32 $0x6F00;
	[dreg:$0x4] =	wrdreg s7  }
0x17: {  	v0 =	vimm.f32 $0.0e+00;
	s25 =	simm.s32 $0x7700;
	[dreg:$0x8] =	wrdreg s0;
	s0 =	simm.s32 $0x9  }
.LBB2_1:
0x18: {  	s12 =	simm.s32 $0x40;
	s13 =	simm.s32 $0x0  }
.LBB2_2:
0x19: {  	p1 =	sne.s32 s12, $0x9FC0;
	[tilespmem:s13+$0x8F00] =	vst v0;
	s13 =	smov.u32 s12;
	s12 =	sadd.s32 $0x40, s12  }
.Ltmp0:
0x1a: {  	(pc) =	sbr.rel @p1 .LBB2_2-.Ltmp0, $2  }
0x1b: {  	_ =	sdelay $0x2  }
0x1c: {  	s13 =	sshra.s32 s13, $0x2  }
0x1d: {  	[tilespmem:s13+$0x8F00] =	vst v0;
	s7 =	rddreg [dreg:$0x3]  }
0x1e: {  	[tilespmem:s24], [sflag:$0x11] =	stream.linear.gather [hbm4b:s7+s24], $0x2700, $0x38;
	[tilespmem:$0xDF00] =	vst v63  }
0x1f: {  	_ =	swait.ge [sflag:s9], $0x2700  }
0x20: {  	[sflag:s9] =	ssyncset.done $0x0  }
0x21: {  	s12 =	simm.s32 $0x2780;
	s13 =	rddreg [dreg:$0x7];
	[sflag:s9] =	ssyncadd.s32 $0xFFFFD900  }
0x22: {  	[tilespmem:s12], [sflag:$0x11] =	stream.linear.gather [hbm4b:s13+s24], $0x2700, $0x38;
	[tilespmem:$0xDF00] =	vst v63  }
0x23: {  	_ =	swait.ge [sflag:s9], $0x2700  }
0x24: {  	s12 =	simm.s32 @!p0 $0x0;
	[sflag:s9] =	ssyncset.done $0x0  }
0x25: {  	s13 =	simm.s32 @!p0 $0x2700;
	s7 =	rddreg [dreg:$0x4];
	[sflag:s9] =	ssyncadd.s32 $0xFFFFD900  }
0x26: {  	[tilespmem:s13], [sflag:$0x11] =	stream.linear.gather @!p0 [hbm4b:s7+s12], $0x80, $0x38;
	[tilespmem:$0xDF00] =	vst v63  }
0x27: {  	s13 =	simm.s32 @!p0 $0x11  }
0x28: {  	_ =	swait.ge @!p0 [sflag:s13], $0x80  }
0x29: {  	[sflag:s13] =	ssyncset.done @!p0 $0x0  }
0x2a: {  	s24 =	simm.s32 @!p0 $0x4E80;
	s7 =	rddreg [dreg:$0x8];
	[sflag:s13] =	ssyncadd.s32 @!p0 $0xFFFFFF80  }
0x2b: {  	[tilespmem:s24], [sflag:$0x11] =	stream.linear.gather @!p0 [hbm4b:s7+s12], $0x80, $0x38;
	[tilespmem:$0xDF00] =	vst v63  }
0x2c: {  	_ =	swait.ge @!p0 [sflag:s13], $0x80  }
0x2d: {  	[sflag:s13] =	ssyncset.done @!p0 $0x0  }
0x2e: {  	s24 =	rddreg [dreg:$0x5];
	[sflag:s13] =	ssyncadd.s32 @!p0 $0xFFFFFF80  }
0x2f: {  	[spmem:s24] =	stream.linear.scatter [tilespmem:s8], [sflag:$0x11], $0x2800, $0x38;
	[tilespmem:$0xDF00] =	vst v63  }
0x30: {  	_ =	swait.ge [sflag:s9], $0x2800  }
0x31: {  	[sflag:s9] =	ssyncset.done $0x0  }
0x32: {  	[sflag:s9] =	ssyncadd.s32 $0xFFFFD800  }
0x33: {  	s8 =	simm.s32 $0x0;
	[bflag:$0x0] =	sbarrier.arrive $0xFFFF  }
0x34: {  	[tilespmem:s15], [sflag:$0x1] =	stream.indirect.gather [hbm4b:s4+s14], $0x10, s8, s14, $0xb8;
	[tilespmem:$0xDF00] =	vst v63  }
0x35: {  	_ = 	snop  }
0x36: {  	[tilespmem:s16], [sflag:$0x2] =	stream.indirect.gather [hbm4b:s4+s14], $0x10, s14, s14, $0xb8;
	[tilespmem:$0xDF00] =	vst v63  }
0x37: {  	s12 =	simm.s32 $0x100  }
0x38: {  	[tilespmem:s18], [sflag:$0x3] =	stream.indirect.gather [hbm4b:s4+s14], $0x10, s12, s14, $0xb8;
	[tilespmem:$0xDF00] =	vst v63  }
0x39: {  	s13 =	simm.s32 $0x180  }
0x3a: {  	[tilespmem:s20], [sflag:$0x4] =	stream.indirect.gather [hbm4b:s4+s14], $0x10, s13, s14, $0xb8;
	[tilespmem:$0xDF00] =	vst v63  }
0x3b: {  	_ =	swait.ge [sflag:s21], $0x800  }
0x3c: {  	p1 =	por $0x1, $0x1;
	[sflag:s21] =	ssyncset.done $0x0  }
0x3d: {  	s24 =	simm.s32 $0x2780;
	s13 =	simm.s32 @!p1 $0xD;
	[sflag:s21] =	ssyncadd.s32 $0xFFFFF800  }
0x3e: {  	[spmem:s2] =	stream.indirect.scatter.add.f32 [tilespmem:s15], [sflag:$0x9], $0x10, s24, s14, $0xb8;
	[tilespmem:$0xDF00] =	vst v63  }
0x3f: {  	_ =	swait.ge @!p1 [sflag:s13], $0x800  }
0x40: {  	[sflag:s13] =	ssyncset.done @!p1 $0x0  }
0x41: {  	s7 =	simm.s32 $0x200;
	[sflag:s13] =	ssyncadd.s32 @!p1 $0xFFFFF800  }
0x42: {  	[tilespmem:s22], [sflag:$0x5] =	stream.indirect.gather [hbm4b:s4+s14], $0x10, s7, s14, $0xb8;
	[tilespmem:$0xDF00] =	vst v63  }
0x43: {  	_ =	swait.ge [sflag:s23], $0x800  }
0x44: {  	[sflag:s23] =	ssyncset.done $0x0  }
0x45: {  	s8 =	simm.s32 $0x2800;
	s13 =	simm.s32 @!p1 $0xE;
	[sflag:s23] =	ssyncadd.s32 $0xFFFFF800  }
0x46: {  	[spmem:s2] =	stream.indirect.scatter.add.f32 [tilespmem:s16], [sflag:$0xA], $0x10, s8, s14, $0xb8;
	[tilespmem:$0xDF00] =	vst v63  }
0x47: {  	_ =	swait.ge @!p1 [sflag:s13], $0x800  }
0x48: {  	[sflag:s13] =	ssyncset.done @!p1 $0x0  }
0x49: {  	s24 =	simm.s32 $0x280;
	[sflag:s13] =	ssyncadd.s32 @!p1 $0xFFFFF800  }
0x4a: {  	[tilespmem:s25], [sflag:$0x6] =	stream.indirect.gather [hbm4b:s4+s14], $0x10, s24, s14, $0xb8;
	[tilespmem:$0xDF00] =	vst v63  }
0x4b: {  	_ =	swait.ge [sflag:s26], $0x800  }
0x4c: {  	[sflag:s26] =	ssyncset.done $0x0  }
0x4d: {  	s7 =	simm.s32 $0x2880;
	s13 =	simm.s32 @!p1 $0xF;
	[sflag:s26] =	ssyncadd.s32 $0xFFFFF800  }
0x4e: {  	[spmem:s2] =	stream.indirect.scatter.add.f32 [tilespmem:s18], [sflag:$0xB], $0x10, s7, s14, $0xb8;
	[tilespmem:$0xDF00] =	vst v63  }
0x4f: {  	_ =	swait.ge @!p1 [sflag:s13], $0x800  }
0x50: {  	[sflag:s13] =	ssyncset.done @!p1 $0x0  }
0x51: {  	s8 =	simm.s32 $0x300;
	[sflag:s13] =	ssyncadd.s32 @!p1 $0xFFFFF800  }
0x52: {  	[tilespmem:s28], [sflag:$0x7] =	stream.indirect.gather [hbm4b:s4+s14], $0x10, s8, s14, $0xb8;
	[tilespmem:$0xDF00] =	vst v63  }
0x53: {  	_ =	swait.ge [sflag:s29], $0x800  }
0x54: {  	[sflag:s29] =	ssyncset.done $0x0  }
0x55: {  	s24 =	simm.s32 $0x2900;
	s13 =	simm.s32 @!p1 $0x10;
	[sflag:s29] =	ssyncadd.s32 $0xFFFFF800  }
0x56: {  	[spmem:s2] =	stream.indirect.scatter.add.f32 [tilespmem:s20], [sflag:$0xC], $0x10, s24, s14, $0xb8;
	[tilespmem:$0xDF00] =	vst v63  }
0x57: {  	_ =	swait.ge @!p1 [sflag:s13], $0x800  }
0x58: {  	[sflag:s13] =	ssyncset.done @!p1 $0x0  }
0x59: {  	s7 =	simm.s32 $0x380;
	[sflag:s13] =	ssyncadd.s32 @!p1 $0xFFFFF800  }
0x5a: {  	[tilespmem:s30], [sflag:$0x8] =	stream.indirect.gather [hbm4b:s4+s14], $0x10, s7, s14, $0xb8;
	[tilespmem:$0xDF00] =	vst v63  }
0x5b: {  	_ =	swait.ge [sflag:s31], $0x800  }
0x5c: {  	[sflag:s31] =	ssyncset.done $0x0  }
0x5d: {  	s8 =	simm.s32 $0x2980;
	[sflag:s31] =	ssyncadd.s32 $0xFFFFF800  }
0x5e: {  	[spmem:s2] =	stream.indirect.scatter.add.f32 [tilespmem:s22], [sflag:$0xD], $0x10, s8, s14, $0xb8;
	[tilespmem:$0xDF00] =	vst v63  }
0x5f: {  	_ =	swait.ge [sflag:s0], $0x800  }
0x60: {  	[sflag:s0] =	ssyncset.done $0x0  }
0x61: {  	s13 =	simm.s32 $0x400;
	[sflag:s0] =	ssyncadd.s32 $0xFFFFF800  }
0x62: {  	[tilespmem:s15], [sflag:$0x1] =	stream.indirect.gather [hbm4b:s4+s14], $0x10, s13, s14, $0xb8;
	[tilespmem:$0xDF00] =	vst v63  }
0x63: {  	_ =	swait.ge [sflag:s1], $0x800  }
0x64: {  	[sflag:s1] =	ssyncset.done $0x0  }
0x65: {  	s24 =	simm.s32 $0x2A00;
	[sflag:s1] =	ssyncadd.s32 $0xFFFFF800  }
0x66: {  	[spmem:s2] =	stream.indirect.scatter.add.f32 [tilespmem:s25], [sflag:$0xE], $0x10, s24, s14, $0xb8;
	[tilespmem:$0xDF00] =	vst v63  }
0x67: {  	_ =	swait.ge [sflag:s11], $0x800  }
0x68: {  	[sflag:s11] =	ssyncset.done $0x0  }
0x69: {  	s7 =	simm.s32 $0x480;
	[sflag:s11] =	ssyncadd.s32 $0xFFFFF800  }
0x6a: {  	[tilespmem:s16], [sflag:$0x2] =	stream.indirect.gather [hbm4b:s4+s14], $0x10, s7, s14, $0xb8;
	[tilespmem:$0xDF00] =	vst v63  }
0x6b: {  	_ =	swait.ge [sflag:s17], $0x800  }
0x6c: {  	[sflag:s17] =	ssyncset.done $0x0  }
0x6d: {  	s8 =	simm.s32 $0x2A80;
	[sflag:s17] =	ssyncadd.s32 $0xFFFFF800  }
0x6e: {  	[spmem:s2] =	stream.indirect.scatter.add.f32 [tilespmem:s28], [sflag:$0xF], $0x10, s8, s14, $0xb8;
	[tilespmem:$0xDF00] =	vst v63  }
0x6f: {  	_ =	swait.ge [sflag:s19], $0x800  }
0x70: {  	[sflag:s19] =	ssyncset.done $0x0  }
0x71: {  	s13 =	simm.s32 $0x500;
	[sflag:s19] =	ssyncadd.s32 $0xFFFFF800  }
0x72: {  	[tilespmem:s18], [sflag:$0x3] =	stream.indirect.gather [hbm4b:s4+s14], $0x10, s13, s14, $0xb8;
	[tilespmem:$0xDF00] =	vst v63  }
0x73: {  	_ =	swait.ge [sflag:s5], $0x800  }
0x74: {  	[sflag:s5] =	ssyncset.done $0x0  }
0x75: {  	s24 =	simm.s32 $0x2B00;
	[sflag:s5] =	ssyncadd.s32 $0xFFFFF800  }
0x76: {  	[spmem:s2] =	stream.indirect.scatter.add.f32 [tilespmem:s30], [sflag:$0x10], $0x10, s24, s14, $0xb8;
	[tilespmem:$0xDF00] =	vst v63  }
0x77: {  	_ =	swait.ge [sflag:s6], $0x800  }
0x78: {  	s12 =	simm.s32 $0x580;
	s13 =	simm.s32 $0x1000;
	[sflag:s6] =	ssyncset.done $0x0  }
.LBB2_4:
0x79: {  	[sflag:s6] =	ssyncadd.s32 $0xFFFFF800;
	s24 =	smov.u32 s13;
	s13 =	sadd.s32 $0x1000, s13  }
0x7a: {  	[tilespmem:s20], [sflag:$0x4] =	stream.indirect.gather [hbm4b:s4+s14], $0x10, s12, s14, $0xb8;
	[tilespmem:$0xDF00] =	vst v63  }
0x7b: {  	s12 =	sshra.s32 s24, $0x2;
	p1 =	sne.s32 s13, $0x9000;
	_ =	swait.ge [sflag:s21], $0x800  }
0x7c: {  	p2 =	seq.s32 s24, $0x0;
	s7 =	sadd.s32 $0x2780, s12;
	[sflag:s21] =	ssyncset.done $0x0  }
0x7d: {  	s24 =	simm.s32 @!p2 $0xD;
	[sflag:s21] =	ssyncadd.s32 $0xFFFFF800  }
0x7e: {  	[spmem:s2] =	stream.indirect.scatter.add.f32 [tilespmem:s15], [sflag:$0x9], $0x10, s7, s14, $0xb8;
	[tilespmem:$0xDF00] =	vst v63  }
0x7f: {  	_ =	swait.ge @!p2 [sflag:s24], $0x800  }
0x80: {  	s7 =	sadd.s32 $0x200, s12;
	[sflag:s24] =	ssyncset.done @!p2 $0x0  }
0x81: {  	[sflag:s24] =	ssyncadd.s32 @!p2 $0xFFFFF800  }
0x82: {  	[tilespmem:s22], [sflag:$0x5] =	stream.indirect.gather [hbm4b:s4+s14], $0x10, s7, s14, $0xb8;
	[tilespmem:$0xDF00] =	vst v63  }
0x83: {  	_ =	swait.ge [sflag:s23], $0x800  }
0x84: {  	s7 =	sadd.s32 $0x2800, s12;
	[sflag:s23] =	ssyncset.done $0x0  }
0x85: {  	s24 =	simm.s32 @!p2 $0xE;
	[sflag:s23] =	ssyncadd.s32 $0xFFFFF800  }
0x86: {  	[spmem:s2] =	stream.indirect.scatter.add.f32 [tilespmem:s16], [sflag:$0xA], $0x10, s7, s14, $0xb8;
	[tilespmem:$0xDF00] =	vst v63  }
0x87: {  	_ =	swait.ge @!p2 [sflag:s24], $0x800  }
0x88: {  	s7 =	sadd.s32 $0x280, s12;
	[sflag:s24] =	ssyncset.done @!p2 $0x0  }
0x89: {  	[sflag:s24] =	ssyncadd.s32 @!p2 $0xFFFFF800  }
0x8a: {  	[tilespmem:s25], [sflag:$0x6] =	stream.indirect.gather [hbm4b:s4+s14], $0x10, s7, s14, $0xb8;
	[tilespmem:$0xDF00] =	vst v63  }
0x8b: {  	_ =	swait.ge [sflag:s26], $0x800  }
0x8c: {  	s7 =	sadd.s32 $0x2880, s12;
	[sflag:s26] =	ssyncset.done $0x0  }
0x8d: {  	s24 =	simm.s32 @!p2 $0xF;
	[sflag:s26] =	ssyncadd.s32 $0xFFFFF800  }
0x8e: {  	[spmem:s2] =	stream.indirect.scatter.add.f32 [tilespmem:s18], [sflag:$0xB], $0x10, s7, s14, $0xb8;
	[tilespmem:$0xDF00] =	vst v63  }
0x8f: {  	_ =	swait.ge @!p2 [sflag:s24], $0x800  }
0x90: {  	s7 =	sadd.s32 $0x300, s12;
	[sflag:s24] =	ssyncset.done @!p2 $0x0  }
0x91: {  	[sflag:s24] =	ssyncadd.s32 @!p2 $0xFFFFF800  }
0x92: {  	[tilespmem:s28], [sflag:$0x7] =	stream.indirect.gather [hbm4b:s4+s14], $0x10, s7, s14, $0xb8;
	[tilespmem:$0xDF00] =	vst v63  }
0x93: {  	_ =	swait.ge [sflag:s29], $0x800  }
0x94: {  	s7 =	sadd.s32 $0x2900, s12;
	[sflag:s29] =	ssyncset.done $0x0  }
0x95: {  	s24 =	simm.s32 @!p2 $0x10;
	[sflag:s29] =	ssyncadd.s32 $0xFFFFF800  }
0x96: {  	[spmem:s2] =	stream.indirect.scatter.add.f32 [tilespmem:s20], [sflag:$0xC], $0x10, s7, s14, $0xb8;
	[tilespmem:$0xDF00] =	vst v63  }
0x97: {  	_ =	swait.ge @!p2 [sflag:s24], $0x800  }
0x98: {  	s7 =	sadd.s32 $0x380, s12;
	[sflag:s24] =	ssyncset.done @!p2 $0x0  }
0x99: {  	[sflag:s24] =	ssyncadd.s32 @!p2 $0xFFFFF800  }
0x9a: {  	[tilespmem:s30], [sflag:$0x8] =	stream.indirect.gather [hbm4b:s4+s14], $0x10, s7, s14, $0xb8;
	[tilespmem:$0xDF00] =	vst v63  }
0x9b: {  	_ =	swait.ge [sflag:s31], $0x800  }
0x9c: {  	s7 =	sadd.s32 $0x2980, s12;
	[sflag:s31] =	ssyncset.done $0x0  }
0x9d: {  	[sflag:s31] =	ssyncadd.s32 $0xFFFFF800  }
0x9e: {  	[spmem:s2] =	stream.indirect.scatter.add.f32 [tilespmem:s22], [sflag:$0xD], $0x10, s7, s14, $0xb8;
	[tilespmem:$0xDF00] =	vst v63  }
0x9f: {  	_ =	swait.ge [sflag:s0], $0x800  }
0xa0: {  	s7 =	sadd.s32 $0x400, s12;
	[sflag:s0] =	ssyncset.done $0x0  }
0xa1: {  	[sflag:s0] =	ssyncadd.s32 $0xFFFFF800  }
0xa2: {  	[tilespmem:s15], [sflag:$0x1] =	stream.indirect.gather [hbm4b:s4+s14], $0x10, s7, s14, $0xb8;
	[tilespmem:$0xDF00] =	vst v63  }
0xa3: {  	_ =	swait.ge [sflag:s1], $0x800  }
0xa4: {  	s7 =	sadd.s32 $0x2A00, s12;
	[sflag:s1] =	ssyncset.done $0x0  }
0xa5: {  	[sflag:s1] =	ssyncadd.s32 $0xFFFFF800  }
0xa6: {  	[spmem:s2] =	stream.indirect.scatter.add.f32 [tilespmem:s25], [sflag:$0xE], $0x10, s7, s14, $0xb8;
	[tilespmem:$0xDF00] =	vst v63  }
0xa7: {  	_ =	swait.ge [sflag:s11], $0x800  }
0xa8: {  	s7 =	sadd.s32 $0x480, s12;
	[sflag:s11] =	ssyncset.done $0x0  }
0xa9: {  	[sflag:s11] =	ssyncadd.s32 $0xFFFFF800  }
0xaa: {  	[tilespmem:s16], [sflag:$0x2] =	stream.indirect.gather [hbm4b:s4+s14], $0x10, s7, s14, $0xb8;
	[tilespmem:$0xDF00] =	vst v63  }
0xab: {  	_ =	swait.ge [sflag:s17], $0x800  }
0xac: {  	s7 =	sadd.s32 $0x2A80, s12;
	[sflag:s17] =	ssyncset.done $0x0  }
0xad: {  	[sflag:s17] =	ssyncadd.s32 $0xFFFFF800  }
0xae: {  	[spmem:s2] =	stream.indirect.scatter.add.f32 [tilespmem:s28], [sflag:$0xF], $0x10, s7, s14, $0xb8;
	[tilespmem:$0xDF00] =	vst v63  }
0xaf: {  	_ =	swait.ge [sflag:s19], $0x800  }
0xb0: {  	s7 =	sadd.s32 $0x500, s12;
	[sflag:s19] =	ssyncset.done $0x0  }
0xb1: {  	[sflag:s19] =	ssyncadd.s32 $0xFFFFF800  }
0xb2: {  	[tilespmem:s18], [sflag:$0x3] =	stream.indirect.gather [hbm4b:s4+s14], $0x10, s7, s14, $0xb8;
	[tilespmem:$0xDF00] =	vst v63  }
0xb3: {  	_ =	swait.ge [sflag:s5], $0x800  }
.Ltmp1:
0xb4: {  	s7 =	sadd.s32 $0x2B00, s12;
	[sflag:s5] =	ssyncset.done $0x0;
	(pc) =	sbr.rel @p1 .LBB2_4-.Ltmp1, $4  }
0xb5: {  	[sflag:s5] =	ssyncadd.s32 $0xFFFFF800  }
0xb6: {  	[spmem:s2] =	stream.indirect.scatter.add.f32 [tilespmem:s30], [sflag:$0x10], $0x10, s7, s14, $0xb8;
	[tilespmem:$0xDF00] =	vst v63  }
0xb7: {  	_ =	swait.ge [sflag:s6], $0x800  }
0xb8: {  	s12 =	sadd.s32 $0x580, s12;
	[sflag:s6] =	ssyncset.done $0x0  }
0xb9: {  	[sflag:s6] =	ssyncadd.s32 $0xFFFFF800  }
0xba: {  	[tilespmem:s20], [sflag:$0x4] =	stream.indirect.gather [hbm4b:s4+s14], $0x10, s12, s14, $0xb8;
	[tilespmem:$0xDF00] =	vst v63  }
0xbb: {  	_ =	swait.ge [sflag:s21], $0x800  }
0xbc: {  	[sflag:s21] =	ssyncset.done $0x0  }
0xbd: {  	s7 =	simm.s32 $0x4B80;
	s8 =	simm.s32 $0xD;
	[sflag:s21] =	ssyncadd.s32 $0xFFFFF800  }
0xbe: {  	[spmem:s2] =	stream.indirect.scatter.add.f32 [tilespmem:s15], [sflag:$0x9], $0x10, s7, s14, $0xb8;
	[tilespmem:$0xDF00] =	vst v63  }
0xbf: {  	_ =	swait.ge [sflag:s8], $0x800  }
0xc0: {  	[sflag:s8] =	ssyncset.done $0x0  }
0xc1: {  	s12 =	simm.s32 $0x2600;
	[sflag:s8] =	ssyncadd.s32 $0xFFFFF800  }
0xc2: {  	[tilespmem:s22], [sflag:$0x5] =	stream.indirect.gather [hbm4b:s4+s14], $0x10, s12, s14, $0xb8;
	[tilespmem:$0xDF00] =	vst v63  }
0xc3: {  	_ =	swait.ge [sflag:s23], $0x800  }
0xc4: {  	[sflag:s23] =	ssyncset.done $0x0  }
0xc5: {  	s13 =	simm.s32 $0x4C00;
	[sflag:s23] =	ssyncadd.s32 $0xFFFFF800  }
0xc6: {  	[spmem:s2] =	stream.indirect.scatter.add.f32 [tilespmem:s16], [sflag:$0xA], $0x10, s13, s14, $0xb8;
	[tilespmem:$0xDF00] =	vst v63  }
0xc7: {  	_ =	swait.ge [sflag:s10], $0x800  }
0xc8: {  	[sflag:s10] =	ssyncset.done $0x0  }
0xc9: {  	s24 =	simm.s32 $0x2680;
	[sflag:s10] =	ssyncadd.s32 $0xFFFFF800  }
0xca: {  	[tilespmem:s25], [sflag:$0x6] =	stream.indirect.gather [hbm4b:s4+s14], $0x10, s24, s14, $0xb8;
	[tilespmem:$0xDF00] =	vst v63  }
0xcb: {  	_ =	swait.ge [sflag:s26], $0x800  }
0xcc: {  	[sflag:s26] =	ssyncset.done $0x0  }
0xcd: {  	s12 =	simm.s32 $0x4C80;
	s13 =	simm.s32 $0xF;
	[sflag:s26] =	ssyncadd.s32 $0xFFFFF800  }
0xce: {  	[spmem:s2] =	stream.indirect.scatter.add.f32 [tilespmem:s18], [sflag:$0xB], $0x10, s12, s14, $0xb8;
	[tilespmem:$0xDF00] =	vst v63  }
0xcf: {  	_ =	swait.ge [sflag:s13], $0x800  }
0xd0: {  	s7 =	simm.s32 @!p0 $0x80;
	[sflag:s13] =	ssyncset.done $0x0  }
0xd1: {  	s12 =	simm.s32 @!p0 $0x2700;
	[sflag:s13] =	ssyncadd.s32 $0xFFFFF800;
	s13 =	simm.s32 @!p0 $0x7F00  }
0xd2: {  	[tilespmem:s13], [sflag:$0x7] =	stream.indirect.gather @!p0 [hbm4b:s4+s7], $0x10, s12, s7, $0xb8;
	[tilespmem:$0xDF00] =	vst v63  }
0xd3: {  	_ =	swait.ge [sflag:s29], $0x800  }
0xd4: {  	[sflag:s29] =	ssyncset.done $0x0  }
0xd5: {  	s24 =	simm.s32 $0x4D00;
	[sflag:s29] =	ssyncadd.s32 $0xFFFFF800  }
0xd6: {  	[spmem:s2] =	stream.indirect.scatter.add.f32 [tilespmem:s20], [sflag:$0xC], $0x10, s24, s14, $0xb8;
	[tilespmem:$0xDF00] =	vst v63  }
0xd7: {  	s24 =	simm.s32 $0x10  }
0xd8: {  	_ =	swait.ge [sflag:s24], $0x800  }
0xd9: {  	[sflag:s24] =	ssyncset.done $0x0  }
0xda: {  	[sflag:s24] =	ssyncadd.s32 $0xFFFFF800  }
0xdb: {  	_ =	swait.ge [sflag:s31], $0x800  }
0xdc: {  	[sflag:s31] =	ssyncset.done $0x0  }
0xdd: {  	s24 =	simm.s32 $0x4D80;
	[sflag:s31] =	ssyncadd.s32 $0xFFFFF800  }
0xde: {  	[spmem:s2] =	stream.indirect.scatter.add.f32 [tilespmem:s22], [sflag:$0xD], $0x10, s24, s14, $0xb8;
	[tilespmem:$0xDF00] =	vst v63  }
0xdf: {  	_ =	swait.ge [sflag:s0], $0x800  }
0xe0: {  	[sflag:s0] =	ssyncset.done $0x0  }
0xe1: {  	[sflag:s0] =	ssyncadd.s32 $0xFFFFF800  }
0xe2: {  	_ =	swait.ge [sflag:s1], $0x800  }
0xe3: {  	[sflag:s1] =	ssyncset.done $0x0  }
0xe4: {  	s24 =	simm.s32 $0x4E00;
	[sflag:s1] =	ssyncadd.s32 $0xFFFFF800  }
0xe5: {  	[spmem:s2] =	stream.indirect.scatter.add.f32 [tilespmem:s25], [sflag:$0xE], $0x10, s24, s14, $0xb8;
	[tilespmem:$0xDF00] =	vst v63  }
0xe6: {  	_ =	swait.ge [sflag:s11], $0x800  }
0xe7: {  	[sflag:s11] =	ssyncset.done $0x0  }
0xe8: {  	s12 =	simm.s32 @!p0 $0x7;
	[sflag:s11] =	ssyncadd.s32 $0xFFFFF800  }
0xe9: {  	_ =	swait.ge @!p0 [sflag:s12], $0x800  }
0xea: {  	[sflag:s12] =	ssyncset.done @!p0 $0x0  }
0xeb: {  	[sflag:s12] =	ssyncadd.s32 @!p0 $0xFFFFF800;
	s12 =	simm.s32 @!p0 $0x4E80  }
0xec: {  	[spmem:s2] =	stream.indirect.scatter.add.f32 @!p0 [tilespmem:s13], [sflag:$0xF], $0x10, s12, s7, $0xb8;
	[tilespmem:$0xDF00] =	vst v63  }
0xed: {  	_ =	swait.ge [sflag:s19], $0x800  }
0xee: {  	[sflag:s19] =	ssyncset.done $0x0  }
0xef: {  	[sflag:s19] =	ssyncadd.s32 $0xFFFFF800  }
0xf0: {  	_ =	swait.ge [sflag:s6], $0x800  }
0xf1: {  	[sflag:s6] =	ssyncset.done $0x0  }
0xf2: {  	[sflag:s6] =	ssyncadd.s32 $0xFFFFF800  }
0xf3: {  	_ =	swait.ge [sflag:s8], $0x800  }
0xf4: {  	[sflag:s8] =	ssyncset.done $0x0  }
0xf5: {  	[sflag:s8] =	ssyncadd.s32 $0xFFFFF800  }
0xf6: {  	_ =	swait.ge [sflag:s10], $0x800  }
0xf7: {  	[sflag:s10] =	ssyncset.done $0x0  }
0xf8: {  	s7 =	simm.s32 @!p0 $0xF;
	[sflag:s10] =	ssyncadd.s32 $0xFFFFF800  }
0xf9: {  	_ =	swait.ge @!p0 [sflag:s7], $0x800  }
0xfa: {  	[sflag:s7] =	ssyncset.done @!p0 $0x0  }
0xfb: {  	[sflag:s7] =	ssyncadd.s32 @!p0 $0xFFFFF800  }
0xfc: {  	[bflag:$0x0] =	sbarrier.arrive $0xFFFF  }
0xfd: {  	s12 =	simm.s32 $0x8F00;
	s8 =	rddreg [dreg:$0x5]  }
0xfe: {  	[tilespmem:s12], [sflag:$0x11] =	stream.linear.gather [spmem:s8], $0x2800, $0x38;
	[tilespmem:$0xDF00] =	vst v63  }
0xff: {  	_ =	swait.ge [sflag:s9], $0x2800  }
0x100: {  	[sflag:s9] =	ssyncset.done $0x0  }
0x101: {  	s24 =	simm.s32 $0x0;
	s13 =	rddreg [dreg:$0x9];
	[sflag:s9] =	ssyncadd.s32 $0xFFFFD800  }
0x102: {  	[hbm4b:s13+s24] =	stream.linear.scatter [tilespmem:s12], [sflag:$0x11], $0x2800, $0x38;
	[tilespmem:$0xDF00] =	vst v63  }
0x103: {  	_ =	swait.ge [sflag:s9], $0x2800  }
0x104: {  	s3 =	sadd.s32 $0x1, s3;
	s13 =	rddreg [dreg:$0x6]  }
0x105: {  	p1 =	sne.s32 s3, s13  }
.Ltmp2:
0x106: {  	_ = 	snop;
	(pc) =	sbr.rel @p1 .LBB2_1-.Ltmp2, $3  }
0x107: {  	_ =	sdelay $0x1  }
0x108: {  	[sflag:s9] =	ssyncset.done $0x0  }
0x109: {  	s8 =	simm.s32 $0x8F00;
	[sflag:s9] =	ssyncadd.s32 $0xFFFFD800  }
0x10a: {  	_ =	sfence.sel $0x180000  }
0x10b: {  	[bflag:$0x0] =	sbarrier.arrive $0xFFFF  }
0x10c: {  	_ =	strace $0x9000004A  }
0x10d: {  	s0 =	stileid.u32;
	[bflag:$0x2] =	sbarrier.arrive $0xFFFF  }
0x10e: {  	p0 =	sne.s32 s0, $0x0;
	s0 =	rddreg [dreg:$0x2]  }
0x10f: {  	s0 =	sadd.s32 @!p0 $0x100000, s0  }
0x110: {  	[sflag:s0] =	ssyncadd.tile.s32 @!p0 $0x1;
	_ =	shalt  }
.Lfunc_end2:
_tile_overlayer_lowered:
.L_overlay_start_2:
0x111: {  	(tag) =	ssettag $0x2  }
0x112: {  	s0 =	rddreg [dreg:$0x0];
	s2 =	stileid.u32  }
0x113: {  	s1 =	rddreg [dreg:$0x1];
	p0 =	sne.s32 s2, $0x0  }
0x114: {  	s3 =	rddreg [dreg:$0x2];
	[bflag:$0x3] =	sbarrier.arrive $0xFFFF;
	s2 =	simm.s32 @!p0 $0x1C11  }
0x115: {  	[timem:s3], [sflag:s2] =	dma.local @!p0 [hbm:s0], s1  }
0x116: {  	s0 =	simm.s32 @!p0 $0x11  }
0x117: {  	_ =	swait.ge @!p0 [sflag:s0], s1  }
0x118: {  	s1 =	ssub.s32 @!p0 $0x0, s1;
	[sflag:s0] =	ssyncset.done @!p0 $0x0  }
0x119: {  	[sflag:s0] =	ssyncadd.s32 @!p0 s1  }
0x11a: {  	[bflag:$0x3] =	sbarrier.arrive $0xFFFF  }
0x11b: {  	_ =	shalt  }

// kernel: kernel.15.cloned.1.call-start
scs
__scs_entry_jumppad:
0x0: {  	(pc) =	sbr.rel $0x88, $3  }
0x1: {  	(tag) =	ssettag $0x0;
	lr =	simm.s32 $0x1  }
0x2: {  	[smem:$0x3F9B] =	sst lr;
	_ =	strace $0xD0000000  }
0x3: {  	_ = 	snop  }
0x4: {  	_ = 	snop  }
0x5: {  	_ = 	snop  }
0x6: {  	_ = 	snop  }
0x7: {  	_ = 	snop  }
__scs_overlays_trampoline_lowered:
0x8: {  	[smem:$0x3FAA] =	sst s0  }
0x9: {  	[smem:$0x3FAB] =	sst s1  }
0xa: {  	[smem:$0x3FAC] =	sst s2  }
0xb: {  	[smem:$0x3FAD] =	sst s3  }
0xc: {  	[smem:$0x3FAE] =	sst s4  }
0xd: {  	[smem:$0x3FAF] =	sst s5  }
0xe: {  	[smem:$0x3FB0] =	sst s6  }
0xf: {  	[smem:$0x3FB1] =	sst s7  }
0x10: {  	[smem:$0x3FB2] =	sst s8  }
0x11: {  	[smem:$0x3FB3] =	sst s9;
	s0 =	simm.s32 @!p0 $0x0  }
0x12: {  	s1 =	sld [smem:$0x3F99];
	s0 =	simm.s32 @p0 $0x1  }
0x13: {  	[smem:$0x3FB4] =	sst s0;
	s0 =	simm.s32 @!p1 $0x0  }
0x14: {  	s2 =	sld [smem:$0x3F98];
	s0 =	simm.s32 @p1 $0x1  }
0x15: {  	[smem:$0x3FB5] =	sst s0;
	s0 =	simm.s32 @!p2 $0x0  }
0x16: {  	s3 =	sld [smem:$0x3FDB];
	s0 =	simm.s32 @p2 $0x1  }
0x17: {  	s4 =	simm.s32 $0x1BF5;
	[smem:$0x3FB7] =	sst s0  }
0x18: {  	s0 =	sld [smem:$0x3F9A];
	_ =	swait.ge [sflag:s4], $0x0  }
0x19: {  	s7 =	sld [smem:$0x3F9B]  }
0x1a: {  	s8 =	sadd.s32 $0xFFFFE003, lr  }
0x1b: {  	s9 =	sadd.s32 $0xFFFFFEF7, lr;
	s5 =	simm.s32 $0xFFFFFFFF;
	p2 =	slt.u32 s8, $0xFFFFF086  }
0x1c: {  	p1 =	slt.u32 s9, $0xF7A;
	s5 =	simm.s32 @!p2 $0x0  }
0x1d: {  	s5 =	simm.s32 @p1 $0x1;
	p0 =	seq.s32 s7, s2  }
0x1e: {  	s7 =	smul.u32 @!p0 $0xF7A, s2;
	p2 =	seq.s32 @!p0 s5, $0x0  }
0x1f: {  	s9 =	smul.u32 $0xF7A, s1;
	s8 =	simm.s32 @!p0 $0x1BF5;
	p2 =	por !p2, p0  }
0x20: {  	[sflag:s8] =	ssyncset.s32 @!p0 $0xFFFFF086;
	s6 =	sadd.s32 @!p0 s3, s7;
	s7 =	simm.s32 @!p0 $0x108  }
0x21: {  	s3 =	sadd.s32 s3, s9;
	s6 =	sadd.s32 @!p0 $0x88, s6;
	s7 =	simm.s32 @p2 $0x1082  }
0x22: {  	[simem:s7], [sflag:s8] =	dma.local @!p0 [hbm:s6], $0xF7A  }
0x23: {  	s9 =	sor.u32 $0xD0000000, s2;
	s6 =	simm.s32 $0x108;
	_ =	swait.ge @!p0 [sflag:s8], $0x0  }
0x24: {  	s3 =	sadd.s32 $0x88, s3;
	s6 =	simm.s32 @!p1 $0x1082;
	[sflag:s4] =	ssyncset.s32 $0xFFFFF086  }
0x25: {  	[simem:s6], [sflag:s4] =	dma.local [hbm:s3], $0xF7A  }
0x26: {  	[smem:$0x3F9B] =	sst s1;
	(tag) =	ssettag s2;
	_ =	strace s9  }
0x27: {  	s1 =	sld [smem:$0x3FAB]  }
0x28: {  	s2 =	sld [smem:$0x3FAC]  }
0x29: {  	s4 =	sld [smem:$0x3FAE]  }
0x2a: {  	p0 =	seq.s32 s5, $0x0;
	s5 =	sld [smem:$0x3FAF]  }
0x2b: {  	s6 =	sld [smem:$0x3FB0]  }
0x2c: {  	s7 =	sld [smem:$0x3FB1]  }
0x2d: {  	s3 =	simm.s32 $0x108;
	s8 =	sld [smem:$0x3FB2]  }
0x2e: {  	s3 =	simm.s32 @!p0 $0x1082;
	s9 =	sld [smem:$0x3FB3]  }
0x2f: {  	lr =	sadd.s32 s0, s3;
	s0 =	sld [smem:$0x3FAA]  }
0x30: {  	s3 =	sld [smem:$0x3FAD]  }
0x31: {  	[smem:$0x3FB6] =	sst s10  }
0x32: {  	s10 =	sld [smem:$0x3FB4];
	_ =	sdelay $0x3  }
0x33: {  	p0 =	seq.s32 s10, $0x1;
	s10 =	sld [smem:$0x3FB6];
	_ =	sdelay $0x3  }
0x34: {  	[smem:$0x3FB6] =	sst s10  }
0x35: {  	s10 =	sld [smem:$0x3FB5];
	_ =	sdelay $0x3  }
0x36: {  	p1 =	seq.s32 s10, $0x1;
	s10 =	sld [smem:$0x3FB6];
	_ =	sdelay $0x3  }
0x37: {  	[smem:$0x3FB6] =	sst s10  }
0x38: {  	s10 =	sld [smem:$0x3FB7]  }
0x39: {  	_ = 	snop;
	(pc) =	sbr.ind lr, $3  }
0x3a: {  	_ = 	snop  }
0x3b: {  	_ = 	snop  }
0x3c: {  	p2 =	seq.s32 s10, $0x1;
	s10 =	sld [smem:$0x3FB6]  }
0x3d: {  	_ =	shalt  }
0x3e: {  	_ =	shalt  }
0x3f: {  	_ =	shalt  }
0x40: {  	_ =	shalt  }
0x41: {  	_ =	shalt  }
0x42: {  	_ =	shalt  }
0x43: {  	_ =	shalt  }
0x44: {  	_ =	shalt  }
0x45: {  	_ =	shalt  }
0x46: {  	_ =	shalt  }
0x47: {  	_ =	shalt  }
0x48: {  	_ =	shalt  }
0x49: {  	_ =	shalt  }
0x4a: {  	_ =	shalt  }
0x4b: {  	_ =	shalt  }
0x4c: {  	_ =	shalt  }
0x4d: {  	_ =	shalt  }
0x4e: {  	_ =	shalt  }
0x4f: {  	_ =	shalt  }
0x50: {  	_ =	shalt  }
0x51: {  	_ =	shalt  }
0x52: {  	_ =	shalt  }
0x53: {  	_ =	shalt  }
0x54: {  	_ =	shalt  }
0x55: {  	_ =	shalt  }
0x56: {  	_ =	shalt  }
0x57: {  	_ =	shalt  }
0x58: {  	_ =	shalt  }
0x59: {  	_ =	shalt  }
0x5a: {  	_ =	shalt  }
0x5b: {  	_ =	shalt  }
0x5c: {  	_ =	shalt  }
0x5d: {  	_ =	shalt  }
0x5e: {  	_ =	shalt  }
0x5f: {  	_ =	shalt  }
0x60: {  	_ =	shalt  }
0x61: {  	_ =	shalt  }
0x62: {  	_ =	shalt  }
0x63: {  	_ =	shalt  }
0x64: {  	_ =	shalt  }
0x65: {  	_ =	shalt  }
0x66: {  	_ =	shalt  }
0x67: {  	_ =	shalt  }
0x68: {  	_ =	shalt  }
0x69: {  	_ =	shalt  }
0x6a: {  	_ =	shalt  }
0x6b: {  	_ =	shalt  }
0x6c: {  	_ =	shalt  }
0x6d: {  	_ =	shalt  }
0x6e: {  	_ =	shalt  }
0x6f: {  	_ =	shalt  }
0x70: {  	_ =	shalt  }
0x71: {  	_ =	shalt  }
0x72: {  	_ =	shalt  }
0x73: {  	_ =	shalt  }
0x74: {  	_ =	shalt  }
0x75: {  	_ =	shalt  }
0x76: {  	_ =	shalt  }
0x77: {  	_ =	shalt  }
0x78: {  	_ =	shalt  }
0x79: {  	_ =	shalt  }
0x7a: {  	_ =	shalt  }
0x7b: {  	_ =	shalt  }
0x7c: {  	_ =	shalt  }
0x7d: {  	_ =	shalt  }
0x7e: {  	_ =	shalt  }
0x7f: {  	_ =	shalt  }
0x80: {  	_ =	shalt  }
0x81: {  	_ =	shalt  }
0x82: {  	_ =	shalt  }
0x83: {  	_ =	shalt  }
0x84: {  	_ =	shalt  }
0x85: {  	_ =	shalt  }
0x86: {  	_ =	shalt  }
0x87: {  	_ =	shalt  }
.Lfunc_end0:
.L_simem_size_0:
called_computation.2_lowered:
.L_overlay_start_0:
0x88: {  	s2 =	sld [smem:$0x3FD9]  }
0x89: {  	s3 =	sld [smem:$0x3FFE];
	_ =	sdelay $0x1  }
0x8a: {  	s1 =	srdreg.scid  }
0x8b: {  	s0 =	sand.u32 $0x1, s1  }
0x8c: {  	s16 =	sshll.u32 s0, $0xA;
	s2 =	sadd.s32 s3, s2  }
0x8d: {  	s2 =	sadd.s32 s2, s16  }
0x8e: {  	[smem:$0x3FC2] =	sst s2  }
0x8f: {  	_ = 	snop  }
0x90: {  	(tm) =	ssettm $0x1  }
0x91: {  	s17 =	sld [smem:$0x3FFB];
	_ =	sdelay $0x3  }
0x92: {  	_ =	strace s17  }
0x93: {  	s2 =	sld [smem:$0x3FFC];
	_ =	sdelay $0x3  }
0x94: {  	_ =	strace s2  }
0x95: {  	s2 =	sld [smem:$0x3FFD];
	_ =	sdelay $0x3  }
0x96: {  	_ =	strace s2  }
0x97: {  	_ =	strace $0x8FFFFFFF  }
0x98: {  	s18 =	sld [smem:$0x3FDB];
	_ =	sdelay $0x1  }
0x99: {  	s19 =	simm.s32 $_scs_section_size  }
0x9a: {  	s4 =	simm.s32 $_size__tile_overlayer_lowered;
	s5 =	simm.s32 $_tile_overlayer_lowered  }
0x9b: {  	s22 =	simm.s32 $0x1BFF;
	s21 =	sshll.u32 s5, $0x1;
	s2 =	sadd.s32 s19, s18  }
0x9c: {  	s6 =	simm.s32 $0x0;
	s20 =	sshll.u32 s4, $0x1;
	s4 =	sadd.s32 s21, s2  }
0x9d: {  	[timem:s6], [sflag:s22] =	dma.local [hbm:s4], s20  }
0x9e: {  	_ =	swait.ge [sflag:s22], s20  }
0x9f: {  	s3 =	ssub.s32 $0x0, s20;
	[sflag:s22] =	ssyncset.done $0x0  }
0xa0: {  	[sflag:s22] =	ssyncadd.s32 s3;
	_ =	sdelay $0x1  }
0xa1: {  	s23 =	simm.s32 $0x1B8B  }
0xa2: {  	_ =	swait.ge [sflag:s23], $0x1  }
0xa3: {  	[sflag:s23] =	ssyncset.done $0x0  }
0xa4: {  	s25 =	simm.s32 $0x1B8E;
	s24 =	sld [smem:$0x3FFE];
	[sflag:s23] =	ssyncadd.s32 $0xFFFFFFFF  }
0xa5: {  	s26 =	simm.s32 $execute0_lowered;
	[smem:$0x3FD2] =	sst s25  }
0xa6: {  	s4 =	sshll.u32 s26, $0x1;
	_ =	strace $0x8000004C;
	[dreg:$0x1] =	wrdreg $0xFFFFFFFF  }
0xa7: {  	s28 =	simm.s32 $_size_execute0_lowered;
	s2 =	sadd.s32 s2, s4;
	[dreg:$0x0] =	wrdreg $0x0  }
0xa8: {  	s4 =	sshll.u32 s28, $0x1;
	[dreg:$0x2] =	wrdreg s2  }
0xa9: {  	[dreg:$0x3] =	wrdreg s4  }
0xaa: {  	[dreg:$0x4] =	wrdreg $0xC0  }
0xab: {  	_ =	task [dreg:s6], $0x5FFFF  }
0xac: {  	[dreg:$0x1] =	wrdreg $0xFFFFFFFF  }
0xad: {  	[dreg:$0x0] =	wrdreg $0x60  }
0xae: {  	[dreg:$0x2] =	wrdreg s24  }
0xaf: {  	[dreg:$0x3] =	wrdreg $0xB7000  }
0xb0: {  	[dreg:$0x4] =	wrdreg $0x9  }
0xb1: {  	_ =	task.clear_ibuf [dreg:s6], $0x5FFFF;
	_ =	strace $0x9000004C  }
0xb2: {  	s29 =	simm.s32 $0x9;
	_ =	strace $0x8000004E  }
0xb3: {  	_ =	swait.ge [sflag:s29], $0x1  }
0xb4: {  	[sflag:s29] =	ssyncadd.s32 $0xFFFFFFFF  }
0xb5: {  	_ =	strace $0x9000004E  }
0xb6: {  	_ =	sfence  }
0xb7: {  	s30 =	sld [smem:$0x0];
	_ =	sdelay $0x2  }
0xb8: {  	s31 =	sshll.u32 s1, $0xD;
	s1 =	sshrl.u32 s1, $0x2  }
0xb9: {  	s3 =	sand.u32 $0x4000, s31;
	s1 =	sadd.s32 s1, s30  }
0xba: {  	s0 =	sor.u32 s3, s0;
	s1 =	sshll.u32 s1, $0x11  }
0xbb: {  	s0 =	sor.u32 s1, s0  }
0xbc: {  	s0 =	sadd.s32 $0x8F2B, s0  }
0xbd: {  	[sflag:s0] =	ssyncadd.remote.s32 $0x1  }
0xbe: {  	_ =	sfence.sel $0xFFFF  }
0xbf: {  	[dreg:$0x0] =	wrdreg $0xFFFFFFFF;
	(pc) =	sbr.abs _section_cstart, $3  }
0xc0: {  	[dreg:$0x1] =	wrdreg $0xFFFFFFFF  }
0xc1: {  	_ =	task.clear_ibuf [dreg:s6], $0x2FFFF;
	_ =	strace $0x9FFFFFFF  }
0xc2: {  	(tm) =	ssettm $0x7FFFFFFF  }
0xc3: {  	_ =	shalt  }
tec
execute0_lowered:
.L_overlay_start_1:
0x0: {  	(tag) =	ssettag $0x1  }
0x1: {  	s0 =	rddreg [dreg:$0x0]  }
0x2: {  	s2 =	rddreg [dreg:$0x1];
	s1 =	srdreg.scid  }
0x3: {  	s9 =	stileid.u32;
	s24 =	simm.s32 $0x0;
	s14 =	simm.s32 $0x80  }
0x4: {  	s15 =	simm.s32 $0x4F00;
	s16 =	simm.s32 $0x5700;
	s18 =	simm.s32 $0x5F00  }
0x5: {  	s20 =	simm.s32 $0x6700;
	s28 =	simm.s32 $0x7F00;
	s29 =	simm.s32 $0x4  }
0x6: {  	s30 =	simm.s32 $0x8700;
	s31 =	simm.s32 $0x5;
	s11 =	simm.s32 $0xA  }
0x7: {  	s17 =	simm.s32 $0x7;
	s19 =	simm.s32 $0xB;
	s10 =	simm.s32 $0xE  }
0x8: {  	s1 =	sand.u32 $0x1, s1;
	s3 =	sshll.u32 s9, $0x1;
	[smem:$0x7FF] =	sst s24  }
0x9: {  	s4 =	sadd.s32 $0x16400, s0;
	s7 =	sadd.s32 $0x2A00, s0;
	s21 =	smul.u32 $0x2800, s9  }
0xa: {  	p0 =	sgt.u32 s9, $0x1;
	s9 =	simm.s32 $0x11;
	s5 =	smul.u32 $0x5000, s1  }
0xb: {  	s3 =	sor.u32 s1, s3;
	_ =	strace $0x8000004D;
	s1 =	ssub.s32 $0x2, s1  }
0xc: {  	s6 =	smul.u32 $0x4E, s3;
	s3 =	smin.u32 s3, $0x4;
	s8 =	sshrl.u32 s1, $0x1  }
0xd: {  	s23 =	sadd.s32 s21, s2;
	s5 =	sadd.s32 s5, s0;
	s1 =	ssub.s32 s1, s8  }
0xe: {  	s0 =	sadd.s32 $0xC640, s0;
	[dreg:$0x5] =	wrdreg s23;
	s23 =	simm.s32 $0x2  }
0xf: {  	s3 =	sadd.s32 s3, s6;
	s5 =	sadd.s32 $0x1B400, s5;
	s6 =	sshrl.u32 s21, $0x3  }
0x10: {  	s1 =	smax.u32 s1, $0x1;
	s21 =	simm.s32 $0x1;
	s3 =	sshll.u32 s3, $0x4  }
0x11: {  	[dreg:$0x6] =	wrdreg s1;
	s26 =	sadd.s32 s6, s5;
	s1 =	simm.s32 $0x6  }
0x12: {  	s5 =	simm.s32 $0x8;
	s6 =	simm.s32 $0xC;
	s22 =	sadd.s32 s7, s3  }
0x13: {  	s8 =	sadd.s32 $0x4E0, s3;
	s25 =	sadd.s32 s3, s0;
	[dreg:$0x9] =	wrdreg s26  }
0x14: {  	s26 =	simm.s32 $0x3;
	s3 =	simm.s32 $0x0;
	[dreg:$0x3] =	wrdreg s22  }
0x15: {  	s7 =	sadd.s32 s7, s8;
	[dreg:$0x7] =	wrdreg s25;
	s0 =	sadd.s32 @!p0 s8, s0  }
0x16: {  	s8 =	simm.s32 $0x8F00;
	s22 =	simm.s32 $0x6F00;
	[dreg:$0x4] =	wrdreg s7  }
0x17: {  	v0 =	vimm.f32 $0.0e+00;
	s25 =	simm.s32 $0x7700;
	[dreg:$0x8] =	wrdreg s0;
	s0 =	simm.s32 $0x9  }
.LBB2_1:
0x18: {  	s12 =	simm.s32 $0x40;
	s13 =	simm.s32 $0x0  }
.LBB2_2:
0x19: {  	p1 =	sne.s32 s12, $0x9FC0;
	[tilespmem:s13+$0x8F00] =	vst v0;
	s13 =	smov.u32 s12;
	s12 =	sadd.s32 $0x40, s12  }
.Ltmp0:
0x1a: {  	(pc) =	sbr.rel @p1 .LBB2_2-.Ltmp0, $2  }
0x1b: {  	_ =	sdelay $0x2  }
0x1c: {  	s13 =	sshra.s32 s13, $0x2  }
0x1d: {  	[tilespmem:s13+$0x8F00] =	vst v0;
	s7 =	rddreg [dreg:$0x3]  }
0x1e: {  	[tilespmem:s24], [sflag:$0x11] =	stream.linear.gather [hbm4b:s7+s24], $0x2700, $0x38;
	[tilespmem:$0xDF00] =	vst v63  }
0x1f: {  	_ =	swait.ge [sflag:s9], $0x2700  }
0x20: {  	[sflag:s9] =	ssyncset.done $0x0  }
0x21: {  	s12 =	simm.s32 $0x2780;
	s13 =	rddreg [dreg:$0x7];
	[sflag:s9] =	ssyncadd.s32 $0xFFFFD900  }
0x22: {  	[tilespmem:s12], [sflag:$0x11] =	stream.linear.gather [hbm4b:s13+s24], $0x2700, $0x38;
	[tilespmem:$0xDF00] =	vst v63  }
0x23: {  	_ =	swait.ge [sflag:s9], $0x2700  }
0x24: {  	s12 =	simm.s32 @!p0 $0x0;
	[sflag:s9] =	ssyncset.done $0x0  }
0x25: {  	s13 =	simm.s32 @!p0 $0x2700;
	s7 =	rddreg [dreg:$0x4];
	[sflag:s9] =	ssyncadd.s32 $0xFFFFD900  }
0x26: {  	[tilespmem:s13], [sflag:$0x11] =	stream.linear.gather @!p0 [hbm4b:s7+s12], $0x80, $0x38;
	[tilespmem:$0xDF00] =	vst v63  }
0x27: {  	s13 =	simm.s32 @!p0 $0x11  }
0x28: {  	_ =	swait.ge @!p0 [sflag:s13], $0x80  }
0x29: {  	[sflag:s13] =	ssyncset.done @!p0 $0x0  }
0x2a: {  	s24 =	simm.s32 @!p0 $0x4E80;
	s7 =	rddreg [dreg:$0x8];
	[sflag:s13] =	ssyncadd.s32 @!p0 $0xFFFFFF80  }
0x2b: {  	[tilespmem:s24], [sflag:$0x11] =	stream.linear.gather @!p0 [hbm4b:s7+s12], $0x80, $0x38;
	[tilespmem:$0xDF00] =	vst v63  }
0x2c: {  	_ =	swait.ge @!p0 [sflag:s13], $0x80  }
0x2d: {  	[sflag:s13] =	ssyncset.done @!p0 $0x0  }
0x2e: {  	s24 =	rddreg [dreg:$0x5];
	[sflag:s13] =	ssyncadd.s32 @!p0 $0xFFFFFF80  }
0x2f: {  	[spmem:s24] =	stream.linear.scatter [tilespmem:s8], [sflag:$0x11], $0x2800, $0x38;
	[tilespmem:$0xDF00] =	vst v63  }
0x30: {  	_ =	swait.ge [sflag:s9], $0x2800  }
0x31: {  	[sflag:s9] =	ssyncset.done $0x0  }
0x32: {  	[sflag:s9] =	ssyncadd.s32 $0xFFFFD800  }
0x33: {  	s8 =	simm.s32 $0x0;
	[bflag:$0x0] =	sbarrier.arrive $0xFFFF  }
0x34: {  	[tilespmem:s15], [sflag:$0x1] =	stream.indirect.gather [hbm4b:s4+s14], $0x10, s8, s14, $0xb8;
	[tilespmem:$0xDF00] =	vst v63  }
0x35: {  	_ = 	snop  }
0x36: {  	[tilespmem:s16], [sflag:$0x2] =	stream.indirect.gather [hbm4b:s4+s14], $0x10, s14, s14, $0xb8;
	[tilespmem:$0xDF00] =	vst v63  }
0x37: {  	s12 =	simm.s32 $0x100  }
0x38: {  	[tilespmem:s18], [sflag:$0x3] =	stream.indirect.gather [hbm4b:s4+s14], $0x10, s12, s14, $0xb8;
	[tilespmem:$0xDF00] =	vst v63  }
0x39: {  	s13 =	simm.s32 $0x180  }
0x3a: {  	[tilespmem:s20], [sflag:$0x4] =	stream.indirect.gather [hbm4b:s4+s14], $0x10, s13, s14, $0xb8;
	[tilespmem:$0xDF00] =	vst v63  }
0x3b: {  	_ =	swait.ge [sflag:s21], $0x800  }
0x3c: {  	p1 =	por $0x1, $0x1;
	[sflag:s21] =	ssyncset.done $0x0  }
0x3d: {  	s24 =	simm.s32 $0x2780;
	s13 =	simm.s32 @!p1 $0xD;
	[sflag:s21] =	ssyncadd.s32 $0xFFFFF800  }
0x3e: {  	[spmem:s2] =	stream.indirect.scatter.add.f32 [tilespmem:s15], [sflag:$0x9], $0x10, s24, s14, $0xb8;
	[tilespmem:$0xDF00] =	vst v63  }
0x3f: {  	_ =	swait.ge @!p1 [sflag:s13], $0x800  }
0x40: {  	[sflag:s13] =	ssyncset.done @!p1 $0x0  }
0x41: {  	s7 =	simm.s32 $0x200;
	[sflag:s13] =	ssyncadd.s32 @!p1 $0xFFFFF800  }
0x42: {  	[tilespmem:s22], [sflag:$0x5] =	stream.indirect.gather [hbm4b:s4+s14], $0x10, s7, s14, $0xb8;
	[tilespmem:$0xDF00] =	vst v63  }
0x43: {  	_ =	swait.ge [sflag:s23], $0x800  }
0x44: {  	[sflag:s23] =	ssyncset.done $0x0  }
0x45: {  	s8 =	simm.s32 $0x2800;
	s13 =	simm.s32 @!p1 $0xE;
	[sflag:s23] =	ssyncadd.s32 $0xFFFFF800  }
0x46: {  	[spmem:s2] =	stream.indirect.scatter.add.f32 [tilespmem:s16], [sflag:$0xA], $0x10, s8, s14, $0xb8;
	[tilespmem:$0xDF00] =	vst v63  }
0x47: {  	_ =	swait.ge @!p1 [sflag:s13], $0x800  }
0x48: {  	[sflag:s13] =	ssyncset.done @!p1 $0x0  }
0x49: {  	s24 =	simm.s32 $0x280;
	[sflag:s13] =	ssyncadd.s32 @!p1 $0xFFFFF800  }
0x4a: {  	[tilespmem:s25], [sflag:$0x6] =	stream.indirect.gather [hbm4b:s4+s14], $0x10, s24, s14, $0xb8;
	[tilespmem:$0xDF00] =	vst v63  }
0x4b: {  	_ =	swait.ge [sflag:s26], $0x800  }
0x4c: {  	[sflag:s26] =	ssyncset.done $0x0  }
0x4d: {  	s7 =	simm.s32 $0x2880;
	s13 =	simm.s32 @!p1 $0xF;
	[sflag:s26] =	ssyncadd.s32 $0xFFFFF800  }
0x4e: {  	[spmem:s2] =	stream.indirect.scatter.add.f32 [tilespmem:s18], [sflag:$0xB], $0x10, s7, s14, $0xb8;
	[tilespmem:$0xDF00] =	vst v63  }
0x4f: {  	_ =	swait.ge @!p1 [sflag:s13], $0x800  }
0x50: {  	[sflag:s13] =	ssyncset.done @!p1 $0x0  }
0x51: {  	s8 =	simm.s32 $0x300;
	[sflag:s13] =	ssyncadd.s32 @!p1 $0xFFFFF800  }
0x52: {  	[tilespmem:s28], [sflag:$0x7] =	stream.indirect.gather [hbm4b:s4+s14], $0x10, s8, s14, $0xb8;
	[tilespmem:$0xDF00] =	vst v63  }
0x53: {  	_ =	swait.ge [sflag:s29], $0x800  }
0x54: {  	[sflag:s29] =	ssyncset.done $0x0  }
0x55: {  	s24 =	simm.s32 $0x2900;
	s13 =	simm.s32 @!p1 $0x10;
	[sflag:s29] =	ssyncadd.s32 $0xFFFFF800  }
0x56: {  	[spmem:s2] =	stream.indirect.scatter.add.f32 [tilespmem:s20], [sflag:$0xC], $0x10, s24, s14, $0xb8;
	[tilespmem:$0xDF00] =	vst v63  }
0x57: {  	_ =	swait.ge @!p1 [sflag:s13], $0x800  }
0x58: {  	[sflag:s13] =	ssyncset.done @!p1 $0x0  }
0x59: {  	s7 =	simm.s32 $0x380;
	[sflag:s13] =	ssyncadd.s32 @!p1 $0xFFFFF800  }
0x5a: {  	[tilespmem:s30], [sflag:$0x8] =	stream.indirect.gather [hbm4b:s4+s14], $0x10, s7, s14, $0xb8;
	[tilespmem:$0xDF00] =	vst v63  }
0x5b: {  	_ =	swait.ge [sflag:s31], $0x800  }
0x5c: {  	[sflag:s31] =	ssyncset.done $0x0  }
0x5d: {  	s8 =	simm.s32 $0x2980;
	[sflag:s31] =	ssyncadd.s32 $0xFFFFF800  }
0x5e: {  	[spmem:s2] =	stream.indirect.scatter.add.f32 [tilespmem:s22], [sflag:$0xD], $0x10, s8, s14, $0xb8;
	[tilespmem:$0xDF00] =	vst v63  }
0x5f: {  	_ =	swait.ge [sflag:s0], $0x800  }
0x60: {  	[sflag:s0] =	ssyncset.done $0x0  }
0x61: {  	s13 =	simm.s32 $0x400;
	[sflag:s0] =	ssyncadd.s32 $0xFFFFF800  }
0x62: {  	[tilespmem:s15], [sflag:$0x1] =	stream.indirect.gather [hbm4b:s4+s14], $0x10, s13, s14, $0xb8;
	[tilespmem:$0xDF00] =	vst v63  }
0x63: {  	_ =	swait.ge [sflag:s1], $0x800  }
0x64: {  	[sflag:s1] =	ssyncset.done $0x0  }
0x65: {  	s24 =	simm.s32 $0x2A00;
	[sflag:s1] =	ssyncadd.s32 $0xFFFFF800  }
0x66: {  	[spmem:s2] =	stream.indirect.scatter.add.f32 [tilespmem:s25], [sflag:$0xE], $0x10, s24, s14, $0xb8;
	[tilespmem:$0xDF00] =	vst v63  }
0x67: {  	_ =	swait.ge [sflag:s11], $0x800  }
0x68: {  	[sflag:s11] =	ssyncset.done $0x0  }
0x69: {  	s7 =	simm.s32 $0x480;
	[sflag:s11] =	ssyncadd.s32 $0xFFFFF800  }
0x6a: {  	[tilespmem:s16], [sflag:$0x2] =	stream.indirect.gather [hbm4b:s4+s14], $0x10, s7, s14, $0xb8;
	[tilespmem:$0xDF00] =	vst v63  }
0x6b: {  	_ =	swait.ge [sflag:s17], $0x800  }
0x6c: {  	[sflag:s17] =	ssyncset.done $0x0  }
0x6d: {  	s8 =	simm.s32 $0x2A80;
	[sflag:s17] =	ssyncadd.s32 $0xFFFFF800  }
0x6e: {  	[spmem:s2] =	stream.indirect.scatter.add.f32 [tilespmem:s28], [sflag:$0xF], $0x10, s8, s14, $0xb8;
	[tilespmem:$0xDF00] =	vst v63  }
0x6f: {  	_ =	swait.ge [sflag:s19], $0x800  }
0x70: {  	[sflag:s19] =	ssyncset.done $0x0  }
0x71: {  	s13 =	simm.s32 $0x500;
	[sflag:s19] =	ssyncadd.s32 $0xFFFFF800  }
0x72: {  	[tilespmem:s18], [sflag:$0x3] =	stream.indirect.gather [hbm4b:s4+s14], $0x10, s13, s14, $0xb8;
	[tilespmem:$0xDF00] =	vst v63  }
0x73: {  	_ =	swait.ge [sflag:s5], $0x800  }
0x74: {  	[sflag:s5] =	ssyncset.done $0x0  }
0x75: {  	s24 =	simm.s32 $0x2B00;
	[sflag:s5] =	ssyncadd.s32 $0xFFFFF800  }
0x76: {  	[spmem:s2] =	stream.indirect.scatter.add.f32 [tilespmem:s30], [sflag:$0x10], $0x10, s24, s14, $0xb8;
	[tilespmem:$0xDF00] =	vst v63  }
0x77: {  	_ =	swait.ge [sflag:s6], $0x800  }
0x78: {  	s12 =	simm.s32 $0x580;
	s13 =	simm.s32 $0x1000;
	[sflag:s6] =	ssyncset.done $0x0  }
.LBB2_4:
0x79: {  	[sflag:s6] =	ssyncadd.s32 $0xFFFFF800;
	s24 =	smov.u32 s13;
	s13 =	sadd.s32 $0x1000, s13  }
0x7a: {  	[tilespmem:s20], [sflag:$0x4] =	stream.indirect.gather [hbm4b:s4+s14], $0x10, s12, s14, $0xb8;
	[tilespmem:$0xDF00] =	vst v63  }
0x7b: {  	s12 =	sshra.s32 s24, $0x2;
	p1 =	sne.s32 s13, $0x9000;
	_ =	swait.ge [sflag:s21], $0x800  }
0x7c: {  	p2 =	seq.s32 s24, $0x0;
	s7 =	sadd.s32 $0x2780, s12;
	[sflag:s21] =	ssyncset.done $0x0  }
0x7d: {  	s24 =	simm.s32 @!p2 $0xD;
	[sflag:s21] =	ssyncadd.s32 $0xFFFFF800  }
0x7e: {  	[spmem:s2] =	stream.indirect.scatter.add.f32 [tilespmem:s15], [sflag:$0x9], $0x10, s7, s14, $0xb8;
	[tilespmem:$0xDF00] =	vst v63  }
0x7f: {  	_ =	swait.ge @!p2 [sflag:s24], $0x800  }
0x80: {  	s7 =	sadd.s32 $0x200, s12;
	[sflag:s24] =	ssyncset.done @!p2 $0x0  }
0x81: {  	[sflag:s24] =	ssyncadd.s32 @!p2 $0xFFFFF800  }
0x82: {  	[tilespmem:s22], [sflag:$0x5] =	stream.indirect.gather [hbm4b:s4+s14], $0x10, s7, s14, $0xb8;
	[tilespmem:$0xDF00] =	vst v63  }
0x83: {  	_ =	swait.ge [sflag:s23], $0x800  }
0x84: {  	s7 =	sadd.s32 $0x2800, s12;
	[sflag:s23] =	ssyncset.done $0x0  }
0x85: {  	s24 =	simm.s32 @!p2 $0xE;
	[sflag:s23] =	ssyncadd.s32 $0xFFFFF800  }
0x86: {  	[spmem:s2] =	stream.indirect.scatter.add.f32 [tilespmem:s16], [sflag:$0xA], $0x10, s7, s14, $0xb8;
	[tilespmem:$0xDF00] =	vst v63  }
0x87: {  	_ =	swait.ge @!p2 [sflag:s24], $0x800  }
0x88: {  	s7 =	sadd.s32 $0x280, s12;
	[sflag:s24] =	ssyncset.done @!p2 $0x0  }
0x89: {  	[sflag:s24] =	ssyncadd.s32 @!p2 $0xFFFFF800  }
0x8a: {  	[tilespmem:s25], [sflag:$0x6] =	stream.indirect.gather [hbm4b:s4+s14], $0x10, s7, s14, $0xb8;
	[tilespmem:$0xDF00] =	vst v63  }
0x8b: {  	_ =	swait.ge [sflag:s26], $0x800  }
0x8c: {  	s7 =	sadd.s32 $0x2880, s12;
	[sflag:s26] =	ssyncset.done $0x0  }
0x8d: {  	s24 =	simm.s32 @!p2 $0xF;
	[sflag:s26] =	ssyncadd.s32 $0xFFFFF800  }
0x8e: {  	[spmem:s2] =	stream.indirect.scatter.add.f32 [tilespmem:s18], [sflag:$0xB], $0x10, s7, s14, $0xb8;
	[tilespmem:$0xDF00] =	vst v63  }
0x8f: {  	_ =	swait.ge @!p2 [sflag:s24], $0x800  }
0x90: {  	s7 =	sadd.s32 $0x300, s12;
	[sflag:s24] =	ssyncset.done @!p2 $0x0  }
0x91: {  	[sflag:s24] =	ssyncadd.s32 @!p2 $0xFFFFF800  }
0x92: {  	[tilespmem:s28], [sflag:$0x7] =	stream.indirect.gather [hbm4b:s4+s14], $0x10, s7, s14, $0xb8;
	[tilespmem:$0xDF00] =	vst v63  }
0x93: {  	_ =	swait.ge [sflag:s29], $0x800  }
0x94: {  	s7 =	sadd.s32 $0x2900, s12;
	[sflag:s29] =	ssyncset.done $0x0  }
0x95: {  	s24 =	simm.s32 @!p2 $0x10;
	[sflag:s29] =	ssyncadd.s32 $0xFFFFF800  }
0x96: {  	[spmem:s2] =	stream.indirect.scatter.add.f32 [tilespmem:s20], [sflag:$0xC], $0x10, s7, s14, $0xb8;
	[tilespmem:$0xDF00] =	vst v63  }
0x97: {  	_ =	swait.ge @!p2 [sflag:s24], $0x800  }
0x98: {  	s7 =	sadd.s32 $0x380, s12;
	[sflag:s24] =	ssyncset.done @!p2 $0x0  }
0x99: {  	[sflag:s24] =	ssyncadd.s32 @!p2 $0xFFFFF800  }
0x9a: {  	[tilespmem:s30], [sflag:$0x8] =	stream.indirect.gather [hbm4b:s4+s14], $0x10, s7, s14, $0xb8;
	[tilespmem:$0xDF00] =	vst v63  }
0x9b: {  	_ =	swait.ge [sflag:s31], $0x800  }
0x9c: {  	s7 =	sadd.s32 $0x2980, s12;
	[sflag:s31] =	ssyncset.done $0x0  }
0x9d: {  	[sflag:s31] =	ssyncadd.s32 $0xFFFFF800  }
0x9e: {  	[spmem:s2] =	stream.indirect.scatter.add.f32 [tilespmem:s22], [sflag:$0xD], $0x10, s7, s14, $0xb8;
	[tilespmem:$0xDF00] =	vst v63  }
0x9f: {  	_ =	swait.ge [sflag:s0], $0x800  }
0xa0: {  	s7 =	sadd.s32 $0x400, s12;
	[sflag:s0] =	ssyncset.done $0x0  }
0xa1: {  	[sflag:s0] =	ssyncadd.s32 $0xFFFFF800  }
0xa2: {  	[tilespmem:s15], [sflag:$0x1] =	stream.indirect.gather [hbm4b:s4+s14], $0x10, s7, s14, $0xb8;
	[tilespmem:$0xDF00] =	vst v63  }
0xa3: {  	_ =	swait.ge [sflag:s1], $0x800  }
0xa4: {  	s7 =	sadd.s32 $0x2A00, s12;
	[sflag:s1] =	ssyncset.done $0x0  }
0xa5: {  	[sflag:s1] =	ssyncadd.s32 $0xFFFFF800  }
0xa6: {  	[spmem:s2] =	stream.indirect.scatter.add.f32 [tilespmem:s25], [sflag:$0xE], $0x10, s7, s14, $0xb8;
	[tilespmem:$0xDF00] =	vst v63  }
0xa7: {  	_ =	swait.ge [sflag:s11], $0x800  }
0xa8: {  	s7 =	sadd.s32 $0x480, s12;
	[sflag:s11] =	ssyncset.done $0x0  }
0xa9: {  	[sflag:s11] =	ssyncadd.s32 $0xFFFFF800  }
0xaa: {  	[tilespmem:s16], [sflag:$0x2] =	stream.indirect.gather [hbm4b:s4+s14], $0x10, s7, s14, $0xb8;
	[tilespmem:$0xDF00] =	vst v63  }
0xab: {  	_ =	swait.ge [sflag:s17], $0x800  }
0xac: {  	s7 =	sadd.s32 $0x2A80, s12;
	[sflag:s17] =	ssyncset.done $0x0  }
0xad: {  	[sflag:s17] =	ssyncadd.s32 $0xFFFFF800  }
0xae: {  	[spmem:s2] =	stream.indirect.scatter.add.f32 [tilespmem:s28], [sflag:$0xF], $0x10, s7, s14, $0xb8;
	[tilespmem:$0xDF00] =	vst v63  }
0xaf: {  	_ =	swait.ge [sflag:s19], $0x800  }
0xb0: {  	s7 =	sadd.s32 $0x500, s12;
	[sflag:s19] =	ssyncset.done $0x0  }
0xb1: {  	[sflag:s19] =	ssyncadd.s32 $0xFFFFF800  }
0xb2: {  	[tilespmem:s18], [sflag:$0x3] =	stream.indirect.gather [hbm4b:s4+s14], $0x10, s7, s14, $0xb8;
	[tilespmem:$0xDF00] =	vst v63  }
0xb3: {  	_ =	swait.ge [sflag:s5], $0x800  }
.Ltmp1:
0xb4: {  	s7 =	sadd.s32 $0x2B00, s12;
	[sflag:s5] =	ssyncset.done $0x0;
	(pc) =	sbr.rel @p1 .LBB2_4-.Ltmp1, $4  }
0xb5: {  	[sflag:s5] =	ssyncadd.s32 $0xFFFFF800  }
0xb6: {  	[spmem:s2] =	stream.indirect.scatter.add.f32 [tilespmem:s30], [sflag:$0x10], $0x10, s7, s14, $0xb8;
	[tilespmem:$0xDF00] =	vst v63  }
0xb7: {  	_ =	swait.ge [sflag:s6], $0x800  }
0xb8: {  	s12 =	sadd.s32 $0x580, s12;
	[sflag:s6] =	ssyncset.done $0x0  }
0xb9: {  	[sflag:s6] =	ssyncadd.s32 $0xFFFFF800  }
0xba: {  	[tilespmem:s20], [sflag:$0x4] =	stream.indirect.gather [hbm4b:s4+s14], $0x10, s12, s14, $0xb8;
	[tilespmem:$0xDF00] =	vst v63  }
0xbb: {  	_ =	swait.ge [sflag:s21], $0x800  }
0xbc: {  	[sflag:s21] =	ssyncset.done $0x0  }
0xbd: {  	s7 =	simm.s32 $0x4B80;
	s8 =	simm.s32 $0xD;
	[sflag:s21] =	ssyncadd.s32 $0xFFFFF800  }
0xbe: {  	[spmem:s2] =	stream.indirect.scatter.add.f32 [tilespmem:s15], [sflag:$0x9], $0x10, s7, s14, $0xb8;
	[tilespmem:$0xDF00] =	vst v63  }
0xbf: {  	_ =	swait.ge [sflag:s8], $0x800  }
0xc0: {  	[sflag:s8] =	ssyncset.done $0x0  }
0xc1: {  	s12 =	simm.s32 $0x2600;
	[sflag:s8] =	ssyncadd.s32 $0xFFFFF800  }
0xc2: {  	[tilespmem:s22], [sflag:$0x5] =	stream.indirect.gather [hbm4b:s4+s14], $0x10, s12, s14, $0xb8;
	[tilespmem:$0xDF00] =	vst v63  }
0xc3: {  	_ =	swait.ge [sflag:s23], $0x800  }
0xc4: {  	[sflag:s23] =	ssyncset.done $0x0  }
0xc5: {  	s13 =	simm.s32 $0x4C00;
	[sflag:s23] =	ssyncadd.s32 $0xFFFFF800  }
0xc6: {  	[spmem:s2] =	stream.indirect.scatter.add.f32 [tilespmem:s16], [sflag:$0xA], $0x10, s13, s14, $0xb8;
	[tilespmem:$0xDF00] =	vst v63  }
0xc7: {  	_ =	swait.ge [sflag:s10], $0x800  }
0xc8: {  	[sflag:s10] =	ssyncset.done $0x0  }
0xc9: {  	s24 =	simm.s32 $0x2680;
	[sflag:s10] =	ssyncadd.s32 $0xFFFFF800  }
0xca: {  	[tilespmem:s25], [sflag:$0x6] =	stream.indirect.gather [hbm4b:s4+s14], $0x10, s24, s14, $0xb8;
	[tilespmem:$0xDF00] =	vst v63  }
0xcb: {  	_ =	swait.ge [sflag:s26], $0x800  }
0xcc: {  	[sflag:s26] =	ssyncset.done $0x0  }
0xcd: {  	s12 =	simm.s32 $0x4C80;
	s13 =	simm.s32 $0xF;
	[sflag:s26] =	ssyncadd.s32 $0xFFFFF800  }
0xce: {  	[spmem:s2] =	stream.indirect.scatter.add.f32 [tilespmem:s18], [sflag:$0xB], $0x10, s12, s14, $0xb8;
	[tilespmem:$0xDF00] =	vst v63  }
0xcf: {  	_ =	swait.ge [sflag:s13], $0x800  }
0xd0: {  	s7 =	simm.s32 @!p0 $0x80;
	[sflag:s13] =	ssyncset.done $0x0  }
0xd1: {  	s12 =	simm.s32 @!p0 $0x2700;
	[sflag:s13] =	ssyncadd.s32 $0xFFFFF800;
	s13 =	simm.s32 @!p0 $0x7F00  }
0xd2: {  	[tilespmem:s13], [sflag:$0x7] =	stream.indirect.gather @!p0 [hbm4b:s4+s7], $0x10, s12, s7, $0xb8;
	[tilespmem:$0xDF00] =	vst v63  }
0xd3: {  	_ =	swait.ge [sflag:s29], $0x800  }
0xd4: {  	[sflag:s29] =	ssyncset.done $0x0  }
0xd5: {  	s24 =	simm.s32 $0x4D00;
	[sflag:s29] =	ssyncadd.s32 $0xFFFFF800  }
0xd6: {  	[spmem:s2] =	stream.indirect.scatter.add.f32 [tilespmem:s20], [sflag:$0xC], $0x10, s24, s14, $0xb8;
	[tilespmem:$0xDF00] =	vst v63  }
0xd7: {  	s24 =	simm.s32 $0x10  }
0xd8: {  	_ =	swait.ge [sflag:s24], $0x800  }
0xd9: {  	[sflag:s24] =	ssyncset.done $0x0  }
0xda: {  	[sflag:s24] =	ssyncadd.s32 $0xFFFFF800  }
0xdb: {  	_ =	swait.ge [sflag:s31], $0x800  }
0xdc: {  	[sflag:s31] =	ssyncset.done $0x0  }
0xdd: {  	s24 =	simm.s32 $0x4D80;
	[sflag:s31] =	ssyncadd.s32 $0xFFFFF800  }
0xde: {  	[spmem:s2] =	stream.indirect.scatter.add.f32 [tilespmem:s22], [sflag:$0xD], $0x10, s24, s14, $0xb8;
	[tilespmem:$0xDF00] =	vst v63  }
0xdf: {  	_ =	swait.ge [sflag:s0], $0x800  }
0xe0: {  	[sflag:s0] =	ssyncset.done $0x0  }
0xe1: {  	[sflag:s0] =	ssyncadd.s32 $0xFFFFF800  }
0xe2: {  	_ =	swait.ge [sflag:s1], $0x800  }
0xe3: {  	[sflag:s1] =	ssyncset.done $0x0  }
0xe4: {  	s24 =	simm.s32 $0x4E00;
	[sflag:s1] =	ssyncadd.s32 $0xFFFFF800  }
0xe5: {  	[spmem:s2] =	stream.indirect.scatter.add.f32 [tilespmem:s25], [sflag:$0xE], $0x10, s24, s14, $0xb8;
	[tilespmem:$0xDF00] =	vst v63  }
0xe6: {  	_ =	swait.ge [sflag:s11], $0x800  }
0xe7: {  	[sflag:s11] =	ssyncset.done $0x0  }
0xe8: {  	s12 =	simm.s32 @!p0 $0x7;
	[sflag:s11] =	ssyncadd.s32 $0xFFFFF800  }
0xe9: {  	_ =	swait.ge @!p0 [sflag:s12], $0x800  }
0xea: {  	[sflag:s12] =	ssyncset.done @!p0 $0x0  }
0xeb: {  	[sflag:s12] =	ssyncadd.s32 @!p0 $0xFFFFF800;
	s12 =	simm.s32 @!p0 $0x4E80  }
0xec: {  	[spmem:s2] =	stream.indirect.scatter.add.f32 @!p0 [tilespmem:s13], [sflag:$0xF], $0x10, s12, s7, $0xb8;
	[tilespmem:$0xDF00] =	vst v63  }
0xed: {  	_ =	swait.ge [sflag:s19], $0x800  }
0xee: {  	[sflag:s19] =	ssyncset.done $0x0  }
0xef: {  	[sflag:s19] =	ssyncadd.s32 $0xFFFFF800  }
0xf0: {  	_ =	swait.ge [sflag:s6], $0x800  }
0xf1: {  	[sflag:s6] =	ssyncset.done $0x0  }
0xf2: {  	[sflag:s6] =	ssyncadd.s32 $0xFFFFF800  }
0xf3: {  	_ =	swait.ge [sflag:s8], $0x800  }
0xf4: {  	[sflag:s8] =	ssyncset.done $0x0  }
0xf5: {  	[sflag:s8] =	ssyncadd.s32 $0xFFFFF800  }
0xf6: {  	_ =	swait.ge [sflag:s10], $0x800  }
0xf7: {  	[sflag:s10] =	ssyncset.done $0x0  }
0xf8: {  	s7 =	simm.s32 @!p0 $0xF;
	[sflag:s10] =	ssyncadd.s32 $0xFFFFF800  }
0xf9: {  	_ =	swait.ge @!p0 [sflag:s7], $0x800  }
0xfa: {  	[sflag:s7] =	ssyncset.done @!p0 $0x0  }
0xfb: {  	[sflag:s7] =	ssyncadd.s32 @!p0 $0xFFFFF800  }
0xfc: {  	[bflag:$0x0] =	sbarrier.arrive $0xFFFF  }
0xfd: {  	s12 =	simm.s32 $0x8F00;
	s8 =	rddreg [dreg:$0x5]  }
0xfe: {  	[tilespmem:s12], [sflag:$0x11] =	stream.linear.gather [spmem:s8], $0x2800, $0x38;
	[tilespmem:$0xDF00] =	vst v63  }
0xff: {  	_ =	swait.ge [sflag:s9], $0x2800  }
0x100: {  	[sflag:s9] =	ssyncset.done $0x0  }
0x101: {  	s24 =	simm.s32 $0x0;
	s13 =	rddreg [dreg:$0x9];
	[sflag:s9] =	ssyncadd.s32 $0xFFFFD800  }
0x102: {  	[hbm4b:s13+s24] =	stream.linear.scatter [tilespmem:s12], [sflag:$0x11], $0x2800, $0x38;
	[tilespmem:$0xDF00] =	vst v63  }
0x103: {  	_ =	swait.ge [sflag:s9], $0x2800  }
0x104: {  	s3 =	sadd.s32 $0x1, s3;
	s13 =	rddreg [dreg:$0x6]  }
0x105: {  	p1 =	sne.s32 s3, s13  }
.Ltmp2:
0x106: {  	_ = 	snop;
	(pc) =	sbr.rel @p1 .LBB2_1-.Ltmp2, $3  }
0x107: {  	_ =	sdelay $0x1  }
0x108: {  	[sflag:s9] =	ssyncset.done $0x0  }
0x109: {  	s8 =	simm.s32 $0x8F00;
	[sflag:s9] =	ssyncadd.s32 $0xFFFFD800  }
0x10a: {  	_ =	sfence.sel $0x180000  }
0x10b: {  	[bflag:$0x0] =	sbarrier.arrive $0xFFFF  }
0x10c: {  	_ =	strace $0x9000004D  }
0x10d: {  	s0 =	stileid.u32;
	[bflag:$0x2] =	sbarrier.arrive $0xFFFF  }
0x10e: {  	p0 =	sne.s32 s0, $0x0;
	s0 =	rddreg [dreg:$0x2]  }
0x10f: {  	s0 =	sadd.s32 @!p0 $0x100000, s0  }
0x110: {  	[sflag:s0] =	ssyncadd.tile.s32 @!p0 $0x1;
	_ =	shalt  }
.Lfunc_end2:
_tile_overlayer_lowered:
.L_overlay_start_2:
0x111: {  	(tag) =	ssettag $0x2  }
0x112: {  	s0 =	rddreg [dreg:$0x0];
	s2 =	stileid.u32  }
0x113: {  	s1 =	rddreg [dreg:$0x1];
	p0 =	sne.s32 s2, $0x0  }
0x114: {  	s3 =	rddreg [dreg:$0x2];
	[bflag:$0x3] =	sbarrier.arrive $0xFFFF;
	s2 =	simm.s32 @!p0 $0x1C11  }
0x115: {  	[timem:s3], [sflag:s2] =	dma.local @!p0 [hbm:s0], s1  }
0x116: {  	s0 =	simm.s32 @!p0 $0x11  }
0x117: {  	_ =	swait.ge @!p0 [sflag:s0], s1  }
0x118: {  	s1 =	ssub.s32 @!p0 $0x0, s1;
	[sflag:s0] =	ssyncset.done @!p0 $0x0  }
0x119: {  	[sflag:s0] =	ssyncadd.s32 @!p0 s1  }
0x11a: {  	[bflag:$0x3] =	sbarrier.arrive $0xFFFF  }
0x11b: {  	_ =	shalt  }

// kernel: kernel.9.cloned.1.call-start
scs
__scs_entry_jumppad:
0x0: {  	(pc) =	sbr.rel $0x88, $3  }
0x1: {  	(tag) =	ssettag $0x0;
	lr =	simm.s32 $0x1  }
0x2: {  	[smem:$0x3F9B] =	sst lr;
	_ =	strace $0xD0000000  }
0x3: {  	_ = 	snop  }
0x4: {  	_ = 	snop  }
0x5: {  	_ = 	snop  }
0x6: {  	_ = 	snop  }
0x7: {  	_ = 	snop  }
__scs_overlays_trampoline_lowered:
0x8: {  	[smem:$0x3FAA] =	sst s0  }
0x9: {  	[smem:$0x3FAB] =	sst s1  }
0xa: {  	[smem:$0x3FAC] =	sst s2  }
0xb: {  	[smem:$0x3FAD] =	sst s3  }
0xc: {  	[smem:$0x3FAE] =	sst s4  }
0xd: {  	[smem:$0x3FAF] =	sst s5  }
0xe: {  	[smem:$0x3FB0] =	sst s6  }
0xf: {  	[smem:$0x3FB1] =	sst s7  }
0x10: {  	[smem:$0x3FB2] =	sst s8  }
0x11: {  	[smem:$0x3FB3] =	sst s9;
	s0 =	simm.s32 @!p0 $0x0  }
0x12: {  	s1 =	sld [smem:$0x3F99];
	s0 =	simm.s32 @p0 $0x1  }
0x13: {  	[smem:$0x3FB4] =	sst s0;
	s0 =	simm.s32 @!p1 $0x0  }
0x14: {  	s2 =	sld [smem:$0x3F98];
	s0 =	simm.s32 @p1 $0x1  }
0x15: {  	[smem:$0x3FB5] =	sst s0;
	s0 =	simm.s32 @!p2 $0x0  }
0x16: {  	s3 =	sld [smem:$0x3FDB];
	s0 =	simm.s32 @p2 $0x1  }
0x17: {  	s4 =	simm.s32 $0x1BF5;
	[smem:$0x3FB7] =	sst s0  }
0x18: {  	s0 =	sld [smem:$0x3F9A];
	_ =	swait.ge [sflag:s4], $0x0  }
0x19: {  	s7 =	sld [smem:$0x3F9B]  }
0x1a: {  	s8 =	sadd.s32 $0xFFFFE003, lr  }
0x1b: {  	s9 =	sadd.s32 $0xFFFFFEF7, lr;
	s5 =	simm.s32 $0xFFFFFFFF;
	p2 =	slt.u32 s8, $0xFFFFF086  }
0x1c: {  	p1 =	slt.u32 s9, $0xF7A;
	s5 =	simm.s32 @!p2 $0x0  }
0x1d: {  	s5 =	simm.s32 @p1 $0x1;
	p0 =	seq.s32 s7, s2  }
0x1e: {  	s7 =	smul.u32 @!p0 $0xF7A, s2;
	p2 =	seq.s32 @!p0 s5, $0x0  }
0x1f: {  	s9 =	smul.u32 $0xF7A, s1;
	s8 =	simm.s32 @!p0 $0x1BF5;
	p2 =	por !p2, p0  }
0x20: {  	[sflag:s8] =	ssyncset.s32 @!p0 $0xFFFFF086;
	s6 =	sadd.s32 @!p0 s3, s7;
	s7 =	simm.s32 @!p0 $0x108  }
0x21: {  	s3 =	sadd.s32 s3, s9;
	s6 =	sadd.s32 @!p0 $0x88, s6;
	s7 =	simm.s32 @p2 $0x1082  }
0x22: {  	[simem:s7], [sflag:s8] =	dma.local @!p0 [hbm:s6], $0xF7A  }
0x23: {  	s9 =	sor.u32 $0xD0000000, s2;
	s6 =	simm.s32 $0x108;
	_ =	swait.ge @!p0 [sflag:s8], $0x0  }
0x24: {  	s3 =	sadd.s32 $0x88, s3;
	s6 =	simm.s32 @!p1 $0x1082;
	[sflag:s4] =	ssyncset.s32 $0xFFFFF086  }
0x25: {  	[simem:s6], [sflag:s4] =	dma.local [hbm:s3], $0xF7A  }
0x26: {  	[smem:$0x3F9B] =	sst s1;
	(tag) =	ssettag s2;
	_ =	strace s9  }
0x27: {  	s1 =	sld [smem:$0x3FAB]  }
0x28: {  	s2 =	sld [smem:$0x3FAC]  }
0x29: {  	s4 =	sld [smem:$0x3FAE]  }
0x2a: {  	p0 =	seq.s32 s5, $0x0;
	s5 =	sld [smem:$0x3FAF]  }
0x2b: {  	s6 =	sld [smem:$0x3FB0]  }
0x2c: {  	s7 =	sld [smem:$0x3FB1]  }
0x2d: {  	s3 =	simm.s32 $0x108;
	s8 =	sld [smem:$0x3FB2]  }
0x2e: {  	s3 =	simm.s32 @!p0 $0x1082;
	s9 =	sld [smem:$0x3FB3]  }
0x2f: {  	lr =	sadd.s32 s0, s3;
	s0 =	sld [smem:$0x3FAA]  }
0x30: {  	s3 =	sld [smem:$0x3FAD]  }
0x31: {  	[smem:$0x3FB6] =	sst s10  }
0x32: {  	s10 =	sld [smem:$0x3FB4];
	_ =	sdelay $0x3  }
0x33: {  	p0 =	seq.s32 s10, $0x1;
	s10 =	sld [smem:$0x3FB6];
	_ =	sdelay $0x3  }
0x34: {  	[smem:$0x3FB6] =	sst s10  }
0x35: {  	s10 =	sld [smem:$0x3FB5];
	_ =	sdelay $0x3  }
0x36: {  	p1 =	seq.s32 s10, $0x1;
	s10 =	sld [smem:$0x3FB6];
	_ =	sdelay $0x3  }
0x37: {  	[smem:$0x3FB6] =	sst s10  }
0x38: {  	s10 =	sld [smem:$0x3FB7]  }
0x39: {  	_ = 	snop;
	(pc) =	sbr.ind lr, $3  }
0x3a: {  	_ = 	snop  }
0x3b: {  	_ = 	snop  }
0x3c: {  	p2 =	seq.s32 s10, $0x1;
	s10 =	sld [smem:$0x3FB6]  }
0x3d: {  	_ =	shalt  }
0x3e: {  	_ =	shalt  }
0x3f: {  	_ =	shalt  }
0x40: {  	_ =	shalt  }
0x41: {  	_ =	shalt  }
0x42: {  	_ =	shalt  }
0x43: {  	_ =	shalt  }
0x44: {  	_ =	shalt  }
0x45: {  	_ =	shalt  }
0x46: {  	_ =	shalt  }
0x47: {  	_ =	shalt  }
0x48: {  	_ =	shalt  }
0x49: {  	_ =	shalt  }
0x4a: {  	_ =	shalt  }
0x4b: {  	_ =	shalt  }
0x4c: {  	_ =	shalt  }
0x4d: {  	_ =	shalt  }
0x4e: {  	_ =	shalt  }
0x4f: {  	_ =	shalt  }
0x50: {  	_ =	shalt  }
0x51: {  	_ =	shalt  }
0x52: {  	_ =	shalt  }
0x53: {  	_ =	shalt  }
0x54: {  	_ =	shalt  }
0x55: {  	_ =	shalt  }
0x56: {  	_ =	shalt  }
0x57: {  	_ =	shalt  }
0x58: {  	_ =	shalt  }
0x59: {  	_ =	shalt  }
0x5a: {  	_ =	shalt  }
0x5b: {  	_ =	shalt  }
0x5c: {  	_ =	shalt  }
0x5d: {  	_ =	shalt  }
0x5e: {  	_ =	shalt  }
0x5f: {  	_ =	shalt  }
0x60: {  	_ =	shalt  }
0x61: {  	_ =	shalt  }
0x62: {  	_ =	shalt  }
0x63: {  	_ =	shalt  }
0x64: {  	_ =	shalt  }
0x65: {  	_ =	shalt  }
0x66: {  	_ =	shalt  }
0x67: {  	_ =	shalt  }
0x68: {  	_ =	shalt  }
0x69: {  	_ =	shalt  }
0x6a: {  	_ =	shalt  }
0x6b: {  	_ =	shalt  }
0x6c: {  	_ =	shalt  }
0x6d: {  	_ =	shalt  }
0x6e: {  	_ =	shalt  }
0x6f: {  	_ =	shalt  }
0x70: {  	_ =	shalt  }
0x71: {  	_ =	shalt  }
0x72: {  	_ =	shalt  }
0x73: {  	_ =	shalt  }
0x74: {  	_ =	shalt  }
0x75: {  	_ =	shalt  }
0x76: {  	_ =	shalt  }
0x77: {  	_ =	shalt  }
0x78: {  	_ =	shalt  }
0x79: {  	_ =	shalt  }
0x7a: {  	_ =	shalt  }
0x7b: {  	_ =	shalt  }
0x7c: {  	_ =	shalt  }
0x7d: {  	_ =	shalt  }
0x7e: {  	_ =	shalt  }
0x7f: {  	_ =	shalt  }
0x80: {  	_ =	shalt  }
0x81: {  	_ =	shalt  }
0x82: {  	_ =	shalt  }
0x83: {  	_ =	shalt  }
0x84: {  	_ =	shalt  }
0x85: {  	_ =	shalt  }
0x86: {  	_ =	shalt  }
0x87: {  	_ =	shalt  }
.Lfunc_end0:
.L_simem_size_0:
called_computation_lowered:
.L_overlay_start_0:
0x88: {  	s2 =	sld [smem:$0x3FD9]  }
0x89: {  	s3 =	sld [smem:$0x3FFE];
	_ =	sdelay $0x1  }
0x8a: {  	s1 =	srdreg.scid  }
0x8b: {  	s0 =	sand.u32 $0x1, s1  }
0x8c: {  	s16 =	sshll.u32 s0, $0xA;
	s2 =	sadd.s32 s3, s2  }
0x8d: {  	s2 =	sadd.s32 s2, s16  }
0x8e: {  	[smem:$0x3FC2] =	sst s2  }
0x8f: {  	_ = 	snop  }
0x90: {  	(tm) =	ssettm $0x1  }
0x91: {  	s17 =	sld [smem:$0x3FFB];
	_ =	sdelay $0x3  }
0x92: {  	_ =	strace s17  }
0x93: {  	s2 =	sld [smem:$0x3FFC];
	_ =	sdelay $0x3  }
0x94: {  	_ =	strace s2  }
0x95: {  	s2 =	sld [smem:$0x3FFD];
	_ =	sdelay $0x3  }
0x96: {  	_ =	strace s2  }
0x97: {  	_ =	strace $0x8FFFFFFF  }
0x98: {  	s18 =	sld [smem:$0x3FDB];
	_ =	sdelay $0x1  }
0x99: {  	s19 =	simm.s32 $_scs_section_size  }
0x9a: {  	s4 =	simm.s32 $_size__tile_overlayer_lowered;
	s5 =	simm.s32 $_tile_overlayer_lowered  }
0x9b: {  	s22 =	simm.s32 $0x1BFF;
	s21 =	sshll.u32 s5, $0x1;
	s2 =	sadd.s32 s19, s18  }
0x9c: {  	s6 =	simm.s32 $0x0;
	s20 =	sshll.u32 s4, $0x1;
	s4 =	sadd.s32 s21, s2  }
0x9d: {  	[timem:s6], [sflag:s22] =	dma.local [hbm:s4], s20  }
0x9e: {  	_ =	swait.ge [sflag:s22], s20  }
0x9f: {  	s3 =	ssub.s32 $0x0, s20;
	[sflag:s22] =	ssyncset.done $0x0  }
0xa0: {  	[sflag:s22] =	ssyncadd.s32 s3;
	_ =	sdelay $0x1  }
0xa1: {  	s23 =	simm.s32 $0x1B8B  }
0xa2: {  	_ =	swait.ge [sflag:s23], $0x1  }
0xa3: {  	[sflag:s23] =	ssyncset.done $0x0  }
0xa4: {  	s25 =	simm.s32 $0x1B8E;
	s24 =	sld [smem:$0x3FFE];
	[sflag:s23] =	ssyncadd.s32 $0xFFFFFFFF  }
0xa5: {  	s26 =	simm.s32 $execute0_lowered;
	[smem:$0x3FD2] =	sst s25  }
0xa6: {  	s4 =	sshll.u32 s26, $0x1;
	_ =	strace $0x80000046;
	[dreg:$0x1] =	wrdreg $0xFFFFFFFF  }
0xa7: {  	s28 =	simm.s32 $_size_execute0_lowered;
	s2 =	sadd.s32 s2, s4;
	[dreg:$0x0] =	wrdreg $0x0  }
0xa8: {  	s4 =	sshll.u32 s28, $0x1;
	[dreg:$0x2] =	wrdreg s2  }
0xa9: {  	[dreg:$0x3] =	wrdreg s4  }
0xaa: {  	[dreg:$0x4] =	wrdreg $0xC0  }
0xab: {  	_ =	task [dreg:s6], $0x5FFFF  }
0xac: {  	[dreg:$0x1] =	wrdreg $0xFFFFFFFF  }
0xad: {  	[dreg:$0x0] =	wrdreg $0x60  }
0xae: {  	[dreg:$0x2] =	wrdreg s24  }
0xaf: {  	[dreg:$0x3] =	wrdreg $0x57800  }
0xb0: {  	[dreg:$0x4] =	wrdreg $0x9  }
0xb1: {  	_ =	task.clear_ibuf [dreg:s6], $0x5FFFF;
	_ =	strace $0x90000046  }
0xb2: {  	s29 =	simm.s32 $0x9;
	_ =	strace $0x80000048  }
0xb3: {  	_ =	swait.ge [sflag:s29], $0x1  }
0xb4: {  	[sflag:s29] =	ssyncadd.s32 $0xFFFFFFFF  }
0xb5: {  	_ =	strace $0x90000048  }
0xb6: {  	_ =	sfence  }
0xb7: {  	s30 =	sld [smem:$0x0];
	_ =	sdelay $0x2  }
0xb8: {  	s31 =	sshll.u32 s1, $0xD;
	s1 =	sshrl.u32 s1, $0x2  }
0xb9: {  	s3 =	sand.u32 $0x4000, s31;
	s1 =	sadd.s32 s1, s30  }
0xba: {  	s0 =	sor.u32 s3, s0;
	s1 =	sshll.u32 s1, $0x11  }
0xbb: {  	s0 =	sor.u32 s1, s0  }
0xbc: {  	s0 =	sadd.s32 $0x8F2B, s0  }
0xbd: {  	[sflag:s0] =	ssyncadd.remote.s32 $0x1  }
0xbe: {  	_ =	sfence.sel $0xFFFF  }
0xbf: {  	[dreg:$0x0] =	wrdreg $0xFFFFFFFF;
	(pc) =	sbr.abs _section_cstart, $3  }
0xc0: {  	[dreg:$0x1] =	wrdreg $0xFFFFFFFF  }
0xc1: {  	_ =	task.clear_ibuf [dreg:s6], $0x2FFFF;
	_ =	strace $0x9FFFFFFF  }
0xc2: {  	(tm) =	ssettm $0x7FFFFFFF  }
0xc3: {  	_ =	shalt  }
tec
execute0_lowered:
.L_overlay_start_1:
0x0: {  	(tag) =	ssettag $0x1  }
0x1: {  	s5 =	rddreg [dreg:$0x0]  }
0x2: {  	s2 =	rddreg [dreg:$0x1];
	s4 =	srdreg.scid  }
0x3: {  	s1 =	stileid.u32;
	s3 =	simm.s32 $0x0;
	s13 =	simm.s32 $0x180  }
0x4: {  	s14 =	simm.s32 $0x200;
	s15 =	simm.s32 $0x1;
	s16 =	simm.s32 $0x280  }
0x5: {  	s17 =	simm.s32 $0x300;
	s18 =	simm.s32 $0x380;
	s19 =	simm.s32 $0x2400  }
0x6: {  	s20 =	simm.s32 $0x2480;
	s21 =	simm.s32 $0x2500;
	s22 =	simm.s32 $0x2580  }
0x7: {  	s23 =	simm.s32 $0x2600;
	s26 =	simm.s32 $0x0;
	s4 =	sand.u32 $0x1, s4  }
0x8: {  	s6 =	sshll.u32 s1, $0x1;
	[smem:$0x7FF] =	sst s3;
	s9 =	smul.u32 $0x2800, s1  }
0x9: {  	s11 =	sadd.s32 $0xC640, s5;
	p0 =	sgt.u32 s1, $0x1;
	s7 =	smul.u32 $0x5000, s4  }
0xa: {  	s6 =	sor.u32 s4, s6;
	_ =	strace $0x80000047;
	s4 =	ssub.s32 $0x2, s4  }
0xb: {  	s8 =	smul.u32 $0x4E, s6;
	s6 =	smin.u32 s6, $0x4;
	s10 =	sshrl.u32 s4, $0x1  }
0xc: {  	s25 =	sshrl.u32 s9, $0x3;
	s7 =	sadd.s32 s7, s5;
	s30 =	ssub.s32 s4, s10  }
0xd: {  	s4 =	sadd.s32 s9, s2;
	s10 =	simm.s32 $0x80;
	s6 =	sadd.s32 s6, s8  }
0xe: {  	s24 =	sadd.s32 $0x16400, s7;
	s5 =	smax.u32 s30, $0x1;
	s7 =	simm.s32 $0x2  }
0xf: {  	s31 =	sshll.u32 s6, $0x4;
	s6 =	simm.s32 $0x2F80;
	s24 =	sadd.s32 s25, s24  }
0x10: {  	s25 =	simm.s32 $0x2680;
	s12 =	sadd.s32 $0x4E0, s31;
	s8 =	sadd.s32 s31, s11  }
0x11: {  	v0 =	vimm.f32 $0.0e+00;
	v1 =	vimm.f32 $1.000000000e+00;
	s9 =	sadd.s32 @!p0 s11, s12;
	s11 =	simm.s32 $0x2780;
	s12 =	simm.s32 $0x100  }
.LBB2_1:
0x12: {  	s28 =	simm.s32 $0x0  }
.LBB2_2:
0x13: {  	p1 =	sne.s32 s28, $0x9FC0  }
.Ltmp0:
0x14: {  	_ = 	snop;
	(pc) =	sbr.rel @p1 .LBB2_2-.Ltmp0, $3  }
0x15: {  	_ =	sdelay $0x1  }
0x16: {  	s29 =	sshra.s32 s28, $0x2  }
0x17: {  	s28 =	sadd.s32 $0x40, s28;
	[tilespmem:s29+$0x2F80] =	vst v0  }
0x18: {  	s28 =	simm.s32 $0x40;
	s29 =	simm.s32 $0x0  }
.LBB2_4:
0x19: {  	p1 =	sne.s32 s28, $0x1FC0;
	[tilespmem:s29+$0x2780] =	vst v1;
	s29 =	smov.u32 s28;
	s28 =	sadd.s32 $0x40, s28  }
.Ltmp1:
0x1a: {  	(pc) =	sbr.rel @p1 .LBB2_4-.Ltmp1, $2  }
0x1b: {  	_ =	sdelay $0x2  }
0x1c: {  	s29 =	sshra.s32 s29, $0x2  }
0x1d: {  	[tilespmem:s29+$0x2780] =	vst v1  }
0x1e: {  	[spmem:s4] =	stream.linear.scatter [tilespmem:s6], [sflag:$0x2], $0x2800, $0x38;
	[tilespmem:$0x7F80] =	vst v63  }
0x1f: {  	_ =	swait.ge [sflag:s7], $0x2800  }
0x20: {  	[sflag:s7] =	ssyncset.done $0x0  }
0x21: {  	[sflag:s7] =	ssyncadd.s32 $0xFFFFD800  }
0x22: {  	[tilespmem:s3], [sflag:$0x2] =	stream.linear.gather [hbm4b:s8+s3], $0x2700, $0x38;
	[tilespmem:$0x7F80] =	vst v63  }
0x23: {  	_ =	swait.ge [sflag:s7], $0x2700  }
0x24: {  	[sflag:s7] =	ssyncset.done $0x0  }
0x25: {  	s28 =	simm.s32 @!p0 $0x0;
	s29 =	simm.s32 @!p0 $0x2700;
	[sflag:s7] =	ssyncadd.s32 $0xFFFFD900  }
0x26: {  	[tilespmem:s29], [sflag:$0x2] =	stream.linear.gather @!p0 [hbm4b:s9+s28], $0x80, $0x38;
	[tilespmem:$0x7F80] =	vst v63  }
0x27: {  	s28 =	simm.s32 @!p0 $0x2  }
0x28: {  	_ =	swait.ge @!p0 [sflag:s28], $0x80  }
0x29: {  	[sflag:s28] =	ssyncset.done @!p0 $0x0  }
0x2a: {  	[sflag:s28] =	ssyncadd.s32 @!p0 $0xFFFFFF80  }
0x2b: {  	s28 =	simm.s32 $0x0;
	[bflag:$0x0] =	sbarrier.arrive $0xFFFF  }
0x2c: {  	[spmem:s2] =	stream.indirect.scatter.add.f32 [tilespmem:s11], [sflag:$0x1], $0x10, s28, s10, $0xb8;
	[tilespmem:$0x7F80] =	vst v63  }
0x2d: {  	_ = 	snop  }
0x2e: {  	[spmem:s2] =	stream.indirect.scatter.add.f32 [tilespmem:s11], [sflag:$0x1], $0x10, s10, s10, $0xb8;
	[tilespmem:$0x7F80] =	vst v63  }
0x2f: {  	_ = 	snop  }
0x30: {  	[spmem:s2] =	stream.indirect.scatter.add.f32 [tilespmem:s11], [sflag:$0x1], $0x10, s12, s10, $0xb8;
	[tilespmem:$0x7F80] =	vst v63  }
0x31: {  	_ = 	snop  }
0x32: {  	[spmem:s2] =	stream.indirect.scatter.add.f32 [tilespmem:s11], [sflag:$0x1], $0x10, s13, s10, $0xb8;
	[tilespmem:$0x7F80] =	vst v63  }
0x33: {  	_ = 	snop  }
0x34: {  	[spmem:s2] =	stream.indirect.scatter.add.f32 [tilespmem:s11], [sflag:$0x1], $0x10, s14, s10, $0xb8;
	[tilespmem:$0x7F80] =	vst v63  }
0x35: {  	_ =	swait.ge [sflag:s15], $0x800  }
0x36: {  	[sflag:s15] =	ssyncset.done $0x0  }
0x37: {  	[sflag:s15] =	ssyncadd.s32 $0xFFFFF800  }
0x38: {  	[spmem:s2] =	stream.indirect.scatter.add.f32 [tilespmem:s11], [sflag:$0x1], $0x10, s16, s10, $0xb8;
	[tilespmem:$0x7F80] =	vst v63  }
0x39: {  	_ =	swait.ge [sflag:s15], $0x800  }
0x3a: {  	[sflag:s15] =	ssyncset.done $0x0  }
0x3b: {  	[sflag:s15] =	ssyncadd.s32 $0xFFFFF800  }
0x3c: {  	[spmem:s2] =	stream.indirect.scatter.add.f32 [tilespmem:s11], [sflag:$0x1], $0x10, s17, s10, $0xb8;
	[tilespmem:$0x7F80] =	vst v63  }
0x3d: {  	_ =	swait.ge [sflag:s15], $0x800  }
0x3e: {  	[sflag:s15] =	ssyncset.done $0x0  }
0x3f: {  	[sflag:s15] =	ssyncadd.s32 $0xFFFFF800  }
0x40: {  	[spmem:s2] =	stream.indirect.scatter.add.f32 [tilespmem:s11], [sflag:$0x1], $0x10, s18, s10, $0xb8;
	[tilespmem:$0x7F80] =	vst v63  }
0x41: {  	_ =	swait.ge [sflag:s15], $0x800  }
0x42: {  	[sflag:s15] =	ssyncset.done $0x0  }
0x43: {  	s28 =	simm.s32 $0x400;
	[sflag:s15] =	ssyncadd.s32 $0xFFFFF800  }
0x44: {  	[spmem:s2] =	stream.indirect.scatter.add.f32 [tilespmem:s11], [sflag:$0x1], $0x10, s28, s10, $0xb8;
	[tilespmem:$0x7F80] =	vst v63  }
0x45: {  	_ =	swait.ge [sflag:s15], $0x800  }
0x46: {  	[sflag:s15] =	ssyncset.done $0x0  }
0x47: {  	s28 =	simm.s32 $0x480;
	[sflag:s15] =	ssyncadd.s32 $0xFFFFF800  }
0x48: {  	[spmem:s2] =	stream.indirect.scatter.add.f32 [tilespmem:s11], [sflag:$0x1], $0x10, s28, s10, $0xb8;
	[tilespmem:$0x7F80] =	vst v63  }
0x49: {  	_ =	swait.ge [sflag:s15], $0x800  }
0x4a: {  	[sflag:s15] =	ssyncset.done $0x0  }
0x4b: {  	s28 =	simm.s32 $0x500;
	[sflag:s15] =	ssyncadd.s32 $0xFFFFF800  }
0x4c: {  	[spmem:s2] =	stream.indirect.scatter.add.f32 [tilespmem:s11], [sflag:$0x1], $0x10, s28, s10, $0xb8;
	[tilespmem:$0x7F80] =	vst v63  }
0x4d: {  	_ =	swait.ge [sflag:s15], $0x800  }
0x4e: {  	[sflag:s15] =	ssyncset.done $0x0  }
0x4f: {  	s28 =	simm.s32 $0x580;
	[sflag:s15] =	ssyncadd.s32 $0xFFFFF800  }
0x50: {  	[spmem:s2] =	stream.indirect.scatter.add.f32 [tilespmem:s11], [sflag:$0x1], $0x10, s28, s10, $0xb8;
	[tilespmem:$0x7F80] =	vst v63  }
0x51: {  	_ =	swait.ge [sflag:s15], $0x800  }
0x52: {  	[sflag:s15] =	ssyncset.done $0x0  }
0x53: {  	s28 =	simm.s32 $0x600;
	[sflag:s15] =	ssyncadd.s32 $0xFFFFF800  }
0x54: {  	[spmem:s2] =	stream.indirect.scatter.add.f32 [tilespmem:s11], [sflag:$0x1], $0x10, s28, s10, $0xb8;
	[tilespmem:$0x7F80] =	vst v63  }
0x55: {  	_ =	swait.ge [sflag:s15], $0x800  }
0x56: {  	[sflag:s15] =	ssyncset.done $0x0  }
0x57: {  	s28 =	simm.s32 $0x680;
	[sflag:s15] =	ssyncadd.s32 $0xFFFFF800  }
0x58: {  	[spmem:s2] =	stream.indirect.scatter.add.f32 [tilespmem:s11], [sflag:$0x1], $0x10, s28, s10, $0xb8;
	[tilespmem:$0x7F80] =	vst v63  }
0x59: {  	_ =	swait.ge [sflag:s15], $0x800  }
0x5a: {  	[sflag:s15] =	ssyncset.done $0x0  }
0x5b: {  	s28 =	simm.s32 $0x700;
	[sflag:s15] =	ssyncadd.s32 $0xFFFFF800  }
0x5c: {  	[spmem:s2] =	stream.indirect.scatter.add.f32 [tilespmem:s11], [sflag:$0x1], $0x10, s28, s10, $0xb8;
	[tilespmem:$0x7F80] =	vst v63  }
0x5d: {  	_ =	swait.ge [sflag:s15], $0x800  }
0x5e: {  	[sflag:s15] =	ssyncset.done $0x0  }
0x5f: {  	s28 =	simm.s32 $0x780;
	[sflag:s15] =	ssyncadd.s32 $0xFFFFF800  }
0x60: {  	[spmem:s2] =	stream.indirect.scatter.add.f32 [tilespmem:s11], [sflag:$0x1], $0x10, s28, s10, $0xb8;
	[tilespmem:$0x7F80] =	vst v63  }
0x61: {  	_ =	swait.ge [sflag:s15], $0x800  }
0x62: {  	s31 =	simm.s32 $0x2000;
	s28 =	simm.s32 $0x400;
	[sflag:s15] =	ssyncset.done $0x0  }
.LBB2_6:
0x63: {  	s0 =	sadd.s32 $0x400, s28  }
0x64: {  	[sflag:s15] =	ssyncadd.s32 $0xFFFFF800;
	s30 =	smov.u32 s31;
	s29 =	sadd.s32 $0x1000, s31  }
0x65: {  	[spmem:s2] =	stream.indirect.scatter.add.f32 [tilespmem:s11], [sflag:$0x1], $0x10, s0, s10, $0xb8;
	[tilespmem:$0x7F80] =	vst v63  }
0x66: {  	p1 =	sne.s32 s31, $0x7000;
	_ =	swait.ge [sflag:s15], $0x800  }
0x67: {  	[sflag:s15] =	ssyncset.done $0x0  }
0x68: {  	s0 =	sadd.s32 $0x480, s28;
	[sflag:s15] =	ssyncadd.s32 $0xFFFFF800  }
0x69: {  	[spmem:s2] =	stream.indirect.scatter.add.f32 [tilespmem:s11], [sflag:$0x1], $0x10, s0, s10, $0xb8;
	[tilespmem:$0x7F80] =	vst v63  }
0x6a: {  	_ =	swait.ge [sflag:s15], $0x800  }
0x6b: {  	[sflag:s15] =	ssyncset.done $0x0  }
0x6c: {  	s0 =	sadd.s32 $0x500, s28;
	[sflag:s15] =	ssyncadd.s32 $0xFFFFF800  }
0x6d: {  	[spmem:s2] =	stream.indirect.scatter.add.f32 [tilespmem:s11], [sflag:$0x1], $0x10, s0, s10, $0xb8;
	[tilespmem:$0x7F80] =	vst v63  }
0x6e: {  	_ =	swait.ge [sflag:s15], $0x800  }
0x6f: {  	[sflag:s15] =	ssyncset.done $0x0  }
0x70: {  	s0 =	sadd.s32 $0x580, s28;
	[sflag:s15] =	ssyncadd.s32 $0xFFFFF800  }
0x71: {  	[spmem:s2] =	stream.indirect.scatter.add.f32 [tilespmem:s11], [sflag:$0x1], $0x10, s0, s10, $0xb8;
	[tilespmem:$0x7F80] =	vst v63  }
0x72: {  	_ =	swait.ge [sflag:s15], $0x800  }
0x73: {  	[sflag:s15] =	ssyncset.done $0x0  }
0x74: {  	s0 =	sadd.s32 $0x600, s28;
	[sflag:s15] =	ssyncadd.s32 $0xFFFFF800  }
0x75: {  	[spmem:s2] =	stream.indirect.scatter.add.f32 [tilespmem:s11], [sflag:$0x1], $0x10, s0, s10, $0xb8;
	[tilespmem:$0x7F80] =	vst v63  }
0x76: {  	_ =	swait.ge [sflag:s15], $0x800  }
0x77: {  	[sflag:s15] =	ssyncset.done $0x0  }
0x78: {  	s0 =	sadd.s32 $0x680, s28;
	[sflag:s15] =	ssyncadd.s32 $0xFFFFF800  }
0x79: {  	[spmem:s2] =	stream.indirect.scatter.add.f32 [tilespmem:s11], [sflag:$0x1], $0x10, s0, s10, $0xb8;
	[tilespmem:$0x7F80] =	vst v63  }
0x7a: {  	_ =	swait.ge [sflag:s15], $0x800  }
0x7b: {  	[sflag:s15] =	ssyncset.done $0x0  }
0x7c: {  	s0 =	sadd.s32 $0x700, s28;
	[sflag:s15] =	ssyncadd.s32 $0xFFFFF800  }
0x7d: {  	[spmem:s2] =	stream.indirect.scatter.add.f32 [tilespmem:s11], [sflag:$0x1], $0x10, s0, s10, $0xb8;
	[tilespmem:$0x7F80] =	vst v63  }
0x7e: {  	_ =	swait.ge [sflag:s15], $0x800  }
.Ltmp2:
0x7f: {  	[sflag:s15] =	ssyncset.done $0x0;
	(pc) =	sbr.rel @p1 .LBB2_6-.Ltmp2, $4  }
0x80: {  	s0 =	sadd.s32 $0x780, s28;
	[sflag:s15] =	ssyncadd.s32 $0xFFFFF800  }
0x81: {  	[spmem:s2] =	stream.indirect.scatter.add.f32 [tilespmem:s11], [sflag:$0x1], $0x10, s0, s10, $0xb8;
	[tilespmem:$0x7F80] =	vst v63  }
0x82: {  	_ =	swait.ge [sflag:s15], $0x800  }
0x83: {  	s31 =	smov.u32 s29;
	s28 =	sshra.s32 s30, $0x2;
	[sflag:s15] =	ssyncset.done $0x0  }
0x84: {  	s0 =	sadd.s32 $0x400, s28;
	[sflag:s15] =	ssyncadd.s32 $0xFFFFF800  }
0x85: {  	[spmem:s2] =	stream.indirect.scatter.add.f32 [tilespmem:s11], [sflag:$0x1], $0x10, s0, s10, $0xb8;
	[tilespmem:$0x7F80] =	vst v63  }
0x86: {  	_ =	swait.ge [sflag:s15], $0x800  }
0x87: {  	[sflag:s15] =	ssyncset.done $0x0  }
0x88: {  	s31 =	sadd.s32 $0x480, s28;
	[sflag:s15] =	ssyncadd.s32 $0xFFFFF800  }
0x89: {  	[spmem:s2] =	stream.indirect.scatter.add.f32 [tilespmem:s11], [sflag:$0x1], $0x10, s31, s10, $0xb8;
	[tilespmem:$0x7F80] =	vst v63  }
0x8a: {  	_ =	swait.ge [sflag:s15], $0x800  }
0x8b: {  	[sflag:s15] =	ssyncset.done $0x0  }
0x8c: {  	s29 =	sadd.s32 $0x500, s28;
	[sflag:s15] =	ssyncadd.s32 $0xFFFFF800  }
0x8d: {  	[spmem:s2] =	stream.indirect.scatter.add.f32 [tilespmem:s11], [sflag:$0x1], $0x10, s29, s10, $0xb8;
	[tilespmem:$0x7F80] =	vst v63  }
0x8e: {  	_ =	swait.ge [sflag:s15], $0x800  }
0x8f: {  	[sflag:s15] =	ssyncset.done $0x0  }
0x90: {  	s30 =	sadd.s32 $0x580, s28;
	[sflag:s15] =	ssyncadd.s32 $0xFFFFF800  }
0x91: {  	[spmem:s2] =	stream.indirect.scatter.add.f32 [tilespmem:s11], [sflag:$0x1], $0x10, s30, s10, $0xb8;
	[tilespmem:$0x7F80] =	vst v63  }
0x92: {  	_ =	swait.ge [sflag:s15], $0x800  }
0x93: {  	[sflag:s15] =	ssyncset.done $0x0  }
0x94: {  	s31 =	sadd.s32 $0x600, s28;
	[sflag:s15] =	ssyncadd.s32 $0xFFFFF800  }
0x95: {  	[spmem:s2] =	stream.indirect.scatter.add.f32 [tilespmem:s11], [sflag:$0x1], $0x10, s31, s10, $0xb8;
	[tilespmem:$0x7F80] =	vst v63  }
0x96: {  	_ =	swait.ge [sflag:s15], $0x800  }
0x97: {  	[sflag:s15] =	ssyncset.done $0x0  }
0x98: {  	s29 =	sadd.s32 $0x680, s28;
	[sflag:s15] =	ssyncadd.s32 $0xFFFFF800  }
0x99: {  	[spmem:s2] =	stream.indirect.scatter.add.f32 [tilespmem:s11], [sflag:$0x1], $0x10, s29, s10, $0xb8;
	[tilespmem:$0x7F80] =	vst v63  }
0x9a: {  	_ =	swait.ge [sflag:s15], $0x800  }
0x9b: {  	[sflag:s15] =	ssyncset.done $0x0  }
0x9c: {  	s30 =	sadd.s32 $0x700, s28;
	[sflag:s15] =	ssyncadd.s32 $0xFFFFF800  }
0x9d: {  	[spmem:s2] =	stream.indirect.scatter.add.f32 [tilespmem:s11], [sflag:$0x1], $0x10, s30, s10, $0xb8;
	[tilespmem:$0x7F80] =	vst v63  }
0x9e: {  	_ =	swait.ge [sflag:s15], $0x800  }
0x9f: {  	[sflag:s15] =	ssyncset.done $0x0  }
0xa0: {  	s31 =	sadd.s32 $0x780, s28;
	[sflag:s15] =	ssyncadd.s32 $0xFFFFF800  }
0xa1: {  	[spmem:s2] =	stream.indirect.scatter.add.f32 [tilespmem:s11], [sflag:$0x1], $0x10, s31, s10, $0xb8;
	[tilespmem:$0x7F80] =	vst v63  }
0xa2: {  	_ =	swait.ge [sflag:s15], $0x800  }
0xa3: {  	[sflag:s15] =	ssyncset.done $0x0  }
0xa4: {  	[sflag:s15] =	ssyncadd.s32 $0xFFFFF800  }
0xa5: {  	[spmem:s2] =	stream.indirect.scatter.add.f32 [tilespmem:s11], [sflag:$0x1], $0x10, s19, s10, $0xb8;
	[tilespmem:$0x7F80] =	vst v63  }
0xa6: {  	_ =	swait.ge [sflag:s15], $0x800  }
0xa7: {  	[sflag:s15] =	ssyncset.done $0x0  }
0xa8: {  	[sflag:s15] =	ssyncadd.s32 $0xFFFFF800  }
0xa9: {  	[spmem:s2] =	stream.indirect.scatter.add.f32 [tilespmem:s11], [sflag:$0x1], $0x10, s20, s10, $0xb8;
	[tilespmem:$0x7F80] =	vst v63  }
0xaa: {  	_ =	swait.ge [sflag:s15], $0x800  }
0xab: {  	[sflag:s15] =	ssyncset.done $0x0  }
0xac: {  	[sflag:s15] =	ssyncadd.s32 $0xFFFFF800  }
0xad: {  	[spmem:s2] =	stream.indirect.scatter.add.f32 [tilespmem:s11], [sflag:$0x1], $0x10, s21, s10, $0xb8;
	[tilespmem:$0x7F80] =	vst v63  }
0xae: {  	_ =	swait.ge [sflag:s15], $0x800  }
0xaf: {  	[sflag:s15] =	ssyncset.done $0x0  }
0xb0: {  	[sflag:s15] =	ssyncadd.s32 $0xFFFFF800  }
0xb1: {  	[spmem:s2] =	stream.indirect.scatter.add.f32 [tilespmem:s11], [sflag:$0x1], $0x10, s22, s10, $0xb8;
	[tilespmem:$0x7F80] =	vst v63  }
0xb2: {  	_ =	swait.ge [sflag:s15], $0x800  }
0xb3: {  	[sflag:s15] =	ssyncset.done $0x0  }
0xb4: {  	[sflag:s15] =	ssyncadd.s32 $0xFFFFF800  }
0xb5: {  	[spmem:s2] =	stream.indirect.scatter.add.f32 [tilespmem:s11], [sflag:$0x1], $0x10, s23, s10, $0xb8;
	[tilespmem:$0x7F80] =	vst v63  }
0xb6: {  	_ =	swait.ge [sflag:s15], $0x800  }
0xb7: {  	[sflag:s15] =	ssyncset.done $0x0  }
0xb8: {  	[sflag:s15] =	ssyncadd.s32 $0xFFFFF800  }
0xb9: {  	[spmem:s2] =	stream.indirect.scatter.add.f32 [tilespmem:s11], [sflag:$0x1], $0x10, s25, s10, $0xb8;
	[tilespmem:$0x7F80] =	vst v63  }
0xba: {  	_ =	swait.ge [sflag:s15], $0x800  }
0xbb: {  	s0 =	simm.s32 @!p0 $0x80;
	[sflag:s15] =	ssyncset.done $0x0  }
0xbc: {  	s28 =	simm.s32 @!p0 $0x2700;
	s29 =	simm.s32 @!p0 $0x2780;
	[sflag:s15] =	ssyncadd.s32 $0xFFFFF800  }
0xbd: {  	[spmem:s2] =	stream.indirect.scatter.add.f32 @!p0 [tilespmem:s29], [sflag:$0x1], $0x10, s28, s0, $0xb8;
	[tilespmem:$0x7F80] =	vst v63  }
0xbe: {  	s0 =	simm.s32 @!p0 $0x1  }
0xbf: {  	_ =	swait.ge @!p0 [sflag:s0], $0x800  }
0xc0: {  	[sflag:s0] =	ssyncset.done @!p0 $0x0  }
0xc1: {  	[sflag:s0] =	ssyncadd.s32 @!p0 $0xFFFFF800  }
0xc2: {  	_ =	swait.ge [sflag:s15], $0x800  }
0xc3: {  	[sflag:s15] =	ssyncset.done $0x0  }
0xc4: {  	[sflag:s15] =	ssyncadd.s32 $0xFFFFF800  }
0xc5: {  	_ =	swait.ge [sflag:s15], $0x800  }
0xc6: {  	[sflag:s15] =	ssyncset.done $0x0  }
0xc7: {  	[sflag:s15] =	ssyncadd.s32 $0xFFFFF800  }
0xc8: {  	_ =	swait.ge [sflag:s15], $0x800  }
0xc9: {  	[sflag:s15] =	ssyncset.done $0x0  }
0xca: {  	[sflag:s15] =	ssyncadd.s32 $0xFFFFF800  }
0xcb: {  	_ =	swait.ge [sflag:s15], $0x800  }
0xcc: {  	[sflag:s15] =	ssyncset.done $0x0  }
0xcd: {  	[sflag:s15] =	ssyncadd.s32 $0xFFFFF800  }
0xce: {  	[bflag:$0x0] =	sbarrier.arrive $0xFFFF  }
0xcf: {  	[tilespmem:s6], [sflag:$0x2] =	stream.linear.gather [spmem:s4], $0x2800, $0x38;
	[tilespmem:$0x7F80] =	vst v63  }
0xd0: {  	s26 =	sadd.s32 $0x1, s26;
	_ =	swait.ge [sflag:s7], $0x2800  }
0xd1: {  	p1 =	sne.s32 s26, s5;
	[sflag:s7] =	ssyncset.done $0x0  }
.Ltmp3:
0xd2: {  	[sflag:s7] =	ssyncadd.s32 $0xFFFFD800;
	(pc) =	sbr.rel @p1 .LBB2_1-.Ltmp3, $4  }
0xd3: {  	[hbm4b:s24+s3] =	stream.linear.scatter [tilespmem:s6], [sflag:$0x2], $0x2800, $0x38;
	[tilespmem:$0x7F80] =	vst v63  }
0xd4: {  	_ =	swait.ge [sflag:s7], $0x2800  }
0xd5: {  	[sflag:s7] =	ssyncset.done $0x0  }
0xd6: {  	[sflag:s7] =	ssyncadd.s32 $0xFFFFD800  }
0xd7: {  	_ =	sfence.sel $0x180000  }
0xd8: {  	[bflag:$0x0] =	sbarrier.arrive $0xFFFF  }
0xd9: {  	_ =	strace $0x90000047  }
0xda: {  	[bflag:$0x2] =	sbarrier.arrive $0xFFFF  }
0xdb: {  	p0 =	sne.s32 s1, $0x0;
	s0 =	rddreg [dreg:$0x2]  }
0xdc: {  	s0 =	sadd.s32 @!p0 $0x100000, s0  }
0xdd: {  	[sflag:s0] =	ssyncadd.tile.s32 @!p0 $0x1;
	_ =	shalt  }
.Lfunc_end2:
_tile_overlayer_lowered:
.L_overlay_start_2:
0xde: {  	(tag) =	ssettag $0x2  }
0xdf: {  	s0 =	rddreg [dreg:$0x0];
	s2 =	stileid.u32  }
0xe0: {  	s1 =	rddreg [dreg:$0x1];
	p0 =	sne.s32 s2, $0x0  }
0xe1: {  	s3 =	rddreg [dreg:$0x2];
	[bflag:$0x3] =	sbarrier.arrive $0xFFFF;
	s2 =	simm.s32 @!p0 $0x1C02  }
0xe2: {  	[timem:s3], [sflag:s2] =	dma.local @!p0 [hbm:s0], s1  }
0xe3: {  	s0 =	simm.s32 @!p0 $0x2  }
0xe4: {  	_ =	swait.ge @!p0 [sflag:s0], s1  }
0xe5: {  	s1 =	ssub.s32 @!p0 $0x0, s1;
	[sflag:s0] =	ssyncset.done @!p0 $0x0  }
0xe6: {  	[sflag:s0] =	ssyncadd.s32 @!p0 s1  }
0xe7: {  	[bflag:$0x3] =	sbarrier.arrive $0xFFFF  }
0xe8: {  	_ =	shalt  }

</sc_bundles>
